<compile_context>
chip_gen: v7x
topology: tpu7x:2x2x1
jax: 0.10.2.dev20260603
libtpu: 0.0.44.dev20260713+nightly
codegen_flags: <defaults>
</compile_context>

<pallas_src>
import functools

import jax
import jax.numpy as jnp
from jax import lax
from jax.experimental import pallas as pl
from jax.experimental.pallas import tpu as pltpu
from jax.experimental.pallas import tpu_sc as plsc

N_USERS = 2000
N_ITEMS = 8000
N = N_USERS + N_ITEMS
NP = 10240
D = 128
F = 3 * D
FQ = F // 4
E = 320000
E2 = 2 * E
EP = 643072
CH = 128
EPW32 = EP // 32
EPW16 = EP // 16
ROWS_PER_TILE = NP // 16

def _sc_mesh():
    return plsc.VectorSubcoreMesh(core_axis_name="c", subcore_axis_name="s")


_SC_PARAMS = pltpu.CompilerParams(use_tc_tiling_on_sc=False)


@functools.cache
def _deg_kernel_fn():
    return functools.partial(
        pl.kernel,
        out_type=jax.ShapeDtypeStruct((2 * NP, 16), jnp.float32),
        mesh=_sc_mesh(),
        scratch_types=[
            pltpu.VMEM((CH,), jnp.int32),
            pltpu.VMEM((CH, 16), jnp.float32),
            pltpu.VMEM_SHARED((NP, 16), jnp.float32),
        ],
        compiler_params=_SC_PARAMS,
    )(_deg_body)


def _deg_body(srcs_hbm, zeros1_hbm, ones1_hbm, deg_hbm, ibuf, obuf, dacc):
    c = lax.axis_index("c")
    s = lax.axis_index("s")
    wid = s * 2 + c

    pltpu.sync_copy(zeros1_hbm, obuf)
    tb = s * ROWS_PER_TILE
    for k in range(ROWS_PER_TILE // CH):
        pltpu.sync_copy(obuf, dacc.at[pl.ds(tb + k * CH, CH)])
    plsc.subcore_barrier()

    pltpu.sync_copy(ones1_hbm, obuf)

    def edge_body(j, _):
        be = wid * EPW32 + j * CH
        pltpu.sync_copy(srcs_hbm.at[pl.ds(be, CH)], ibuf)
        pltpu.sync_copy(obuf, dacc.at[ibuf], add=True)
        return 0

    lax.fori_loop(0, EPW32 // CH, edge_body, 0)
    plsc.subcore_barrier()

    for k in range(ROWS_PER_TILE // CH):
        pltpu.sync_copy(dacc.at[pl.ds(tb + k * CH, CH)], obuf)
        pltpu.sync_copy(obuf, deg_hbm.at[pl.ds(c * NP + tb + k * CH, CH)])


CHUNKS = EPW16 // CH
NCH = EP // CH


@functools.cache
def _prop_kernel_fn():
    return functools.partial(
        pl.kernel,
        out_type=jax.ShapeDtypeStruct((4 * NP, FQ), jnp.float32),
        mesh=_sc_mesh(),
        scratch_types=[
            pltpu.VMEM((2, CH), jnp.int32),
            pltpu.VMEM((2, CH), jnp.int32),
            pltpu.VMEM((CH, FQ), jnp.float32),
            pltpu.VMEM((CH, FQ), jnp.float32),
            pltpu.VMEM_SHARED((NP, FQ), jnp.float32),
            pltpu.SemaphoreType.DMA,
            pltpu.SemaphoreType.DMA,
            pltpu.SemaphoreType.DMA,
            pltpu.SemaphoreType.DMA,
        ],
        compiler_params=_SC_PARAMS,
    )(_prop_body)


def _prop_body(y_hbm, esd_hbm, zrows_hbm, out_hbm,
               ia, ib, ra, rb, accum, sga, sgb, ssa, ssb):
    c = lax.axis_index("c")
    s = lax.axis_index("s")
    tb = s * ROWS_PER_TILE

    NW = ROWS_PER_TILE // CH
    for h in range(2):
        q = 2 * h + c
        pltpu.sync_copy(zrows_hbm, ra)
        for k in range(NW):
            pltpu.async_copy(ra, accum.at[pl.ds(tb + k * CH, CH)], ssa)
        for k in range(NW):
            pltpu.make_async_copy(ra, accum.at[pl.ds(tb, CH)], ssa).wait()
        plsc.subcore_barrier()

        def edge_body(j, _):
            g = s * CHUNKS + 2 * j

            @pl.when(j > 0)
            def _():
                pltpu.make_async_copy(ra, accum.at[ia.at[1]], ssa).wait()

            pltpu.sync_copy(esd_hbm.at[q, g], ia)
            ga = pltpu.async_copy(y_hbm.at[ia.at[0]], ra, sga)

            @pl.when(j > 0)
            def _():
                pltpu.make_async_copy(rb, accum.at[ib.at[1]], ssb).wait()

            pltpu.sync_copy(esd_hbm.at[q, g + 1], ib)
            gb = pltpu.async_copy(y_hbm.at[ib.at[0]], rb, sgb)
            ga.wait()
            pltpu.async_copy(ra, accum.at[ia.at[1]], ssa, add=True)
            gb.wait()
            pltpu.async_copy(rb, accum.at[ib.at[1]], ssb, add=True)
            return 0

        lax.fori_loop(0, CHUNKS // 2, edge_body, 0)
        pltpu.make_async_copy(ra, accum.at[ia.at[1]], ssa).wait()
        pltpu.make_async_copy(rb, accum.at[ib.at[1]], ssb).wait()
        plsc.subcore_barrier()

        bufs = (ra, rb)
        isems = (sga, sgb)
        osems = (ssa, ssb)
        pltpu.async_copy(accum.at[pl.ds(tb, CH)], ra, sga)
        for k in range(NW):
            p = k % 2
            pltpu.make_async_copy(
                accum.at[pl.ds(tb, CH)], bufs[p], isems[p]).wait()
            pltpu.async_copy(
                bufs[p], out_hbm.at[pl.ds(q * NP + tb + k * CH, CH)], osems[p])
            if k + 1 < NW:
                np_ = (k + 1) % 2
                if k + 1 >= 2:
                    pltpu.make_async_copy(
                        bufs[np_], out_hbm.at[pl.ds(tb, CH)], osems[np_]).wait()
                pltpu.async_copy(
                    accum.at[pl.ds(tb + (k + 1) * CH, CH)], bufs[np_],
                    isems[np_])
        pltpu.make_async_copy(rb, out_hbm.at[pl.ds(tb, CH)], ssb).wait()
        pltpu.make_async_copy(ra, out_hbm.at[pl.ds(tb, CH)], ssa).wait()
        plsc.subcore_barrier()


def _proj_body(x_ref, w_ref, b_ref, o_ref):
    o_ref[...] = (
        jnp.dot(x_ref[...], w_ref[...], preferred_element_type=jnp.float32)
        + b_ref[...]
    )


def _projection(xcat, wcat, bcat):
    mblk = 1000
    return pl.pallas_call(
        _proj_body,
        grid=(N_ITEMS // mblk,),
        in_specs=[
            pl.BlockSpec((mblk, 3 * (384 + 512 + 64) // 3), lambda i: (i, 0)),
            pl.BlockSpec((384 + 512 + 64, F), lambda i: (0, 0)),
            pl.BlockSpec((1, F), lambda i: (0, 0)),
        ],
        out_specs=pl.BlockSpec((mblk, F), lambda i: (i, 0)),
        out_shape=jax.ShapeDtypeStruct((N_ITEMS, F), jnp.float32),
    )(xcat, wcat, bcat)


def _dm_of(d_ref):
    deg = d_ref[..., 0:1] + d_ref[..., 1:2]
    return lax.rsqrt(jnp.clip(deg, 1.0, None))


def _scale_body(x_ref, d_ref, o_ref):
    o_ref[0] = x_ref[0] * _dm_of(d_ref)


def _scale_sq_body(x_ref, d_ref, o_ref):
    deg = d_ref[..., 0:1] + d_ref[..., 1:2]
    o_ref[0] = x_ref[0] / jnp.clip(deg, 1.0, None)


def _rowscale(x, degp, squared):
    mblk = 1280
    return pl.pallas_call(
        _scale_sq_body if squared else _scale_body,
        grid=(4, NP // mblk),
        in_specs=[
            pl.BlockSpec((1, mblk, FQ), lambda q, i: (q, i, 0)),
            pl.BlockSpec((mblk, 2), lambda q, i: (i, 0)),
        ],
        out_specs=pl.BlockSpec((1, mblk, FQ), lambda q, i: (q, i, 0)),
        out_shape=jax.ShapeDtypeStruct((4, NP, FQ), jnp.float32),
    )(x, degp)


def _final_body(x0_ref, s1q0, s1q1, s1q2, s1q3, s2q0, s2q1, s2q2, s2q3, d_ref,
                w1u_ref, b1u_ref, w2u_ref, b2u_ref,
                w1i_ref, b1i_ref, w2i_ref, b2i_ref, o_ref):
    dm = _dm_of(d_ref)
    s1 = jnp.concatenate([s1q0[0], s1q1[0], s1q2[0], s1q3[0]], axis=-1)
    s2 = jnp.concatenate([s2q0[0], s2q1[0], s2q2[0], s2q3[0]], axis=-1)
    z = (x0_ref[...] + dm * (s1 + s2)) * (1.0 / 3.0)
    is_user = pl.program_id(0) < (N_USERS // 400)
    w1 = jnp.where(is_user, w1u_ref[...], w1i_ref[...])
    b1 = jnp.where(is_user, b1u_ref[...], b1i_ref[...])
    w2 = jnp.where(is_user, w2u_ref[...], w2i_ref[...])
    b2 = jnp.where(is_user, b2u_ref[...], b2i_ref[...])
    h = jnp.maximum(jnp.dot(z, w1, preferred_element_type=jnp.float32) + b1, 0.0)
    logits = jnp.dot(h, w2, preferred_element_type=jnp.float32) + b2
    m = jnp.max(logits, axis=-1, keepdims=True)
    ex = jnp.exp(logits - m)
    a = ex / jnp.sum(ex, axis=-1, keepdims=True)
    o_ref[...] = (a[:, 0:1] * z[:, 0:D]
                  + a[:, 1:2] * z[:, D:2 * D]
                  + a[:, 2:3] * z[:, 2 * D:3 * D])


def _final(x0, s1, s2, degp, w1u, b1u, w2u, b2u, w1i, b1i, w2i, b2i):
    mblk = 400
    row = lambda i: (i, 0)
    fixed = lambda i: (0, 0)
    qspec = [pl.BlockSpec((1, mblk, FQ), (lambda q: lambda i: (q, i, 0))(q))
             for q in range(4)]
    return pl.pallas_call(
        _final_body,
        grid=(N // mblk,),
        in_specs=[
            pl.BlockSpec((mblk, F), row),
            *qspec, *qspec,
            pl.BlockSpec((mblk, 2), row),
            pl.BlockSpec((F, D), fixed),
            pl.BlockSpec((1, D), fixed),
            pl.BlockSpec((D, D), fixed),
            pl.BlockSpec((1, D), fixed),
            pl.BlockSpec((F, D), fixed),
            pl.BlockSpec((1, D), fixed),
            pl.BlockSpec((D, D), fixed),
            pl.BlockSpec((1, D), fixed),
        ],
        out_specs=pl.BlockSpec((mblk, D), row),
        out_shape=jax.ShapeDtypeStruct((N, D), jnp.float32),
    )(x0, s1, s1, s1, s1, s2, s2, s2, s2, degp,
      w1u, b1u, w2u, b2u, w1i, b1i, w2i, b2i)


def _pad_mlp(p):
    w2 = jnp.zeros((D, D), jnp.float32).at[:, :3].set(p["W2"])
    b2 = jnp.full((1, D), -1e30, jnp.float32).at[0, :3].set(p["b2"])
    return (p["W1"], p["b1"].reshape(1, D), w2, b2)


def kernel(x_txt, x_img, x_struct, edge_index, params):
    e = edge_index.astype(jnp.int32)
    pad_s = jnp.full((EP - E2,), N, jnp.int32)
    pad_d = N + (jnp.arange(EP - E2, dtype=jnp.int32) % (NP - N))
    srcs = jnp.concatenate([e[0], e[1], pad_s])
    dsts = jnp.concatenate([e[1], e[0], pad_d])
    srcs_r = srcs.reshape(NCH, CH)
    dsts_r = dsts.reshape(NCH, CH)
    esd = jnp.stack(
        [jnp.stack([srcs_r + q * NP, dsts_r], axis=1) for q in range(4)])
    zeros1 = jnp.zeros((CH, 16), jnp.float32)
    ones1 = jnp.ones((CH, 16), jnp.float32)
    zrows = jnp.zeros((CH, FQ), jnp.float32)

    degp = _deg_kernel_fn()(srcs, zeros1, ones1)[:, 0].reshape(2, NP).transpose(1, 0)

    xcat = jnp.concatenate([x_txt, x_img, x_struct], axis=1)
    bp = [params["txt"], params["img"], params["st"]]
    wcat = jnp.concatenate(
        [jnp.concatenate([p["Wt"], p["Wi"], p["Ws"]], axis=0) for p in bp], axis=1)
    bcat = jnp.concatenate([p["bt"] + p["bi"] + p["bs"] for p in bp]).reshape(1, F)
    i_feat = _projection(xcat, wcat, bcat)

    user = jnp.concatenate([p["user"] for p in bp], axis=1)
    x0 = jnp.concatenate(
        [user, i_feat, jnp.zeros((NP - N, F), jnp.float32)], axis=0)

    x0_sc = x0.reshape(NP, 4, FQ).transpose(1, 0, 2)
    y0 = _rowscale(x0_sc, degp, squared=False)
    prop = _prop_kernel_fn()
    s1 = prop(y0.reshape(4 * NP, FQ), esd, zrows).reshape(4, NP, FQ)
    y1 = _rowscale(s1, degp, squared=True)
    s2 = prop(y1.reshape(4 * NP, FQ), esd, zrows).reshape(4, NP, FQ)

    u = _pad_mlp(params["attn_u"])
    i = _pad_mlp(params["attn_i"])
    return _final(x0, s1, s2, degp, *u, *i)

# --- scband reference (transcript-rebuilt; emitter-appended) ---
"""Pipeline reference for scband-mmgcn-67284957659450 (READ-ONLY COPY).

The authoritative reference and input builder live on the scoring server;
editing this copy changes nothing except your own understanding.
"""

import jax, jax.numpy as jnp
import numpy as np

N_USERS = 2000
N_ITEMS = 8000
N = N_USERS + N_ITEMS
D = 128
L = 2
TXT, IMG, ST = 384, 512, 64
E = 320000


def _branch_params(k):
    kk = jax.random.split(k, 4)
    return {
        'user': jax.random.normal(kk[0], (N_USERS, D), jnp.float32) * 0.1,
        'Wt': jax.random.normal(kk[1], (TXT, D), jnp.float32) / np.sqrt(TXT),
        'bt': jnp.zeros((D,), jnp.float32),
        'Wi': jax.random.normal(kk[2], (IMG, D), jnp.float32) / np.sqrt(IMG),
        'bi': jnp.zeros((D,), jnp.float32),
        'Ws': jax.random.normal(kk[3], (ST, D), jnp.float32) / np.sqrt(ST),
        'bs': jnp.zeros((D,), jnp.float32),
    }


def _mlp_params(k, din, dh, dout):
    k1, k2 = jax.random.split(k)
    return {
        'W1': jax.random.normal(k1, (din, dh), jnp.float32) / np.sqrt(din),
        'b1': jnp.zeros((dh,), jnp.float32),
        'W2': jax.random.normal(k2, (dh, dout), jnp.float32) / np.sqrt(dh),
        'b2': jnp.zeros((dout,), jnp.float32),
    }


def setup_inputs(seed: int = 0) -> dict:
    key = jax.random.key(seed)
    ks = jax.random.split(key, 10)
    x_txt = jax.random.normal(ks[0], (N_ITEMS, TXT), jnp.float32)
    x_img = jax.random.normal(ks[1], (N_ITEMS, IMG), jnp.float32)
    x_struct = jax.random.normal(ks[2], (N_ITEMS, ST), jnp.float32)
    edge_index = jax.random.randint(ks[3], (2, E), 0, N, dtype=jnp.int64)
    params = {
        'txt': _branch_params(ks[4]),
        'img': _branch_params(ks[5]),
        'st': _branch_params(ks[6]),
        'attn_u': _mlp_params(ks[7], 3 * D, 128, 3),
        'attn_i': _mlp_params(ks[8], 3 * D, 128, 3),
    }
    return {'x_txt': x_txt, 'x_img': x_img, 'x_struct': x_struct,
            'edge_index': edge_index, 'params': params}


def _forward(x_txt, x_img, x_struct, params, edge_index):
    # SparseProp: symmetrize edges, sym-normalized adjacency values
    idx = jnp.concatenate([edge_index, edge_index[::-1]], axis=1)
    deg = jnp.clip(jnp.bincount(idx[0], minlength=N, length=N).astype(jnp.float32), 1.0, None)
    val = jax.lax.rsqrt(deg[idx[0]]) * jax.lax.rsqrt(deg[idx[1]])

    def prop(x):
        msg = val[:, None] * jnp.take(x, idx[1], axis=0)
        return jax.ops.segment_sum(msg, idx[0], num_segments=N)

    def run_branch(bp):
        i_feat = (x_txt @ bp['Wt'] + bp['bt']) + (x_img @ bp['Wi'] + bp['bi']) + (x_struct @ bp['Ws'] + bp['bs'])
        x0 = jnp.concatenate([bp['user'], i_feat], axis=0)
        out = x0
        for _ in range(L):
            x0 = prop(x0)
            out = out + x0
        out = out / (L + 1)
        return out[:N_USERS], out[N_USERS:]

    U_t, I_t = run_branch(params['txt'])
    U_i, I_i = run_branch(params['img'])
    U_s, I_s = run_branch(params['st'])
    U_cat = jnp.concatenate([U_t, U_i, U_s], axis=1)
    I_cat = jnp.concatenate([I_t, I_i, I_s], axis=1)

    def mlp(p, z):
        return jax.nn.relu(z @ p['W1'] + p['b1']) @ p['W2'] + p['b2']

    a_u = jax.nn.softmax(mlp(params['attn_u'], U_cat), axis=-1)
    a_i = jax.nn.softmax(mlp(params['attn_i'], I_cat), axis=-1)
    U = a_u[:, 0:1] * U_t + a_u[:, 1:2] * U_i + a_u[:, 2:3] * U_s
    I = a_i[:, 0:1] * I_t + a_i[:, 1:2] * I_i + a_i[:, 2:3] * I_s
    return jnp.concatenate([U, I], axis=0)


def reference(x_txt, x_img, x_struct, edge_index, params):
    return _forward(x_txt, x_img, x_struct, params, edge_index)

if __name__ == "__main__":
    import jax
    _d = setup_inputs()
    print(jax.jit(kernel)(*tuple(_d.values())))

</pallas_src>

<mosaic_0001>
#map = affine_map<(d0, d1) -> (0, 0)>
#map1 = affine_map<(d0, d1) -> (0, 0, 0, 0)>
module attributes {stable_mosaic.version = 14 : i64} {
  func.func @_prop_body(%arg0: i32, %arg1: i32, %arg2: memref<40960x96xf32, #tpu.memory_space<hbm>>, %arg3: memref<4x5024x2x128xi32, #tpu.memory_space<hbm>>, %arg4: memref<128x96xf32, #tpu.memory_space<hbm>>, %arg5: memref<40960x96xf32, #tpu.memory_space<hbm>>, %arg6: memref<2x128xi32, #tpu.memory_space<vmem>>, %arg7: memref<2x128xi32, #tpu.memory_space<vmem>>, %arg8: memref<128x96xf32, #tpu.memory_space<vmem>>, %arg9: memref<128x96xf32, #tpu.memory_space<vmem>>, %arg10: memref<10240x96xf32, #tpu.memory_space<vmem_shared>>, %arg11: memref<!tpu.dma_semaphore, #tpu.memory_space<semaphore_mem>>, %arg12: memref<!tpu.dma_semaphore, #tpu.memory_space<semaphore_mem>>, %arg13: memref<!tpu.dma_semaphore, #tpu.memory_space<semaphore_mem>>, %arg14: memref<!tpu.dma_semaphore, #tpu.memory_space<semaphore_mem>>) attributes {dimension_semantics = [#tpu.dimension_semantics<core_parallel>, #tpu.dimension_semantics<subcore_parallel>], iteration_bounds = array<i64: 2, 16>, scalar_prefetch = 0 : i64, scratch_operands = 9 : i64, tpu.core_type = #tpu.core_type<sc_vector_subcore>, window_params = [{transform_indices = #map}, {transform_indices = #map1}, {transform_indices = #map}, {transform_indices = #map}]} {
    %mul3A = arith.constant 640 : i32
    %mul3A_0 = arith.muli %arg1, %mul3A : i32
    %add3A = arith.constant 0 : i32
    %add3A_1 = arith.addi %add3A, %arg0 : i32
    "tpu.region"() ({
      %run_scoped3A = tpu.sem_alloc : memref<!tpu.dma_semaphore, #tpu.memory_space<semaphore_mem>>
      tpu.enqueue_dma source(%arg4 : memref<128x96xf32, #tpu.memory_space<hbm>>) target(%arg8 : memref<128x96xf32, #tpu.memory_space<vmem>>) target_semaphore(%run_scoped3A : memref<!tpu.dma_semaphore, #tpu.memory_space<semaphore_mem>>)
      tpu.wait_dma2 semaphore(%run_scoped3A : memref<!tpu.dma_semaphore, #tpu.memory_space<semaphore_mem>>) src(%arg4 : memref<128x96xf32, #tpu.memory_space<hbm>>) dst(%arg8 : memref<128x96xf32, #tpu.memory_space<vmem>>)
      tpu.yield
    }) : () -> ()
    %add3A_2 = arith.constant 0 : i32
    %add3A_3 = arith.addi %mul3A_0, %add3A_2 : i32
    %dma_start3A = arith.constant 0 : i32
    %dma_start3A_4 = tpu.memref_slice %arg10[%add3A_3, %dma_start3A] : memref<10240x96xf32, #tpu.memory_space<vmem_shared>> -> memref<128x96xf32, #tpu.memory_space<vmem_shared>>
    %dma_start3A_5 = arith.constant 0 : i32
    %dma_start3A_6 = tpu.memref_slice %arg10[%add3A_3, %dma_start3A_5] : memref<10240x96xf32, #tpu.memory_space<vmem_shared>> -> memref<128x96xf32, #tpu.memory_space<vmem_shared>>
    tpu.enqueue_dma source(%arg8 : memref<128x96xf32, #tpu.memory_space<vmem>>) target(%dma_start3A_6 : memref<128x96xf32, #tpu.memory_space<vmem_shared>>) target_semaphore(%arg13 : memref<!tpu.dma_semaphore, #tpu.memory_space<semaphore_mem>>)
    %add3A_7 = arith.constant 128 : i32
    %add3A_8 = arith.addi %mul3A_0, %add3A_7 : i32
    %dma_start3A_9 = arith.constant 0 : i32
    %dma_start3A_10 = tpu.memref_slice %arg10[%add3A_8, %dma_start3A_9] : memref<10240x96xf32, #tpu.memory_space<vmem_shared>> -> memref<128x96xf32, #tpu.memory_space<vmem_shared>>
    %dma_start3A_11 = arith.constant 0 : i32
    %dma_start3A_12 = tpu.memref_slice %arg10[%add3A_8, %dma_start3A_11] : memref<10240x96xf32, #tpu.memory_space<vmem_shared>> -> memref<128x96xf32, #tpu.memory_space<vmem_shared>>
    tpu.enqueue_dma source(%arg8 : memref<128x96xf32, #tpu.memory_space<vmem>>) target(%dma_start3A_12 : memref<128x96xf32, #tpu.memory_space<vmem_shared>>) target_semaphore(%arg13 : memref<!tpu.dma_semaphore, #tpu.memory_space<semaphore_mem>>)
    %add3A_13 = arith.constant 256 : i32
    %add3A_14 = arith.addi %mul3A_0, %add3A_13 : i32
    %dma_start3A_15 = arith.constant 0 : i32
    %dma_start3A_16 = tpu.memref_slice %arg10[%add3A_14, %dma_start3A_15] : memref<10240x96xf32, #tpu.memory_space<vmem_shared>> -> memref<128x96xf32, #tpu.memory_space<vmem_shared>>
    %dma_start3A_17 = arith.constant 0 : i32
    %dma_start3A_18 = tpu.memref_slice %arg10[%add3A_14, %dma_start3A_17] : memref<10240x96xf32, #tpu.memory_space<vmem_shared>> -> memref<128x96xf32, #tpu.memory_space<vmem_shared>>
    tpu.enqueue_dma source(%arg8 : memref<128x96xf32, #tpu.memory_space<vmem>>) target(%dma_start3A_18 : memref<128x96xf32, #tpu.memory_space<vmem_shared>>) target_semaphore(%arg13 : memref<!tpu.dma_semaphore, #tpu.memory_space<semaphore_mem>>)
    %add3A_19 = arith.constant 384 : i32
    %add3A_20 = arith.addi %mul3A_0, %add3A_19 : i32
    %dma_start3A_21 = arith.constant 0 : i32
    %dma_start3A_22 = tpu.memref_slice %arg10[%add3A_20, %dma_start3A_21] : memref<10240x96xf32, #tpu.memory_space<vmem_shared>> -> memref<128x96xf32, #tpu.memory_space<vmem_shared>>
    %dma_start3A_23 = arith.constant 0 : i32
    %dma_start3A_24 = tpu.memref_slice %arg10[%add3A_20, %dma_start3A_23] : memref<10240x96xf32, #tpu.memory_space<vmem_shared>> -> memref<128x96xf32, #tpu.memory_space<vmem_shared>>
    tpu.enqueue_dma source(%arg8 : memref<128x96xf32, #tpu.memory_space<vmem>>) target(%dma_start3A_24 : memref<128x96xf32, #tpu.memory_space<vmem_shared>>) target_semaphore(%arg13 : memref<!tpu.dma_semaphore, #tpu.memory_space<semaphore_mem>>)
    %add3A_25 = arith.constant 512 : i32
    %add3A_26 = arith.addi %mul3A_0, %add3A_25 : i32
    %dma_start3A_27 = arith.constant 0 : i32
    %dma_start3A_28 = tpu.memref_slice %arg10[%add3A_26, %dma_start3A_27] : memref<10240x96xf32, #tpu.memory_space<vmem_shared>> -> memref<128x96xf32, #tpu.memory_space<vmem_shared>>
    %dma_start3A_29 = arith.constant 0 : i32
    %dma_start3A_30 = tpu.memref_slice %arg10[%add3A_26, %dma_start3A_29] : memref<10240x96xf32, #tpu.memory_space<vmem_shared>> -> memref<128x96xf32, #tpu.memory_space<vmem_shared>>
    tpu.enqueue_dma source(%arg8 : memref<128x96xf32, #tpu.memory_space<vmem>>) target(%dma_start3A_30 : memref<128x96xf32, #tpu.memory_space<vmem_shared>>) target_semaphore(%arg13 : memref<!tpu.dma_semaphore, #tpu.memory_space<semaphore_mem>>)
    %dma_wait3A = arith.constant 0 : i32
    %dma_wait3A_31 = tpu.memref_slice %arg10[%mul3A_0, %dma_wait3A] : memref<10240x96xf32, #tpu.memory_space<vmem_shared>> -> memref<128x96xf32, #tpu.memory_space<vmem_shared>>
    %dma_wait3A_32 = arith.constant 0 : i32
    %dma_wait3A_33 = tpu.memref_slice %arg10[%mul3A_0, %dma_wait3A_32] : memref<10240x96xf32, #tpu.memory_space<vmem_shared>> -> memref<128x96xf32, #tpu.memory_space<vmem_shared>>
    tpu.wait_dma2 semaphore(%arg13 : memref<!tpu.dma_semaphore, #tpu.memory_space<semaphore_mem>>) src(%arg8 : memref<128x96xf32, #tpu.memory_space<vmem>>) dst(%dma_wait3A_33 : memref<128x96xf32, #tpu.memory_space<vmem_shared>>)
    %dma_wait3A_34 = arith.constant 0 : i32
    %dma_wait3A_35 = tpu.memref_slice %arg10[%mul3A_0, %dma_wait3A_34] : memref<10240x96xf32, #tpu.memory_space<vmem_shared>> -> memref<128x96xf32, #tpu.memory_space<vmem_shared>>
    %dma_wait3A_36 = arith.constant 0 : i32
    %dma_wait3A_37 = tpu.memref_slice %arg10[%mul3A_0, %dma_wait3A_36] : memref<10240x96xf32, #tpu.memory_space<vmem_shared>> -> memref<128x96xf32, #tpu.memory_space<vmem_shared>>
    tpu.wait_dma2 semaphore(%arg13 : memref<!tpu.dma_semaphore, #tpu.memory_space<semaphore_mem>>) src(%arg8 : memref<128x96xf32, #tpu.memory_space<vmem>>) dst(%dma_wait3A_37 : memref<128x96xf32, #tpu.memory_space<vmem_shared>>)
    %dma_wait3A_38 = arith.constant 0 : i32
    %dma_wait3A_39 = tpu.memref_slice %arg10[%mul3A_0, %dma_wait3A_38] : memref<10240x96xf32, #tpu.memory_space<vmem_shared>> -> memref<128x96xf32, #tpu.memory_space<vmem_shared>>
    %dma_wait3A_40 = arith.constant 0 : i32
    %dma_wait3A_41 = tpu.memref_slice %arg10[%mul3A_0, %dma_wait3A_40] : memref<10240x96xf32, #tpu.memory_space<vmem_shared>> -> memref<128x96xf32, #tpu.memory_space<vmem_shared>>
    tpu.wait_dma2 semaphore(%arg13 : memref<!tpu.dma_semaphore, #tpu.memory_space<semaphore_mem>>) src(%arg8 : memref<128x96xf32, #tpu.memory_space<vmem>>) dst(%dma_wait3A_41 : memref<128x96xf32, #tpu.memory_space<vmem_shared>>)
    %dma_wait3A_42 = arith.constant 0 : i32
    %dma_wait3A_43 = tpu.memref_slice %arg10[%mul3A_0, %dma_wait3A_42] : memref<10240x96xf32, #tpu.memory_space<vmem_shared>> -> memref<128x96xf32, #tpu.memory_space<vmem_shared>>
    %dma_wait3A_44 = arith.constant 0 : i32
    %dma_wait3A_45 = tpu.memref_slice %arg10[%mul3A_0, %dma_wait3A_44] : memref<10240x96xf32, #tpu.memory_space<vmem_shared>> -> memref<128x96xf32, #tpu.memory_space<vmem_shared>>
    tpu.wait_dma2 semaphore(%arg13 : memref<!tpu.dma_semaphore, #tpu.memory_space<semaphore_mem>>) src(%arg8 : memref<128x96xf32, #tpu.memory_space<vmem>>) dst(%dma_wait3A_45 : memref<128x96xf32, #tpu.memory_space<vmem_shared>>)
    %dma_wait3A_46 = arith.constant 0 : i32
    %dma_wait3A_47 = tpu.memref_slice %arg10[%mul3A_0, %dma_wait3A_46] : memref<10240x96xf32, #tpu.memory_space<vmem_shared>> -> memref<128x96xf32, #tpu.memory_space<vmem_shared>>
    %dma_wait3A_48 = arith.constant 0 : i32
    %dma_wait3A_49 = tpu.memref_slice %arg10[%mul3A_0, %dma_wait3A_48] : memref<10240x96xf32, #tpu.memory_space<vmem_shared>> -> memref<128x96xf32, #tpu.memory_space<vmem_shared>>
    tpu.wait_dma2 semaphore(%arg13 : memref<!tpu.dma_semaphore, #tpu.memory_space<semaphore_mem>>) src(%arg8 : memref<128x96xf32, #tpu.memory_space<vmem>>) dst(%dma_wait3A_49 : memref<128x96xf32, #tpu.memory_space<vmem_shared>>)
    %barrier3A = arith.constant 0 : index
    tpu.barrier barrier_id(%barrier3A)
    %scan3A = arith.constant 0 : i32
    %scan3A_50 = arith.constant 0 : i32
    %scan3A_51 = arith.constant 157 : i32
    %scan3A_52 = arith.addi %scan3A_50, %scan3A_51 : i32
    %scan3A_53 = arith.constant 1 : i32
    %scan3A_54 = scf.for %scan3A_374 = %scan3A_50 to %scan3A_52 step %scan3A_53 iter_args(%scan3A_375 = %scan3A) -> (i32)  : i32 {
      %mul3A_376 = arith.constant 314 : i32
      %mul3A_377 = arith.muli %arg1, %mul3A_376 : i32
      %mul3A_378 = arith.constant 2 : i32
      %mul3A_379 = arith.muli %mul3A_378, %scan3A_374 : i32
      %add3A_380 = arith.addi %mul3A_377, %mul3A_379 : i32
      %gt3A = arith.constant 0 : i32
      %gt3A_381 = arith.cmpi sgt, %scan3A_374, %gt3A : i32
      %convert_element_type3A = arith.extui %gt3A_381 : i1 to i32
      %cond3A = arith.constant 0 : i32
      %cond3A_382 = arith.cmpi ne, %convert_element_type3A, %cond3A : i32
      scf.if %cond3A_382 {
        %dma_wait3A_433 = arith.constant 1 : i32
        %dma_wait3A_434 = arith.constant 0 : i32
        %dma_wait3A_435 = tpu.memref_slice %arg6[%dma_wait3A_433, %dma_wait3A_434] : memref<2x128xi32, #tpu.memory_space<vmem>> -> memref<1x128xi32, #tpu.memory_space<vmem>>
        %dma_wait3A_436 = tpu.memref_squeeze %dma_wait3A_435 : memref<1x128xi32, #tpu.memory_space<vmem>> -> memref<128xi32, #tpu.memory_space<vmem>>
        %dma_wait3A_437 = arith.constant 0 : i32
        %dma_wait3A_438 = arith.constant 0 : i32
        %dma_wait3A_439 = tpu.memref_slice %arg10[%dma_wait3A_437, %dma_wait3A_438] : memref<10240x96xf32, #tpu.memory_space<vmem_shared>> -> memref<10240x96xf32, #tpu.memory_space<vmem_shared>>
        tpu.wait_indirect_dma semaphore(%arg13 : memref<!tpu.dma_semaphore, #tpu.memory_space<semaphore_mem>>) src(%arg8 : memref<128x96xf32, #tpu.memory_space<vmem>>) dst(%dma_wait3A_439 : memref<10240x96xf32, #tpu.memory_space<vmem_shared>>)
      } else {
      }
      "tpu.region"() ({
        %run_scoped3A = tpu.sem_alloc : memref<!tpu.dma_semaphore, #tpu.memory_space<semaphore_mem>>
        %dma_start3A_433 = arith.constant 0 : i32
        %dma_start3A_434 = arith.constant 0 : i32
        %dma_start3A_435 = tpu.memref_slice %arg3[%add3A_1, %add3A_380, %dma_start3A_433, %dma_start3A_434] : memref<4x5024x2x128xi32, #tpu.memory_space<hbm>> -> memref<1x1x2x128xi32, #tpu.memory_space<hbm>>
        %dma_start3A_436 = tpu.memref_squeeze %dma_start3A_435 : memref<1x1x2x128xi32, #tpu.memory_space<hbm>> -> memref<2x128xi32, #tpu.memory_space<hbm>>
        %dma_start3A_437 = arith.constant 0 : i32
        %dma_start3A_438 = arith.constant 0 : i32
        %dma_start3A_439 = tpu.memref_slice %arg3[%add3A_1, %add3A_380, %dma_start3A_437, %dma_start3A_438] : memref<4x5024x2x128xi32, #tpu.memory_space<hbm>> -> memref<1x1x2x128xi32, #tpu.memory_space<hbm>>
        %dma_start3A_440 = tpu.memref_squeeze %dma_start3A_439 : memref<1x1x2x128xi32, #tpu.memory_space<hbm>> -> memref<2x128xi32, #tpu.memory_space<hbm>>
        tpu.enqueue_dma source(%dma_start3A_440 : memref<2x128xi32, #tpu.memory_space<hbm>>) target(%arg6 : memref<2x128xi32, #tpu.memory_space<vmem>>) target_semaphore(%run_scoped3A : memref<!tpu.dma_semaphore, #tpu.memory_space<semaphore_mem>>)
        %dma_wait3A_441 = arith.constant 0 : i32
        %dma_wait3A_442 = arith.constant 0 : i32
        %dma_wait3A_443 = tpu.memref_slice %arg3[%add3A_1, %add3A_380, %dma_wait3A_441, %dma_wait3A_442] : memref<4x5024x2x128xi32, #tpu.memory_space<hbm>> -> memref<1x1x2x128xi32, #tpu.memory_space<hbm>>
        %dma_wait3A_444 = tpu.memref_squeeze %dma_wait3A_443 : memref<1x1x2x128xi32, #tpu.memory_space<hbm>> -> memref<2x128xi32, #tpu.memory_space<hbm>>
        %dma_wait3A_445 = arith.constant 0 : i32
        %dma_wait3A_446 = arith.constant 0 : i32
        %dma_wait3A_447 = tpu.memref_slice %arg3[%add3A_1, %add3A_380, %dma_wait3A_445, %dma_wait3A_446] : memref<4x5024x2x128xi32, #tpu.memory_space<hbm>> -> memref<1x1x2x128xi32, #tpu.memory_space<hbm>>
        %dma_wait3A_448 = tpu.memref_squeeze %dma_wait3A_447 : memref<1x1x2x128xi32, #tpu.memory_space<hbm>> -> memref<2x128xi32, #tpu.memory_space<hbm>>
        tpu.wait_dma2 semaphore(%run_scoped3A : memref<!tpu.dma_semaphore, #tpu.memory_space<semaphore_mem>>) src(%dma_wait3A_448 : memref<2x128xi32, #tpu.memory_space<hbm>>) dst(%arg6 : memref<2x128xi32, #tpu.memory_space<vmem>>)
        tpu.yield
      }) : () -> ()
      %dma_start3A_383 = arith.constant 0 : i32
      %dma_start3A_384 = arith.constant 0 : i32
      %dma_start3A_385 = tpu.memref_slice %arg6[%dma_start3A_383, %dma_start3A_384] : memref<2x128xi32, #tpu.memory_space<vmem>> -> memref<1x128xi32, #tpu.memory_space<vmem>>
      %dma_start3A_386 = tpu.memref_squeeze %dma_start3A_385 : memref<1x128xi32, #tpu.memory_space<vmem>> -> memref<128xi32, #tpu.memory_space<vmem>>
      %dma_start3A_387 = arith.constant 0 : i32
      %dma_start3A_388 = arith.constant 0 : i32
      %dma_start3A_389 = tpu.memref_slice %arg2[%dma_start3A_387, %dma_start3A_388] : memref<40960x96xf32, #tpu.memory_space<hbm>> -> memref<40960x96xf32, #tpu.memory_space<hbm>>
      tpu.enqueue_indirect_dma source(%dma_start3A_389 : memref<40960x96xf32, #tpu.memory_space<hbm>>) target(%arg8 : memref<128x96xf32, #tpu.memory_space<vmem>>) offsets(%dma_start3A_386 : memref<128xi32, #tpu.memory_space<vmem>>) semaphore(%arg11 : memref<!tpu.dma_semaphore, #tpu.memory_space<semaphore_mem>>)
      %gt3A_390 = arith.constant 0 : i32
      %gt3A_391 = arith.cmpi sgt, %scan3A_374, %gt3A_390 : i32
      %convert_element_type3A_392 = arith.extui %gt3A_391 : i1 to i32
      %cond3A_393 = arith.constant 0 : i32
      %cond3A_394 = arith.cmpi ne, %convert_element_type3A_392, %cond3A_393 : i32
      scf.if %cond3A_394 {
        %dma_wait3A_433 = arith.constant 1 : i32
        %dma_wait3A_434 = arith.constant 0 : i32
        %dma_wait3A_435 = tpu.memref_slice %arg7[%dma_wait3A_433, %dma_wait3A_434] : memref<2x128xi32, #tpu.memory_space<vmem>> -> memref<1x128xi32, #tpu.memory_space<vmem>>
        %dma_wait3A_436 = tpu.memref_squeeze %dma_wait3A_435 : memref<1x128xi32, #tpu.memory_space<vmem>> -> memref<128xi32, #tpu.memory_space<vmem>>
        %dma_wait3A_437 = arith.constant 0 : i32
        %dma_wait3A_438 = arith.constant 0 : i32
        %dma_wait3A_439 = tpu.memref_slice %arg10[%dma_wait3A_437, %dma_wait3A_438] : memref<10240x96xf32, #tpu.memory_space<vmem_shared>> -> memref<10240x96xf32, #tpu.memory_space<vmem_shared>>
        tpu.wait_indirect_dma semaphore(%arg14 : memref<!tpu.dma_semaphore, #tpu.memory_space<semaphore_mem>>) src(%arg9 : memref<128x96xf32, #tpu.memory_space<vmem>>) dst(%dma_wait3A_439 : memref<10240x96xf32, #tpu.memory_space<vmem_shared>>)
      } else {
      }
      %add3A_395 = arith.constant 1 : i32
      %add3A_396 = arith.addi %add3A_380, %add3A_395 : i32
      "tpu.region"() ({
        %run_scoped3A = tpu.sem_alloc : memref<!tpu.dma_semaphore, #tpu.memory_space<semaphore_mem>>
        %dma_start3A_433 = arith.constant 0 : i32
        %dma_start3A_434 = arith.constant 0 : i32
        %dma_start3A_435 = tpu.memref_slice %arg3[%add3A_1, %add3A_396, %dma_start3A_433, %dma_start3A_434] : memref<4x5024x2x128xi32, #tpu.memory_space<hbm>> -> memref<1x1x2x128xi32, #tpu.memory_space<hbm>>
        %dma_start3A_436 = tpu.memref_squeeze %dma_start3A_435 : memref<1x1x2x128xi32, #tpu.memory_space<hbm>> -> memref<2x128xi32, #tpu.memory_space<hbm>>
        %dma_start3A_437 = arith.constant 0 : i32
        %dma_start3A_438 = arith.constant 0 : i32
        %dma_start3A_439 = tpu.memref_slice %arg3[%add3A_1, %add3A_396, %dma_start3A_437, %dma_start3A_438] : memref<4x5024x2x128xi32, #tpu.memory_space<hbm>> -> memref<1x1x2x128xi32, #tpu.memory_space<hbm>>
        %dma_start3A_440 = tpu.memref_squeeze %dma_start3A_439 : memref<1x1x2x128xi32, #tpu.memory_space<hbm>> -> memref<2x128xi32, #tpu.memory_space<hbm>>
        tpu.enqueue_dma source(%dma_start3A_440 : memref<2x128xi32, #tpu.memory_space<hbm>>) target(%arg7 : memref<2x128xi32, #tpu.memory_space<vmem>>) target_semaphore(%run_scoped3A : memref<!tpu.dma_semaphore, #tpu.memory_space<semaphore_mem>>)
        %dma_wait3A_441 = arith.constant 0 : i32
        %dma_wait3A_442 = arith.constant 0 : i32
        %dma_wait3A_443 = tpu.memref_slice %arg3[%add3A_1, %add3A_396, %dma_wait3A_441, %dma_wait3A_442] : memref<4x5024x2x128xi32, #tpu.memory_space<hbm>> -> memref<1x1x2x128xi32, #tpu.memory_space<hbm>>
        %dma_wait3A_444 = tpu.memref_squeeze %dma_wait3A_443 : memref<1x1x2x128xi32, #tpu.memory_space<hbm>> -> memref<2x128xi32, #tpu.memory_space<hbm>>
        %dma_wait3A_445 = arith.constant 0 : i32
        %dma_wait3A_446 = arith.constant 0 : i32
        %dma_wait3A_447 = tpu.memref_slice %arg3[%add3A_1, %add3A_396, %dma_wait3A_445, %dma_wait3A_446] : memref<4x5024x2x128xi32, #tpu.memory_space<hbm>> -> memref<1x1x2x128xi32, #tpu.memory_space<hbm>>
        %dma_wait3A_448 = tpu.memref_squeeze %dma_wait3A_447 : memref<1x1x2x128xi32, #tpu.memory_space<hbm>> -> memref<2x128xi32, #tpu.memory_space<hbm>>
        tpu.wait_dma2 semaphore(%run_scoped3A : memref<!tpu.dma_semaphore, #tpu.memory_space<semaphore_mem>>) src(%dma_wait3A_448 : memref<2x128xi32, #tpu.memory_space<hbm>>) dst(%arg7 : memref<2x128xi32, #tpu.memory_space<vmem>>)
        tpu.yield
      }) : () -> ()
      %dma_start3A_397 = arith.constant 0 : i32
      %dma_start3A_398 = arith.constant 0 : i32
      %dma_start3A_399 = tpu.memref_slice %arg7[%dma_start3A_397, %dma_start3A_398] : memref<2x128xi32, #tpu.memory_space<vmem>> -> memref<1x128xi32, #tpu.memory_space<vmem>>
      %dma_start3A_400 = tpu.memref_squeeze %dma_start3A_399 : memref<1x128xi32, #tpu.memory_space<vmem>> -> memref<128xi32, #tpu.memory_space<vmem>>
      %dma_start3A_401 = arith.constant 0 : i32
      %dma_start3A_402 = arith.constant 0 : i32
      %dma_start3A_403 = tpu.memref_slice %arg2[%dma_start3A_401, %dma_start3A_402] : memref<40960x96xf32, #tpu.memory_space<hbm>> -> memref<40960x96xf32, #tpu.memory_space<hbm>>
      tpu.enqueue_indirect_dma source(%dma_start3A_403 : memref<40960x96xf32, #tpu.memory_space<hbm>>) target(%arg9 : memref<128x96xf32, #tpu.memory_space<vmem>>) offsets(%dma_start3A_400 : memref<128xi32, #tpu.memory_space<vmem>>) semaphore(%arg12 : memref<!tpu.dma_semaphore, #tpu.memory_space<semaphore_mem>>)
      %dma_wait3A_404 = arith.constant 0 : i32
      %dma_wait3A_405 = arith.constant 0 : i32
      %dma_wait3A_406 = tpu.memref_slice %arg6[%dma_wait3A_404, %dma_wait3A_405] : memref<2x128xi32, #tpu.memory_space<vmem>> -> memref<1x128xi32, #tpu.memory_space<vmem>>
      %dma_wait3A_407 = tpu.memref_squeeze %dma_wait3A_406 : memref<1x128xi32, #tpu.memory_space<vmem>> -> memref<128xi32, #tpu.memory_space<vmem>>
      %dma_wait3A_408 = arith.constant 0 : i32
      %dma_wait3A_409 = arith.constant 0 : i32
      %dma_wait3A_410 = tpu.memref_slice %arg2[%dma_wait3A_408, %dma_wait3A_409] : memref<40960x96xf32, #tpu.memory_space<hbm>> -> memref<40960x96xf32, #tpu.memory_space<hbm>>
      tpu.wait_indirect_dma semaphore(%arg11 : memref<!tpu.dma_semaphore, #tpu.memory_space<semaphore_mem>>) src(%dma_wait3A_410 : memref<40960x96xf32, #tpu.memory_space<hbm>>) dst(%arg8 : memref<128x96xf32, #tpu.memory_space<vmem>>)
      %dma_start3A_411 = arith.constant 1 : i32
      %dma_start3A_412 = arith.constant 0 : i32
      %dma_start3A_413 = tpu.memref_slice %arg6[%dma_start3A_411, %dma_start3A_412] : memref<2x128xi32, #tpu.memory_space<vmem>> -> memref<1x128xi32, #tpu.memory_space<vmem>>
      %dma_start3A_414 = tpu.memref_squeeze %dma_start3A_413 : memref<1x128xi32, #tpu.memory_space<vmem>> -> memref<128xi32, #tpu.memory_space<vmem>>
      %dma_start3A_415 = arith.constant 0 : i32
      %dma_start3A_416 = arith.constant 0 : i32
      %dma_start3A_417 = tpu.memref_slice %arg10[%dma_start3A_415, %dma_start3A_416] : memref<10240x96xf32, #tpu.memory_space<vmem_shared>> -> memref<10240x96xf32, #tpu.memory_space<vmem_shared>>
      tpu.enqueue_indirect_dma source(%arg8 : memref<128x96xf32, #tpu.memory_space<vmem>>) target(%dma_start3A_417 : memref<10240x96xf32, #tpu.memory_space<vmem_shared>>) offsets(%dma_start3A_414 : memref<128xi32, #tpu.memory_space<vmem>>) semaphore(%arg13 : memref<!tpu.dma_semaphore, #tpu.memory_space<semaphore_mem>>) {add = true}
      %dma_wait3A_418 = arith.constant 0 : i32
      %dma_wait3A_419 = arith.constant 0 : i32
      %dma_wait3A_420 = tpu.memref_slice %arg7[%dma_wait3A_418, %dma_wait3A_419] : memref<2x128xi32, #tpu.memory_space<vmem>> -> memref<1x128xi32, #tpu.memory_space<vmem>>
      %dma_wait3A_421 = tpu.memref_squeeze %dma_wait3A_420 : memref<1x128xi32, #tpu.memory_space<vmem>> -> memref<128xi32, #tpu.memory_space<vmem>>
      %dma_wait3A_422 = arith.constant 0 : i32
      %dma_wait3A_423 = arith.constant 0 : i32
      %dma_wait3A_424 = tpu.memref_slice %arg2[%dma_wait3A_422, %dma_wait3A_423] : memref<40960x96xf32, #tpu.memory_space<hbm>> -> memref<40960x96xf32, #tpu.memory_space<hbm>>
      tpu.wait_indirect_dma semaphore(%arg12 : memref<!tpu.dma_semaphore, #tpu.memory_space<semaphore_mem>>) src(%dma_wait3A_424 : memref<40960x96xf32, #tpu.memory_space<hbm>>) dst(%arg9 : memref<128x96xf32, #tpu.memory_space<vmem>>)
      %dma_start3A_425 = arith.constant 1 : i32
      %dma_start3A_426 = arith.constant 0 : i32
      %dma_start3A_427 = tpu.memref_slice %arg7[%dma_start3A_425, %dma_start3A_426] : memref<2x128xi32, #tpu.memory_space<vmem>> -> memref<1x128xi32, #tpu.memory_space<vmem>>
      %dma_start3A_428 = tpu.memref_squeeze %dma_start3A_427 : memref<1x128xi32, #tpu.memory_space<vmem>> -> memref<128xi32, #tpu.memory_space<vmem>>
      %dma_start3A_429 = arith.constant 0 : i32
      %dma_start3A_430 = arith.constant 0 : i32
      %dma_start3A_431 = tpu.memref_slice %arg10[%dma_start3A_429, %dma_start3A_430] : memref<10240x96xf32, #tpu.memory_space<vmem_shared>> -> memref<10240x96xf32, #tpu.memory_space<vmem_shared>>
      tpu.enqueue_indirect_dma source(%arg9 : memref<128x96xf32, #tpu.memory_space<vmem>>) target(%dma_start3A_431 : memref<10240x96xf32, #tpu.memory_space<vmem_shared>>) offsets(%dma_start3A_428 : memref<128xi32, #tpu.memory_space<vmem>>) semaphore(%arg14 : memref<!tpu.dma_semaphore, #tpu.memory_space<semaphore_mem>>) {add = true}
      %scan3A_432 = arith.constant 0 : i32
      scf.yield %scan3A_432 : i32
    }
    %scan3A_55 = arith.constant 157 : i32
    %dma_wait3A_56 = arith.constant 1 : i32
    %dma_wait3A_57 = arith.constant 0 : i32
    %dma_wait3A_58 = tpu.memref_slice %arg6[%dma_wait3A_56, %dma_wait3A_57] : memref<2x128xi32, #tpu.memory_space<vmem>> -> memref<1x128xi32, #tpu.memory_space<vmem>>
    %dma_wait3A_59 = tpu.memref_squeeze %dma_wait3A_58 : memref<1x128xi32, #tpu.memory_space<vmem>> -> memref<128xi32, #tpu.memory_space<vmem>>
    %dma_wait3A_60 = arith.constant 0 : i32
    %dma_wait3A_61 = arith.constant 0 : i32
    %dma_wait3A_62 = tpu.memref_slice %arg10[%dma_wait3A_60, %dma_wait3A_61] : memref<10240x96xf32, #tpu.memory_space<vmem_shared>> -> memref<10240x96xf32, #tpu.memory_space<vmem_shared>>
    tpu.wait_indirect_dma semaphore(%arg13 : memref<!tpu.dma_semaphore, #tpu.memory_space<semaphore_mem>>) src(%arg8 : memref<128x96xf32, #tpu.memory_space<vmem>>) dst(%dma_wait3A_62 : memref<10240x96xf32, #tpu.memory_space<vmem_shared>>)
    %dma_wait3A_63 = arith.constant 1 : i32
    %dma_wait3A_64 = arith.constant 0 : i32
    %dma_wait3A_65 = tpu.memref_slice %arg7[%dma_wait3A_63, %dma_wait3A_64] : memref<2x128xi32, #tpu.memory_space<vmem>> -> memref<1x128xi32, #tpu.memory_space<vmem>>
    %dma_wait3A_66 = tpu.memref_squeeze %dma_wait3A_65 : memref<1x128xi32, #tpu.memory_space<vmem>> -> memref<128xi32, #tpu.memory_space<vmem>>
    %dma_wait3A_67 = arith.constant 0 : i32
    %dma_wait3A_68 = arith.constant 0 : i32
    %dma_wait3A_69 = tpu.memref_slice %arg10[%dma_wait3A_67, %dma_wait3A_68] : memref<10240x96xf32, #tpu.memory_space<vmem_shared>> -> memref<10240x96xf32, #tpu.memory_space<vmem_shared>>
    tpu.wait_indirect_dma semaphore(%arg14 : memref<!tpu.dma_semaphore, #tpu.memory_space<semaphore_mem>>) src(%arg9 : memref<128x96xf32, #tpu.memory_space<vmem>>) dst(%dma_wait3A_69 : memref<10240x96xf32, #tpu.memory_space<vmem_shared>>)
    %barrier3A_70 = arith.constant 0 : index
    tpu.barrier barrier_id(%barrier3A_70)
    %dma_start3A_71 = arith.constant 0 : i32
    %dma_start3A_72 = tpu.memref_slice %arg10[%mul3A_0, %dma_start3A_71] : memref<10240x96xf32, #tpu.memory_space<vmem_shared>> -> memref<128x96xf32, #tpu.memory_space<vmem_shared>>
    %dma_start3A_73 = arith.constant 0 : i32
    %dma_start3A_74 = tpu.memref_slice %arg10[%mul3A_0, %dma_start3A_73] : memref<10240x96xf32, #tpu.memory_space<vmem_shared>> -> memref<128x96xf32, #tpu.memory_space<vmem_shared>>
    tpu.enqueue_dma source(%dma_start3A_74 : memref<128x96xf32, #tpu.memory_space<vmem_shared>>) target(%arg8 : memref<128x96xf32, #tpu.memory_space<vmem>>) target_semaphore(%arg11 : memref<!tpu.dma_semaphore, #tpu.memory_space<semaphore_mem>>)
    %dma_wait3A_75 = arith.constant 0 : i32
    %dma_wait3A_76 = tpu.memref_slice %arg10[%mul3A_0, %dma_wait3A_75] : memref<10240x96xf32, #tpu.memory_space<vmem_shared>> -> memref<128x96xf32, #tpu.memory_space<vmem_shared>>
    %dma_wait3A_77 = arith.constant 0 : i32
    %dma_wait3A_78 = tpu.memref_slice %arg10[%mul3A_0, %dma_wait3A_77] : memref<10240x96xf32, #tpu.memory_space<vmem_shared>> -> memref<128x96xf32, #tpu.memory_space<vmem_shared>>
    tpu.wait_dma2 semaphore(%arg11 : memref<!tpu.dma_semaphore, #tpu.memory_space<semaphore_mem>>) src(%dma_wait3A_78 : memref<128x96xf32, #tpu.memory_space<vmem_shared>>) dst(%arg8 : memref<128x96xf32, #tpu.memory_space<vmem>>)
    %mul3A_79 = arith.constant 10240 : i32
    %mul3A_80 = arith.muli %add3A_1, %mul3A_79 : i32
    %add3A_81 = arith.addi %mul3A_80, %mul3A_0 : i32
    %add3A_82 = arith.constant 0 : i32
    %add3A_83 = arith.addi %add3A_81, %add3A_82 : i32
    %dma_start3A_84 = arith.constant 0 : i32
    %dma_start3A_85 = tpu.memref_slice %arg5[%add3A_83, %dma_start3A_84] : memref<40960x96xf32, #tpu.memory_space<hbm>> -> memref<128x96xf32, #tpu.memory_space<hbm>>
    %dma_start3A_86 = arith.constant 0 : i32
    %dma_start3A_87 = tpu.memref_slice %arg5[%add3A_83, %dma_start3A_86] : memref<40960x96xf32, #tpu.memory_space<hbm>> -> memref<128x96xf32, #tpu.memory_space<hbm>>
    tpu.enqueue_dma source(%arg8 : memref<128x96xf32, #tpu.memory_space<vmem>>) target(%dma_start3A_87 : memref<128x96xf32, #tpu.memory_space<hbm>>) target_semaphore(%arg13 : memref<!tpu.dma_semaphore, #tpu.memory_space<semaphore_mem>>)
    %add3A_88 = arith.constant 128 : i32
    %add3A_89 = arith.addi %mul3A_0, %add3A_88 : i32
    %dma_start3A_90 = arith.constant 0 : i32
    %dma_start3A_91 = tpu.memref_slice %arg10[%add3A_89, %dma_start3A_90] : memref<10240x96xf32, #tpu.memory_space<vmem_shared>> -> memref<128x96xf32, #tpu.memory_space<vmem_shared>>
    %dma_start3A_92 = arith.constant 0 : i32
    %dma_start3A_93 = tpu.memref_slice %arg10[%add3A_89, %dma_start3A_92] : memref<10240x96xf32, #tpu.memory_space<vmem_shared>> -> memref<128x96xf32, #tpu.memory_space<vmem_shared>>
    tpu.enqueue_dma source(%dma_start3A_93 : memref<128x96xf32, #tpu.memory_space<vmem_shared>>) target(%arg9 : memref<128x96xf32, #tpu.memory_space<vmem>>) target_semaphore(%arg12 : memref<!tpu.dma_semaphore, #tpu.memory_space<semaphore_mem>>)
    %dma_wait3A_94 = arith.constant 0 : i32
    %dma_wait3A_95 = tpu.memref_slice %arg10[%mul3A_0, %dma_wait3A_94] : memref<10240x96xf32, #tpu.memory_space<vmem_shared>> -> memref<128x96xf32, #tpu.memory_space<vmem_shared>>
    %dma_wait3A_96 = arith.constant 0 : i32
    %dma_wait3A_97 = tpu.memref_slice %arg10[%mul3A_0, %dma_wait3A_96] : memref<10240x96xf32, #tpu.memory_space<vmem_shared>> -> memref<128x96xf32, #tpu.memory_space<vmem_shared>>
    tpu.wait_dma2 semaphore(%arg12 : memref<!tpu.dma_semaphore, #tpu.memory_space<semaphore_mem>>) src(%dma_wait3A_97 : memref<128x96xf32, #tpu.memory_space<vmem_shared>>) dst(%arg9 : memref<128x96xf32, #tpu.memory_space<vmem>>)
    %mul3A_98 = arith.constant 10240 : i32
    %mul3A_99 = arith.muli %add3A_1, %mul3A_98 : i32
    %add3A_100 = arith.addi %mul3A_99, %mul3A_0 : i32
    %add3A_101 = arith.constant 128 : i32
    %add3A_102 = arith.addi %add3A_100, %add3A_101 : i32
    %dma_start3A_103 = arith.constant 0 : i32
    %dma_start3A_104 = tpu.memref_slice %arg5[%add3A_102, %dma_start3A_103] : memref<40960x96xf32, #tpu.memory_space<hbm>> -> memref<128x96xf32, #tpu.memory_space<hbm>>
    %dma_start3A_105 = arith.constant 0 : i32
    %dma_start3A_106 = tpu.memref_slice %arg5[%add3A_102, %dma_start3A_105] : memref<40960x96xf32, #tpu.memory_space<hbm>> -> memref<128x96xf32, #tpu.memory_space<hbm>>
    tpu.enqueue_dma source(%arg9 : memref<128x96xf32, #tpu.memory_space<vmem>>) target(%dma_start3A_106 : memref<128x96xf32, #tpu.memory_space<hbm>>) target_semaphore(%arg14 : memref<!tpu.dma_semaphore, #tpu.memory_space<semaphore_mem>>)
    %dma_wait3A_107 = arith.constant 0 : i32
    %dma_wait3A_108 = tpu.memref_slice %arg5[%mul3A_0, %dma_wait3A_107] : memref<40960x96xf32, #tpu.memory_space<hbm>> -> memref<128x96xf32, #tpu.memory_space<hbm>>
    %dma_wait3A_109 = arith.constant 0 : i32
    %dma_wait3A_110 = tpu.memref_slice %arg5[%mul3A_0, %dma_wait3A_109] : memref<40960x96xf32, #tpu.memory_space<hbm>> -> memref<128x96xf32, #tpu.memory_space<hbm>>
    tpu.wait_dma2 semaphore(%arg13 : memref<!tpu.dma_semaphore, #tpu.memory_space<semaphore_mem>>) src(%arg8 : memref<128x96xf32, #tpu.memory_space<vmem>>) dst(%dma_wait3A_110 : memref<128x96xf32, #tpu.memory_space<hbm>>)
    %add3A_111 = arith.constant 256 : i32
    %add3A_112 = arith.addi %mul3A_0, %add3A_111 : i32
    %dma_start3A_113 = arith.constant 0 : i32
    %dma_start3A_114 = tpu.memref_slice %arg10[%add3A_112, %dma_start3A_113] : memref<10240x96xf32, #tpu.memory_space<vmem_shared>> -> memref<128x96xf32, #tpu.memory_space<vmem_shared>>
    %dma_start3A_115 = arith.constant 0 : i32
    %dma_start3A_116 = tpu.memref_slice %arg10[%add3A_112, %dma_start3A_115] : memref<10240x96xf32, #tpu.memory_space<vmem_shared>> -> memref<128x96xf32, #tpu.memory_space<vmem_shared>>
    tpu.enqueue_dma source(%dma_start3A_116 : memref<128x96xf32, #tpu.memory_space<vmem_shared>>) target(%arg8 : memref<128x96xf32, #tpu.memory_space<vmem>>) target_semaphore(%arg11 : memref<!tpu.dma_semaphore, #tpu.memory_space<semaphore_mem>>)
    %dma_wait3A_117 = arith.constant 0 : i32
    %dma_wait3A_118 = tpu.memref_slice %arg10[%mul3A_0, %dma_wait3A_117] : memref<10240x96xf32, #tpu.memory_space<vmem_shared>> -> memref<128x96xf32, #tpu.memory_space<vmem_shared>>
    %dma_wait3A_119 = arith.constant 0 : i32
    %dma_wait3A_120 = tpu.memref_slice %arg10[%mul3A_0, %dma_wait3A_119] : memref<10240x96xf32, #tpu.memory_space<vmem_shared>> -> memref<128x96xf32, #tpu.memory_space<vmem_shared>>
    tpu.wait_dma2 semaphore(%arg11 : memref<!tpu.dma_semaphore, #tpu.memory_space<semaphore_mem>>) src(%dma_wait3A_120 : memref<128x96xf32, #tpu.memory_space<vmem_shared>>) dst(%arg8 : memref<128x96xf32, #tpu.memory_space<vmem>>)
    %mul3A_121 = arith.constant 10240 : i32
    %mul3A_122 = arith.muli %add3A_1, %mul3A_121 : i32
    %add3A_123 = arith.addi %mul3A_122, %mul3A_0 : i32
    %add3A_124 = arith.constant 256 : i32
    %add3A_125 = arith.addi %add3A_123, %add3A_124 : i32
    %dma_start3A_126 = arith.constant 0 : i32
    %dma_start3A_127 = tpu.memref_slice %arg5[%add3A_125, %dma_start3A_126] : memref<40960x96xf32, #tpu.memory_space<hbm>> -> memref<128x96xf32, #tpu.memory_space<hbm>>
    %dma_start3A_128 = arith.constant 0 : i32
    %dma_start3A_129 = tpu.memref_slice %arg5[%add3A_125, %dma_start3A_128] : memref<40960x96xf32, #tpu.memory_space<hbm>> -> memref<128x96xf32, #tpu.memory_space<hbm>>
    tpu.enqueue_dma source(%arg8 : memref<128x96xf32, #tpu.memory_space<vmem>>) target(%dma_start3A_129 : memref<128x96xf32, #tpu.memory_space<hbm>>) target_semaphore(%arg13 : memref<!tpu.dma_semaphore, #tpu.memory_space<semaphore_mem>>)
    %dma_wait3A_130 = arith.constant 0 : i32
    %dma_wait3A_131 = tpu.memref_slice %arg5[%mul3A_0, %dma_wait3A_130] : memref<40960x96xf32, #tpu.memory_space<hbm>> -> memref<128x96xf32, #tpu.memory_space<hbm>>
    %dma_wait3A_132 = arith.constant 0 : i32
    %dma_wait3A_133 = tpu.memref_slice %arg5[%mul3A_0, %dma_wait3A_132] : memref<40960x96xf32, #tpu.memory_space<hbm>> -> memref<128x96xf32, #tpu.memory_space<hbm>>
    tpu.wait_dma2 semaphore(%arg14 : memref<!tpu.dma_semaphore, #tpu.memory_space<semaphore_mem>>) src(%arg9 : memref<128x96xf32, #tpu.memory_space<vmem>>) dst(%dma_wait3A_133 : memref<128x96xf32, #tpu.memory_space<hbm>>)
    %add3A_134 = arith.constant 384 : i32
    %add3A_135 = arith.addi %mul3A_0, %add3A_134 : i32
    %dma_start3A_136 = arith.constant 0 : i32
    %dma_start3A_137 = tpu.memref_slice %arg10[%add3A_135, %dma_start3A_136] : memref<10240x96xf32, #tpu.memory_space<vmem_shared>> -> memref<128x96xf32, #tpu.memory_space<vmem_shared>>
    %dma_start3A_138 = arith.constant 0 : i32
    %dma_start3A_139 = tpu.memref_slice %arg10[%add3A_135, %dma_start3A_138] : memref<10240x96xf32, #tpu.memory_space<vmem_shared>> -> memref<128x96xf32, #tpu.memory_space<vmem_shared>>
    tpu.enqueue_dma source(%dma_start3A_139 : memref<128x96xf32, #tpu.memory_space<vmem_shared>>) target(%arg9 : memref<128x96xf32, #tpu.memory_space<vmem>>) target_semaphore(%arg12 : memref<!tpu.dma_semaphore, #tpu.memory_space<semaphore_mem>>)
    %dma_wait3A_140 = arith.constant 0 : i32
    %dma_wait3A_141 = tpu.memref_slice %arg10[%mul3A_0, %dma_wait3A_140] : memref<10240x96xf32, #tpu.memory_space<vmem_shared>> -> memref<128x96xf32, #tpu.memory_space<vmem_shared>>
    %dma_wait3A_142 = arith.constant 0 : i32
    %dma_wait3A_143 = tpu.memref_slice %arg10[%mul3A_0, %dma_wait3A_142] : memref<10240x96xf32, #tpu.memory_space<vmem_shared>> -> memref<128x96xf32, #tpu.memory_space<vmem_shared>>
    tpu.wait_dma2 semaphore(%arg12 : memref<!tpu.dma_semaphore, #tpu.memory_space<semaphore_mem>>) src(%dma_wait3A_143 : memref<128x96xf32, #tpu.memory_space<vmem_shared>>) dst(%arg9 : memref<128x96xf32, #tpu.memory_space<vmem>>)
    %mul3A_144 = arith.constant 10240 : i32
    %mul3A_145 = arith.muli %add3A_1, %mul3A_144 : i32
    %add3A_146 = arith.addi %mul3A_145, %mul3A_0 : i32
    %add3A_147 = arith.constant 384 : i32
    %add3A_148 = arith.addi %add3A_146, %add3A_147 : i32
    %dma_start3A_149 = arith.constant 0 : i32
    %dma_start3A_150 = tpu.memref_slice %arg5[%add3A_148, %dma_start3A_149] : memref<40960x96xf32, #tpu.memory_space<hbm>> -> memref<128x96xf32, #tpu.memory_space<hbm>>
    %dma_start3A_151 = arith.constant 0 : i32
    %dma_start3A_152 = tpu.memref_slice %arg5[%add3A_148, %dma_start3A_151] : memref<40960x96xf32, #tpu.memory_space<hbm>> -> memref<128x96xf32, #tpu.memory_space<hbm>>
    tpu.enqueue_dma source(%arg9 : memref<128x96xf32, #tpu.memory_space<vmem>>) target(%dma_start3A_152 : memref<128x96xf32, #tpu.memory_space<hbm>>) target_semaphore(%arg14 : memref<!tpu.dma_semaphore, #tpu.memory_space<semaphore_mem>>)
    %dma_wait3A_153 = arith.constant 0 : i32
    %dma_wait3A_154 = tpu.memref_slice %arg5[%mul3A_0, %dma_wait3A_153] : memref<40960x96xf32, #tpu.memory_space<hbm>> -> memref<128x96xf32, #tpu.memory_space<hbm>>
    %dma_wait3A_155 = arith.constant 0 : i32
    %dma_wait3A_156 = tpu.memref_slice %arg5[%mul3A_0, %dma_wait3A_155] : memref<40960x96xf32, #tpu.memory_space<hbm>> -> memref<128x96xf32, #tpu.memory_space<hbm>>
    tpu.wait_dma2 semaphore(%arg13 : memref<!tpu.dma_semaphore, #tpu.memory_space<semaphore_mem>>) src(%arg8 : memref<128x96xf32, #tpu.memory_space<vmem>>) dst(%dma_wait3A_156 : memref<128x96xf32, #tpu.memory_space<hbm>>)
    %add3A_157 = arith.constant 512 : i32
    %add3A_158 = arith.addi %mul3A_0, %add3A_157 : i32
    %dma_start3A_159 = arith.constant 0 : i32
    %dma_start3A_160 = tpu.memref_slice %arg10[%add3A_158, %dma_start3A_159] : memref<10240x96xf32, #tpu.memory_space<vmem_shared>> -> memref<128x96xf32, #tpu.memory_space<vmem_shared>>
    %dma_start3A_161 = arith.constant 0 : i32
    %dma_start3A_162 = tpu.memref_slice %arg10[%add3A_158, %dma_start3A_161] : memref<10240x96xf32, #tpu.memory_space<vmem_shared>> -> memref<128x96xf32, #tpu.memory_space<vmem_shared>>
    tpu.enqueue_dma source(%dma_start3A_162 : memref<128x96xf32, #tpu.memory_space<vmem_shared>>) target(%arg8 : memref<128x96xf32, #tpu.memory_space<vmem>>) target_semaphore(%arg11 : memref<!tpu.dma_semaphore, #tpu.memory_space<semaphore_mem>>)
    %dma_wait3A_163 = arith.constant 0 : i32
    %dma_wait3A_164 = tpu.memref_slice %arg10[%mul3A_0, %dma_wait3A_163] : memref<10240x96xf32, #tpu.memory_space<vmem_shared>> -> memref<128x96xf32, #tpu.memory_space<vmem_shared>>
    %dma_wait3A_165 = arith.constant 0 : i32
    %dma_wait3A_166 = tpu.memref_slice %arg10[%mul3A_0, %dma_wait3A_165] : memref<10240x96xf32, #tpu.memory_space<vmem_shared>> -> memref<128x96xf32, #tpu.memory_space<vmem_shared>>
    tpu.wait_dma2 semaphore(%arg11 : memref<!tpu.dma_semaphore, #tpu.memory_space<semaphore_mem>>) src(%dma_wait3A_166 : memref<128x96xf32, #tpu.memory_space<vmem_shared>>) dst(%arg8 : memref<128x96xf32, #tpu.memory_space<vmem>>)
    %mul3A_167 = arith.constant 10240 : i32
    %mul3A_168 = arith.muli %add3A_1, %mul3A_167 : i32
    %add3A_169 = arith.addi %mul3A_168, %mul3A_0 : i32
    %add3A_170 = arith.constant 512 : i32
    %add3A_171 = arith.addi %add3A_169, %add3A_170 : i32
    %dma_start3A_172 = arith.constant 0 : i32
    %dma_start3A_173 = tpu.memref_slice %arg5[%add3A_171, %dma_start3A_172] : memref<40960x96xf32, #tpu.memory_space<hbm>> -> memref<128x96xf32, #tpu.memory_space<hbm>>
    %dma_start3A_174 = arith.constant 0 : i32
    %dma_start3A_175 = tpu.memref_slice %arg5[%add3A_171, %dma_start3A_174] : memref<40960x96xf32, #tpu.memory_space<hbm>> -> memref<128x96xf32, #tpu.memory_space<hbm>>
    tpu.enqueue_dma source(%arg8 : memref<128x96xf32, #tpu.memory_space<vmem>>) target(%dma_start3A_175 : memref<128x96xf32, #tpu.memory_space<hbm>>) target_semaphore(%arg13 : memref<!tpu.dma_semaphore, #tpu.memory_space<semaphore_mem>>)
    %dma_wait3A_176 = arith.constant 0 : i32
    %dma_wait3A_177 = tpu.memref_slice %arg5[%mul3A_0, %dma_wait3A_176] : memref<40960x96xf32, #tpu.memory_space<hbm>> -> memref<128x96xf32, #tpu.memory_space<hbm>>
    %dma_wait3A_178 = arith.constant 0 : i32
    %dma_wait3A_179 = tpu.memref_slice %arg5[%mul3A_0, %dma_wait3A_178] : memref<40960x96xf32, #tpu.memory_space<hbm>> -> memref<128x96xf32, #tpu.memory_space<hbm>>
    tpu.wait_dma2 semaphore(%arg14 : memref<!tpu.dma_semaphore, #tpu.memory_space<semaphore_mem>>) src(%arg9 : memref<128x96xf32, #tpu.memory_space<vmem>>) dst(%dma_wait3A_179 : memref<128x96xf32, #tpu.memory_space<hbm>>)
    %dma_wait3A_180 = arith.constant 0 : i32
    %dma_wait3A_181 = tpu.memref_slice %arg5[%mul3A_0, %dma_wait3A_180] : memref<40960x96xf32, #tpu.memory_space<hbm>> -> memref<128x96xf32, #tpu.memory_space<hbm>>
    %dma_wait3A_182 = arith.constant 0 : i32
    %dma_wait3A_183 = tpu.memref_slice %arg5[%mul3A_0, %dma_wait3A_182] : memref<40960x96xf32, #tpu.memory_space<hbm>> -> memref<128x96xf32, #tpu.memory_space<hbm>>
    tpu.wait_dma2 semaphore(%arg13 : memref<!tpu.dma_semaphore, #tpu.memory_space<semaphore_mem>>) src(%arg8 : memref<128x96xf32, #tpu.memory_space<vmem>>) dst(%dma_wait3A_183 : memref<128x96xf32, #tpu.memory_space<hbm>>)
    %barrier3A_184 = arith.constant 0 : index
    tpu.barrier barrier_id(%barrier3A_184)
    %add3A_185 = arith.constant 2 : i32
    %add3A_186 = arith.addi %add3A_185, %arg0 : i32
    "tpu.region"() ({
      %run_scoped3A = tpu.sem_alloc : memref<!tpu.dma_semaphore, #tpu.memory_space<semaphore_mem>>
      tpu.enqueue_dma source(%arg4 : memref<128x96xf32, #tpu.memory_space<hbm>>) target(%arg8 : memref<128x96xf32, #tpu.memory_space<vmem>>) target_semaphore(%run_scoped3A : memref<!tpu.dma_semaphore, #tpu.memory_space<semaphore_mem>>)
      tpu.wait_dma2 semaphore(%run_scoped3A : memref<!tpu.dma_semaphore, #tpu.memory_space<semaphore_mem>>) src(%arg4 : memref<128x96xf32, #tpu.memory_space<hbm>>) dst(%arg8 : memref<128x96xf32, #tpu.memory_space<vmem>>)
      tpu.yield
    }) : () -> ()
    %add3A_187 = arith.constant 0 : i32
    %add3A_188 = arith.addi %mul3A_0, %add3A_187 : i32
    %dma_start3A_189 = arith.constant 0 : i32
    %dma_start3A_190 = tpu.memref_slice %arg10[%add3A_188, %dma_start3A_189] : memref<10240x96xf32, #tpu.memory_space<vmem_shared>> -> memref<128x96xf32, #tpu.memory_space<vmem_shared>>
    %dma_start3A_191 = arith.constant 0 : i32
    %dma_start3A_192 = tpu.memref_slice %arg10[%add3A_188, %dma_start3A_191] : memref<10240x96xf32, #tpu.memory_space<vmem_shared>> -> memref<128x96xf32, #tpu.memory_space<vmem_shared>>
    tpu.enqueue_dma source(%arg8 : memref<128x96xf32, #tpu.memory_space<vmem>>) target(%dma_start3A_192 : memref<128x96xf32, #tpu.memory_space<vmem_shared>>) target_semaphore(%arg13 : memref<!tpu.dma_semaphore, #tpu.memory_space<semaphore_mem>>)
    %add3A_193 = arith.constant 128 : i32
    %add3A_194 = arith.addi %mul3A_0, %add3A_193 : i32
    %dma_start3A_195 = arith.constant 0 : i32
    %dma_start3A_196 = tpu.memref_slice %arg10[%add3A_194, %dma_start3A_195] : memref<10240x96xf32, #tpu.memory_space<vmem_shared>> -> memref<128x96xf32, #tpu.memory_space<vmem_shared>>
    %dma_start3A_197 = arith.constant 0 : i32
    %dma_start3A_198 = tpu.memref_slice %arg10[%add3A_194, %dma_start3A_197] : memref<10240x96xf32, #tpu.memory_space<vmem_shared>> -> memref<128x96xf32, #tpu.memory_space<vmem_shared>>
    tpu.enqueue_dma source(%arg8 : memref<128x96xf32, #tpu.memory_space<vmem>>) target(%dma_start3A_198 : memref<128x96xf32, #tpu.memory_space<vmem_shared>>) target_semaphore(%arg13 : memref<!tpu.dma_semaphore, #tpu.memory_space<semaphore_mem>>)
    %add3A_199 = arith.constant 256 : i32
    %add3A_200 = arith.addi %mul3A_0, %add3A_199 : i32
    %dma_start3A_201 = arith.constant 0 : i32
    %dma_start3A_202 = tpu.memref_slice %arg10[%add3A_200, %dma_start3A_201] : memref<10240x96xf32, #tpu.memory_space<vmem_shared>> -> memref<128x96xf32, #tpu.memory_space<vmem_shared>>
    %dma_start3A_203 = arith.constant 0 : i32
    %dma_start3A_204 = tpu.memref_slice %arg10[%add3A_200, %dma_start3A_203] : memref<10240x96xf32, #tpu.memory_space<vmem_shared>> -> memref<128x96xf32, #tpu.memory_space<vmem_shared>>
    tpu.enqueue_dma source(%arg8 : memref<128x96xf32, #tpu.memory_space<vmem>>) target(%dma_start3A_204 : memref<128x96xf32, #tpu.memory_space<vmem_shared>>) target_semaphore(%arg13 : memref<!tpu.dma_semaphore, #tpu.memory_space<semaphore_mem>>)
    %add3A_205 = arith.constant 384 : i32
    %add3A_206 = arith.addi %mul3A_0, %add3A_205 : i32
    %dma_start3A_207 = arith.constant 0 : i32
    %dma_start3A_208 = tpu.memref_slice %arg10[%add3A_206, %dma_start3A_207] : memref<10240x96xf32, #tpu.memory_space<vmem_shared>> -> memref<128x96xf32, #tpu.memory_space<vmem_shared>>
    %dma_start3A_209 = arith.constant 0 : i32
    %dma_start3A_210 = tpu.memref_slice %arg10[%add3A_206, %dma_start3A_209] : memref<10240x96xf32, #tpu.memory_space<vmem_shared>> -> memref<128x96xf32, #tpu.memory_space<vmem_shared>>
    tpu.enqueue_dma source(%arg8 : memref<128x96xf32, #tpu.memory_space<vmem>>) target(%dma_start3A_210 : memref<128x96xf32, #tpu.memory_space<vmem_shared>>) target_semaphore(%arg13 : memref<!tpu.dma_semaphore, #tpu.memory_space<semaphore_mem>>)
    %add3A_211 = arith.constant 512 : i32
    %add3A_212 = arith.addi %mul3A_0, %add3A_211 : i32
    %dma_start3A_213 = arith.constant 0 : i32
    %dma_start3A_214 = tpu.memref_slice %arg10[%add3A_212, %dma_start3A_213] : memref<10240x96xf32, #tpu.memory_space<vmem_shared>> -> memref<128x96xf32, #tpu.memory_space<vmem_shared>>
    %dma_start3A_215 = arith.constant 0 : i32
    %dma_start3A_216 = tpu.memref_slice %arg10[%add3A_212, %dma_start3A_215] : memref<10240x96xf32, #tpu.memory_space<vmem_shared>> -> memref<128x96xf32, #tpu.memory_space<vmem_shared>>
    tpu.enqueue_dma source(%arg8 : memref<128x96xf32, #tpu.memory_space<vmem>>) target(%dma_start3A_216 : memref<128x96xf32, #tpu.memory_space<vmem_shared>>) target_semaphore(%arg13 : memref<!tpu.dma_semaphore, #tpu.memory_space<semaphore_mem>>)
    %dma_wait3A_217 = arith.constant 0 : i32
    %dma_wait3A_218 = tpu.memref_slice %arg10[%mul3A_0, %dma_wait3A_217] : memref<10240x96xf32, #tpu.memory_space<vmem_shared>> -> memref<128x96xf32, #tpu.memory_space<vmem_shared>>
    %dma_wait3A_219 = arith.constant 0 : i32
    %dma_wait3A_220 = tpu.memref_slice %arg10[%mul3A_0, %dma_wait3A_219] : memref<10240x96xf32, #tpu.memory_space<vmem_shared>> -> memref<128x96xf32, #tpu.memory_space<vmem_shared>>
    tpu.wait_dma2 semaphore(%arg13 : memref<!tpu.dma_semaphore, #tpu.memory_space<semaphore_mem>>) src(%arg8 : memref<128x96xf32, #tpu.memory_space<vmem>>) dst(%dma_wait3A_220 : memref<128x96xf32, #tpu.memory_space<vmem_shared>>)
    %dma_wait3A_221 = arith.constant 0 : i32
    %dma_wait3A_222 = tpu.memref_slice %arg10[%mul3A_0, %dma_wait3A_221] : memref<10240x96xf32, #tpu.memory_space<vmem_shared>> -> memref<128x96xf32, #tpu.memory_space<vmem_shared>>
    %dma_wait3A_223 = arith.constant 0 : i32
    %dma_wait3A_224 = tpu.memref_slice %arg10[%mul3A_0, %dma_wait3A_223] : memref<10240x96xf32, #tpu.memory_space<vmem_shared>> -> memref<128x96xf32, #tpu.memory_space<vmem_shared>>
    tpu.wait_dma2 semaphore(%arg13 : memref<!tpu.dma_semaphore, #tpu.memory_space<semaphore_mem>>) src(%arg8 : memref<128x96xf32, #tpu.memory_space<vmem>>) dst(%dma_wait3A_224 : memref<128x96xf32, #tpu.memory_space<vmem_shared>>)
    %dma_wait3A_225 = arith.constant 0 : i32
    %dma_wait3A_226 = tpu.memref_slice %arg10[%mul3A_0, %dma_wait3A_225] : memref<10240x96xf32, #tpu.memory_space<vmem_shared>> -> memref<128x96xf32, #tpu.memory_space<vmem_shared>>
    %dma_wait3A_227 = arith.constant 0 : i32
    %dma_wait3A_228 = tpu.memref_slice %arg10[%mul3A_0, %dma_wait3A_227] : memref<10240x96xf32, #tpu.memory_space<vmem_shared>> -> memref<128x96xf32, #tpu.memory_space<vmem_shared>>
    tpu.wait_dma2 semaphore(%arg13 : memref<!tpu.dma_semaphore, #tpu.memory_space<semaphore_mem>>) src(%arg8 : memref<128x96xf32, #tpu.memory_space<vmem>>) dst(%dma_wait3A_228 : memref<128x96xf32, #tpu.memory_space<vmem_shared>>)
    %dma_wait3A_229 = arith.constant 0 : i32
    %dma_wait3A_230 = tpu.memref_slice %arg10[%mul3A_0, %dma_wait3A_229] : memref<10240x96xf32, #tpu.memory_space<vmem_shared>> -> memref<128x96xf32, #tpu.memory_space<vmem_shared>>
    %dma_wait3A_231 = arith.constant 0 : i32
    %dma_wait3A_232 = tpu.memref_slice %arg10[%mul3A_0, %dma_wait3A_231] : memref<10240x96xf32, #tpu.memory_space<vmem_shared>> -> memref<128x96xf32, #tpu.memory_space<vmem_shared>>
    tpu.wait_dma2 semaphore(%arg13 : memref<!tpu.dma_semaphore, #tpu.memory_space<semaphore_mem>>) src(%arg8 : memref<128x96xf32, #tpu.memory_space<vmem>>) dst(%dma_wait3A_232 : memref<128x96xf32, #tpu.memory_space<vmem_shared>>)
    %dma_wait3A_233 = arith.constant 0 : i32
    %dma_wait3A_234 = tpu.memref_slice %arg10[%mul3A_0, %dma_wait3A_233] : memref<10240x96xf32, #tpu.memory_space<vmem_shared>> -> memref<128x96xf32, #tpu.memory_space<vmem_shared>>
    %dma_wait3A_235 = arith.constant 0 : i32
    %dma_wait3A_236 = tpu.memref_slice %arg10[%mul3A_0, %dma_wait3A_235] : memref<10240x96xf32, #tpu.memory_space<vmem_shared>> -> memref<128x96xf32, #tpu.memory_space<vmem_shared>>
    tpu.wait_dma2 semaphore(%arg13 : memref<!tpu.dma_semaphore, #tpu.memory_space<semaphore_mem>>) src(%arg8 : memref<128x96xf32, #tpu.memory_space<vmem>>) dst(%dma_wait3A_236 : memref<128x96xf32, #tpu.memory_space<vmem_shared>>)
    %barrier3A_237 = arith.constant 0 : index
    tpu.barrier barrier_id(%barrier3A_237)
    %scan3A_238 = arith.constant 0 : i32
    %scan3A_239 = arith.constant 0 : i32
    %scan3A_240 = arith.constant 157 : i32
    %scan3A_241 = arith.addi %scan3A_239, %scan3A_240 : i32
    %scan3A_242 = arith.constant 1 : i32
    %scan3A_243 = scf.for %scan3A_374 = %scan3A_239 to %scan3A_241 step %scan3A_242 iter_args(%scan3A_375 = %scan3A_238) -> (i32)  : i32 {
      %mul3A_376 = arith.constant 314 : i32
      %mul3A_377 = arith.muli %arg1, %mul3A_376 : i32
      %mul3A_378 = arith.constant 2 : i32
      %mul3A_379 = arith.muli %mul3A_378, %scan3A_374 : i32
      %add3A_380 = arith.addi %mul3A_377, %mul3A_379 : i32
      %gt3A = arith.constant 0 : i32
      %gt3A_381 = arith.cmpi sgt, %scan3A_374, %gt3A : i32
      %convert_element_type3A = arith.extui %gt3A_381 : i1 to i32
      %cond3A = arith.constant 0 : i32
      %cond3A_382 = arith.cmpi ne, %convert_element_type3A, %cond3A : i32
      scf.if %cond3A_382 {
        %dma_wait3A_433 = arith.constant 1 : i32
        %dma_wait3A_434 = arith.constant 0 : i32
        %dma_wait3A_435 = tpu.memref_slice %arg6[%dma_wait3A_433, %dma_wait3A_434] : memref<2x128xi32, #tpu.memory_space<vmem>> -> memref<1x128xi32, #tpu.memory_space<vmem>>
        %dma_wait3A_436 = tpu.memref_squeeze %dma_wait3A_435 : memref<1x128xi32, #tpu.memory_space<vmem>> -> memref<128xi32, #tpu.memory_space<vmem>>
        %dma_wait3A_437 = arith.constant 0 : i32
        %dma_wait3A_438 = arith.constant 0 : i32
        %dma_wait3A_439 = tpu.memref_slice %arg10[%dma_wait3A_437, %dma_wait3A_438] : memref<10240x96xf32, #tpu.memory_space<vmem_shared>> -> memref<10240x96xf32, #tpu.memory_space<vmem_shared>>
        tpu.wait_indirect_dma semaphore(%arg13 : memref<!tpu.dma_semaphore, #tpu.memory_space<semaphore_mem>>) src(%arg8 : memref<128x96xf32, #tpu.memory_space<vmem>>) dst(%dma_wait3A_439 : memref<10240x96xf32, #tpu.memory_space<vmem_shared>>)
      } else {
      }
      "tpu.region"() ({
        %run_scoped3A = tpu.sem_alloc : memref<!tpu.dma_semaphore, #tpu.memory_space<semaphore_mem>>
        %dma_start3A_433 = arith.constant 0 : i32
        %dma_start3A_434 = arith.constant 0 : i32
        %dma_start3A_435 = tpu.memref_slice %arg3[%add3A_186, %add3A_380, %dma_start3A_433, %dma_start3A_434] : memref<4x5024x2x128xi32, #tpu.memory_space<hbm>> -> memref<1x1x2x128xi32, #tpu.memory_space<hbm>>
        %dma_start3A_436 = tpu.memref_squeeze %dma_start3A_435 : memref<1x1x2x128xi32, #tpu.memory_space<hbm>> -> memref<2x128xi32, #tpu.memory_space<hbm>>
        %dma_start3A_437 = arith.constant 0 : i32
        %dma_start3A_438 = arith.constant 0 : i32
        %dma_start3A_439 = tpu.memref_slice %arg3[%add3A_186, %add3A_380, %dma_start3A_437, %dma_start3A_438] : memref<4x5024x2x128xi32, #tpu.memory_space<hbm>> -> memref<1x1x2x128xi32, #tpu.memory_space<hbm>>
        %dma_start3A_440 = tpu.memref_squeeze %dma_start3A_439 : memref<1x1x2x128xi32, #tpu.memory_space<hbm>> -> memref<2x128xi32, #tpu.memory_space<hbm>>
        tpu.enqueue_dma source(%dma_start3A_440 : memref<2x128xi32, #tpu.memory_space<hbm>>) target(%arg6 : memref<2x128xi32, #tpu.memory_space<vmem>>) target_semaphore(%run_scoped3A : memref<!tpu.dma_semaphore, #tpu.memory_space<semaphore_mem>>)
        %dma_wait3A_441 = arith.constant 0 : i32
        %dma_wait3A_442 = arith.constant 0 : i32
        %dma_wait3A_443 = tpu.memref_slice %arg3[%add3A_186, %add3A_380, %dma_wait3A_441, %dma_wait3A_442] : memref<4x5024x2x128xi32, #tpu.memory_space<hbm>> -> memref<1x1x2x128xi32, #tpu.memory_space<hbm>>
        %dma_wait3A_444 = tpu.memref_squeeze %dma_wait3A_443 : memref<1x1x2x128xi32, #tpu.memory_space<hbm>> -> memref<2x128xi32, #tpu.memory_space<hbm>>
        %dma_wait3A_445 = arith.constant 0 : i32
        %dma_wait3A_446 = arith.constant 0 : i32
        %dma_wait3A_447 = tpu.memref_slice %arg3[%add3A_186, %add3A_380, %dma_wait3A_445, %dma_wait3A_446] : memref<4x5024x2x128xi32, #tpu.memory_space<hbm>> -> memref<1x1x2x128xi32, #tpu.memory_space<hbm>>
        %dma_wait3A_448 = tpu.memref_squeeze %dma_wait3A_447 : memref<1x1x2x128xi32, #tpu.memory_space<hbm>> -> memref<2x128xi32, #tpu.memory_space<hbm>>
        tpu.wait_dma2 semaphore(%run_scoped3A : memref<!tpu.dma_semaphore, #tpu.memory_space<semaphore_mem>>) src(%dma_wait3A_448 : memref<2x128xi32, #tpu.memory_space<hbm>>) dst(%arg6 : memref<2x128xi32, #tpu.memory_space<vmem>>)
        tpu.yield
      }) : () -> ()
      %dma_start3A_383 = arith.constant 0 : i32
      %dma_start3A_384 = arith.constant 0 : i32
      %dma_start3A_385 = tpu.memref_slice %arg6[%dma_start3A_383, %dma_start3A_384] : memref<2x128xi32, #tpu.memory_space<vmem>> -> memref<1x128xi32, #tpu.memory_space<vmem>>
      %dma_start3A_386 = tpu.memref_squeeze %dma_start3A_385 : memref<1x128xi32, #tpu.memory_space<vmem>> -> memref<128xi32, #tpu.memory_space<vmem>>
      %dma_start3A_387 = arith.constant 0 : i32
      %dma_start3A_388 = arith.constant 0 : i32
      %dma_start3A_389 = tpu.memref_slice %arg2[%dma_start3A_387, %dma_start3A_388] : memref<40960x96xf32, #tpu.memory_space<hbm>> -> memref<40960x96xf32, #tpu.memory_space<hbm>>
      tpu.enqueue_indirect_dma source(%dma_start3A_389 : memref<40960x96xf32, #tpu.memory_space<hbm>>) target(%arg8 : memref<128x96xf32, #tpu.memory_space<vmem>>) offsets(%dma_start3A_386 : memref<128xi32, #tpu.memory_space<vmem>>) semaphore(%arg11 : memref<!tpu.dma_semaphore, #tpu.memory_space<semaphore_mem>>)
      %gt3A_390 = arith.constant 0 : i32
      %gt3A_391 = arith.cmpi sgt, %scan3A_374, %gt3A_390 : i32
      %convert_element_type3A_392 = arith.extui %gt3A_391 : i1 to i32
      %cond3A_393 = arith.constant 0 : i32
      %cond3A_394 = arith.cmpi ne, %convert_element_type3A_392, %cond3A_393 : i32
      scf.if %cond3A_394 {
        %dma_wait3A_433 = arith.constant 1 : i32
        %dma_wait3A_434 = arith.constant 0 : i32
        %dma_wait3A_435 = tpu.memref_slice %arg7[%dma_wait3A_433, %dma_wait3A_434] : memref<2x128xi32, #tpu.memory_space<vmem>> -> memref<1x128xi32, #tpu.memory_space<vmem>>
        %dma_wait3A_436 = tpu.memref_squeeze %dma_wait3A_435 : memref<1x128xi32, #tpu.memory_space<vmem>> -> memref<128xi32, #tpu.memory_space<vmem>>
        %dma_wait3A_437 = arith.constant 0 : i32
        %dma_wait3A_438 = arith.constant 0 : i32
        %dma_wait3A_439 = tpu.memref_slice %arg10[%dma_wait3A_437, %dma_wait3A_438] : memref<10240x96xf32, #tpu.memory_space<vmem_shared>> -> memref<10240x96xf32, #tpu.memory_space<vmem_shared>>
        tpu.wait_indirect_dma semaphore(%arg14 : memref<!tpu.dma_semaphore, #tpu.memory_space<semaphore_mem>>) src(%arg9 : memref<128x96xf32, #tpu.memory_space<vmem>>) dst(%dma_wait3A_439 : memref<10240x96xf32, #tpu.memory_space<vmem_shared>>)
      } else {
      }
      %add3A_395 = arith.constant 1 : i32
      %add3A_396 = arith.addi %add3A_380, %add3A_395 : i32
      "tpu.region"() ({
        %run_scoped3A = tpu.sem_alloc : memref<!tpu.dma_semaphore, #tpu.memory_space<semaphore_mem>>
        %dma_start3A_433 = arith.constant 0 : i32
        %dma_start3A_434 = arith.constant 0 : i32
        %dma_start3A_435 = tpu.memref_slice %arg3[%add3A_186, %add3A_396, %dma_start3A_433, %dma_start3A_434] : memref<4x5024x2x128xi32, #tpu.memory_space<hbm>> -> memref<1x1x2x128xi32, #tpu.memory_space<hbm>>
        %dma_start3A_436 = tpu.memref_squeeze %dma_start3A_435 : memref<1x1x2x128xi32, #tpu.memory_space<hbm>> -> memref<2x128xi32, #tpu.memory_space<hbm>>
        %dma_start3A_437 = arith.constant 0 : i32
        %dma_start3A_438 = arith.constant 0 : i32
        %dma_start3A_439 = tpu.memref_slice %arg3[%add3A_186, %add3A_396, %dma_start3A_437, %dma_start3A_438] : memref<4x5024x2x128xi32, #tpu.memory_space<hbm>> -> memref<1x1x2x128xi32, #tpu.memory_space<hbm>>
        %dma_start3A_440 = tpu.memref_squeeze %dma_start3A_439 : memref<1x1x2x128xi32, #tpu.memory_space<hbm>> -> memref<2x128xi32, #tpu.memory_space<hbm>>
        tpu.enqueue_dma source(%dma_start3A_440 : memref<2x128xi32, #tpu.memory_space<hbm>>) target(%arg7 : memref<2x128xi32, #tpu.memory_space<vmem>>) target_semaphore(%run_scoped3A : memref<!tpu.dma_semaphore, #tpu.memory_space<semaphore_mem>>)
        %dma_wait3A_441 = arith.constant 0 : i32
        %dma_wait3A_442 = arith.constant 0 : i32
        %dma_wait3A_443 = tpu.memref_slice %arg3[%add3A_186, %add3A_396, %dma_wait3A_441, %dma_wait3A_442] : memref<4x5024x2x128xi32, #tpu.memory_space<hbm>> -> memref<1x1x2x128xi32, #tpu.memory_space<hbm>>
        %dma_wait3A_444 = tpu.memref_squeeze %dma_wait3A_443 : memref<1x1x2x128xi32, #tpu.memory_space<hbm>> -> memref<2x128xi32, #tpu.memory_space<hbm>>
        %dma_wait3A_445 = arith.constant 0 : i32
        %dma_wait3A_446 = arith.constant 0 : i32
        %dma_wait3A_447 = tpu.memref_slice %arg3[%add3A_186, %add3A_396, %dma_wait3A_445, %dma_wait3A_446] : memref<4x5024x2x128xi32, #tpu.memory_space<hbm>> -> memref<1x1x2x128xi32, #tpu.memory_space<hbm>>
        %dma_wait3A_448 = tpu.memref_squeeze %dma_wait3A_447 : memref<1x1x2x128xi32, #tpu.memory_space<hbm>> -> memref<2x128xi32, #tpu.memory_space<hbm>>
        tpu.wait_dma2 semaphore(%run_scoped3A : memref<!tpu.dma_semaphore, #tpu.memory_space<semaphore_mem>>) src(%dma_wait3A_448 : memref<2x128xi32, #tpu.memory_space<hbm>>) dst(%arg7 : memref<2x128xi32, #tpu.memory_space<vmem>>)
        tpu.yield
      }) : () -> ()
      %dma_start3A_397 = arith.constant 0 : i32
      %dma_start3A_398 = arith.constant 0 : i32
      %dma_start3A_399 = tpu.memref_slice %arg7[%dma_start3A_397, %dma_start3A_398] : memref<2x128xi32, #tpu.memory_space<vmem>> -> memref<1x128xi32, #tpu.memory_space<vmem>>
      %dma_start3A_400 = tpu.memref_squeeze %dma_start3A_399 : memref<1x128xi32, #tpu.memory_space<vmem>> -> memref<128xi32, #tpu.memory_space<vmem>>
      %dma_start3A_401 = arith.constant 0 : i32
      %dma_start3A_402 = arith.constant 0 : i32
      %dma_start3A_403 = tpu.memref_slice %arg2[%dma_start3A_401, %dma_start3A_402] : memref<40960x96xf32, #tpu.memory_space<hbm>> -> memref<40960x96xf32, #tpu.memory_space<hbm>>
      tpu.enqueue_indirect_dma source(%dma_start3A_403 : memref<40960x96xf32, #tpu.memory_space<hbm>>) target(%arg9 : memref<128x96xf32, #tpu.memory_space<vmem>>) offsets(%dma_start3A_400 : memref<128xi32, #tpu.memory_space<vmem>>) semaphore(%arg12 : memref<!tpu.dma_semaphore, #tpu.memory_space<semaphore_mem>>)
      %dma_wait3A_404 = arith.constant 0 : i32
      %dma_wait3A_405 = arith.constant 0 : i32
      %dma_wait3A_406 = tpu.memref_slice %arg6[%dma_wait3A_404, %dma_wait3A_405] : memref<2x128xi32, #tpu.memory_space<vmem>> -> memref<1x128xi32, #tpu.memory_space<vmem>>
      %dma_wait3A_407 = tpu.memref_squeeze %dma_wait3A_406 : memref<1x128xi32, #tpu.memory_space<vmem>> -> memref<128xi32, #tpu.memory_space<vmem>>
      %dma_wait3A_408 = arith.constant 0 : i32
      %dma_wait3A_409 = arith.constant 0 : i32
      %dma_wait3A_410 = tpu.memref_slice %arg2[%dma_wait3A_408, %dma_wait3A_409] : memref<40960x96xf32, #tpu.memory_space<hbm>> -> memref<40960x96xf32, #tpu.memory_space<hbm>>
      tpu.wait_indirect_dma semaphore(%arg11 : memref<!tpu.dma_semaphore, #tpu.memory_space<semaphore_mem>>) src(%dma_wait3A_410 : memref<40960x96xf32, #tpu.memory_space<hbm>>) dst(%arg8 : memref<128x96xf32, #tpu.memory_space<vmem>>)
      %dma_start3A_411 = arith.constant 1 : i32
      %dma_start3A_412 = arith.constant 0 : i32
      %dma_start3A_413 = tpu.memref_slice %arg6[%dma_start3A_411, %dma_start3A_412] : memref<2x128xi32, #tpu.memory_space<vmem>> -> memref<1x128xi32, #tpu.memory_space<vmem>>
      %dma_start3A_414 = tpu.memref_squeeze %dma_start3A_413 : memref<1x128xi32, #tpu.memory_space<vmem>> -> memref<128xi32, #tpu.memory_space<vmem>>
      %dma_start3A_415 = arith.constant 0 : i32
      %dma_start3A_416 = arith.constant 0 : i32
      %dma_start3A_417 = tpu.memref_slice %arg10[%dma_start3A_415, %dma_start3A_416] : memref<10240x96xf32, #tpu.memory_space<vmem_shared>> -> memref<10240x96xf32, #tpu.memory_space<vmem_shared>>
      tpu.enqueue_indirect_dma source(%arg8 : memref<128x96xf32, #tpu.memory_space<vmem>>) target(%dma_start3A_417 : memref<10240x96xf32, #tpu.memory_space<vmem_shared>>) offsets(%dma_start3A_414 : memref<128xi32, #tpu.memory_space<vmem>>) semaphore(%arg13 : memref<!tpu.dma_semaphore, #tpu.memory_space<semaphore_mem>>) {add = true}
      %dma_wait3A_418 = arith.constant 0 : i32
      %dma_wait3A_419 = arith.constant 0 : i32
      %dma_wait3A_420 = tpu.memref_slice %arg7[%dma_wait3A_418, %dma_wait3A_419] : memref<2x128xi32, #tpu.memory_space<vmem>> -> memref<1x128xi32, #tpu.memory_space<vmem>>
      %dma_wait3A_421 = tpu.memref_squeeze %dma_wait3A_420 : memref<1x128xi32, #tpu.memory_space<vmem>> -> memref<128xi32, #tpu.memory_space<vmem>>
      %dma_wait3A_422 = arith.constant 0 : i32
      %dma_wait3A_423 = arith.constant 0 : i32
      %dma_wait3A_424 = tpu.memref_slice %arg2[%dma_wait3A_422, %dma_wait3A_423] : memref<40960x96xf32, #tpu.memory_space<hbm>> -> memref<40960x96xf32, #tpu.memory_space<hbm>>
      tpu.wait_indirect_dma semaphore(%arg12 : memref<!tpu.dma_semaphore, #tpu.memory_space<semaphore_mem>>) src(%dma_wait3A_424 : memref<40960x96xf32, #tpu.memory_space<hbm>>) dst(%arg9 : memref<128x96xf32, #tpu.memory_space<vmem>>)
      %dma_start3A_425 = arith.constant 1 : i32
      %dma_start3A_426 = arith.constant 0 : i32
      %dma_start3A_427 = tpu.memref_slice %arg7[%dma_start3A_425, %dma_start3A_426] : memref<2x128xi32, #tpu.memory_space<vmem>> -> memref<1x128xi32, #tpu.memory_space<vmem>>
      %dma_start3A_428 = tpu.memref_squeeze %dma_start3A_427 : memref<1x128xi32, #tpu.memory_space<vmem>> -> memref<128xi32, #tpu.memory_space<vmem>>
      %dma_start3A_429 = arith.constant 0 : i32
      %dma_start3A_430 = arith.constant 0 : i32
      %dma_start3A_431 = tpu.memref_slice %arg10[%dma_start3A_429, %dma_start3A_430] : memref<10240x96xf32, #tpu.memory_space<vmem_shared>> -> memref<10240x96xf32, #tpu.memory_space<vmem_shared>>
      tpu.enqueue_indirect_dma source(%arg9 : memref<128x96xf32, #tpu.memory_space<vmem>>) target(%dma_start3A_431 : memref<10240x96xf32, #tpu.memory_space<vmem_shared>>) offsets(%dma_start3A_428 : memref<128xi32, #tpu.memory_space<vmem>>) semaphore(%arg14 : memref<!tpu.dma_semaphore, #tpu.memory_space<semaphore_mem>>) {add = true}
      %scan3A_432 = arith.constant 0 : i32
      scf.yield %scan3A_432 : i32
    }
    %scan3A_244 = arith.constant 157 : i32
    %dma_wait3A_245 = arith.constant 1 : i32
    %dma_wait3A_246 = arith.constant 0 : i32
    %dma_wait3A_247 = tpu.memref_slice %arg6[%dma_wait3A_245, %dma_wait3A_246] : memref<2x128xi32, #tpu.memory_space<vmem>> -> memref<1x128xi32, #tpu.memory_space<vmem>>
    %dma_wait3A_248 = tpu.memref_squeeze %dma_wait3A_247 : memref<1x128xi32, #tpu.memory_space<vmem>> -> memref<128xi32, #tpu.memory_space<vmem>>
    %dma_wait3A_249 = arith.constant 0 : i32
    %dma_wait3A_250 = arith.constant 0 : i32
    %dma_wait3A_251 = tpu.memref_slice %arg10[%dma_wait3A_249, %dma_wait3A_250] : memref<10240x96xf32, #tpu.memory_space<vmem_shared>> -> memref<10240x96xf32, #tpu.memory_space<vmem_shared>>
    tpu.wait_indirect_dma semaphore(%arg13 : memref<!tpu.dma_semaphore, #tpu.memory_space<semaphore_mem>>) src(%arg8 : memref<128x96xf32, #tpu.memory_space<vmem>>) dst(%dma_wait3A_251 : memref<10240x96xf32, #tpu.memory_space<vmem_shared>>)
    %dma_wait3A_252 = arith.constant 1 : i32
    %dma_wait3A_253 = arith.constant 0 : i32
    %dma_wait3A_254 = tpu.memref_slice %arg7[%dma_wait3A_252, %dma_wait3A_253] : memref<2x128xi32, #tpu.memory_space<vmem>> -> memref<1x128xi32, #tpu.memory_space<vmem>>
    %dma_wait3A_255 = tpu.memref_squeeze %dma_wait3A_254 : memref<1x128xi32, #tpu.memory_space<vmem>> -> memref<128xi32, #tpu.memory_space<vmem>>
    %dma_wait3A_256 = arith.constant 0 : i32
    %dma_wait3A_257 = arith.constant 0 : i32
    %dma_wait3A_258 = tpu.memref_slice %arg10[%dma_wait3A_256, %dma_wait3A_257] : memref<10240x96xf32, #tpu.memory_space<vmem_shared>> -> memref<10240x96xf32, #tpu.memory_space<vmem_shared>>
    tpu.wait_indirect_dma semaphore(%arg14 : memref<!tpu.dma_semaphore, #tpu.memory_space<semaphore_mem>>) src(%arg9 : memref<128x96xf32, #tpu.memory_space<vmem>>) dst(%dma_wait3A_258 : memref<10240x96xf32, #tpu.memory_space<vmem_shared>>)
    %barrier3A_259 = arith.constant 0 : index
    tpu.barrier barrier_id(%barrier3A_259)
    %dma_start3A_260 = arith.constant 0 : i32
    %dma_start3A_261 = tpu.memref_slice %arg10[%mul3A_0, %dma_start3A_260] : memref<10240x96xf32, #tpu.memory_space<vmem_shared>> -> memref<128x96xf32, #tpu.memory_space<vmem_shared>>
    %dma_start3A_262 = arith.constant 0 : i32
    %dma_start3A_263 = tpu.memref_slice %arg10[%mul3A_0, %dma_start3A_262] : memref<10240x96xf32, #tpu.memory_space<vmem_shared>> -> memref<128x96xf32, #tpu.memory_space<vmem_shared>>
    tpu.enqueue_dma source(%dma_start3A_263 : memref<128x96xf32, #tpu.memory_space<vmem_shared>>) target(%arg8 : memref<128x96xf32, #tpu.memory_space<vmem>>) target_semaphore(%arg11 : memref<!tpu.dma_semaphore, #tpu.memory_space<semaphore_mem>>)
    %dma_wait3A_264 = arith.constant 0 : i32
    %dma_wait3A_265 = tpu.memref_slice %arg10[%mul3A_0, %dma_wait3A_264] : memref<10240x96xf32, #tpu.memory_space<vmem_shared>> -> memref<128x96xf32, #tpu.memory_space<vmem_shared>>
    %dma_wait3A_266 = arith.constant 0 : i32
    %dma_wait3A_267 = tpu.memref_slice %arg10[%mul3A_0, %dma_wait3A_266] : memref<10240x96xf32, #tpu.memory_space<vmem_shared>> -> memref<128x96xf32, #tpu.memory_space<vmem_shared>>
    tpu.wait_dma2 semaphore(%arg11 : memref<!tpu.dma_semaphore, #tpu.memory_space<semaphore_mem>>) src(%dma_wait3A_267 : memref<128x96xf32, #tpu.memory_space<vmem_shared>>) dst(%arg8 : memref<128x96xf32, #tpu.memory_space<vmem>>)
    %mul3A_268 = arith.constant 10240 : i32
    %mul3A_269 = arith.muli %add3A_186, %mul3A_268 : i32
    %add3A_270 = arith.addi %mul3A_269, %mul3A_0 : i32
    %add3A_271 = arith.constant 0 : i32
    %add3A_272 = arith.addi %add3A_270, %add3A_271 : i32
    %dma_start3A_273 = arith.constant 0 : i32
    %dma_start3A_274 = tpu.memref_slice %arg5[%add3A_272, %dma_start3A_273] : memref<40960x96xf32, #tpu.memory_space<hbm>> -> memref<128x96xf32, #tpu.memory_space<hbm>>
    %dma_start3A_275 = arith.constant 0 : i32
    %dma_start3A_276 = tpu.memref_slice %arg5[%add3A_272, %dma_start3A_275] : memref<40960x96xf32, #tpu.memory_space<hbm>> -> memref<128x96xf32, #tpu.memory_space<hbm>>
    tpu.enqueue_dma source(%arg8 : memref<128x96xf32, #tpu.memory_space<vmem>>) target(%dma_start3A_276 : memref<128x96xf32, #tpu.memory_space<hbm>>) target_semaphore(%arg13 : memref<!tpu.dma_semaphore, #tpu.memory_space<semaphore_mem>>)
    %add3A_277 = arith.constant 128 : i32
    %add3A_278 = arith.addi %mul3A_0, %add3A_277 : i32
    %dma_start3A_279 = arith.constant 0 : i32
    %dma_start3A_280 = tpu.memref_slice %arg10[%add3A_278, %dma_start3A_279] : memref<10240x96xf32, #tpu.memory_space<vmem_shared>> -> memref<128x96xf32, #tpu.memory_space<vmem_shared>>
    %dma_start3A_281 = arith.constant 0 : i32
    %dma_start3A_282 = tpu.memref_slice %arg10[%add3A_278, %dma_start3A_281] : memref<10240x96xf32, #tpu.memory_space<vmem_shared>> -> memref<128x96xf32, #tpu.memory_space<vmem_shared>>
    tpu.enqueue_dma source(%dma_start3A_282 : memref<128x96xf32, #tpu.memory_space<vmem_shared>>) target(%arg9 : memref<128x96xf32, #tpu.memory_space<vmem>>) target_semaphore(%arg12 : memref<!tpu.dma_semaphore, #tpu.memory_space<semaphore_mem>>)
    %dma_wait3A_283 = arith.constant 0 : i32
    %dma_wait3A_284 = tpu.memref_slice %arg10[%mul3A_0, %dma_wait3A_283] : memref<10240x96xf32, #tpu.memory_space<vmem_shared>> -> memref<128x96xf32, #tpu.memory_space<vmem_shared>>
    %dma_wait3A_285 = arith.constant 0 : i32
    %dma_wait3A_286 = tpu.memref_slice %arg10[%mul3A_0, %dma_wait3A_285] : memref<10240x96xf32, #tpu.memory_space<vmem_shared>> -> memref<128x96xf32, #tpu.memory_space<vmem_shared>>
    tpu.wait_dma2 semaphore(%arg12 : memref<!tpu.dma_semaphore, #tpu.memory_space<semaphore_mem>>) src(%dma_wait3A_286 : memref<128x96xf32, #tpu.memory_space<vmem_shared>>) dst(%arg9 : memref<128x96xf32, #tpu.memory_space<vmem>>)
    %mul3A_287 = arith.constant 10240 : i32
    %mul3A_288 = arith.muli %add3A_186, %mul3A_287 : i32
    %add3A_289 = arith.addi %mul3A_288, %mul3A_0 : i32
    %add3A_290 = arith.constant 128 : i32
    %add3A_291 = arith.addi %add3A_289, %add3A_290 : i32
    %dma_start3A_292 = arith.constant 0 : i32
    %dma_start3A_293 = tpu.memref_slice %arg5[%add3A_291, %dma_start3A_292] : memref<40960x96xf32, #tpu.memory_space<hbm>> -> memref<128x96xf32, #tpu.memory_space<hbm>>
    %dma_start3A_294 = arith.constant 0 : i32
    %dma_start3A_295 = tpu.memref_slice %arg5[%add3A_291, %dma_start3A_294] : memref<40960x96xf32, #tpu.memory_space<hbm>> -> memref<128x96xf32, #tpu.memory_space<hbm>>
    tpu.enqueue_dma source(%arg9 : memref<128x96xf32, #tpu.memory_space<vmem>>) target(%dma_start3A_295 : memref<128x96xf32, #tpu.memory_space<hbm>>) target_semaphore(%arg14 : memref<!tpu.dma_semaphore, #tpu.memory_space<semaphore_mem>>)
    %dma_wait3A_296 = arith.constant 0 : i32
    %dma_wait3A_297 = tpu.memref_slice %arg5[%mul3A_0, %dma_wait3A_296] : memref<40960x96xf32, #tpu.memory_space<hbm>> -> memref<128x96xf32, #tpu.memory_space<hbm>>
    %dma_wait3A_298 = arith.constant 0 : i32
    %dma_wait3A_299 = tpu.memref_slice %arg5[%mul3A_0, %dma_wait3A_298] : memref<40960x96xf32, #tpu.memory_space<hbm>> -> memref<128x96xf32, #tpu.memory_space<hbm>>
    tpu.wait_dma2 semaphore(%arg13 : memref<!tpu.dma_semaphore, #tpu.memory_space<semaphore_mem>>) src(%arg8 : memref<128x96xf32, #tpu.memory_space<vmem>>) dst(%dma_wait3A_299 : memref<128x96xf32, #tpu.memory_space<hbm>>)
    %add3A_300 = arith.constant 256 : i32
    %add3A_301 = arith.addi %mul3A_0, %add3A_300 : i32
    %dma_start3A_302 = arith.constant 0 : i32
    %dma_start3A_303 = tpu.memref_slice %arg10[%add3A_301, %dma_start3A_302] : memref<10240x96xf32, #tpu.memory_space<vmem_shared>> -> memref<128x96xf32, #tpu.memory_space<vmem_shared>>
    %dma_start3A_304 = arith.constant 0 : i32
    %dma_start3A_305 = tpu.memref_slice %arg10[%add3A_301, %dma_start3A_304] : memref<10240x96xf32, #tpu.memory_space<vmem_shared>> -> memref<128x96xf32, #tpu.memory_space<vmem_shared>>
    tpu.enqueue_dma source(%dma_start3A_305 : memref<128x96xf32, #tpu.memory_space<vmem_shared>>) target(%arg8 : memref<128x96xf32, #tpu.memory_space<vmem>>) target_semaphore(%arg11 : memref<!tpu.dma_semaphore, #tpu.memory_space<semaphore_mem>>)
    %dma_wait3A_306 = arith.constant 0 : i32
    %dma_wait3A_307 = tpu.memref_slice %arg10[%mul3A_0, %dma_wait3A_306] : memref<10240x96xf32, #tpu.memory_space<vmem_shared>> -> memref<128x96xf32, #tpu.memory_space<vmem_shared>>
    %dma_wait3A_308 = arith.constant 0 : i32
    %dma_wait3A_309 = tpu.memref_slice %arg10[%mul3A_0, %dma_wait3A_308] : memref<10240x96xf32, #tpu.memory_space<vmem_shared>> -> memref<128x96xf32, #tpu.memory_space<vmem_shared>>
    tpu.wait_dma2 semaphore(%arg11 : memref<!tpu.dma_semaphore, #tpu.memory_space<semaphore_mem>>) src(%dma_wait3A_309 : memref<128x96xf32, #tpu.memory_space<vmem_shared>>) dst(%arg8 : memref<128x96xf32, #tpu.memory_space<vmem>>)
    %mul3A_310 = arith.constant 10240 : i32
    %mul3A_311 = arith.muli %add3A_186, %mul3A_310 : i32
    %add3A_312 = arith.addi %mul3A_311, %mul3A_0 : i32
    %add3A_313 = arith.constant 256 : i32
    %add3A_314 = arith.addi %add3A_312, %add3A_313 : i32
    %dma_start3A_315 = arith.constant 0 : i32
    %dma_start3A_316 = tpu.memref_slice %arg5[%add3A_314, %dma_start3A_315] : memref<40960x96xf32, #tpu.memory_space<hbm>> -> memref<128x96xf32, #tpu.memory_space<hbm>>
    %dma_start3A_317 = arith.constant 0 : i32
    %dma_start3A_318 = tpu.memref_slice %arg5[%add3A_314, %dma_start3A_317] : memref<40960x96xf32, #tpu.memory_space<hbm>> -> memref<128x96xf32, #tpu.memory_space<hbm>>
    tpu.enqueue_dma source(%arg8 : memref<128x96xf32, #tpu.memory_space<vmem>>) target(%dma_start3A_318 : memref<128x96xf32, #tpu.memory_space<hbm>>) target_semaphore(%arg13 : memref<!tpu.dma_semaphore, #tpu.memory_space<semaphore_mem>>)
    %dma_wait3A_319 = arith.constant 0 : i32
    %dma_wait3A_320 = tpu.memref_slice %arg5[%mul3A_0, %dma_wait3A_319] : memref<40960x96xf32, #tpu.memory_space<hbm>> -> memref<128x96xf32, #tpu.memory_space<hbm>>
    %dma_wait3A_321 = arith.constant 0 : i32
    %dma_wait3A_322 = tpu.memref_slice %arg5[%mul3A_0, %dma_wait3A_321] : memref<40960x96xf32, #tpu.memory_space<hbm>> -> memref<128x96xf32, #tpu.memory_space<hbm>>
    tpu.wait_dma2 semaphore(%arg14 : memref<!tpu.dma_semaphore, #tpu.memory_space<semaphore_mem>>) src(%arg9 : memref<128x96xf32, #tpu.memory_space<vmem>>) dst(%dma_wait3A_322 : memref<128x96xf32, #tpu.memory_space<hbm>>)
    %add3A_323 = arith.constant 384 : i32
    %add3A_324 = arith.addi %mul3A_0, %add3A_323 : i32
    %dma_start3A_325 = arith.constant 0 : i32
    %dma_start3A_326 = tpu.memref_slice %arg10[%add3A_324, %dma_start3A_325] : memref<10240x96xf32, #tpu.memory_space<vmem_shared>> -> memref<128x96xf32, #tpu.memory_space<vmem_shared>>
    %dma_start3A_327 = arith.constant 0 : i32
    %dma_start3A_328 = tpu.memref_slice %arg10[%add3A_324, %dma_start3A_327] : memref<10240x96xf32, #tpu.memory_space<vmem_shared>> -> memref<128x96xf32, #tpu.memory_space<vmem_shared>>
    tpu.enqueue_dma source(%dma_start3A_328 : memref<128x96xf32, #tpu.memory_space<vmem_shared>>) target(%arg9 : memref<128x96xf32, #tpu.memory_space<vmem>>) target_semaphore(%arg12 : memref<!tpu.dma_semaphore, #tpu.memory_space<semaphore_mem>>)
    %dma_wait3A_329 = arith.constant 0 : i32
    %dma_wait3A_330 = tpu.memref_slice %arg10[%mul3A_0, %dma_wait3A_329] : memref<10240x96xf32, #tpu.memory_space<vmem_shared>> -> memref<128x96xf32, #tpu.memory_space<vmem_shared>>
    %dma_wait3A_331 = arith.constant 0 : i32
    %dma_wait3A_332 = tpu.memref_slice %arg10[%mul3A_0, %dma_wait3A_331] : memref<10240x96xf32, #tpu.memory_space<vmem_shared>> -> memref<128x96xf32, #tpu.memory_space<vmem_shared>>
    tpu.wait_dma2 semaphore(%arg12 : memref<!tpu.dma_semaphore, #tpu.memory_space<semaphore_mem>>) src(%dma_wait3A_332 : memref<128x96xf32, #tpu.memory_space<vmem_shared>>) dst(%arg9 : memref<128x96xf32, #tpu.memory_space<vmem>>)
    %mul3A_333 = arith.constant 10240 : i32
    %mul3A_334 = arith.muli %add3A_186, %mul3A_333 : i32
    %add3A_335 = arith.addi %mul3A_334, %mul3A_0 : i32
    %add3A_336 = arith.constant 384 : i32
    %add3A_337 = arith.addi %add3A_335, %add3A_336 : i32
    %dma_start3A_338 = arith.constant 0 : i32
    %dma_start3A_339 = tpu.memref_slice %arg5[%add3A_337, %dma_start3A_338] : memref<40960x96xf32, #tpu.memory_space<hbm>> -> memref<128x96xf32, #tpu.memory_space<hbm>>
    %dma_start3A_340 = arith.constant 0 : i32
    %dma_start3A_341 = tpu.memref_slice %arg5[%add3A_337, %dma_start3A_340] : memref<40960x96xf32, #tpu.memory_space<hbm>> -> memref<128x96xf32, #tpu.memory_space<hbm>>
    tpu.enqueue_dma source(%arg9 : memref<128x96xf32, #tpu.memory_space<vmem>>) target(%dma_start3A_341 : memref<128x96xf32, #tpu.memory_space<hbm>>) target_semaphore(%arg14 : memref<!tpu.dma_semaphore, #tpu.memory_space<semaphore_mem>>)
    %dma_wait3A_342 = arith.constant 0 : i32
    %dma_wait3A_343 = tpu.memref_slice %arg5[%mul3A_0, %dma_wait3A_342] : memref<40960x96xf32, #tpu.memory_space<hbm>> -> memref<128x96xf32, #tpu.memory_space<hbm>>
    %dma_wait3A_344 = arith.constant 0 : i32
    %dma_wait3A_345 = tpu.memref_slice %arg5[%mul3A_0, %dma_wait3A_344] : memref<40960x96xf32, #tpu.memory_space<hbm>> -> memref<128x96xf32, #tpu.memory_space<hbm>>
    tpu.wait_dma2 semaphore(%arg13 : memref<!tpu.dma_semaphore, #tpu.memory_space<semaphore_mem>>) src(%arg8 : memref<128x96xf32, #tpu.memory_space<vmem>>) dst(%dma_wait3A_345 : memref<128x96xf32, #tpu.memory_space<hbm>>)
    %add3A_346 = arith.constant 512 : i32
    %add3A_347 = arith.addi %mul3A_0, %add3A_346 : i32
    %dma_start3A_348 = arith.constant 0 : i32
    %dma_start3A_349 = tpu.memref_slice %arg10[%add3A_347, %dma_start3A_348] : memref<10240x96xf32, #tpu.memory_space<vmem_shared>> -> memref<128x96xf32, #tpu.memory_space<vmem_shared>>
    %dma_start3A_350 = arith.constant 0 : i32
    %dma_start3A_351 = tpu.memref_slice %arg10[%add3A_347, %dma_start3A_350] : memref<10240x96xf32, #tpu.memory_space<vmem_shared>> -> memref<128x96xf32, #tpu.memory_space<vmem_shared>>
    tpu.enqueue_dma source(%dma_start3A_351 : memref<128x96xf32, #tpu.memory_space<vmem_shared>>) target(%arg8 : memref<128x96xf32, #tpu.memory_space<vmem>>) target_semaphore(%arg11 : memref<!tpu.dma_semaphore, #tpu.memory_space<semaphore_mem>>)
    %dma_wait3A_352 = arith.constant 0 : i32
    %dma_wait3A_353 = tpu.memref_slice %arg10[%mul3A_0, %dma_wait3A_352] : memref<10240x96xf32, #tpu.memory_space<vmem_shared>> -> memref<128x96xf32, #tpu.memory_space<vmem_shared>>
    %dma_wait3A_354 = arith.constant 0 : i32
    %dma_wait3A_355 = tpu.memref_slice %arg10[%mul3A_0, %dma_wait3A_354] : memref<10240x96xf32, #tpu.memory_space<vmem_shared>> -> memref<128x96xf32, #tpu.memory_space<vmem_shared>>
    tpu.wait_dma2 semaphore(%arg11 : memref<!tpu.dma_semaphore, #tpu.memory_space<semaphore_mem>>) src(%dma_wait3A_355 : memref<128x96xf32, #tpu.memory_space<vmem_shared>>) dst(%arg8 : memref<128x96xf32, #tpu.memory_space<vmem>>)
    %mul3A_356 = arith.constant 10240 : i32
    %mul3A_357 = arith.muli %add3A_186, %mul3A_356 : i32
    %add3A_358 = arith.addi %mul3A_357, %mul3A_0 : i32
    %add3A_359 = arith.constant 512 : i32
    %add3A_360 = arith.addi %add3A_358, %add3A_359 : i32
    %dma_start3A_361 = arith.constant 0 : i32
    %dma_start3A_362 = tpu.memref_slice %arg5[%add3A_360, %dma_start3A_361] : memref<40960x96xf32, #tpu.memory_space<hbm>> -> memref<128x96xf32, #tpu.memory_space<hbm>>
    %dma_start3A_363 = arith.constant 0 : i32
    %dma_start3A_364 = tpu.memref_slice %arg5[%add3A_360, %dma_start3A_363] : memref<40960x96xf32, #tpu.memory_space<hbm>> -> memref<128x96xf32, #tpu.memory_space<hbm>>
    tpu.enqueue_dma source(%arg8 : memref<128x96xf32, #tpu.memory_space<vmem>>) target(%dma_start3A_364 : memref<128x96xf32, #tpu.memory_space<hbm>>) target_semaphore(%arg13 : memref<!tpu.dma_semaphore, #tpu.memory_space<semaphore_mem>>)
    %dma_wait3A_365 = arith.constant 0 : i32
    %dma_wait3A_366 = tpu.memref_slice %arg5[%mul3A_0, %dma_wait3A_365] : memref<40960x96xf32, #tpu.memory_space<hbm>> -> memref<128x96xf32, #tpu.memory_space<hbm>>
    %dma_wait3A_367 = arith.constant 0 : i32
    %dma_wait3A_368 = tpu.memref_slice %arg5[%mul3A_0, %dma_wait3A_367] : memref<40960x96xf32, #tpu.memory_space<hbm>> -> memref<128x96xf32, #tpu.memory_space<hbm>>
    tpu.wait_dma2 semaphore(%arg14 : memref<!tpu.dma_semaphore, #tpu.memory_space<semaphore_mem>>) src(%arg9 : memref<128x96xf32, #tpu.memory_space<vmem>>) dst(%dma_wait3A_368 : memref<128x96xf32, #tpu.memory_space<hbm>>)
    %dma_wait3A_369 = arith.constant 0 : i32
    %dma_wait3A_370 = tpu.memref_slice %arg5[%mul3A_0, %dma_wait3A_369] : memref<40960x96xf32, #tpu.memory_space<hbm>> -> memref<128x96xf32, #tpu.memory_space<hbm>>
    %dma_wait3A_371 = arith.constant 0 : i32
    %dma_wait3A_372 = tpu.memref_slice %arg5[%mul3A_0, %dma_wait3A_371] : memref<40960x96xf32, #tpu.memory_space<hbm>> -> memref<128x96xf32, #tpu.memory_space<hbm>>
    tpu.wait_dma2 semaphore(%arg13 : memref<!tpu.dma_semaphore, #tpu.memory_space<semaphore_mem>>) src(%arg8 : memref<128x96xf32, #tpu.memory_space<vmem>>) dst(%dma_wait3A_372 : memref<128x96xf32, #tpu.memory_space<hbm>>)
    %barrier3A_373 = arith.constant 0 : index
    tpu.barrier barrier_id(%barrier3A_373)
    return
  }
}

#map = affine_map<(d0, d1) -> (0, 0)>
#map1 = affine_map<(d0, d1) -> (0, 0, 0, 0)>
module attributes {stable_mosaic.version = 14 : i64} {
  func.func @_prop_body(%arg0: i32, %arg1: i32, %arg2: memref<40960x96xf32, #tpu.memory_space<hbm>>, %arg3: memref<4x5024x2x128xi32, #tpu.memory_space<hbm>>, %arg4: memref<128x96xf32, #tpu.memory_space<hbm>>, %arg5: memref<40960x96xf32, #tpu.memory_space<hbm>>, %arg6: memref<2x128xi32, #tpu.memory_space<vmem>>, %arg7: memref<2x128xi32, #tpu.memory_space<vmem>>, %arg8: memref<128x96xf32, #tpu.memory_space<vmem>>, %arg9: memref<128x96xf32, #tpu.memory_space<vmem>>, %arg10: memref<10240x96xf32, #tpu.memory_space<vmem_shared>>, %arg11: memref<!tpu.dma_semaphore, #tpu.memory_space<semaphore_mem>>, %arg12: memref<!tpu.dma_semaphore, #tpu.memory_space<semaphore_mem>>, %arg13: memref<!tpu.dma_semaphore, #tpu.memory_space<semaphore_mem>>, %arg14: memref<!tpu.dma_semaphore, #tpu.memory_space<semaphore_mem>>) attributes {dimension_semantics = [#tpu.dimension_semantics<core_parallel>, #tpu.dimension_semantics<subcore_parallel>], iteration_bounds = array<i64: 2, 16>, scalar_prefetch = 0 : i64, scratch_operands = 9 : i64, tpu.core_type = #tpu.core_type<sc_vector_subcore>, window_params = [{transform_indices = #map}, {transform_indices = #map1}, {transform_indices = #map}, {transform_indices = #map}]} {
    %mul3A = arith.constant 640 : i32
    %mul3A_0 = arith.muli %arg1, %mul3A : i32
    %add3A = arith.constant 0 : i32
    %add3A_1 = arith.addi %add3A, %arg0 : i32
    "tpu.region"() ({
      %run_scoped3A = tpu.sem_alloc : memref<!tpu.dma_semaphore, #tpu.memory_space<semaphore_mem>>
      tpu.enqueue_dma source(%arg4 : memref<128x96xf32, #tpu.memory_space<hbm>>) target(%arg8 : memref<128x96xf32, #tpu.memory_space<vmem>>) target_semaphore(%run_scoped3A : memref<!tpu.dma_semaphore, #tpu.memory_space<semaphore_mem>>)
      tpu.wait_dma2 semaphore(%run_scoped3A : memref<!tpu.dma_semaphore, #tpu.memory_space<semaphore_mem>>) src(%arg4 : memref<128x96xf32, #tpu.memory_space<hbm>>) dst(%arg8 : memref<128x96xf32, #tpu.memory_space<vmem>>)
      tpu.yield
    }) : () -> ()
    %add3A_2 = arith.constant 0 : i32
    %add3A_3 = arith.addi %mul3A_0, %add3A_2 : i32
    %dma_start3A = arith.constant 0 : i32
    %dma_start3A_4 = tpu.memref_slice %arg10[%add3A_3, %dma_start3A] : memref<10240x96xf32, #tpu.memory_space<vmem_shared>> -> memref<128x96xf32, #tpu.memory_space<vmem_shared>>
    %dma_start3A_5 = arith.constant 0 : i32
    %dma_start3A_6 = tpu.memref_slice %arg10[%add3A_3, %dma_start3A_5] : memref<10240x96xf32, #tpu.memory_space<vmem_shared>> -> memref<128x96xf32, #tpu.memory_space<vmem_shared>>
    tpu.enqueue_dma source(%arg8 : memref<128x96xf32, #tpu.memory_space<vmem>>) target(%dma_start3A_6 : memref<128x96xf32, #tpu.memory_space<vmem_shared>>) target_semaphore(%arg13 : memref<!tpu.dma_semaphore, #tpu.memory_space<semaphore_mem>>)
    %add3A_7 = arith.constant 128 : i32
    %add3A_8 = arith.addi %mul3A_0, %add3A_7 : i32
    %dma_start3A_9 = arith.constant 0 : i32
    %dma_start3A_10 = tpu.memref_slice %arg10[%add3A_8, %dma_start3A_9] : memref<10240x96xf32, #tpu.memory_space<vmem_shared>> -> memref<128x96xf32, #tpu.memory_space<vmem_shared>>
    %dma_start3A_11 = arith.constant 0 : i32
    %dma_start3A_12 = tpu.memref_slice %arg10[%add3A_8, %dma_start3A_11] : memref<10240x96xf32, #tpu.memory_space<vmem_shared>> -> memref<128x96xf32, #tpu.memory_space<vmem_shared>>
    tpu.enqueue_dma source(%arg8 : memref<128x96xf32, #tpu.memory_space<vmem>>) target(%dma_start3A_12 : memref<128x96xf32, #tpu.memory_space<vmem_shared>>) target_semaphore(%arg13 : memref<!tpu.dma_semaphore, #tpu.memory_space<semaphore_mem>>)
    %add3A_13 = arith.constant 256 : i32
    %add3A_14 = arith.addi %mul3A_0, %add3A_13 : i32
    %dma_start3A_15 = arith.constant 0 : i32
    %dma_start3A_16 = tpu.memref_slice %arg10[%add3A_14, %dma_start3A_15] : memref<10240x96xf32, #tpu.memory_space<vmem_shared>> -> memref<128x96xf32, #tpu.memory_space<vmem_shared>>
    %dma_start3A_17 = arith.constant 0 : i32
    %dma_start3A_18 = tpu.memref_slice %arg10[%add3A_14, %dma_start3A_17] : memref<10240x96xf32, #tpu.memory_space<vmem_shared>> -> memref<128x96xf32, #tpu.memory_space<vmem_shared>>
    tpu.enqueue_dma source(%arg8 : memref<128x96xf32, #tpu.memory_space<vmem>>) target(%dma_start3A_18 : memref<128x96xf32, #tpu.memory_space<vmem_shared>>) target_semaphore(%arg13 : memref<!tpu.dma_semaphore, #tpu.memory_space<semaphore_mem>>)
    %add3A_19 = arith.constant 384 : i32
    %add3A_20 = arith.addi %mul3A_0, %add3A_19 : i32
    %dma_start3A_21 = arith.constant 0 : i32
    %dma_start3A_22 = tpu.memref_slice %arg10[%add3A_20, %dma_start3A_21] : memref<10240x96xf32, #tpu.memory_space<vmem_shared>> -> memref<128x96xf32, #tpu.memory_space<vmem_shared>>
    %dma_start3A_23 = arith.constant 0 : i32
    %dma_start3A_24 = tpu.memref_slice %arg10[%add3A_20, %dma_start3A_23] : memref<10240x96xf32, #tpu.memory_space<vmem_shared>> -> memref<128x96xf32, #tpu.memory_space<vmem_shared>>
    tpu.enqueue_dma source(%arg8 : memref<128x96xf32, #tpu.memory_space<vmem>>) target(%dma_start3A_24 : memref<128x96xf32, #tpu.memory_space<vmem_shared>>) target_semaphore(%arg13 : memref<!tpu.dma_semaphore, #tpu.memory_space<semaphore_mem>>)
    %add3A_25 = arith.constant 512 : i32
    %add3A_26 = arith.addi %mul3A_0, %add3A_25 : i32
    %dma_start3A_27 = arith.constant 0 : i32
    %dma_start3A_28 = tpu.memref_slice %arg10[%add3A_26, %dma_start3A_27] : memref<10240x96xf32, #tpu.memory_space<vmem_shared>> -> memref<128x96xf32, #tpu.memory_space<vmem_shared>>
    %dma_start3A_29 = arith.constant 0 : i32
    %dma_start3A_30 = tpu.memref_slice %arg10[%add3A_26, %dma_start3A_29] : memref<10240x96xf32, #tpu.memory_space<vmem_shared>> -> memref<128x96xf32, #tpu.memory_space<vmem_shared>>
    tpu.enqueue_dma source(%arg8 : memref<128x96xf32, #tpu.memory_space<vmem>>) target(%dma_start3A_30 : memref<128x96xf32, #tpu.memory_space<vmem_shared>>) target_semaphore(%arg13 : memref<!tpu.dma_semaphore, #tpu.memory_space<semaphore_mem>>)
    %dma_wait3A = arith.constant 0 : i32
    %dma_wait3A_31 = tpu.memref_slice %arg10[%mul3A_0, %dma_wait3A] : memref<10240x96xf32, #tpu.memory_space<vmem_shared>> -> memref<128x96xf32, #tpu.memory_space<vmem_shared>>
    %dma_wait3A_32 = arith.constant 0 : i32
    %dma_wait3A_33 = tpu.memref_slice %arg10[%mul3A_0, %dma_wait3A_32] : memref<10240x96xf32, #tpu.memory_space<vmem_shared>> -> memref<128x96xf32, #tpu.memory_space<vmem_shared>>
    tpu.wait_dma2 semaphore(%arg13 : memref<!tpu.dma_semaphore, #tpu.memory_space<semaphore_mem>>) src(%arg8 : memref<128x96xf32, #tpu.memory_space<vmem>>) dst(%dma_wait3A_33 : memref<128x96xf32, #tpu.memory_space<vmem_shared>>)
    %dma_wait3A_34 = arith.constant 0 : i32
    %dma_wait3A_35 = tpu.memref_slice %arg10[%mul3A_0, %dma_wait3A_34] : memref<10240x96xf32, #tpu.memory_space<vmem_shared>> -> memref<128x96xf32, #tpu.memory_space<vmem_shared>>
    %dma_wait3A_36 = arith.constant 0 : i32
    %dma_wait3A_37 = tpu.memref_slice %arg10[%mul3A_0, %dma_wait3A_36] : memref<10240x96xf32, #tpu.memory_space<vmem_shared>> -> memref<128x96xf32, #tpu.memory_space<vmem_shared>>
    tpu.wait_dma2 semaphore(%arg13 : memref<!tpu.dma_semaphore, #tpu.memory_space<semaphore_mem>>) src(%arg8 : memref<128x96xf32, #tpu.memory_space<vmem>>) dst(%dma_wait3A_37 : memref<128x96xf32, #tpu.memory_space<vmem_shared>>)
    %dma_wait3A_38 = arith.constant 0 : i32
    %dma_wait3A_39 = tpu.memref_slice %arg10[%mul3A_0, %dma_wait3A_38] : memref<10240x96xf32, #tpu.memory_space<vmem_shared>> -> memref<128x96xf32, #tpu.memory_space<vmem_shared>>
    %dma_wait3A_40 = arith.constant 0 : i32
    %dma_wait3A_41 = tpu.memref_slice %arg10[%mul3A_0, %dma_wait3A_40] : memref<10240x96xf32, #tpu.memory_space<vmem_shared>> -> memref<128x96xf32, #tpu.memory_space<vmem_shared>>
    tpu.wait_dma2 semaphore(%arg13 : memref<!tpu.dma_semaphore, #tpu.memory_space<semaphore_mem>>) src(%arg8 : memref<128x96xf32, #tpu.memory_space<vmem>>) dst(%dma_wait3A_41 : memref<128x96xf32, #tpu.memory_space<vmem_shared>>)
    %dma_wait3A_42 = arith.constant 0 : i32
    %dma_wait3A_43 = tpu.memref_slice %arg10[%mul3A_0, %dma_wait3A_42] : memref<10240x96xf32, #tpu.memory_space<vmem_shared>> -> memref<128x96xf32, #tpu.memory_space<vmem_shared>>
    %dma_wait3A_44 = arith.constant 0 : i32
    %dma_wait3A_45 = tpu.memref_slice %arg10[%mul3A_0, %dma_wait3A_44] : memref<10240x96xf32, #tpu.memory_space<vmem_shared>> -> memref<128x96xf32, #tpu.memory_space<vmem_shared>>
    tpu.wait_dma2 semaphore(%arg13 : memref<!tpu.dma_semaphore, #tpu.memory_space<semaphore_mem>>) src(%arg8 : memref<128x96xf32, #tpu.memory_space<vmem>>) dst(%dma_wait3A_45 : memref<128x96xf32, #tpu.memory_space<vmem_shared>>)
    %dma_wait3A_46 = arith.constant 0 : i32
    %dma_wait3A_47 = tpu.memref_slice %arg10[%mul3A_0, %dma_wait3A_46] : memref<10240x96xf32, #tpu.memory_space<vmem_shared>> -> memref<128x96xf32, #tpu.memory_space<vmem_shared>>
    %dma_wait3A_48 = arith.constant 0 : i32
    %dma_wait3A_49 = tpu.memref_slice %arg10[%mul3A_0, %dma_wait3A_48] : memref<10240x96xf32, #tpu.memory_space<vmem_shared>> -> memref<128x96xf32, #tpu.memory_space<vmem_shared>>
    tpu.wait_dma2 semaphore(%arg13 : memref<!tpu.dma_semaphore, #tpu.memory_space<semaphore_mem>>) src(%arg8 : memref<128x96xf32, #tpu.memory_space<vmem>>) dst(%dma_wait3A_49 : memref<128x96xf32, #tpu.memory_space<vmem_shared>>)
    %barrier3A = arith.constant 0 : index
    tpu.barrier barrier_id(%barrier3A)
    %scan3A = arith.constant 0 : i32
    %scan3A_50 = arith.constant 0 : i32
    %scan3A_51 = arith.constant 157 : i32
    %scan3A_52 = arith.addi %scan3A_50, %scan3A_51 : i32
    %scan3A_53 = arith.constant 1 : i32
    %scan3A_54 = scf.for %scan3A_374 = %scan3A_50 to %scan3A_52 step %scan3A_53 iter_args(%scan3A_375 = %scan3A) -> (i32)  : i32 {
      %mul3A_376 = arith.constant 314 : i32
      %mul3A_377 = arith.muli %arg1, %mul3A_376 : i32
      %mul3A_378 = arith.constant 2 : i32
      %mul3A_379 = arith.muli %mul3A_378, %scan3A_374 : i32
      %add3A_380 = arith.addi %mul3A_377, %mul3A_379 : i32
      %gt3A = arith.constant 0 : i32
      %gt3A_381 = arith.cmpi sgt, %scan3A_374, %gt3A : i32
      %convert_element_type3A = arith.extui %gt3A_381 : i1 to i32
      %cond3A = arith.constant 0 : i32
      %cond3A_382 = arith.cmpi ne, %convert_element_type3A, %cond3A : i32
      scf.if %cond3A_382 {
        %dma_wait3A_433 = arith.constant 1 : i32
        %dma_wait3A_434 = arith.constant 0 : i32
        %dma_wait3A_435 = tpu.memref_slice %arg6[%dma_wait3A_433, %dma_wait3A_434] : memref<2x128xi32, #tpu.memory_space<vmem>> -> memref<1x128xi32, #tpu.memory_space<vmem>>
        %dma_wait3A_436 = tpu.memref_squeeze %dma_wait3A_435 : memref<1x128xi32, #tpu.memory_space<vmem>> -> memref<128xi32, #tpu.memory_space<vmem>>
        %dma_wait3A_437 = arith.constant 0 : i32
        %dma_wait3A_438 = arith.constant 0 : i32
        %dma_wait3A_439 = tpu.memref_slice %arg10[%dma_wait3A_437, %dma_wait3A_438] : memref<10240x96xf32, #tpu.memory_space<vmem_shared>> -> memref<10240x96xf32, #tpu.memory_space<vmem_shared>>
        tpu.wait_indirect_dma semaphore(%arg13 : memref<!tpu.dma_semaphore, #tpu.memory_space<semaphore_mem>>) src(%arg8 : memref<128x96xf32, #tpu.memory_space<vmem>>) dst(%dma_wait3A_439 : memref<10240x96xf32, #tpu.memory_space<vmem_shared>>)
      } else {
      }
      "tpu.region"() ({
        %run_scoped3A = tpu.sem_alloc : memref<!tpu.dma_semaphore, #tpu.memory_space<semaphore_mem>>
        %dma_start3A_433 = arith.constant 0 : i32
        %dma_start3A_434 = arith.constant 0 : i32
        %dma_start3A_435 = tpu.memref_slice %arg3[%add3A_1, %add3A_380, %dma_start3A_433, %dma_start3A_434] : memref<4x5024x2x128xi32, #tpu.memory_space<hbm>> -> memref<1x1x2x128xi32, #tpu.memory_space<hbm>>
        %dma_start3A_436 = tpu.memref_squeeze %dma_start3A_435 : memref<1x1x2x128xi32, #tpu.memory_space<hbm>> -> memref<2x128xi32, #tpu.memory_space<hbm>>
        %dma_start3A_437 = arith.constant 0 : i32
        %dma_start3A_438 = arith.constant 0 : i32
        %dma_start3A_439 = tpu.memref_slice %arg3[%add3A_1, %add3A_380, %dma_start3A_437, %dma_start3A_438] : memref<4x5024x2x128xi32, #tpu.memory_space<hbm>> -> memref<1x1x2x128xi32, #tpu.memory_space<hbm>>
        %dma_start3A_440 = tpu.memref_squeeze %dma_start3A_439 : memref<1x1x2x128xi32, #tpu.memory_space<hbm>> -> memref<2x128xi32, #tpu.memory_space<hbm>>
        tpu.enqueue_dma source(%dma_start3A_440 : memref<2x128xi32, #tpu.memory_space<hbm>>) target(%arg6 : memref<2x128xi32, #tpu.memory_space<vmem>>) target_semaphore(%run_scoped3A : memref<!tpu.dma_semaphore, #tpu.memory_space<semaphore_mem>>)
        %dma_wait3A_441 = arith.constant 0 : i32
        %dma_wait3A_442 = arith.constant 0 : i32
        %dma_wait3A_443 = tpu.memref_slice %arg3[%add3A_1, %add3A_380, %dma_wait3A_441, %dma_wait3A_442] : memref<4x5024x2x128xi32, #tpu.memory_space<hbm>> -> memref<1x1x2x128xi32, #tpu.memory_space<hbm>>
        %dma_wait3A_444 = tpu.memref_squeeze %dma_wait3A_443 : memref<1x1x2x128xi32, #tpu.memory_space<hbm>> -> memref<2x128xi32, #tpu.memory_space<hbm>>
        %dma_wait3A_445 = arith.constant 0 : i32
        %dma_wait3A_446 = arith.constant 0 : i32
        %dma_wait3A_447 = tpu.memref_slice %arg3[%add3A_1, %add3A_380, %dma_wait3A_445, %dma_wait3A_446] : memref<4x5024x2x128xi32, #tpu.memory_space<hbm>> -> memref<1x1x2x128xi32, #tpu.memory_space<hbm>>
        %dma_wait3A_448 = tpu.memref_squeeze %dma_wait3A_447 : memref<1x1x2x128xi32, #tpu.memory_space<hbm>> -> memref<2x128xi32, #tpu.memory_space<hbm>>
        tpu.wait_dma2 semaphore(%run_scoped3A : memref<!tpu.dma_semaphore, #tpu.memory_space<semaphore_mem>>) src(%dma_wait3A_448 : memref<2x128xi32, #tpu.memory_space<hbm>>) dst(%arg6 : memref<2x128xi32, #tpu.memory_space<vmem>>)
        tpu.yield
      }) : () -> ()
      %dma_start3A_383 = arith.constant 0 : i32
      %dma_start3A_384 = arith.constant 0 : i32
      %dma_start3A_385 = tpu.memref_slice %arg6[%dma_start3A_383, %dma_start3A_384] : memref<2x128xi32, #tpu.memory_space<vmem>> -> memref<1x128xi32, #tpu.memory_space<vmem>>
      %dma_start3A_386 = tpu.memref_squeeze %dma_start3A_385 : memref<1x128xi32, #tpu.memory_space<vmem>> -> memref<128xi32, #tpu.memory_space<vmem>>
      %dma_start3A_387 = arith.constant 0 : i32
      %dma_start3A_388 = arith.constant 0 : i32
      %dma_start3A_389 = tpu.memref_slice %arg2[%dma_start3A_387, %dma_start3A_388] : memref<40960x96xf32, #tpu.memory_space<hbm>> -> memref<40960x96xf32, #tpu.memory_space<hbm>>
      tpu.enqueue_indirect_dma source(%dma_start3A_389 : memref<40960x96xf32, #tpu.memory_space<hbm>>) target(%arg8 : memref<128x96xf32, #tpu.memory_space<vmem>>) offsets(%dma_start3A_386 : memref<128xi32, #tpu.memory_space<vmem>>) semaphore(%arg11 : memref<!tpu.dma_semaphore, #tpu.memory_space<semaphore_mem>>)
      %gt3A_390 = arith.constant 0 : i32
      %gt3A_391 = arith.cmpi sgt, %scan3A_374, %gt3A_390 : i32
      %convert_element_type3A_392 = arith.extui %gt3A_391 : i1 to i32
      %cond3A_393 = arith.constant 0 : i32
      %cond3A_394 = arith.cmpi ne, %convert_element_type3A_392, %cond3A_393 : i32
      scf.if %cond3A_394 {
        %dma_wait3A_433 = arith.constant 1 : i32
        %dma_wait3A_434 = arith.constant 0 : i32
        %dma_wait3A_435 = tpu.memref_slice %arg7[%dma_wait3A_433, %dma_wait3A_434] : memref<2x128xi32, #tpu.memory_space<vmem>> -> memref<1x128xi32, #tpu.memory_space<vmem>>
        %dma_wait3A_436 = tpu.memref_squeeze %dma_wait3A_435 : memref<1x128xi32, #tpu.memory_space<vmem>> -> memref<128xi32, #tpu.memory_space<vmem>>
        %dma_wait3A_437 = arith.constant 0 : i32
        %dma_wait3A_438 = arith.constant 0 : i32
        %dma_wait3A_439 = tpu.memref_slice %arg10[%dma_wait3A_437, %dma_wait3A_438] : memref<10240x96xf32, #tpu.memory_space<vmem_shared>> -> memref<10240x96xf32, #tpu.memory_space<vmem_shared>>
        tpu.wait_indirect_dma semaphore(%arg14 : memref<!tpu.dma_semaphore, #tpu.memory_space<semaphore_mem>>) src(%arg9 : memref<128x96xf32, #tpu.memory_space<vmem>>) dst(%dma_wait3A_439 : memref<10240x96xf32, #tpu.memory_space<vmem_shared>>)
      } else {
      }
      %add3A_395 = arith.constant 1 : i32
      %add3A_396 = arith.addi %add3A_380, %add3A_395 : i32
      "tpu.region"() ({
        %run_scoped3A = tpu.sem_alloc : memref<!tpu.dma_semaphore, #tpu.memory_space<semaphore_mem>>
        %dma_start3A_433 = arith.constant 0 : i32
        %dma_start3A_434 = arith.constant 0 : i32
        %dma_start3A_435 = tpu.memref_slice %arg3[%add3A_1, %add3A_396, %dma_start3A_433, %dma_start3A_434] : memref<4x5024x2x128xi32, #tpu.memory_space<hbm>> -> memref<1x1x2x128xi32, #tpu.memory_space<hbm>>
        %dma_start3A_436 = tpu.memref_squeeze %dma_start3A_435 : memref<1x1x2x128xi32, #tpu.memory_space<hbm>> -> memref<2x128xi32, #tpu.memory_space<hbm>>
        %dma_start3A_437 = arith.constant 0 : i32
        %dma_start3A_438 = arith.constant 0 : i32
        %dma_start3A_439 = tpu.memref_slice %arg3[%add3A_1, %add3A_396, %dma_start3A_437, %dma_start3A_438] : memref<4x5024x2x128xi32, #tpu.memory_space<hbm>> -> memref<1x1x2x128xi32, #tpu.memory_space<hbm>>
        %dma_start3A_440 = tpu.memref_squeeze %dma_start3A_439 : memref<1x1x2x128xi32, #tpu.memory_space<hbm>> -> memref<2x128xi32, #tpu.memory_space<hbm>>
        tpu.enqueue_dma source(%dma_start3A_440 : memref<2x128xi32, #tpu.memory_space<hbm>>) target(%arg7 : memref<2x128xi32, #tpu.memory_space<vmem>>) target_semaphore(%run_scoped3A : memref<!tpu.dma_semaphore, #tpu.memory_space<semaphore_mem>>)
        %dma_wait3A_441 = arith.constant 0 : i32
        %dma_wait3A_442 = arith.constant 0 : i32
        %dma_wait3A_443 = tpu.memref_slice %arg3[%add3A_1, %add3A_396, %dma_wait3A_441, %dma_wait3A_442] : memref<4x5024x2x128xi32, #tpu.memory_space<hbm>> -> memref<1x1x2x128xi32, #tpu.memory_space<hbm>>
        %dma_wait3A_444 = tpu.memref_squeeze %dma_wait3A_443 : memref<1x1x2x128xi32, #tpu.memory_space<hbm>> -> memref<2x128xi32, #tpu.memory_space<hbm>>
        %dma_wait3A_445 = arith.constant 0 : i32
        %dma_wait3A_446 = arith.constant 0 : i32
        %dma_wait3A_447 = tpu.memref_slice %arg3[%add3A_1, %add3A_396, %dma_wait3A_445, %dma_wait3A_446] : memref<4x5024x2x128xi32, #tpu.memory_space<hbm>> -> memref<1x1x2x128xi32, #tpu.memory_space<hbm>>
        %dma_wait3A_448 = tpu.memref_squeeze %dma_wait3A_447 : memref<1x1x2x128xi32, #tpu.memory_space<hbm>> -> memref<2x128xi32, #tpu.memory_space<hbm>>
        tpu.wait_dma2 semaphore(%run_scoped3A : memref<!tpu.dma_semaphore, #tpu.memory_space<semaphore_mem>>) src(%dma_wait3A_448 : memref<2x128xi32, #tpu.memory_space<hbm>>) dst(%arg7 : memref<2x128xi32, #tpu.memory_space<vmem>>)
        tpu.yield
      }) : () -> ()
      %dma_start3A_397 = arith.constant 0 : i32
      %dma_start3A_398 = arith.constant 0 : i32
      %dma_start3A_399 = tpu.memref_slice %arg7[%dma_start3A_397, %dma_start3A_398] : memref<2x128xi32, #tpu.memory_space<vmem>> -> memref<1x128xi32, #tpu.memory_space<vmem>>
      %dma_start3A_400 = tpu.memref_squeeze %dma_start3A_399 : memref<1x128xi32, #tpu.memory_space<vmem>> -> memref<128xi32, #tpu.memory_space<vmem>>
      %dma_start3A_401 = arith.constant 0 : i32
      %dma_start3A_402 = arith.constant 0 : i32
      %dma_start3A_403 = tpu.memref_slice %arg2[%dma_start3A_401, %dma_start3A_402] : memref<40960x96xf32, #tpu.memory_space<hbm>> -> memref<40960x96xf32, #tpu.memory_space<hbm>>
      tpu.enqueue_indirect_dma source(%dma_start3A_403 : memref<40960x96xf32, #tpu.memory_space<hbm>>) target(%arg9 : memref<128x96xf32, #tpu.memory_space<vmem>>) offsets(%dma_start3A_400 : memref<128xi32, #tpu.memory_space<vmem>>) semaphore(%arg12 : memref<!tpu.dma_semaphore, #tpu.memory_space<semaphore_mem>>)
      %dma_wait3A_404 = arith.constant 0 : i32
      %dma_wait3A_405 = arith.constant 0 : i32
      %dma_wait3A_406 = tpu.memref_slice %arg6[%dma_wait3A_404, %dma_wait3A_405] : memref<2x128xi32, #tpu.memory_space<vmem>> -> memref<1x128xi32, #tpu.memory_space<vmem>>
      %dma_wait3A_407 = tpu.memref_squeeze %dma_wait3A_406 : memref<1x128xi32, #tpu.memory_space<vmem>> -> memref<128xi32, #tpu.memory_space<vmem>>
      %dma_wait3A_408 = arith.constant 0 : i32
      %dma_wait3A_409 = arith.constant 0 : i32
      %dma_wait3A_410 = tpu.memref_slice %arg2[%dma_wait3A_408, %dma_wait3A_409] : memref<40960x96xf32, #tpu.memory_space<hbm>> -> memref<40960x96xf32, #tpu.memory_space<hbm>>
      tpu.wait_indirect_dma semaphore(%arg11 : memref<!tpu.dma_semaphore, #tpu.memory_space<semaphore_mem>>) src(%dma_wait3A_410 : memref<40960x96xf32, #tpu.memory_space<hbm>>) dst(%arg8 : memref<128x96xf32, #tpu.memory_space<vmem>>)
      %dma_start3A_411 = arith.constant 1 : i32
      %dma_start3A_412 = arith.constant 0 : i32
      %dma_start3A_413 = tpu.memref_slice %arg6[%dma_start3A_411, %dma_start3A_412] : memref<2x128xi32, #tpu.memory_space<vmem>> -> memref<1x128xi32, #tpu.memory_space<vmem>>
      %dma_start3A_414 = tpu.memref_squeeze %dma_start3A_413 : memref<1x128xi32, #tpu.memory_space<vmem>> -> memref<128xi32, #tpu.memory_space<vmem>>
      %dma_start3A_415 = arith.constant 0 : i32
      %dma_start3A_416 = arith.constant 0 : i32
      %dma_start3A_417 = tpu.memref_slice %arg10[%dma_start3A_415, %dma_start3A_416] : memref<10240x96xf32, #tpu.memory_space<vmem_shared>> -> memref<10240x96xf32, #tpu.memory_space<vmem_shared>>
      tpu.enqueue_indirect_dma source(%arg8 : memref<128x96xf32, #tpu.memory_space<vmem>>) target(%dma_start3A_417 : memref<10240x96xf32, #tpu.memory_space<vmem_shared>>) offsets(%dma_start3A_414 : memref<128xi32, #tpu.memory_space<vmem>>) semaphore(%arg13 : memref<!tpu.dma_semaphore, #tpu.memory_space<semaphore_mem>>) {add = true}
      %dma_wait3A_418 = arith.constant 0 : i32
      %dma_wait3A_419 = arith.constant 0 : i32
      %dma_wait3A_420 = tpu.memref_slice %arg7[%dma_wait3A_418, %dma_wait3A_419] : memref<2x128xi32, #tpu.memory_space<vmem>> -> memref<1x128xi32, #tpu.memory_space<vmem>>
      %dma_wait3A_421 = tpu.memref_squeeze %dma_wait3A_420 : memref<1x128xi32, #tpu.memory_space<vmem>> -> memref<128xi32, #tpu.memory_space<vmem>>
      %dma_wait3A_422 = arith.constant 0 : i32
      %dma_wait3A_423 = arith.constant 0 : i32
      %dma_wait3A_424 = tpu.memref_slice %arg2[%dma_wait3A_422, %dma_wait3A_423] : memref<40960x96xf32, #tpu.memory_space<hbm>> -> memref<40960x96xf32, #tpu.memory_space<hbm>>
      tpu.wait_indirect_dma semaphore(%arg12 : memref<!tpu.dma_semaphore, #tpu.memory_space<semaphore_mem>>) src(%dma_wait3A_424 : memref<40960x96xf32, #tpu.memory_space<hbm>>) dst(%arg9 : memref<128x96xf32, #tpu.memory_space<vmem>>)
      %dma_start3A_425 = arith.constant 1 : i32
      %dma_start3A_426 = arith.constant 0 : i32
      %dma_start3A_427 = tpu.memref_slice %arg7[%dma_start3A_425, %dma_start3A_426] : memref<2x128xi32, #tpu.memory_space<vmem>> -> memref<1x128xi32, #tpu.memory_space<vmem>>
      %dma_start3A_428 = tpu.memref_squeeze %dma_start3A_427 : memref<1x128xi32, #tpu.memory_space<vmem>> -> memref<128xi32, #tpu.memory_space<vmem>>
      %dma_start3A_429 = arith.constant 0 : i32
      %dma_start3A_430 = arith.constant 0 : i32
      %dma_start3A_431 = tpu.memref_slice %arg10[%dma_start3A_429, %dma_start3A_430] : memref<10240x96xf32, #tpu.memory_space<vmem_shared>> -> memref<10240x96xf32, #tpu.memory_space<vmem_shared>>
      tpu.enqueue_indirect_dma source(%arg9 : memref<128x96xf32, #tpu.memory_space<vmem>>) target(%dma_start3A_431 : memref<10240x96xf32, #tpu.memory_space<vmem_shared>>) offsets(%dma_start3A_428 : memref<128xi32, #tpu.memory_space<vmem>>) semaphore(%arg14 : memref<!tpu.dma_semaphore, #tpu.memory_space<semaphore_mem>>) {add = true}
      %scan3A_432 = arith.constant 0 : i32
      scf.yield %scan3A_432 : i32
    }
    %scan3A_55 = arith.constant 157 : i32
    %dma_wait3A_56 = arith.constant 1 : i32
    %dma_wait3A_57 = arith.constant 0 : i32
    %dma_wait3A_58 = tpu.memref_slice %arg6[%dma_wait3A_56, %dma_wait3A_57] : memref<2x128xi32, #tpu.memory_space<vmem>> -> memref<1x128xi32, #tpu.memory_space<vmem>>
    %dma_wait3A_59 = tpu.memref_squeeze %dma_wait3A_58 : memref<1x128xi32, #tpu.memory_space<vmem>> -> memref<128xi32, #tpu.memory_space<vmem>>
    %dma_wait3A_60 = arith.constant 0 : i32
    %dma_wait3A_61 = arith.constant 0 : i32
    %dma_wait3A_62 = tpu.memref_slice %arg10[%dma_wait3A_60, %dma_wait3A_61] : memref<10240x96xf32, #tpu.memory_space<vmem_shared>> -> memref<10240x96xf32, #tpu.memory_space<vmem_shared>>
    tpu.wait_indirect_dma semaphore(%arg13 : memref<!tpu.dma_semaphore, #tpu.memory_space<semaphore_mem>>) src(%arg8 : memref<128x96xf32, #tpu.memory_space<vmem>>) dst(%dma_wait3A_62 : memref<10240x96xf32, #tpu.memory_space<vmem_shared>>)
    %dma_wait3A_63 = arith.constant 1 : i32
    %dma_wait3A_64 = arith.constant 0 : i32
    %dma_wait3A_65 = tpu.memref_slice %arg7[%dma_wait3A_63, %dma_wait3A_64] : memref<2x128xi32, #tpu.memory_space<vmem>> -> memref<1x128xi32, #tpu.memory_space<vmem>>
    %dma_wait3A_66 = tpu.memref_squeeze %dma_wait3A_65 : memref<1x128xi32, #tpu.memory_space<vmem>> -> memref<128xi32, #tpu.memory_space<vmem>>
    %dma_wait3A_67 = arith.constant 0 : i32
    %dma_wait3A_68 = arith.constant 0 : i32
    %dma_wait3A_69 = tpu.memref_slice %arg10[%dma_wait3A_67, %dma_wait3A_68] : memref<10240x96xf32, #tpu.memory_space<vmem_shared>> -> memref<10240x96xf32, #tpu.memory_space<vmem_shared>>
    tpu.wait_indirect_dma semaphore(%arg14 : memref<!tpu.dma_semaphore, #tpu.memory_space<semaphore_mem>>) src(%arg9 : memref<128x96xf32, #tpu.memory_space<vmem>>) dst(%dma_wait3A_69 : memref<10240x96xf32, #tpu.memory_space<vmem_shared>>)
    %barrier3A_70 = arith.constant 0 : index
    tpu.barrier barrier_id(%barrier3A_70)
    %dma_start3A_71 = arith.constant 0 : i32
    %dma_start3A_72 = tpu.memref_slice %arg10[%mul3A_0, %dma_start3A_71] : memref<10240x96xf32, #tpu.memory_space<vmem_shared>> -> memref<128x96xf32, #tpu.memory_space<vmem_shared>>
    %dma_start3A_73 = arith.constant 0 : i32
    %dma_start3A_74 = tpu.memref_slice %arg10[%mul3A_0, %dma_start3A_73] : memref<10240x96xf32, #tpu.memory_space<vmem_shared>> -> memref<128x96xf32, #tpu.memory_space<vmem_shared>>
    tpu.enqueue_dma source(%dma_start3A_74 : memref<128x96xf32, #tpu.memory_space<vmem_shared>>) target(%arg8 : memref<128x96xf32, #tpu.memory_space<vmem>>) target_semaphore(%arg11 : memref<!tpu.dma_semaphore, #tpu.memory_space<semaphore_mem>>)
    %dma_wait3A_75 = arith.constant 0 : i32
    %dma_wait3A_76 = tpu.memref_slice %arg10[%mul3A_0, %dma_wait3A_75] : memref<10240x96xf32, #tpu.memory_space<vmem_shared>> -> memref<128x96xf32, #tpu.memory_space<vmem_shared>>
    %dma_wait3A_77 = arith.constant 0 : i32
    %dma_wait3A_78 = tpu.memref_slice %arg10[%mul3A_0, %dma_wait3A_77] : memref<10240x96xf32, #tpu.memory_space<vmem_shared>> -> memref<128x96xf32, #tpu.memory_space<vmem_shared>>
    tpu.wait_dma2 semaphore(%arg11 : memref<!tpu.dma_semaphore, #tpu.memory_space<semaphore_mem>>) src(%dma_wait3A_78 : memref<128x96xf32, #tpu.memory_space<vmem_shared>>) dst(%arg8 : memref<128x96xf32, #tpu.memory_space<vmem>>)
    %mul3A_79 = arith.constant 10240 : i32
    %mul3A_80 = arith.muli %add3A_1, %mul3A_79 : i32
    %add3A_81 = arith.addi %mul3A_80, %mul3A_0 : i32
    %add3A_82 = arith.constant 0 : i32
    %add3A_83 = arith.addi %add3A_81, %add3A_82 : i32
    %dma_start3A_84 = arith.constant 0 : i32
    %dma_start3A_85 = tpu.memref_slice %arg5[%add3A_83, %dma_start3A_84] : memref<40960x96xf32, #tpu.memory_space<hbm>> -> memref<128x96xf32, #tpu.memory_space<hbm>>
    %dma_start3A_86 = arith.constant 0 : i32
    %dma_start3A_87 = tpu.memref_slice %arg5[%add3A_83, %dma_start3A_86] : memref<40960x96xf32, #tpu.memory_space<hbm>> -> memref<128x96xf32, #tpu.memory_space<hbm>>
    tpu.enqueue_dma source(%arg8 : memref<128x96xf32, #tpu.memory_space<vmem>>) target(%dma_start3A_87 : memref<128x96xf32, #tpu.memory_space<hbm>>) target_semaphore(%arg13 : memref<!tpu.dma_semaphore, #tpu.memory_space<semaphore_mem>>)
    %add3A_88 = arith.constant 128 : i32
    %add3A_89 = arith.addi %mul3A_0, %add3A_88 : i32
    %dma_start3A_90 = arith.constant 0 : i32
    %dma_start3A_91 = tpu.memref_slice %arg10[%add3A_89, %dma_start3A_90] : memref<10240x96xf32, #tpu.memory_space<vmem_shared>> -> memref<128x96xf32, #tpu.memory_space<vmem_shared>>
    %dma_start3A_92 = arith.constant 0 : i32
    %dma_start3A_93 = tpu.memref_slice %arg10[%add3A_89, %dma_start3A_92] : memref<10240x96xf32, #tpu.memory_space<vmem_shared>> -> memref<128x96xf32, #tpu.memory_space<vmem_shared>>
    tpu.enqueue_dma source(%dma_start3A_93 : memref<128x96xf32, #tpu.memory_space<vmem_shared>>) target(%arg9 : memref<128x96xf32, #tpu.memory_space<vmem>>) target_semaphore(%arg12 : memref<!tpu.dma_semaphore, #tpu.memory_space<semaphore_mem>>)
    %dma_wait3A_94 = arith.constant 0 : i32
    %dma_wait3A_95 = tpu.memref_slice %arg10[%mul3A_0, %dma_wait3A_94] : memref<10240x96xf32, #tpu.memory_space<vmem_shared>> -> memref<128x96xf32, #tpu.memory_space<vmem_shared>>
    %dma_wait3A_96 = arith.constant 0 : i32
    %dma_wait3A_97 = tpu.memref_slice %arg10[%mul3A_0, %dma_wait3A_96] : memref<10240x96xf32, #tpu.memory_space<vmem_shared>> -> memref<128x96xf32, #tpu.memory_space<vmem_shared>>
    tpu.wait_dma2 semaphore(%arg12 : memref<!tpu.dma_semaphore, #tpu.memory_space<semaphore_mem>>) src(%dma_wait3A_97 : memref<128x96xf32, #tpu.memory_space<vmem_shared>>) dst(%arg9 : memref<128x96xf32, #tpu.memory_space<vmem>>)
    %mul3A_98 = arith.constant 10240 : i32
    %mul3A_99 = arith.muli %add3A_1, %mul3A_98 : i32
    %add3A_100 = arith.addi %mul3A_99, %mul3A_0 : i32
    %add3A_101 = arith.constant 128 : i32
    %add3A_102 = arith.addi %add3A_100, %add3A_101 : i32
    %dma_start3A_103 = arith.constant 0 : i32
    %dma_start3A_104 = tpu.memref_slice %arg5[%add3A_102, %dma_start3A_103] : memref<40960x96xf32, #tpu.memory_space<hbm>> -> memref<128x96xf32, #tpu.memory_space<hbm>>
    %dma_start3A_105 = arith.constant 0 : i32
    %dma_start3A_106 = tpu.memref_slice %arg5[%add3A_102, %dma_start3A_105] : memref<40960x96xf32, #tpu.memory_space<hbm>> -> memref<128x96xf32, #tpu.memory_space<hbm>>
    tpu.enqueue_dma source(%arg9 : memref<128x96xf32, #tpu.memory_space<vmem>>) target(%dma_start3A_106 : memref<128x96xf32, #tpu.memory_space<hbm>>) target_semaphore(%arg14 : memref<!tpu.dma_semaphore, #tpu.memory_space<semaphore_mem>>)
    %dma_wait3A_107 = arith.constant 0 : i32
    %dma_wait3A_108 = tpu.memref_slice %arg5[%mul3A_0, %dma_wait3A_107] : memref<40960x96xf32, #tpu.memory_space<hbm>> -> memref<128x96xf32, #tpu.memory_space<hbm>>
    %dma_wait3A_109 = arith.constant 0 : i32
    %dma_wait3A_110 = tpu.memref_slice %arg5[%mul3A_0, %dma_wait3A_109] : memref<40960x96xf32, #tpu.memory_space<hbm>> -> memref<128x96xf32, #tpu.memory_space<hbm>>
    tpu.wait_dma2 semaphore(%arg13 : memref<!tpu.dma_semaphore, #tpu.memory_space<semaphore_mem>>) src(%arg8 : memref<128x96xf32, #tpu.memory_space<vmem>>) dst(%dma_wait3A_110 : memref<128x96xf32, #tpu.memory_space<hbm>>)
    %add3A_111 = arith.constant 256 : i32
    %add3A_112 = arith.addi %mul3A_0, %add3A_111 : i32
    %dma_start3A_113 = arith.constant 0 : i32
    %dma_start3A_114 = tpu.memref_slice %arg10[%add3A_112, %dma_start3A_113] : memref<10240x96xf32, #tpu.memory_space<vmem_shared>> -> memref<128x96xf32, #tpu.memory_space<vmem_shared>>
    %dma_start3A_115 = arith.constant 0 : i32
    %dma_start3A_116 = tpu.memref_slice %arg10[%add3A_112, %dma_start3A_115] : memref<10240x96xf32, #tpu.memory_space<vmem_shared>> -> memref<128x96xf32, #tpu.memory_space<vmem_shared>>
    tpu.enqueue_dma source(%dma_start3A_116 : memref<128x96xf32, #tpu.memory_space<vmem_shared>>) target(%arg8 : memref<128x96xf32, #tpu.memory_space<vmem>>) target_semaphore(%arg11 : memref<!tpu.dma_semaphore, #tpu.memory_space<semaphore_mem>>)
    %dma_wait3A_117 = arith.constant 0 : i32
    %dma_wait3A_118 = tpu.memref_slice %arg10[%mul3A_0, %dma_wait3A_117] : memref<10240x96xf32, #tpu.memory_space<vmem_shared>> -> memref<128x96xf32, #tpu.memory_space<vmem_shared>>
    %dma_wait3A_119 = arith.constant 0 : i32
    %dma_wait3A_120 = tpu.memref_slice %arg10[%mul3A_0, %dma_wait3A_119] : memref<10240x96xf32, #tpu.memory_space<vmem_shared>> -> memref<128x96xf32, #tpu.memory_space<vmem_shared>>
    tpu.wait_dma2 semaphore(%arg11 : memref<!tpu.dma_semaphore, #tpu.memory_space<semaphore_mem>>) src(%dma_wait3A_120 : memref<128x96xf32, #tpu.memory_space<vmem_shared>>) dst(%arg8 : memref<128x96xf32, #tpu.memory_space<vmem>>)
    %mul3A_121 = arith.constant 10240 : i32
    %mul3A_122 = arith.muli %add3A_1, %mul3A_121 : i32
    %add3A_123 = arith.addi %mul3A_122, %mul3A_0 : i32
    %add3A_124 = arith.constant 256 : i32
    %add3A_125 = arith.addi %add3A_123, %add3A_124 : i32
    %dma_start3A_126 = arith.constant 0 : i32
    %dma_start3A_127 = tpu.memref_slice %arg5[%add3A_125, %dma_start3A_126] : memref<40960x96xf32, #tpu.memory_space<hbm>> -> memref<128x96xf32, #tpu.memory_space<hbm>>
    %dma_start3A_128 = arith.constant 0 : i32
    %dma_start3A_129 = tpu.memref_slice %arg5[%add3A_125, %dma_start3A_128] : memref<40960x96xf32, #tpu.memory_space<hbm>> -> memref<128x96xf32, #tpu.memory_space<hbm>>
    tpu.enqueue_dma source(%arg8 : memref<128x96xf32, #tpu.memory_space<vmem>>) target(%dma_start3A_129 : memref<128x96xf32, #tpu.memory_space<hbm>>) target_semaphore(%arg13 : memref<!tpu.dma_semaphore, #tpu.memory_space<semaphore_mem>>)
    %dma_wait3A_130 = arith.constant 0 : i32
    %dma_wait3A_131 = tpu.memref_slice %arg5[%mul3A_0, %dma_wait3A_130] : memref<40960x96xf32, #tpu.memory_space<hbm>> -> memref<128x96xf32, #tpu.memory_space<hbm>>
    %dma_wait3A_132 = arith.constant 0 : i32
    %dma_wait3A_133 = tpu.memref_slice %arg5[%mul3A_0, %dma_wait3A_132] : memref<40960x96xf32, #tpu.memory_space<hbm>> -> memref<128x96xf32, #tpu.memory_space<hbm>>
    tpu.wait_dma2 semaphore(%arg14 : memref<!tpu.dma_semaphore, #tpu.memory_space<semaphore_mem>>) src(%arg9 : memref<128x96xf32, #tpu.memory_space<vmem>>) dst(%dma_wait3A_133 : memref<128x96xf32, #tpu.memory_space<hbm>>)
    %add3A_134 = arith.constant 384 : i32
    %add3A_135 = arith.addi %mul3A_0, %add3A_134 : i32
    %dma_start3A_136 = arith.constant 0 : i32
    %dma_start3A_137 = tpu.memref_slice %arg10[%add3A_135, %dma_start3A_136] : memref<10240x96xf32, #tpu.memory_space<vmem_shared>> -> memref<128x96xf32, #tpu.memory_space<vmem_shared>>
    %dma_start3A_138 = arith.constant 0 : i32
    %dma_start3A_139 = tpu.memref_slice %arg10[%add3A_135, %dma_start3A_138] : memref<10240x96xf32, #tpu.memory_space<vmem_shared>> -> memref<128x96xf32, #tpu.memory_space<vmem_shared>>
    tpu.enqueue_dma source(%dma_start3A_139 : memref<128x96xf32, #tpu.memory_space<vmem_shared>>) target(%arg9 : memref<128x96xf32, #tpu.memory_space<vmem>>) target_semaphore(%arg12 : memref<!tpu.dma_semaphore, #tpu.memory_space<semaphore_mem>>)
    %dma_wait3A_140 = arith.constant 0 : i32
    %dma_wait3A_141 = tpu.memref_slice %arg10[%mul3A_0, %dma_wait3A_140] : memref<10240x96xf32, #tpu.memory_space<vmem_shared>> -> memref<128x96xf32, #tpu.memory_space<vmem_shared>>
    %dma_wait3A_142 = arith.constant 0 : i32
    %dma_wait3A_143 = tpu.memref_slice %arg10[%mul3A_0, %dma_wait3A_142] : memref<10240x96xf32, #tpu.memory_space<vmem_shared>> -> memref<128x96xf32, #tpu.memory_space<vmem_shared>>
    tpu.wait_dma2 semaphore(%arg12 : memref<!tpu.dma_semaphore, #tpu.memory_space<semaphore_mem>>) src(%dma_wait3A_143 : memref<128x96xf32, #tpu.memory_space<vmem_shared>>) dst(%arg9 : memref<128x96xf32, #tpu.memory_space<vmem>>)
    %mul3A_144 = arith.constant 10240 : i32
    %mul3A_145 = arith.muli %add3A_1, %mul3A_144 : i32
    %add3A_146 = arith.addi %mul3A_145, %mul3A_0 : i32
    %add3A_147 = arith.constant 384 : i32
    %add3A_148 = arith.addi %add3A_146, %add3A_147 : i32
    %dma_start3A_149 = arith.constant 0 : i32
    %dma_start3A_150 = tpu.memref_slice %arg5[%add3A_148, %dma_start3A_149] : memref<40960x96xf32, #tpu.memory_space<hbm>> -> memref<128x96xf32, #tpu.memory_space<hbm>>
    %dma_start3A_151 = arith.constant 0 : i32
    %dma_start3A_152 = tpu.memref_slice %arg5[%add3A_148, %dma_start3A_151] : memref<40960x96xf32, #tpu.memory_space<hbm>> -> memref<128x96xf32, #tpu.memory_space<hbm>>
    tpu.enqueue_dma source(%arg9 : memref<128x96xf32, #tpu.memory_space<vmem>>) target(%dma_start3A_152 : memref<128x96xf32, #tpu.memory_space<hbm>>) target_semaphore(%arg14 : memref<!tpu.dma_semaphore, #tpu.memory_space<semaphore_mem>>)
    %dma_wait3A_153 = arith.constant 0 : i32
    %dma_wait3A_154 = tpu.memref_slice %arg5[%mul3A_0, %dma_wait3A_153] : memref<40960x96xf32, #tpu.memory_space<hbm>> -> memref<128x96xf32, #tpu.memory_space<hbm>>
    %dma_wait3A_155 = arith.constant 0 : i32
    %dma_wait3A_156 = tpu.memref_slice %arg5[%mul3A_0, %dma_wait3A_155] : memref<40960x96xf32, #tpu.memory_space<hbm>> -> memref<128x96xf32, #tpu.memory_space<hbm>>
    tpu.wait_dma2 semaphore(%arg13 : memref<!tpu.dma_semaphore, #tpu.memory_space<semaphore_mem>>) src(%arg8 : memref<128x96xf32, #tpu.memory_space<vmem>>) dst(%dma_wait3A_156 : memref<128x96xf32, #tpu.memory_space<hbm>>)
    %add3A_157 = arith.constant 512 : i32
    %add3A_158 = arith.addi %mul3A_0, %add3A_157 : i32
    %dma_start3A_159 = arith.constant 0 : i32
    %dma_start3A_160 = tpu.memref_slice %arg10[%add3A_158, %dma_start3A_159] : memref<10240x96xf32, #tpu.memory_space<vmem_shared>> -> memref<128x96xf32, #tpu.memory_space<vmem_shared>>
    %dma_start3A_161 = arith.constant 0 : i32
    %dma_start3A_162 = tpu.memref_slice %arg10[%add3A_158, %dma_start3A_161] : memref<10240x96xf32, #tpu.memory_space<vmem_shared>> -> memref<128x96xf32, #tpu.memory_space<vmem_shared>>
    tpu.enqueue_dma source(%dma_start3A_162 : memref<128x96xf32, #tpu.memory_space<vmem_shared>>) target(%arg8 : memref<128x96xf32, #tpu.memory_space<vmem>>) target_semaphore(%arg11 : memref<!tpu.dma_semaphore, #tpu.memory_space<semaphore_mem>>)
    %dma_wait3A_163 = arith.constant 0 : i32
    %dma_wait3A_164 = tpu.memref_slice %arg10[%mul3A_0, %dma_wait3A_163] : memref<10240x96xf32, #tpu.memory_space<vmem_shared>> -> memref<128x96xf32, #tpu.memory_space<vmem_shared>>
    %dma_wait3A_165 = arith.constant 0 : i32
    %dma_wait3A_166 = tpu.memref_slice %arg10[%mul3A_0, %dma_wait3A_165] : memref<10240x96xf32, #tpu.memory_space<vmem_shared>> -> memref<128x96xf32, #tpu.memory_space<vmem_shared>>
    tpu.wait_dma2 semaphore(%arg11 : memref<!tpu.dma_semaphore, #tpu.memory_space<semaphore_mem>>) src(%dma_wait3A_166 : memref<128x96xf32, #tpu.memory_space<vmem_shared>>) dst(%arg8 : memref<128x96xf32, #tpu.memory_space<vmem>>)
    %mul3A_167 = arith.constant 10240 : i32
    %mul3A_168 = arith.muli %add3A_1, %mul3A_167 : i32
    %add3A_169 = arith.addi %mul3A_168, %mul3A_0 : i32
    %add3A_170 = arith.constant 512 : i32
    %add3A_171 = arith.addi %add3A_169, %add3A_170 : i32
    %dma_start3A_172 = arith.constant 0 : i32
    %dma_start3A_173 = tpu.memref_slice %arg5[%add3A_171, %dma_start3A_172] : memref<40960x96xf32, #tpu.memory_space<hbm>> -> memref<128x96xf32, #tpu.memory_space<hbm>>
    %dma_start3A_174 = arith.constant 0 : i32
    %dma_start3A_175 = tpu.memref_slice %arg5[%add3A_171, %dma_start3A_174] : memref<40960x96xf32, #tpu.memory_space<hbm>> -> memref<128x96xf32, #tpu.memory_space<hbm>>
    tpu.enqueue_dma source(%arg8 : memref<128x96xf32, #tpu.memory_space<vmem>>) target(%dma_start3A_175 : memref<128x96xf32, #tpu.memory_space<hbm>>) target_semaphore(%arg13 : memref<!tpu.dma_semaphore, #tpu.memory_space<semaphore_mem>>)
    %dma_wait3A_176 = arith.constant 0 : i32
    %dma_wait3A_177 = tpu.memref_slice %arg5[%mul3A_0, %dma_wait3A_176] : memref<40960x96xf32, #tpu.memory_space<hbm>> -> memref<128x96xf32, #tpu.memory_space<hbm>>
    %dma_wait3A_178 = arith.constant 0 : i32
    %dma_wait3A_179 = tpu.memref_slice %arg5[%mul3A_0, %dma_wait3A_178] : memref<40960x96xf32, #tpu.memory_space<hbm>> -> memref<128x96xf32, #tpu.memory_space<hbm>>
    tpu.wait_dma2 semaphore(%arg14 : memref<!tpu.dma_semaphore, #tpu.memory_space<semaphore_mem>>) src(%arg9 : memref<128x96xf32, #tpu.memory_space<vmem>>) dst(%dma_wait3A_179 : memref<128x96xf32, #tpu.memory_space<hbm>>)
    %dma_wait3A_180 = arith.constant 0 : i32
    %dma_wait3A_181 = tpu.memref_slice %arg5[%mul3A_0, %dma_wait3A_180] : memref<40960x96xf32, #tpu.memory_space<hbm>> -> memref<128x96xf32, #tpu.memory_space<hbm>>
    %dma_wait3A_182 = arith.constant 0 : i32
    %dma_wait3A_183 = tpu.memref_slice %arg5[%mul3A_0, %dma_wait3A_182] : memref<40960x96xf32, #tpu.memory_space<hbm>> -> memref<128x96xf32, #tpu.memory_space<hbm>>
    tpu.wait_dma2 semaphore(%arg13 : memref<!tpu.dma_semaphore, #tpu.memory_space<semaphore_mem>>) src(%arg8 : memref<128x96xf32, #tpu.memory_space<vmem>>) dst(%dma_wait3A_183 : memref<128x96xf32, #tpu.memory_space<hbm>>)
    %barrier3A_184 = arith.constant 0 : index
    tpu.barrier barrier_id(%barrier3A_184)
    %add3A_185 = arith.constant 2 : i32
    %add3A_186 = arith.addi %add3A_185, %arg0 : i32
    "tpu.region"() ({
      %run_scoped3A = tpu.sem_alloc : memref<!tpu.dma_semaphore, #tpu.memory_space<semaphore_mem>>
      tpu.enqueue_dma source(%arg4 : memref<128x96xf32, #tpu.memory_space<hbm>>) target(%arg8 : memref<128x96xf32, #tpu.memory_space<vmem>>) target_semaphore(%run_scoped3A : memref<!tpu.dma_semaphore, #tpu.memory_space<semaphore_mem>>)
      tpu.wait_dma2 semaphore(%run_scoped3A : memref<!tpu.dma_semaphore, #tpu.memory_space<semaphore_mem>>) src(%arg4 : memref<128x96xf32, #tpu.memory_space<hbm>>) dst(%arg8 : memref<128x96xf32, #tpu.memory_space<vmem>>)
      tpu.yield
    }) : () -> ()
    %add3A_187 = arith.constant 0 : i32
    %add3A_188 = arith.addi %mul3A_0, %add3A_187 : i32
    %dma_start3A_189 = arith.constant 0 : i32
    %dma_start3A_190 = tpu.memref_slice %arg10[%add3A_188, %dma_start3A_189] : memref<10240x96xf32, #tpu.memory_space<vmem_shared>> -> memref<128x96xf32, #tpu.memory_space<vmem_shared>>
    %dma_start3A_191 = arith.constant 0 : i32
    %dma_start3A_192 = tpu.memref_slice %arg10[%add3A_188, %dma_start3A_191] : memref<10240x96xf32, #tpu.memory_space<vmem_shared>> -> memref<128x96xf32, #tpu.memory_space<vmem_shared>>
    tpu.enqueue_dma source(%arg8 : memref<128x96xf32, #tpu.memory_space<vmem>>) target(%dma_start3A_192 : memref<128x96xf32, #tpu.memory_space<vmem_shared>>) target_semaphore(%arg13 : memref<!tpu.dma_semaphore, #tpu.memory_space<semaphore_mem>>)
    %add3A_193 = arith.constant 128 : i32
    %add3A_194 = arith.addi %mul3A_0, %add3A_193 : i32
    %dma_start3A_195 = arith.constant 0 : i32
    %dma_start3A_196 = tpu.memref_slice %arg10[%add3A_194, %dma_start3A_195] : memref<10240x96xf32, #tpu.memory_space<vmem_shared>> -> memref<128x96xf32, #tpu.memory_space<vmem_shared>>
    %dma_start3A_197 = arith.constant 0 : i32
    %dma_start3A_198 = tpu.memref_slice %arg10[%add3A_194, %dma_start3A_197] : memref<10240x96xf32, #tpu.memory_space<vmem_shared>> -> memref<128x96xf32, #tpu.memory_space<vmem_shared>>
    tpu.enqueue_dma source(%arg8 : memref<128x96xf32, #tpu.memory_space<vmem>>) target(%dma_start3A_198 : memref<128x96xf32, #tpu.memory_space<vmem_shared>>) target_semaphore(%arg13 : memref<!tpu.dma_semaphore, #tpu.memory_space<semaphore_mem>>)
    %add3A_199 = arith.constant 256 : i32
    %add3A_200 = arith.addi %mul3A_0, %add3A_199 : i32
    %dma_start3A_201 = arith.constant 0 : i32
    %dma_start3A_202 = tpu.memref_slice %arg10[%add3A_200, %dma_start3A_201] : memref<10240x96xf32, #tpu.memory_space<vmem_shared>> -> memref<128x96xf32, #tpu.memory_space<vmem_shared>>
    %dma_start3A_203 = arith.constant 0 : i32
    %dma_start3A_204 = tpu.memref_slice %arg10[%add3A_200, %dma_start3A_203] : memref<10240x96xf32, #tpu.memory_space<vmem_shared>> -> memref<128x96xf32, #tpu.memory_space<vmem_shared>>
    tpu.enqueue_dma source(%arg8 : memref<128x96xf32, #tpu.memory_space<vmem>>) target(%dma_start3A_204 : memref<128x96xf32, #tpu.memory_space<vmem_shared>>) target_semaphore(%arg13 : memref<!tpu.dma_semaphore, #tpu.memory_space<semaphore_mem>>)
    %add3A_205 = arith.constant 384 : i32
    %add3A_206 = arith.addi %mul3A_0, %add3A_205 : i32
    %dma_start3A_207 = arith.constant 0 : i32
    %dma_start3A_208 = tpu.memref_slice %arg10[%add3A_206, %dma_start3A_207] : memref<10240x96xf32, #tpu.memory_space<vmem_shared>> -> memref<128x96xf32, #tpu.memory_space<vmem_shared>>
    %dma_start3A_209 = arith.constant 0 : i32
    %dma_start3A_210 = tpu.memref_slice %arg10[%add3A_206, %dma_start3A_209] : memref<10240x96xf32, #tpu.memory_space<vmem_shared>> -> memref<128x96xf32, #tpu.memory_space<vmem_shared>>
    tpu.enqueue_dma source(%arg8 : memref<128x96xf32, #tpu.memory_space<vmem>>) target(%dma_start3A_210 : memref<128x96xf32, #tpu.memory_space<vmem_shared>>) target_semaphore(%arg13 : memref<!tpu.dma_semaphore, #tpu.memory_space<semaphore_mem>>)
    %add3A_211 = arith.constant 512 : i32
    %add3A_212 = arith.addi %mul3A_0, %add3A_211 : i32
    %dma_start3A_213 = arith.constant 0 : i32
    %dma_start3A_214 = tpu.memref_slice %arg10[%add3A_212, %dma_start3A_213] : memref<10240x96xf32, #tpu.memory_space<vmem_shared>> -> memref<128x96xf32, #tpu.memory_space<vmem_shared>>
    %dma_start3A_215 = arith.constant 0 : i32
    %dma_start3A_216 = tpu.memref_slice %arg10[%add3A_212, %dma_start3A_215] : memref<10240x96xf32, #tpu.memory_space<vmem_shared>> -> memref<128x96xf32, #tpu.memory_space<vmem_shared>>
    tpu.enqueue_dma source(%arg8 : memref<128x96xf32, #tpu.memory_space<vmem>>) target(%dma_start3A_216 : memref<128x96xf32, #tpu.memory_space<vmem_shared>>) target_semaphore(%arg13 : memref<!tpu.dma_semaphore, #tpu.memory_space<semaphore_mem>>)
    %dma_wait3A_217 = arith.constant 0 : i32
    %dma_wait3A_218 = tpu.memref_slice %arg10[%mul3A_0, %dma_wait3A_217] : memref<10240x96xf32, #tpu.memory_space<vmem_shared>> -> memref<128x96xf32, #tpu.memory_space<vmem_shared>>
    %dma_wait3A_219 = arith.constant 0 : i32
    %dma_wait3A_220 = tpu.memref_slice %arg10[%mul3A_0, %dma_wait3A_219] : memref<10240x96xf32, #tpu.memory_space<vmem_shared>> -> memref<128x96xf32, #tpu.memory_space<vmem_shared>>
    tpu.wait_dma2 semaphore(%arg13 : memref<!tpu.dma_semaphore, #tpu.memory_space<semaphore_mem>>) src(%arg8 : memref<128x96xf32, #tpu.memory_space<vmem>>) dst(%dma_wait3A_220 : memref<128x96xf32, #tpu.memory_space<vmem_shared>>)
    %dma_wait3A_221 = arith.constant 0 : i32
    %dma_wait3A_222 = tpu.memref_slice %arg10[%mul3A_0, %dma_wait3A_221] : memref<10240x96xf32, #tpu.memory_space<vmem_shared>> -> memref<128x96xf32, #tpu.memory_space<vmem_shared>>
    %dma_wait3A_223 = arith.constant 0 : i32
    %dma_wait3A_224 = tpu.memref_slice %arg10[%mul3A_0, %dma_wait3A_223] : memref<10240x96xf32, #tpu.memory_space<vmem_shared>> -> memref<128x96xf32, #tpu.memory_space<vmem_shared>>
    tpu.wait_dma2 semaphore(%arg13 : memref<!tpu.dma_semaphore, #tpu.memory_space<semaphore_mem>>) src(%arg8 : memref<128x96xf32, #tpu.memory_space<vmem>>) dst(%dma_wait3A_224 : memref<128x96xf32, #tpu.memory_space<vmem_shared>>)
    %dma_wait3A_225 = arith.constant 0 : i32
    %dma_wait3A_226 = tpu.memref_slice %arg10[%mul3A_0, %dma_wait3A_225] : memref<10240x96xf32, #tpu.memory_space<vmem_shared>> -> memref<128x96xf32, #tpu.memory_space<vmem_shared>>
    %dma_wait3A_227 = arith.constant 0 : i32
    %dma_wait3A_228 = tpu.memref_slice %arg10[%mul3A_0, %dma_wait3A_227] : memref<10240x96xf32, #tpu.memory_space<vmem_shared>> -> memref<128x96xf32, #tpu.memory_space<vmem_shared>>
    tpu.wait_dma2 semaphore(%arg13 : memref<!tpu.dma_semaphore, #tpu.memory_space<semaphore_mem>>) src(%arg8 : memref<128x96xf32, #tpu.memory_space<vmem>>) dst(%dma_wait3A_228 : memref<128x96xf32, #tpu.memory_space<vmem_shared>>)
    %dma_wait3A_229 = arith.constant 0 : i32
    %dma_wait3A_230 = tpu.memref_slice %arg10[%mul3A_0, %dma_wait3A_229] : memref<10240x96xf32, #tpu.memory_space<vmem_shared>> -> memref<128x96xf32, #tpu.memory_space<vmem_shared>>
    %dma_wait3A_231 = arith.constant 0 : i32
    %dma_wait3A_232 = tpu.memref_slice %arg10[%mul3A_0, %dma_wait3A_231] : memref<10240x96xf32, #tpu.memory_space<vmem_shared>> -> memref<128x96xf32, #tpu.memory_space<vmem_shared>>
    tpu.wait_dma2 semaphore(%arg13 : memref<!tpu.dma_semaphore, #tpu.memory_space<semaphore_mem>>) src(%arg8 : memref<128x96xf32, #tpu.memory_space<vmem>>) dst(%dma_wait3A_232 : memref<128x96xf32, #tpu.memory_space<vmem_shared>>)
    %dma_wait3A_233 = arith.constant 0 : i32
    %dma_wait3A_234 = tpu.memref_slice %arg10[%mul3A_0, %dma_wait3A_233] : memref<10240x96xf32, #tpu.memory_space<vmem_shared>> -> memref<128x96xf32, #tpu.memory_space<vmem_shared>>
    %dma_wait3A_235 = arith.constant 0 : i32
    %dma_wait3A_236 = tpu.memref_slice %arg10[%mul3A_0, %dma_wait3A_235] : memref<10240x96xf32, #tpu.memory_space<vmem_shared>> -> memref<128x96xf32, #tpu.memory_space<vmem_shared>>
    tpu.wait_dma2 semaphore(%arg13 : memref<!tpu.dma_semaphore, #tpu.memory_space<semaphore_mem>>) src(%arg8 : memref<128x96xf32, #tpu.memory_space<vmem>>) dst(%dma_wait3A_236 : memref<128x96xf32, #tpu.memory_space<vmem_shared>>)
    %barrier3A_237 = arith.constant 0 : index
    tpu.barrier barrier_id(%barrier3A_237)
    %scan3A_238 = arith.constant 0 : i32
    %scan3A_239 = arith.constant 0 : i32
    %scan3A_240 = arith.constant 157 : i32
    %scan3A_241 = arith.addi %scan3A_239, %scan3A_240 : i32
    %scan3A_242 = arith.constant 1 : i32
    %scan3A_243 = scf.for %scan3A_374 = %scan3A_239 to %scan3A_241 step %scan3A_242 iter_args(%scan3A_375 = %scan3A_238) -> (i32)  : i32 {
      %mul3A_376 = arith.constant 314 : i32
      %mul3A_377 = arith.muli %arg1, %mul3A_376 : i32
      %mul3A_378 = arith.constant 2 : i32
      %mul3A_379 = arith.muli %mul3A_378, %scan3A_374 : i32
      %add3A_380 = arith.addi %mul3A_377, %mul3A_379 : i32
      %gt3A = arith.constant 0 : i32
      %gt3A_381 = arith.cmpi sgt, %scan3A_374, %gt3A : i32
      %convert_element_type3A = arith.extui %gt3A_381 : i1 to i32
      %cond3A = arith.constant 0 : i32
      %cond3A_382 = arith.cmpi ne, %convert_element_type3A, %cond3A : i32
      scf.if %cond3A_382 {
        %dma_wait3A_433 = arith.constant 1 : i32
        %dma_wait3A_434 = arith.constant 0 : i32
        %dma_wait3A_435 = tpu.memref_slice %arg6[%dma_wait3A_433, %dma_wait3A_434] : memref<2x128xi32, #tpu.memory_space<vmem>> -> memref<1x128xi32, #tpu.memory_space<vmem>>
        %dma_wait3A_436 = tpu.memref_squeeze %dma_wait3A_435 : memref<1x128xi32, #tpu.memory_space<vmem>> -> memref<128xi32, #tpu.memory_space<vmem>>
        %dma_wait3A_437 = arith.constant 0 : i32
        %dma_wait3A_438 = arith.constant 0 : i32
        %dma_wait3A_439 = tpu.memref_slice %arg10[%dma_wait3A_437, %dma_wait3A_438] : memref<10240x96xf32, #tpu.memory_space<vmem_shared>> -> memref<10240x96xf32, #tpu.memory_space<vmem_shared>>
        tpu.wait_indirect_dma semaphore(%arg13 : memref<!tpu.dma_semaphore, #tpu.memory_space<semaphore_mem>>) src(%arg8 : memref<128x96xf32, #tpu.memory_space<vmem>>) dst(%dma_wait3A_439 : memref<10240x96xf32, #tpu.memory_space<vmem_shared>>)
      } else {
      }
      "tpu.region"() ({
        %run_scoped3A = tpu.sem_alloc : memref<!tpu.dma_semaphore, #tpu.memory_space<semaphore_mem>>
        %dma_start3A_433 = arith.constant 0 : i32
        %dma_start3A_434 = arith.constant 0 : i32
        %dma_start3A_435 = tpu.memref_slice %arg3[%add3A_186, %add3A_380, %dma_start3A_433, %dma_start3A_434] : memref<4x5024x2x128xi32, #tpu.memory_space<hbm>> -> memref<1x1x2x128xi32, #tpu.memory_space<hbm>>
        %dma_start3A_436 = tpu.memref_squeeze %dma_start3A_435 : memref<1x1x2x128xi32, #tpu.memory_space<hbm>> -> memref<2x128xi32, #tpu.memory_space<hbm>>
        %dma_start3A_437 = arith.constant 0 : i32
        %dma_start3A_438 = arith.constant 0 : i32
        %dma_start3A_439 = tpu.memref_slice %arg3[%add3A_186, %add3A_380, %dma_start3A_437, %dma_start3A_438] : memref<4x5024x2x128xi32, #tpu.memory_space<hbm>> -> memref<1x1x2x128xi32, #tpu.memory_space<hbm>>
        %dma_start3A_440 = tpu.memref_squeeze %dma_start3A_439 : memref<1x1x2x128xi32, #tpu.memory_space<hbm>> -> memref<2x128xi32, #tpu.memory_space<hbm>>
        tpu.enqueue_dma source(%dma_start3A_440 : memref<2x128xi32, #tpu.memory_space<hbm>>) target(%arg6 : memref<2x128xi32, #tpu.memory_space<vmem>>) target_semaphore(%run_scoped3A : memref<!tpu.dma_semaphore, #tpu.memory_space<semaphore_mem>>)
        %dma_wait3A_441 = arith.constant 0 : i32
        %dma_wait3A_442 = arith.constant 0 : i32
        %dma_wait3A_443 = tpu.memref_slice %arg3[%add3A_186, %add3A_380, %dma_wait3A_441, %dma_wait3A_442] : memref<4x5024x2x128xi32, #tpu.memory_space<hbm>> -> memref<1x1x2x128xi32, #tpu.memory_space<hbm>>
        %dma_wait3A_444 = tpu.memref_squeeze %dma_wait3A_443 : memref<1x1x2x128xi32, #tpu.memory_space<hbm>> -> memref<2x128xi32, #tpu.memory_space<hbm>>
        %dma_wait3A_445 = arith.constant 0 : i32
        %dma_wait3A_446 = arith.constant 0 : i32
        %dma_wait3A_447 = tpu.memref_slice %arg3[%add3A_186, %add3A_380, %dma_wait3A_445, %dma_wait3A_446] : memref<4x5024x2x128xi32, #tpu.memory_space<hbm>> -> memref<1x1x2x128xi32, #tpu.memory_space<hbm>>
        %dma_wait3A_448 = tpu.memref_squeeze %dma_wait3A_447 : memref<1x1x2x128xi32, #tpu.memory_space<hbm>> -> memref<2x128xi32, #tpu.memory_space<hbm>>
        tpu.wait_dma2 semaphore(%run_scoped3A : memref<!tpu.dma_semaphore, #tpu.memory_space<semaphore_mem>>) src(%dma_wait3A_448 : memref<2x128xi32, #tpu.memory_space<hbm>>) dst(%arg6 : memref<2x128xi32, #tpu.memory_space<vmem>>)
        tpu.yield
      }) : () -> ()
      %dma_start3A_383 = arith.constant 0 : i32
      %dma_start3A_384 = arith.constant 0 : i32
      %dma_start3A_385 = tpu.memref_slice %arg6[%dma_start3A_383, %dma_start3A_384] : memref<2x128xi32, #tpu.memory_space<vmem>> -> memref<1x128xi32, #tpu.memory_space<vmem>>
      %dma_start3A_386 = tpu.memref_squeeze %dma_start3A_385 : memref<1x128xi32, #tpu.memory_space<vmem>> -> memref<128xi32, #tpu.memory_space<vmem>>
      %dma_start3A_387 = arith.constant 0 : i32
      %dma_start3A_388 = arith.constant 0 : i32
      %dma_start3A_389 = tpu.memref_slice %arg2[%dma_start3A_387, %dma_start3A_388] : memref<40960x96xf32, #tpu.memory_space<hbm>> -> memref<40960x96xf32, #tpu.memory_space<hbm>>
      tpu.enqueue_indirect_dma source(%dma_start3A_389 : memref<40960x96xf32, #tpu.memory_space<hbm>>) target(%arg8 : memref<128x96xf32, #tpu.memory_space<vmem>>) offsets(%dma_start3A_386 : memref<128xi32, #tpu.memory_space<vmem>>) semaphore(%arg11 : memref<!tpu.dma_semaphore, #tpu.memory_space<semaphore_mem>>)
      %gt3A_390 = arith.constant 0 : i32
      %gt3A_391 = arith.cmpi sgt, %scan3A_374, %gt3A_390 : i32
      %convert_element_type3A_392 = arith.extui %gt3A_391 : i1 to i32
      %cond3A_393 = arith.constant 0 : i32
      %cond3A_394 = arith.cmpi ne, %convert_element_type3A_392, %cond3A_393 : i32
      scf.if %cond3A_394 {
        %dma_wait3A_433 = arith.constant 1 : i32
        %dma_wait3A_434 = arith.constant 0 : i32
        %dma_wait3A_435 = tpu.memref_slice %arg7[%dma_wait3A_433, %dma_wait3A_434] : memref<2x128xi32, #tpu.memory_space<vmem>> -> memref<1x128xi32, #tpu.memory_space<vmem>>
        %dma_wait3A_436 = tpu.memref_squeeze %dma_wait3A_435 : memref<1x128xi32, #tpu.memory_space<vmem>> -> memref<128xi32, #tpu.memory_space<vmem>>
        %dma_wait3A_437 = arith.constant 0 : i32
        %dma_wait3A_438 = arith.constant 0 : i32
        %dma_wait3A_439 = tpu.memref_slice %arg10[%dma_wait3A_437, %dma_wait3A_438] : memref<10240x96xf32, #tpu.memory_space<vmem_shared>> -> memref<10240x96xf32, #tpu.memory_space<vmem_shared>>
        tpu.wait_indirect_dma semaphore(%arg14 : memref<!tpu.dma_semaphore, #tpu.memory_space<semaphore_mem>>) src(%arg9 : memref<128x96xf32, #tpu.memory_space<vmem>>) dst(%dma_wait3A_439 : memref<10240x96xf32, #tpu.memory_space<vmem_shared>>)
      } else {
      }
      %add3A_395 = arith.constant 1 : i32
      %add3A_396 = arith.addi %add3A_380, %add3A_395 : i32
      "tpu.region"() ({
        %run_scoped3A = tpu.sem_alloc : memref<!tpu.dma_semaphore, #tpu.memory_space<semaphore_mem>>
        %dma_start3A_433 = arith.constant 0 : i32
        %dma_start3A_434 = arith.constant 0 : i32
        %dma_start3A_435 = tpu.memref_slice %arg3[%add3A_186, %add3A_396, %dma_start3A_433, %dma_start3A_434] : memref<4x5024x2x128xi32, #tpu.memory_space<hbm>> -> memref<1x1x2x128xi32, #tpu.memory_space<hbm>>
        %dma_start3A_436 = tpu.memref_squeeze %dma_start3A_435 : memref<1x1x2x128xi32, #tpu.memory_space<hbm>> -> memref<2x128xi32, #tpu.memory_space<hbm>>
        %dma_start3A_437 = arith.constant 0 : i32
        %dma_start3A_438 = arith.constant 0 : i32
        %dma_start3A_439 = tpu.memref_slice %arg3[%add3A_186, %add3A_396, %dma_start3A_437, %dma_start3A_438] : memref<4x5024x2x128xi32, #tpu.memory_space<hbm>> -> memref<1x1x2x128xi32, #tpu.memory_space<hbm>>
        %dma_start3A_440 = tpu.memref_squeeze %dma_start3A_439 : memref<1x1x2x128xi32, #tpu.memory_space<hbm>> -> memref<2x128xi32, #tpu.memory_space<hbm>>
        tpu.enqueue_dma source(%dma_start3A_440 : memref<2x128xi32, #tpu.memory_space<hbm>>) target(%arg7 : memref<2x128xi32, #tpu.memory_space<vmem>>) target_semaphore(%run_scoped3A : memref<!tpu.dma_semaphore, #tpu.memory_space<semaphore_mem>>)
        %dma_wait3A_441 = arith.constant 0 : i32
        %dma_wait3A_442 = arith.constant 0 : i32
        %dma_wait3A_443 = tpu.memref_slice %arg3[%add3A_186, %add3A_396, %dma_wait3A_441, %dma_wait3A_442] : memref<4x5024x2x128xi32, #tpu.memory_space<hbm>> -> memref<1x1x2x128xi32, #tpu.memory_space<hbm>>
        %dma_wait3A_444 = tpu.memref_squeeze %dma_wait3A_443 : memref<1x1x2x128xi32, #tpu.memory_space<hbm>> -> memref<2x128xi32, #tpu.memory_space<hbm>>
        %dma_wait3A_445 = arith.constant 0 : i32
        %dma_wait3A_446 = arith.constant 0 : i32
        %dma_wait3A_447 = tpu.memref_slice %arg3[%add3A_186, %add3A_396, %dma_wait3A_445, %dma_wait3A_446] : memref<4x5024x2x128xi32, #tpu.memory_space<hbm>> -> memref<1x1x2x128xi32, #tpu.memory_space<hbm>>
        %dma_wait3A_448 = tpu.memref_squeeze %dma_wait3A_447 : memref<1x1x2x128xi32, #tpu.memory_space<hbm>> -> memref<2x128xi32, #tpu.memory_space<hbm>>
        tpu.wait_dma2 semaphore(%run_scoped3A : memref<!tpu.dma_semaphore, #tpu.memory_space<semaphore_mem>>) src(%dma_wait3A_448 : memref<2x128xi32, #tpu.memory_space<hbm>>) dst(%arg7 : memref<2x128xi32, #tpu.memory_space<vmem>>)
        tpu.yield
      }) : () -> ()
      %dma_start3A_397 = arith.constant 0 : i32
      %dma_start3A_398 = arith.constant 0 : i32
      %dma_start3A_399 = tpu.memref_slice %arg7[%dma_start3A_397, %dma_start3A_398] : memref<2x128xi32, #tpu.memory_space<vmem>> -> memref<1x128xi32, #tpu.memory_space<vmem>>
      %dma_start3A_400 = tpu.memref_squeeze %dma_start3A_399 : memref<1x128xi32, #tpu.memory_space<vmem>> -> memref<128xi32, #tpu.memory_space<vmem>>
      %dma_start3A_401 = arith.constant 0 : i32
      %dma_start3A_402 = arith.constant 0 : i32
      %dma_start3A_403 = tpu.memref_slice %arg2[%dma_start3A_401, %dma_start3A_402] : memref<40960x96xf32, #tpu.memory_space<hbm>> -> memref<40960x96xf32, #tpu.memory_space<hbm>>
      tpu.enqueue_indirect_dma source(%dma_start3A_403 : memref<40960x96xf32, #tpu.memory_space<hbm>>) target(%arg9 : memref<128x96xf32, #tpu.memory_space<vmem>>) offsets(%dma_start3A_400 : memref<128xi32, #tpu.memory_space<vmem>>) semaphore(%arg12 : memref<!tpu.dma_semaphore, #tpu.memory_space<semaphore_mem>>)
      %dma_wait3A_404 = arith.constant 0 : i32
      %dma_wait3A_405 = arith.constant 0 : i32
      %dma_wait3A_406 = tpu.memref_slice %arg6[%dma_wait3A_404, %dma_wait3A_405] : memref<2x128xi32, #tpu.memory_space<vmem>> -> memref<1x128xi32, #tpu.memory_space<vmem>>
      %dma_wait3A_407 = tpu.memref_squeeze %dma_wait3A_406 : memref<1x128xi32, #tpu.memory_space<vmem>> -> memref<128xi32, #tpu.memory_space<vmem>>
      %dma_wait3A_408 = arith.constant 0 : i32
      %dma_wait3A_409 = arith.constant 0 : i32
      %dma_wait3A_410 = tpu.memref_slice %arg2[%dma_wait3A_408, %dma_wait3A_409] : memref<40960x96xf32, #tpu.memory_space<hbm>> -> memref<40960x96xf32, #tpu.memory_space<hbm>>
      tpu.wait_indirect_dma semaphore(%arg11 : memref<!tpu.dma_semaphore, #tpu.memory_space<semaphore_mem>>) src(%dma_wait3A_410 : memref<40960x96xf32, #tpu.memory_space<hbm>>) dst(%arg8 : memref<128x96xf32, #tpu.memory_space<vmem>>)
      %dma_start3A_411 = arith.constant 1 : i32
      %dma_start3A_412 = arith.constant 0 : i32
      %dma_start3A_413 = tpu.memref_slice %arg6[%dma_start3A_411, %dma_start3A_412] : memref<2x128xi32, #tpu.memory_space<vmem>> -> memref<1x128xi32, #tpu.memory_space<vmem>>
      %dma_start3A_414 = tpu.memref_squeeze %dma_start3A_413 : memref<1x128xi32, #tpu.memory_space<vmem>> -> memref<128xi32, #tpu.memory_space<vmem>>
      %dma_start3A_415 = arith.constant 0 : i32
      %dma_start3A_416 = arith.constant 0 : i32
      %dma_start3A_417 = tpu.memref_slice %arg10[%dma_start3A_415, %dma_start3A_416] : memref<10240x96xf32, #tpu.memory_space<vmem_shared>> -> memref<10240x96xf32, #tpu.memory_space<vmem_shared>>
      tpu.enqueue_indirect_dma source(%arg8 : memref<128x96xf32, #tpu.memory_space<vmem>>) target(%dma_start3A_417 : memref<10240x96xf32, #tpu.memory_space<vmem_shared>>) offsets(%dma_start3A_414 : memref<128xi32, #tpu.memory_space<vmem>>) semaphore(%arg13 : memref<!tpu.dma_semaphore, #tpu.memory_space<semaphore_mem>>) {add = true}
      %dma_wait3A_418 = arith.constant 0 : i32
      %dma_wait3A_419 = arith.constant 0 : i32
      %dma_wait3A_420 = tpu.memref_slice %arg7[%dma_wait3A_418, %dma_wait3A_419] : memref<2x128xi32, #tpu.memory_space<vmem>> -> memref<1x128xi32, #tpu.memory_space<vmem>>
      %dma_wait3A_421 = tpu.memref_squeeze %dma_wait3A_420 : memref<1x128xi32, #tpu.memory_space<vmem>> -> memref<128xi32, #tpu.memory_space<vmem>>
      %dma_wait3A_422 = arith.constant 0 : i32
      %dma_wait3A_423 = arith.constant 0 : i32
      %dma_wait3A_424 = tpu.memref_slice %arg2[%dma_wait3A_422, %dma_wait3A_423] : memref<40960x96xf32, #tpu.memory_space<hbm>> -> memref<40960x96xf32, #tpu.memory_space<hbm>>
      tpu.wait_indirect_dma semaphore(%arg12 : memref<!tpu.dma_semaphore, #tpu.memory_space<semaphore_mem>>) src(%dma_wait3A_424 : memref<40960x96xf32, #tpu.memory_space<hbm>>) dst(%arg9 : memref<128x96xf32, #tpu.memory_space<vmem>>)
      %dma_start3A_425 = arith.constant 1 : i32
      %dma_start3A_426 = arith.constant 0 : i32
      %dma_start3A_427 = tpu.memref_slice %arg7[%dma_start3A_425, %dma_start3A_426] : memref<2x128xi32, #tpu.memory_space<vmem>> -> memref<1x128xi32, #tpu.memory_space<vmem>>
      %dma_start3A_428 = tpu.memref_squeeze %dma_start3A_427 : memref<1x128xi32, #tpu.memory_space<vmem>> -> memref<128xi32, #tpu.memory_space<vmem>>
      %dma_start3A_429 = arith.constant 0 : i32
      %dma_start3A_430 = arith.constant 0 : i32
      %dma_start3A_431 = tpu.memref_slice %arg10[%dma_start3A_429, %dma_start3A_430] : memref<10240x96xf32, #tpu.memory_space<vmem_shared>> -> memref<10240x96xf32, #tpu.memory_space<vmem_shared>>
      tpu.enqueue_indirect_dma source(%arg9 : memref<128x96xf32, #tpu.memory_space<vmem>>) target(%dma_start3A_431 : memref<10240x96xf32, #tpu.memory_space<vmem_shared>>) offsets(%dma_start3A_428 : memref<128xi32, #tpu.memory_space<vmem>>) semaphore(%arg14 : memref<!tpu.dma_semaphore, #tpu.memory_space<semaphore_mem>>) {add = true}
      %scan3A_432 = arith.constant 0 : i32
      scf.yield %scan3A_432 : i32
    }
    %scan3A_244 = arith.constant 157 : i32
    %dma_wait3A_245 = arith.constant 1 : i32
    %dma_wait3A_246 = arith.constant 0 : i32
    %dma_wait3A_247 = tpu.memref_slice %arg6[%dma_wait3A_245, %dma_wait3A_246] : memref<2x128xi32, #tpu.memory_space<vmem>> -> memref<1x128xi32, #tpu.memory_space<vmem>>
    %dma_wait3A_248 = tpu.memref_squeeze %dma_wait3A_247 : memref<1x128xi32, #tpu.memory_space<vmem>> -> memref<128xi32, #tpu.memory_space<vmem>>
    %dma_wait3A_249 = arith.constant 0 : i32
    %dma_wait3A_250 = arith.constant 0 : i32
    %dma_wait3A_251 = tpu.memref_slice %arg10[%dma_wait3A_249, %dma_wait3A_250] : memref<10240x96xf32, #tpu.memory_space<vmem_shared>> -> memref<10240x96xf32, #tpu.memory_space<vmem_shared>>
    tpu.wait_indirect_dma semaphore(%arg13 : memref<!tpu.dma_semaphore, #tpu.memory_space<semaphore_mem>>) src(%arg8 : memref<128x96xf32, #tpu.memory_space<vmem>>) dst(%dma_wait3A_251 : memref<10240x96xf32, #tpu.memory_space<vmem_shared>>)
    %dma_wait3A_252 = arith.constant 1 : i32
    %dma_wait3A_253 = arith.constant 0 : i32
    %dma_wait3A_254 = tpu.memref_slice %arg7[%dma_wait3A_252, %dma_wait3A_253] : memref<2x128xi32, #tpu.memory_space<vmem>> -> memref<1x128xi32, #tpu.memory_space<vmem>>
    %dma_wait3A_255 = tpu.memref_squeeze %dma_wait3A_254 : memref<1x128xi32, #tpu.memory_space<vmem>> -> memref<128xi32, #tpu.memory_space<vmem>>
    %dma_wait3A_256 = arith.constant 0 : i32
    %dma_wait3A_257 = arith.constant 0 : i32
    %dma_wait3A_258 = tpu.memref_slice %arg10[%dma_wait3A_256, %dma_wait3A_257] : memref<10240x96xf32, #tpu.memory_space<vmem_shared>> -> memref<10240x96xf32, #tpu.memory_space<vmem_shared>>
    tpu.wait_indirect_dma semaphore(%arg14 : memref<!tpu.dma_semaphore, #tpu.memory_space<semaphore_mem>>) src(%arg9 : memref<128x96xf32, #tpu.memory_space<vmem>>) dst(%dma_wait3A_258 : memref<10240x96xf32, #tpu.memory_space<vmem_shared>>)
    %barrier3A_259 = arith.constant 0 : index
    tpu.barrier barrier_id(%barrier3A_259)
    %dma_start3A_260 = arith.constant 0 : i32
    %dma_start3A_261 = tpu.memref_slice %arg10[%mul3A_0, %dma_start3A_260] : memref<10240x96xf32, #tpu.memory_space<vmem_shared>> -> memref<128x96xf32, #tpu.memory_space<vmem_shared>>
    %dma_start3A_262 = arith.constant 0 : i32
    %dma_start3A_263 = tpu.memref_slice %arg10[%mul3A_0, %dma_start3A_262] : memref<10240x96xf32, #tpu.memory_space<vmem_shared>> -> memref<128x96xf32, #tpu.memory_space<vmem_shared>>
    tpu.enqueue_dma source(%dma_start3A_263 : memref<128x96xf32, #tpu.memory_space<vmem_shared>>) target(%arg8 : memref<128x96xf32, #tpu.memory_space<vmem>>) target_semaphore(%arg11 : memref<!tpu.dma_semaphore, #tpu.memory_space<semaphore_mem>>)
    %dma_wait3A_264 = arith.constant 0 : i32
    %dma_wait3A_265 = tpu.memref_slice %arg10[%mul3A_0, %dma_wait3A_264] : memref<10240x96xf32, #tpu.memory_space<vmem_shared>> -> memref<128x96xf32, #tpu.memory_space<vmem_shared>>
    %dma_wait3A_266 = arith.constant 0 : i32
    %dma_wait3A_267 = tpu.memref_slice %arg10[%mul3A_0, %dma_wait3A_266] : memref<10240x96xf32, #tpu.memory_space<vmem_shared>> -> memref<128x96xf32, #tpu.memory_space<vmem_shared>>
    tpu.wait_dma2 semaphore(%arg11 : memref<!tpu.dma_semaphore, #tpu.memory_space<semaphore_mem>>) src(%dma_wait3A_267 : memref<128x96xf32, #tpu.memory_space<vmem_shared>>) dst(%arg8 : memref<128x96xf32, #tpu.memory_space<vmem>>)
    %mul3A_268 = arith.constant 10240 : i32
    %mul3A_269 = arith.muli %add3A_186, %mul3A_268 : i32
    %add3A_270 = arith.addi %mul3A_269, %mul3A_0 : i32
    %add3A_271 = arith.constant 0 : i32
    %add3A_272 = arith.addi %add3A_270, %add3A_271 : i32
    %dma_start3A_273 = arith.constant 0 : i32
    %dma_start3A_274 = tpu.memref_slice %arg5[%add3A_272, %dma_start3A_273] : memref<40960x96xf32, #tpu.memory_space<hbm>> -> memref<128x96xf32, #tpu.memory_space<hbm>>
    %dma_start3A_275 = arith.constant 0 : i32
    %dma_start3A_276 = tpu.memref_slice %arg5[%add3A_272, %dma_start3A_275] : memref<40960x96xf32, #tpu.memory_space<hbm>> -> memref<128x96xf32, #tpu.memory_space<hbm>>
    tpu.enqueue_dma source(%arg8 : memref<128x96xf32, #tpu.memory_space<vmem>>) target(%dma_start3A_276 : memref<128x96xf32, #tpu.memory_space<hbm>>) target_semaphore(%arg13 : memref<!tpu.dma_semaphore, #tpu.memory_space<semaphore_mem>>)
    %add3A_277 = arith.constant 128 : i32
    %add3A_278 = arith.addi %mul3A_0, %add3A_277 : i32
    %dma_start3A_279 = arith.constant 0 : i32
    %dma_start3A_280 = tpu.memref_slice %arg10[%add3A_278, %dma_start3A_279] : memref<10240x96xf32, #tpu.memory_space<vmem_shared>> -> memref<128x96xf32, #tpu.memory_space<vmem_shared>>
    %dma_start3A_281 = arith.constant 0 : i32
    %dma_start3A_282 = tpu.memref_slice %arg10[%add3A_278, %dma_start3A_281] : memref<10240x96xf32, #tpu.memory_space<vmem_shared>> -> memref<128x96xf32, #tpu.memory_space<vmem_shared>>
    tpu.enqueue_dma source(%dma_start3A_282 : memref<128x96xf32, #tpu.memory_space<vmem_shared>>) target(%arg9 : memref<128x96xf32, #tpu.memory_space<vmem>>) target_semaphore(%arg12 : memref<!tpu.dma_semaphore, #tpu.memory_space<semaphore_mem>>)
    %dma_wait3A_283 = arith.constant 0 : i32
    %dma_wait3A_284 = tpu.memref_slice %arg10[%mul3A_0, %dma_wait3A_283] : memref<10240x96xf32, #tpu.memory_space<vmem_shared>> -> memref<128x96xf32, #tpu.memory_space<vmem_shared>>
    %dma_wait3A_285 = arith.constant 0 : i32
    %dma_wait3A_286 = tpu.memref_slice %arg10[%mul3A_0, %dma_wait3A_285] : memref<10240x96xf32, #tpu.memory_space<vmem_shared>> -> memref<128x96xf32, #tpu.memory_space<vmem_shared>>
    tpu.wait_dma2 semaphore(%arg12 : memref<!tpu.dma_semaphore, #tpu.memory_space<semaphore_mem>>) src(%dma_wait3A_286 : memref<128x96xf32, #tpu.memory_space<vmem_shared>>) dst(%arg9 : memref<128x96xf32, #tpu.memory_space<vmem>>)
    %mul3A_287 = arith.constant 10240 : i32
    %mul3A_288 = arith.muli %add3A_186, %mul3A_287 : i32
    %add3A_289 = arith.addi %mul3A_288, %mul3A_0 : i32
    %add3A_290 = arith.constant 128 : i32
    %add3A_291 = arith.addi %add3A_289, %add3A_290 : i32
    %dma_start3A_292 = arith.constant 0 : i32
    %dma_start3A_293 = tpu.memref_slice %arg5[%add3A_291, %dma_start3A_292] : memref<40960x96xf32, #tpu.memory_space<hbm>> -> memref<128x96xf32, #tpu.memory_space<hbm>>
    %dma_start3A_294 = arith.constant 0 : i32
    %dma_start3A_295 = tpu.memref_slice %arg5[%add3A_291, %dma_start3A_294] : memref<40960x96xf32, #tpu.memory_space<hbm>> -> memref<128x96xf32, #tpu.memory_space<hbm>>
    tpu.enqueue_dma source(%arg9 : memref<128x96xf32, #tpu.memory_space<vmem>>) target(%dma_start3A_295 : memref<128x96xf32, #tpu.memory_space<hbm>>) target_semaphore(%arg14 : memref<!tpu.dma_semaphore, #tpu.memory_space<semaphore_mem>>)
    %dma_wait3A_296 = arith.constant 0 : i32
    %dma_wait3A_297 = tpu.memref_slice %arg5[%mul3A_0, %dma_wait3A_296] : memref<40960x96xf32, #tpu.memory_space<hbm>> -> memref<128x96xf32, #tpu.memory_space<hbm>>
    %dma_wait3A_298 = arith.constant 0 : i32
    %dma_wait3A_299 = tpu.memref_slice %arg5[%mul3A_0, %dma_wait3A_298] : memref<40960x96xf32, #tpu.memory_space<hbm>> -> memref<128x96xf32, #tpu.memory_space<hbm>>
    tpu.wait_dma2 semaphore(%arg13 : memref<!tpu.dma_semaphore, #tpu.memory_space<semaphore_mem>>) src(%arg8 : memref<128x96xf32, #tpu.memory_space<vmem>>) dst(%dma_wait3A_299 : memref<128x96xf32, #tpu.memory_space<hbm>>)
    %add3A_300 = arith.constant 256 : i32
    %add3A_301 = arith.addi %mul3A_0, %add3A_300 : i32
    %dma_start3A_302 = arith.constant 0 : i32
    %dma_start3A_303 = tpu.memref_slice %arg10[%add3A_301, %dma_start3A_302] : memref<10240x96xf32, #tpu.memory_space<vmem_shared>> -> memref<128x96xf32, #tpu.memory_space<vmem_shared>>
    %dma_start3A_304 = arith.constant 0 : i32
    %dma_start3A_305 = tpu.memref_slice %arg10[%add3A_301, %dma_start3A_304] : memref<10240x96xf32, #tpu.memory_space<vmem_shared>> -> memref<128x96xf32, #tpu.memory_space<vmem_shared>>
    tpu.enqueue_dma source(%dma_start3A_305 : memref<128x96xf32, #tpu.memory_space<vmem_shared>>) target(%arg8 : memref<128x96xf32, #tpu.memory_space<vmem>>) target_semaphore(%arg11 : memref<!tpu.dma_semaphore, #tpu.memory_space<semaphore_mem>>)
    %dma_wait3A_306 = arith.constant 0 : i32
    %dma_wait3A_307 = tpu.memref_slice %arg10[%mul3A_0, %dma_wait3A_306] : memref<10240x96xf32, #tpu.memory_space<vmem_shared>> -> memref<128x96xf32, #tpu.memory_space<vmem_shared>>
    %dma_wait3A_308 = arith.constant 0 : i32
    %dma_wait3A_309 = tpu.memref_slice %arg10[%mul3A_0, %dma_wait3A_308] : memref<10240x96xf32, #tpu.memory_space<vmem_shared>> -> memref<128x96xf32, #tpu.memory_space<vmem_shared>>
    tpu.wait_dma2 semaphore(%arg11 : memref<!tpu.dma_semaphore, #tpu.memory_space<semaphore_mem>>) src(%dma_wait3A_309 : memref<128x96xf32, #tpu.memory_space<vmem_shared>>) dst(%arg8 : memref<128x96xf32, #tpu.memory_space<vmem>>)
    %mul3A_310 = arith.constant 10240 : i32
    %mul3A_311 = arith.muli %add3A_186, %mul3A_310 : i32
    %add3A_312 = arith.addi %mul3A_311, %mul3A_0 : i32
    %add3A_313 = arith.constant 256 : i32
    %add3A_314 = arith.addi %add3A_312, %add3A_313 : i32
    %dma_start3A_315 = arith.constant 0 : i32
    %dma_start3A_316 = tpu.memref_slice %arg5[%add3A_314, %dma_start3A_315] : memref<40960x96xf32, #tpu.memory_space<hbm>> -> memref<128x96xf32, #tpu.memory_space<hbm>>
    %dma_start3A_317 = arith.constant 0 : i32
    %dma_start3A_318 = tpu.memref_slice %arg5[%add3A_314, %dma_start3A_317] : memref<40960x96xf32, #tpu.memory_space<hbm>> -> memref<128x96xf32, #tpu.memory_space<hbm>>
    tpu.enqueue_dma source(%arg8 : memref<128x96xf32, #tpu.memory_space<vmem>>) target(%dma_start3A_318 : memref<128x96xf32, #tpu.memory_space<hbm>>) target_semaphore(%arg13 : memref<!tpu.dma_semaphore, #tpu.memory_space<semaphore_mem>>)
    %dma_wait3A_319 = arith.constant 0 : i32
    %dma_wait3A_320 = tpu.memref_slice %arg5[%mul3A_0, %dma_wait3A_319] : memref<40960x96xf32, #tpu.memory_space<hbm>> -> memref<128x96xf32, #tpu.memory_space<hbm>>
    %dma_wait3A_321 = arith.constant 0 : i32
    %dma_wait3A_322 = tpu.memref_slice %arg5[%mul3A_0, %dma_wait3A_321] : memref<40960x96xf32, #tpu.memory_space<hbm>> -> memref<128x96xf32, #tpu.memory_space<hbm>>
    tpu.wait_dma2 semaphore(%arg14 : memref<!tpu.dma_semaphore, #tpu.memory_space<semaphore_mem>>) src(%arg9 : memref<128x96xf32, #tpu.memory_space<vmem>>) dst(%dma_wait3A_322 : memref<128x96xf32, #tpu.memory_space<hbm>>)
    %add3A_323 = arith.constant 384 : i32
    %add3A_324 = arith.addi %mul3A_0, %add3A_323 : i32
    %dma_start3A_325 = arith.constant 0 : i32
    %dma_start3A_326 = tpu.memref_slice %arg10[%add3A_324, %dma_start3A_325] : memref<10240x96xf32, #tpu.memory_space<vmem_shared>> -> memref<128x96xf32, #tpu.memory_space<vmem_shared>>
    %dma_start3A_327 = arith.constant 0 : i32
    %dma_start3A_328 = tpu.memref_slice %arg10[%add3A_324, %dma_start3A_327] : memref<10240x96xf32, #tpu.memory_space<vmem_shared>> -> memref<128x96xf32, #tpu.memory_space<vmem_shared>>
    tpu.enqueue_dma source(%dma_start3A_328 : memref<128x96xf32, #tpu.memory_space<vmem_shared>>) target(%arg9 : memref<128x96xf32, #tpu.memory_space<vmem>>) target_semaphore(%arg12 : memref<!tpu.dma_semaphore, #tpu.memory_space<semaphore_mem>>)
    %dma_wait3A_329 = arith.constant 0 : i32
    %dma_wait3A_330 = tpu.memref_slice %arg10[%mul3A_0, %dma_wait3A_329] : memref<10240x96xf32, #tpu.memory_space<vmem_shared>> -> memref<128x96xf32, #tpu.memory_space<vmem_shared>>
    %dma_wait3A_331 = arith.constant 0 : i32
    %dma_wait3A_332 = tpu.memref_slice %arg10[%mul3A_0, %dma_wait3A_331] : memref<10240x96xf32, #tpu.memory_space<vmem_shared>> -> memref<128x96xf32, #tpu.memory_space<vmem_shared>>
    tpu.wait_dma2 semaphore(%arg12 : memref<!tpu.dma_semaphore, #tpu.memory_space<semaphore_mem>>) src(%dma_wait3A_332 : memref<128x96xf32, #tpu.memory_space<vmem_shared>>) dst(%arg9 : memref<128x96xf32, #tpu.memory_space<vmem>>)
    %mul3A_333 = arith.constant 10240 : i32
    %mul3A_334 = arith.muli %add3A_186, %mul3A_333 : i32
    %add3A_335 = arith.addi %mul3A_334, %mul3A_0 : i32
    %add3A_336 = arith.constant 384 : i32
    %add3A_337 = arith.addi %add3A_335, %add3A_336 : i32
    %dma_start3A_338 = arith.constant 0 : i32
    %dma_start3A_339 = tpu.memref_slice %arg5[%add3A_337, %dma_start3A_338] : memref<40960x96xf32, #tpu.memory_space<hbm>> -> memref<128x96xf32, #tpu.memory_space<hbm>>
    %dma_start3A_340 = arith.constant 0 : i32
    %dma_start3A_341 = tpu.memref_slice %arg5[%add3A_337, %dma_start3A_340] : memref<40960x96xf32, #tpu.memory_space<hbm>> -> memref<128x96xf32, #tpu.memory_space<hbm>>
    tpu.enqueue_dma source(%arg9 : memref<128x96xf32, #tpu.memory_space<vmem>>) target(%dma_start3A_341 : memref<128x96xf32, #tpu.memory_space<hbm>>) target_semaphore(%arg14 : memref<!tpu.dma_semaphore, #tpu.memory_space<semaphore_mem>>)
    %dma_wait3A_342 = arith.constant 0 : i32
    %dma_wait3A_343 = tpu.memref_slice %arg5[%mul3A_0, %dma_wait3A_342] : memref<40960x96xf32, #tpu.memory_space<hbm>> -> memref<128x96xf32, #tpu.memory_space<hbm>>
    %dma_wait3A_344 = arith.constant 0 : i32
    %dma_wait3A_345 = tpu.memref_slice %arg5[%mul3A_0, %dma_wait3A_344] : memref<40960x96xf32, #tpu.memory_space<hbm>> -> memref<128x96xf32, #tpu.memory_space<hbm>>
    tpu.wait_dma2 semaphore(%arg13 : memref<!tpu.dma_semaphore, #tpu.memory_space<semaphore_mem>>) src(%arg8 : memref<128x96xf32, #tpu.memory_space<vmem>>) dst(%dma_wait3A_345 : memref<128x96xf32, #tpu.memory_space<hbm>>)
    %add3A_346 = arith.constant 512 : i32
    %add3A_347 = arith.addi %mul3A_0, %add3A_346 : i32
    %dma_start3A_348 = arith.constant 0 : i32
    %dma_start3A_349 = tpu.memref_slice %arg10[%add3A_347, %dma_start3A_348] : memref<10240x96xf32, #tpu.memory_space<vmem_shared>> -> memref<128x96xf32, #tpu.memory_space<vmem_shared>>
    %dma_start3A_350 = arith.constant 0 : i32
    %dma_start3A_351 = tpu.memref_slice %arg10[%add3A_347, %dma_start3A_350] : memref<10240x96xf32, #tpu.memory_space<vmem_shared>> -> memref<128x96xf32, #tpu.memory_space<vmem_shared>>
    tpu.enqueue_dma source(%dma_start3A_351 : memref<128x96xf32, #tpu.memory_space<vmem_shared>>) target(%arg8 : memref<128x96xf32, #tpu.memory_space<vmem>>) target_semaphore(%arg11 : memref<!tpu.dma_semaphore, #tpu.memory_space<semaphore_mem>>)
    %dma_wait3A_352 = arith.constant 0 : i32
    %dma_wait3A_353 = tpu.memref_slice %arg10[%mul3A_0, %dma_wait3A_352] : memref<10240x96xf32, #tpu.memory_space<vmem_shared>> -> memref<128x96xf32, #tpu.memory_space<vmem_shared>>
    %dma_wait3A_354 = arith.constant 0 : i32
    %dma_wait3A_355 = tpu.memref_slice %arg10[%mul3A_0, %dma_wait3A_354] : memref<10240x96xf32, #tpu.memory_space<vmem_shared>> -> memref<128x96xf32, #tpu.memory_space<vmem_shared>>
    tpu.wait_dma2 semaphore(%arg11 : memref<!tpu.dma_semaphore, #tpu.memory_space<semaphore_mem>>) src(%dma_wait3A_355 : memref<128x96xf32, #tpu.memory_space<vmem_shared>>) dst(%arg8 : memref<128x96xf32, #tpu.memory_space<vmem>>)
    %mul3A_356 = arith.constant 10240 : i32
    %mul3A_357 = arith.muli %add3A_186, %mul3A_356 : i32
    %add3A_358 = arith.addi %mul3A_357, %mul3A_0 : i32
    %add3A_359 = arith.constant 512 : i32
    %add3A_360 = arith.addi %add3A_358, %add3A_359 : i32
    %dma_start3A_361 = arith.constant 0 : i32
    %dma_start3A_362 = tpu.memref_slice %arg5[%add3A_360, %dma_start3A_361] : memref<40960x96xf32, #tpu.memory_space<hbm>> -> memref<128x96xf32, #tpu.memory_space<hbm>>
    %dma_start3A_363 = arith.constant 0 : i32
    %dma_start3A_364 = tpu.memref_slice %arg5[%add3A_360, %dma_start3A_363] : memref<40960x96xf32, #tpu.memory_space<hbm>> -> memref<128x96xf32, #tpu.memory_space<hbm>>
    tpu.enqueue_dma source(%arg8 : memref<128x96xf32, #tpu.memory_space<vmem>>) target(%dma_start3A_364 : memref<128x96xf32, #tpu.memory_space<hbm>>) target_semaphore(%arg13 : memref<!tpu.dma_semaphore, #tpu.memory_space<semaphore_mem>>)
    %dma_wait3A_365 = arith.constant 0 : i32
    %dma_wait3A_366 = tpu.memref_slice %arg5[%mul3A_0, %dma_wait3A_365] : memref<40960x96xf32, #tpu.memory_space<hbm>> -> memref<128x96xf32, #tpu.memory_space<hbm>>
    %dma_wait3A_367 = arith.constant 0 : i32
    %dma_wait3A_368 = tpu.memref_slice %arg5[%mul3A_0, %dma_wait3A_367] : memref<40960x96xf32, #tpu.memory_space<hbm>> -> memref<128x96xf32, #tpu.memory_space<hbm>>
    tpu.wait_dma2 semaphore(%arg14 : memref<!tpu.dma_semaphore, #tpu.memory_space<semaphore_mem>>) src(%arg9 : memref<128x96xf32, #tpu.memory_space<vmem>>) dst(%dma_wait3A_368 : memref<128x96xf32, #tpu.memory_space<hbm>>)
    %dma_wait3A_369 = arith.constant 0 : i32
    %dma_wait3A_370 = tpu.memref_slice %arg5[%mul3A_0, %dma_wait3A_369] : memref<40960x96xf32, #tpu.memory_space<hbm>> -> memref<128x96xf32, #tpu.memory_space<hbm>>
    %dma_wait3A_371 = arith.constant 0 : i32
    %dma_wait3A_372 = tpu.memref_slice %arg5[%mul3A_0, %dma_wait3A_371] : memref<40960x96xf32, #tpu.memory_space<hbm>> -> memref<128x96xf32, #tpu.memory_space<hbm>>
    tpu.wait_dma2 semaphore(%arg13 : memref<!tpu.dma_semaphore, #tpu.memory_space<semaphore_mem>>) src(%arg8 : memref<128x96xf32, #tpu.memory_space<vmem>>) dst(%dma_wait3A_372 : memref<128x96xf32, #tpu.memory_space<hbm>>)
    %barrier3A_373 = arith.constant 0 : index
    tpu.barrier barrier_id(%barrier3A_373)
    return
  }
}

#map = affine_map<(d0, d1) -> (0)>
#map1 = affine_map<(d0, d1) -> (0, 0)>
module attributes {stable_mosaic.version = 14 : i64} {
  func.func @_deg_body(%arg0: i32, %arg1: i32, %arg2: memref<643072xi32, #tpu.memory_space<hbm>>, %arg3: memref<128x16xf32, #tpu.memory_space<hbm>>, %arg4: memref<128x16xf32, #tpu.memory_space<hbm>>, %arg5: memref<20480x16xf32, #tpu.memory_space<hbm>>, %arg6: memref<128xi32, #tpu.memory_space<vmem>>, %arg7: memref<128x16xf32, #tpu.memory_space<vmem>>, %arg8: memref<10240x16xf32, #tpu.memory_space<vmem_shared>>) attributes {dimension_semantics = [#tpu.dimension_semantics<core_parallel>, #tpu.dimension_semantics<subcore_parallel>], iteration_bounds = array<i64: 2, 16>, scalar_prefetch = 0 : i64, scratch_operands = 3 : i64, tpu.core_type = #tpu.core_type<sc_vector_subcore>, window_params = [{transform_indices = #map}, {transform_indices = #map1}, {transform_indices = #map1}, {transform_indices = #map1}]} {
    %mul3A = arith.constant 2 : i32
    %mul3A_0 = arith.muli %arg1, %mul3A : i32
    %add3A = arith.addi %mul3A_0, %arg0 : i32
    "tpu.region"() ({
      %run_scoped3A = tpu.sem_alloc : memref<!tpu.dma_semaphore, #tpu.memory_space<semaphore_mem>>
      tpu.enqueue_dma source(%arg3 : memref<128x16xf32, #tpu.memory_space<hbm>>) target(%arg7 : memref<128x16xf32, #tpu.memory_space<vmem>>) target_semaphore(%run_scoped3A : memref<!tpu.dma_semaphore, #tpu.memory_space<semaphore_mem>>)
      tpu.wait_dma2 semaphore(%run_scoped3A : memref<!tpu.dma_semaphore, #tpu.memory_space<semaphore_mem>>) src(%arg3 : memref<128x16xf32, #tpu.memory_space<hbm>>) dst(%arg7 : memref<128x16xf32, #tpu.memory_space<vmem>>)
      tpu.yield
    }) : () -> ()
    %mul3A_1 = arith.constant 640 : i32
    %mul3A_2 = arith.muli %arg1, %mul3A_1 : i32
    %add3A_3 = arith.constant 0 : i32
    %add3A_4 = arith.addi %mul3A_2, %add3A_3 : i32
    "tpu.region"() ({
      %run_scoped3A = tpu.sem_alloc : memref<!tpu.dma_semaphore, #tpu.memory_space<semaphore_mem>>
      %dma_start3A = arith.constant 0 : i32
      %dma_start3A_55 = tpu.memref_slice %arg8[%add3A_4, %dma_start3A] : memref<10240x16xf32, #tpu.memory_space<vmem_shared>> -> memref<128x16xf32, #tpu.memory_space<vmem_shared>>
      %dma_start3A_56 = arith.constant 0 : i32
      %dma_start3A_57 = tpu.memref_slice %arg8[%add3A_4, %dma_start3A_56] : memref<10240x16xf32, #tpu.memory_space<vmem_shared>> -> memref<128x16xf32, #tpu.memory_space<vmem_shared>>
      tpu.enqueue_dma source(%arg7 : memref<128x16xf32, #tpu.memory_space<vmem>>) target(%dma_start3A_57 : memref<128x16xf32, #tpu.memory_space<vmem_shared>>) target_semaphore(%run_scoped3A : memref<!tpu.dma_semaphore, #tpu.memory_space<semaphore_mem>>)
      %dma_wait3A = arith.constant 0 : i32
      %dma_wait3A_58 = tpu.memref_slice %arg8[%add3A_4, %dma_wait3A] : memref<10240x16xf32, #tpu.memory_space<vmem_shared>> -> memref<128x16xf32, #tpu.memory_space<vmem_shared>>
      %dma_wait3A_59 = arith.constant 0 : i32
      %dma_wait3A_60 = tpu.memref_slice %arg8[%add3A_4, %dma_wait3A_59] : memref<10240x16xf32, #tpu.memory_space<vmem_shared>> -> memref<128x16xf32, #tpu.memory_space<vmem_shared>>
      tpu.wait_dma2 semaphore(%run_scoped3A : memref<!tpu.dma_semaphore, #tpu.memory_space<semaphore_mem>>) src(%arg7 : memref<128x16xf32, #tpu.memory_space<vmem>>) dst(%dma_wait3A_60 : memref<128x16xf32, #tpu.memory_space<vmem_shared>>)
      tpu.yield
    }) : () -> ()
    %add3A_5 = arith.constant 128 : i32
    %add3A_6 = arith.addi %mul3A_2, %add3A_5 : i32
    "tpu.region"() ({
      %run_scoped3A = tpu.sem_alloc : memref<!tpu.dma_semaphore, #tpu.memory_space<semaphore_mem>>
      %dma_start3A = arith.constant 0 : i32
      %dma_start3A_55 = tpu.memref_slice %arg8[%add3A_6, %dma_start3A] : memref<10240x16xf32, #tpu.memory_space<vmem_shared>> -> memref<128x16xf32, #tpu.memory_space<vmem_shared>>
      %dma_start3A_56 = arith.constant 0 : i32
      %dma_start3A_57 = tpu.memref_slice %arg8[%add3A_6, %dma_start3A_56] : memref<10240x16xf32, #tpu.memory_space<vmem_shared>> -> memref<128x16xf32, #tpu.memory_space<vmem_shared>>
      tpu.enqueue_dma source(%arg7 : memref<128x16xf32, #tpu.memory_space<vmem>>) target(%dma_start3A_57 : memref<128x16xf32, #tpu.memory_space<vmem_shared>>) target_semaphore(%run_scoped3A : memref<!tpu.dma_semaphore, #tpu.memory_space<semaphore_mem>>)
      %dma_wait3A = arith.constant 0 : i32
      %dma_wait3A_58 = tpu.memref_slice %arg8[%add3A_6, %dma_wait3A] : memref<10240x16xf32, #tpu.memory_space<vmem_shared>> -> memref<128x16xf32, #tpu.memory_space<vmem_shared>>
      %dma_wait3A_59 = arith.constant 0 : i32
      %dma_wait3A_60 = tpu.memref_slice %arg8[%add3A_6, %dma_wait3A_59] : memref<10240x16xf32, #tpu.memory_space<vmem_shared>> -> memref<128x16xf32, #tpu.memory_space<vmem_shared>>
      tpu.wait_dma2 semaphore(%run_scoped3A : memref<!tpu.dma_semaphore, #tpu.memory_space<semaphore_mem>>) src(%arg7 : memref<128x16xf32, #tpu.memory_space<vmem>>) dst(%dma_wait3A_60 : memref<128x16xf32, #tpu.memory_space<vmem_shared>>)
      tpu.yield
    }) : () -> ()
    %add3A_7 = arith.constant 256 : i32
    %add3A_8 = arith.addi %mul3A_2, %add3A_7 : i32
    "tpu.region"() ({
      %run_scoped3A = tpu.sem_alloc : memref<!tpu.dma_semaphore, #tpu.memory_space<semaphore_mem>>
      %dma_start3A = arith.constant 0 : i32
      %dma_start3A_55 = tpu.memref_slice %arg8[%add3A_8, %dma_start3A] : memref<10240x16xf32, #tpu.memory_space<vmem_shared>> -> memref<128x16xf32, #tpu.memory_space<vmem_shared>>
      %dma_start3A_56 = arith.constant 0 : i32
      %dma_start3A_57 = tpu.memref_slice %arg8[%add3A_8, %dma_start3A_56] : memref<10240x16xf32, #tpu.memory_space<vmem_shared>> -> memref<128x16xf32, #tpu.memory_space<vmem_shared>>
      tpu.enqueue_dma source(%arg7 : memref<128x16xf32, #tpu.memory_space<vmem>>) target(%dma_start3A_57 : memref<128x16xf32, #tpu.memory_space<vmem_shared>>) target_semaphore(%run_scoped3A : memref<!tpu.dma_semaphore, #tpu.memory_space<semaphore_mem>>)
      %dma_wait3A = arith.constant 0 : i32
      %dma_wait3A_58 = tpu.memref_slice %arg8[%add3A_8, %dma_wait3A] : memref<10240x16xf32, #tpu.memory_space<vmem_shared>> -> memref<128x16xf32, #tpu.memory_space<vmem_shared>>
      %dma_wait3A_59 = arith.constant 0 : i32
      %dma_wait3A_60 = tpu.memref_slice %arg8[%add3A_8, %dma_wait3A_59] : memref<10240x16xf32, #tpu.memory_space<vmem_shared>> -> memref<128x16xf32, #tpu.memory_space<vmem_shared>>
      tpu.wait_dma2 semaphore(%run_scoped3A : memref<!tpu.dma_semaphore, #tpu.memory_space<semaphore_mem>>) src(%arg7 : memref<128x16xf32, #tpu.memory_space<vmem>>) dst(%dma_wait3A_60 : memref<128x16xf32, #tpu.memory_space<vmem_shared>>)
      tpu.yield
    }) : () -> ()
    %add3A_9 = arith.constant 384 : i32
    %add3A_10 = arith.addi %mul3A_2, %add3A_9 : i32
    "tpu.region"() ({
      %run_scoped3A = tpu.sem_alloc : memref<!tpu.dma_semaphore, #tpu.memory_space<semaphore_mem>>
      %dma_start3A = arith.constant 0 : i32
      %dma_start3A_55 = tpu.memref_slice %arg8[%add3A_10, %dma_start3A] : memref<10240x16xf32, #tpu.memory_space<vmem_shared>> -> memref<128x16xf32, #tpu.memory_space<vmem_shared>>
      %dma_start3A_56 = arith.constant 0 : i32
      %dma_start3A_57 = tpu.memref_slice %arg8[%add3A_10, %dma_start3A_56] : memref<10240x16xf32, #tpu.memory_space<vmem_shared>> -> memref<128x16xf32, #tpu.memory_space<vmem_shared>>
      tpu.enqueue_dma source(%arg7 : memref<128x16xf32, #tpu.memory_space<vmem>>) target(%dma_start3A_57 : memref<128x16xf32, #tpu.memory_space<vmem_shared>>) target_semaphore(%run_scoped3A : memref<!tpu.dma_semaphore, #tpu.memory_space<semaphore_mem>>)
      %dma_wait3A = arith.constant 0 : i32
      %dma_wait3A_58 = tpu.memref_slice %arg8[%add3A_10, %dma_wait3A] : memref<10240x16xf32, #tpu.memory_space<vmem_shared>> -> memref<128x16xf32, #tpu.memory_space<vmem_shared>>
      %dma_wait3A_59 = arith.constant 0 : i32
      %dma_wait3A_60 = tpu.memref_slice %arg8[%add3A_10, %dma_wait3A_59] : memref<10240x16xf32, #tpu.memory_space<vmem_shared>> -> memref<128x16xf32, #tpu.memory_space<vmem_shared>>
      tpu.wait_dma2 semaphore(%run_scoped3A : memref<!tpu.dma_semaphore, #tpu.memory_space<semaphore_mem>>) src(%arg7 : memref<128x16xf32, #tpu.memory_space<vmem>>) dst(%dma_wait3A_60 : memref<128x16xf32, #tpu.memory_space<vmem_shared>>)
      tpu.yield
    }) : () -> ()
    %add3A_11 = arith.constant 512 : i32
    %add3A_12 = arith.addi %mul3A_2, %add3A_11 : i32
    "tpu.region"() ({
      %run_scoped3A = tpu.sem_alloc : memref<!tpu.dma_semaphore, #tpu.memory_space<semaphore_mem>>
      %dma_start3A = arith.constant 0 : i32
      %dma_start3A_55 = tpu.memref_slice %arg8[%add3A_12, %dma_start3A] : memref<10240x16xf32, #tpu.memory_space<vmem_shared>> -> memref<128x16xf32, #tpu.memory_space<vmem_shared>>
      %dma_start3A_56 = arith.constant 0 : i32
      %dma_start3A_57 = tpu.memref_slice %arg8[%add3A_12, %dma_start3A_56] : memref<10240x16xf32, #tpu.memory_space<vmem_shared>> -> memref<128x16xf32, #tpu.memory_space<vmem_shared>>
      tpu.enqueue_dma source(%arg7 : memref<128x16xf32, #tpu.memory_space<vmem>>) target(%dma_start3A_57 : memref<128x16xf32, #tpu.memory_space<vmem_shared>>) target_semaphore(%run_scoped3A : memref<!tpu.dma_semaphore, #tpu.memory_space<semaphore_mem>>)
      %dma_wait3A = arith.constant 0 : i32
      %dma_wait3A_58 = tpu.memref_slice %arg8[%add3A_12, %dma_wait3A] : memref<10240x16xf32, #tpu.memory_space<vmem_shared>> -> memref<128x16xf32, #tpu.memory_space<vmem_shared>>
      %dma_wait3A_59 = arith.constant 0 : i32
      %dma_wait3A_60 = tpu.memref_slice %arg8[%add3A_12, %dma_wait3A_59] : memref<10240x16xf32, #tpu.memory_space<vmem_shared>> -> memref<128x16xf32, #tpu.memory_space<vmem_shared>>
      tpu.wait_dma2 semaphore(%run_scoped3A : memref<!tpu.dma_semaphore, #tpu.memory_space<semaphore_mem>>) src(%arg7 : memref<128x16xf32, #tpu.memory_space<vmem>>) dst(%dma_wait3A_60 : memref<128x16xf32, #tpu.memory_space<vmem_shared>>)
      tpu.yield
    }) : () -> ()
    %barrier3A = arith.constant 0 : index
    tpu.barrier barrier_id(%barrier3A)
    "tpu.region"() ({
      %run_scoped3A = tpu.sem_alloc : memref<!tpu.dma_semaphore, #tpu.memory_space<semaphore_mem>>
      tpu.enqueue_dma source(%arg4 : memref<128x16xf32, #tpu.memory_space<hbm>>) target(%arg7 : memref<128x16xf32, #tpu.memory_space<vmem>>) target_semaphore(%run_scoped3A : memref<!tpu.dma_semaphore, #tpu.memory_space<semaphore_mem>>)
      tpu.wait_dma2 semaphore(%run_scoped3A : memref<!tpu.dma_semaphore, #tpu.memory_space<semaphore_mem>>) src(%arg4 : memref<128x16xf32, #tpu.memory_space<hbm>>) dst(%arg7 : memref<128x16xf32, #tpu.memory_space<vmem>>)
      tpu.yield
    }) : () -> ()
    %scan3A = arith.constant 0 : i32
    %scan3A_13 = arith.constant 0 : i32
    %scan3A_14 = arith.constant 157 : i32
    %scan3A_15 = arith.addi %scan3A_13, %scan3A_14 : i32
    %scan3A_16 = arith.constant 1 : i32
    %scan3A_17 = scf.for %scan3A_55 = %scan3A_13 to %scan3A_15 step %scan3A_16 iter_args(%scan3A_56 = %scan3A) -> (i32)  : i32 {
      %mul3A_57 = arith.constant 20096 : i32
      %mul3A_58 = arith.muli %add3A, %mul3A_57 : i32
      %mul3A_59 = arith.constant 128 : i32
      %mul3A_60 = arith.muli %scan3A_55, %mul3A_59 : i32
      %add3A_61 = arith.addi %mul3A_58, %mul3A_60 : i32
      "tpu.region"() ({
        %run_scoped3A = tpu.sem_alloc : memref<!tpu.dma_semaphore, #tpu.memory_space<semaphore_mem>>
        %dma_start3A = tpu.memref_slice %arg2[%add3A_61] : memref<643072xi32, #tpu.memory_space<hbm>> -> memref<128xi32, #tpu.memory_space<hbm>>
        %dma_start3A_63 = tpu.memref_slice %arg2[%add3A_61] : memref<643072xi32, #tpu.memory_space<hbm>> -> memref<128xi32, #tpu.memory_space<hbm>>
        tpu.enqueue_dma source(%dma_start3A_63 : memref<128xi32, #tpu.memory_space<hbm>>) target(%arg6 : memref<128xi32, #tpu.memory_space<vmem>>) target_semaphore(%run_scoped3A : memref<!tpu.dma_semaphore, #tpu.memory_space<semaphore_mem>>)
        %dma_wait3A = tpu.memref_slice %arg2[%add3A_61] : memref<643072xi32, #tpu.memory_space<hbm>> -> memref<128xi32, #tpu.memory_space<hbm>>
        %dma_wait3A_64 = tpu.memref_slice %arg2[%add3A_61] : memref<643072xi32, #tpu.memory_space<hbm>> -> memref<128xi32, #tpu.memory_space<hbm>>
        tpu.wait_dma2 semaphore(%run_scoped3A : memref<!tpu.dma_semaphore, #tpu.memory_space<semaphore_mem>>) src(%dma_wait3A_64 : memref<128xi32, #tpu.memory_space<hbm>>) dst(%arg6 : memref<128xi32, #tpu.memory_space<vmem>>)
        tpu.yield
      }) : () -> ()
      "tpu.region"() ({
        %run_scoped3A = tpu.sem_alloc : memref<!tpu.dma_semaphore, #tpu.memory_space<semaphore_mem>>
        %dma_start3A = arith.constant 0 : i32
        %dma_start3A_63 = arith.constant 0 : i32
        %dma_start3A_64 = tpu.memref_slice %arg8[%dma_start3A, %dma_start3A_63] : memref<10240x16xf32, #tpu.memory_space<vmem_shared>> -> memref<10240x16xf32, #tpu.memory_space<vmem_shared>>
        tpu.enqueue_indirect_dma source(%arg7 : memref<128x16xf32, #tpu.memory_space<vmem>>) target(%dma_start3A_64 : memref<10240x16xf32, #tpu.memory_space<vmem_shared>>) offsets(%arg6 : memref<128xi32, #tpu.memory_space<vmem>>) semaphore(%run_scoped3A : memref<!tpu.dma_semaphore, #tpu.memory_space<semaphore_mem>>) {add = true}
        %dma_wait3A = arith.constant 0 : i32
        %dma_wait3A_65 = arith.constant 0 : i32
        %dma_wait3A_66 = tpu.memref_slice %arg8[%dma_wait3A, %dma_wait3A_65] : memref<10240x16xf32, #tpu.memory_space<vmem_shared>> -> memref<10240x16xf32, #tpu.memory_space<vmem_shared>>
        tpu.wait_indirect_dma semaphore(%run_scoped3A : memref<!tpu.dma_semaphore, #tpu.memory_space<semaphore_mem>>) src(%arg7 : memref<128x16xf32, #tpu.memory_space<vmem>>) dst(%dma_wait3A_66 : memref<10240x16xf32, #tpu.memory_space<vmem_shared>>)
        tpu.yield
      }) : () -> ()
      %scan3A_62 = arith.constant 0 : i32
      scf.yield %scan3A_62 : i32
    }
    %scan3A_18 = arith.constant 157 : i32
    %barrier3A_19 = arith.constant 0 : index
    tpu.barrier barrier_id(%barrier3A_19)
    %add3A_20 = arith.constant 0 : i32
    %add3A_21 = arith.addi %mul3A_2, %add3A_20 : i32
    "tpu.region"() ({
      %run_scoped3A = tpu.sem_alloc : memref<!tpu.dma_semaphore, #tpu.memory_space<semaphore_mem>>
      %dma_start3A = arith.constant 0 : i32
      %dma_start3A_55 = tpu.memref_slice %arg8[%add3A_21, %dma_start3A] : memref<10240x16xf32, #tpu.memory_space<vmem_shared>> -> memref<128x16xf32, #tpu.memory_space<vmem_shared>>
      %dma_start3A_56 = arith.constant 0 : i32
      %dma_start3A_57 = tpu.memref_slice %arg8[%add3A_21, %dma_start3A_56] : memref<10240x16xf32, #tpu.memory_space<vmem_shared>> -> memref<128x16xf32, #tpu.memory_space<vmem_shared>>
      tpu.enqueue_dma source(%dma_start3A_57 : memref<128x16xf32, #tpu.memory_space<vmem_shared>>) target(%arg7 : memref<128x16xf32, #tpu.memory_space<vmem>>) target_semaphore(%run_scoped3A : memref<!tpu.dma_semaphore, #tpu.memory_space<semaphore_mem>>)
      %dma_wait3A = arith.constant 0 : i32
      %dma_wait3A_58 = tpu.memref_slice %arg8[%add3A_21, %dma_wait3A] : memref<10240x16xf32, #tpu.memory_space<vmem_shared>> -> memref<128x16xf32, #tpu.memory_space<vmem_shared>>
      %dma_wait3A_59 = arith.constant 0 : i32
      %dma_wait3A_60 = tpu.memref_slice %arg8[%add3A_21, %dma_wait3A_59] : memref<10240x16xf32, #tpu.memory_space<vmem_shared>> -> memref<128x16xf32, #tpu.memory_space<vmem_shared>>
      tpu.wait_dma2 semaphore(%run_scoped3A : memref<!tpu.dma_semaphore, #tpu.memory_space<semaphore_mem>>) src(%dma_wait3A_60 : memref<128x16xf32, #tpu.memory_space<vmem_shared>>) dst(%arg7 : memref<128x16xf32, #tpu.memory_space<vmem>>)
      tpu.yield
    }) : () -> ()
    %mul3A_22 = arith.constant 10240 : i32
    %mul3A_23 = arith.muli %arg0, %mul3A_22 : i32
    %add3A_24 = arith.addi %mul3A_23, %mul3A_2 : i32
    %add3A_25 = arith.constant 0 : i32
    %add3A_26 = arith.addi %add3A_24, %add3A_25 : i32
    "tpu.region"() ({
      %run_scoped3A = tpu.sem_alloc : memref<!tpu.dma_semaphore, #tpu.memory_space<semaphore_mem>>
      %dma_start3A = arith.constant 0 : i32
      %dma_start3A_55 = tpu.memref_slice %arg5[%add3A_26, %dma_start3A] : memref<20480x16xf32, #tpu.memory_space<hbm>> -> memref<128x16xf32, #tpu.memory_space<hbm>>
      %dma_start3A_56 = arith.constant 0 : i32
      %dma_start3A_57 = tpu.memref_slice %arg5[%add3A_26, %dma_start3A_56] : memref<20480x16xf32, #tpu.memory_space<hbm>> -> memref<128x16xf32, #tpu.memory_space<hbm>>
      tpu.enqueue_dma source(%arg7 : memref<128x16xf32, #tpu.memory_space<vmem>>) target(%dma_start3A_57 : memref<128x16xf32, #tpu.memory_space<hbm>>) target_semaphore(%run_scoped3A : memref<!tpu.dma_semaphore, #tpu.memory_space<semaphore_mem>>)
      %dma_wait3A = arith.constant 0 : i32
      %dma_wait3A_58 = tpu.memref_slice %arg5[%add3A_26, %dma_wait3A] : memref<20480x16xf32, #tpu.memory_space<hbm>> -> memref<128x16xf32, #tpu.memory_space<hbm>>
      %dma_wait3A_59 = arith.constant 0 : i32
      %dma_wait3A_60 = tpu.memref_slice %arg5[%add3A_26, %dma_wait3A_59] : memref<20480x16xf32, #tpu.memory_space<hbm>> -> memref<128x16xf32, #tpu.memory_space<hbm>>
      tpu.wait_dma2 semaphore(%run_scoped3A : memref<!tpu.dma_semaphore, #tpu.memory_space<semaphore_mem>>) src(%arg7 : memref<128x16xf32, #tpu.memory_space<vmem>>) dst(%dma_wait3A_60 : memref<128x16xf32, #tpu.memory_space<hbm>>)
      tpu.yield
    }) : () -> ()
    %add3A_27 = arith.constant 128 : i32
    %add3A_28 = arith.addi %mul3A_2, %add3A_27 : i32
    "tpu.region"() ({
      %run_scoped3A = tpu.sem_alloc : memref<!tpu.dma_semaphore, #tpu.memory_space<semaphore_mem>>
      %dma_start3A = arith.constant 0 : i32
      %dma_start3A_55 = tpu.memref_slice %arg8[%add3A_28, %dma_start3A] : memref<10240x16xf32, #tpu.memory_space<vmem_shared>> -> memref<128x16xf32, #tpu.memory_space<vmem_shared>>
      %dma_start3A_56 = arith.constant 0 : i32
      %dma_start3A_57 = tpu.memref_slice %arg8[%add3A_28, %dma_start3A_56] : memref<10240x16xf32, #tpu.memory_space<vmem_shared>> -> memref<128x16xf32, #tpu.memory_space<vmem_shared>>
      tpu.enqueue_dma source(%dma_start3A_57 : memref<128x16xf32, #tpu.memory_space<vmem_shared>>) target(%arg7 : memref<128x16xf32, #tpu.memory_space<vmem>>) target_semaphore(%run_scoped3A : memref<!tpu.dma_semaphore, #tpu.memory_space<semaphore_mem>>)
      %dma_wait3A = arith.constant 0 : i32
      %dma_wait3A_58 = tpu.memref_slice %arg8[%add3A_28, %dma_wait3A] : memref<10240x16xf32, #tpu.memory_space<vmem_shared>> -> memref<128x16xf32, #tpu.memory_space<vmem_shared>>
      %dma_wait3A_59 = arith.constant 0 : i32
      %dma_wait3A_60 = tpu.memref_slice %arg8[%add3A_28, %dma_wait3A_59] : memref<10240x16xf32, #tpu.memory_space<vmem_shared>> -> memref<128x16xf32, #tpu.memory_space<vmem_shared>>
      tpu.wait_dma2 semaphore(%run_scoped3A : memref<!tpu.dma_semaphore, #tpu.memory_space<semaphore_mem>>) src(%dma_wait3A_60 : memref<128x16xf32, #tpu.memory_space<vmem_shared>>) dst(%arg7 : memref<128x16xf32, #tpu.memory_space<vmem>>)
      tpu.yield
    }) : () -> ()
    %mul3A_29 = arith.constant 10240 : i32
    %mul3A_30 = arith.muli %arg0, %mul3A_29 : i32
    %add3A_31 = arith.addi %mul3A_30, %mul3A_2 : i32
    %add3A_32 = arith.constant 128 : i32
    %add3A_33 = arith.addi %add3A_31, %add3A_32 : i32
    "tpu.region"() ({
      %run_scoped3A = tpu.sem_alloc : memref<!tpu.dma_semaphore, #tpu.memory_space<semaphore_mem>>
      %dma_start3A = arith.constant 0 : i32
      %dma_start3A_55 = tpu.memref_slice %arg5[%add3A_33, %dma_start3A] : memref<20480x16xf32, #tpu.memory_space<hbm>> -> memref<128x16xf32, #tpu.memory_space<hbm>>
      %dma_start3A_56 = arith.constant 0 : i32
      %dma_start3A_57 = tpu.memref_slice %arg5[%add3A_33, %dma_start3A_56] : memref<20480x16xf32, #tpu.memory_space<hbm>> -> memref<128x16xf32, #tpu.memory_space<hbm>>
      tpu.enqueue_dma source(%arg7 : memref<128x16xf32, #tpu.memory_space<vmem>>) target(%dma_start3A_57 : memref<128x16xf32, #tpu.memory_space<hbm>>) target_semaphore(%run_scoped3A : memref<!tpu.dma_semaphore, #tpu.memory_space<semaphore_mem>>)
      %dma_wait3A = arith.constant 0 : i32
      %dma_wait3A_58 = tpu.memref_slice %arg5[%add3A_33, %dma_wait3A] : memref<20480x16xf32, #tpu.memory_space<hbm>> -> memref<128x16xf32, #tpu.memory_space<hbm>>
      %dma_wait3A_59 = arith.constant 0 : i32
      %dma_wait3A_60 = tpu.memref_slice %arg5[%add3A_33, %dma_wait3A_59] : memref<20480x16xf32, #tpu.memory_space<hbm>> -> memref<128x16xf32, #tpu.memory_space<hbm>>
      tpu.wait_dma2 semaphore(%run_scoped3A : memref<!tpu.dma_semaphore, #tpu.memory_space<semaphore_mem>>) src(%arg7 : memref<128x16xf32, #tpu.memory_space<vmem>>) dst(%dma_wait3A_60 : memref<128x16xf32, #tpu.memory_space<hbm>>)
      tpu.yield
    }) : () -> ()
    %add3A_34 = arith.constant 256 : i32
    %add3A_35 = arith.addi %mul3A_2, %add3A_34 : i32
    "tpu.region"() ({
      %run_scoped3A = tpu.sem_alloc : memref<!tpu.dma_semaphore, #tpu.memory_space<semaphore_mem>>
      %dma_start3A = arith.constant 0 : i32
      %dma_start3A_55 = tpu.memref_slice %arg8[%add3A_35, %dma_start3A] : memref<10240x16xf32, #tpu.memory_space<vmem_shared>> -> memref<128x16xf32, #tpu.memory_space<vmem_shared>>
      %dma_start3A_56 = arith.constant 0 : i32
      %dma_start3A_57 = tpu.memref_slice %arg8[%add3A_35, %dma_start3A_56] : memref<10240x16xf32, #tpu.memory_space<vmem_shared>> -> memref<128x16xf32, #tpu.memory_space<vmem_shared>>
      tpu.enqueue_dma source(%dma_start3A_57 : memref<128x16xf32, #tpu.memory_space<vmem_shared>>) target(%arg7 : memref<128x16xf32, #tpu.memory_space<vmem>>) target_semaphore(%run_scoped3A : memref<!tpu.dma_semaphore, #tpu.memory_space<semaphore_mem>>)
      %dma_wait3A = arith.constant 0 : i32
      %dma_wait3A_58 = tpu.memref_slice %arg8[%add3A_35, %dma_wait3A] : memref<10240x16xf32, #tpu.memory_space<vmem_shared>> -> memref<128x16xf32, #tpu.memory_space<vmem_shared>>
      %dma_wait3A_59 = arith.constant 0 : i32
      %dma_wait3A_60 = tpu.memref_slice %arg8[%add3A_35, %dma_wait3A_59] : memref<10240x16xf32, #tpu.memory_space<vmem_shared>> -> memref<128x16xf32, #tpu.memory_space<vmem_shared>>
      tpu.wait_dma2 semaphore(%run_scoped3A : memref<!tpu.dma_semaphore, #tpu.memory_space<semaphore_mem>>) src(%dma_wait3A_60 : memref<128x16xf32, #tpu.memory_space<vmem_shared>>) dst(%arg7 : memref<128x16xf32, #tpu.memory_space<vmem>>)
      tpu.yield
    }) : () -> ()
    %mul3A_36 = arith.constant 10240 : i32
    %mul3A_37 = arith.muli %arg0, %mul3A_36 : i32
    %add3A_38 = arith.addi %mul3A_37, %mul3A_2 : i32
    %add3A_39 = arith.constant 256 : i32
    %add3A_40 = arith.addi %add3A_38, %add3A_39 : i32
    "tpu.region"() ({
      %run_scoped3A = tpu.sem_alloc : memref<!tpu.dma_semaphore, #tpu.memory_space<semaphore_mem>>
      %dma_start3A = arith.constant 0 : i32
      %dma_start3A_55 = tpu.memref_slice %arg5[%add3A_40, %dma_start3A] : memref<20480x16xf32, #tpu.memory_space<hbm>> -> memref<128x16xf32, #tpu.memory_space<hbm>>
      %dma_start3A_56 = arith.constant 0 : i32
      %dma_start3A_57 = tpu.memref_slice %arg5[%add3A_40, %dma_start3A_56] : memref<20480x16xf32, #tpu.memory_space<hbm>> -> memref<128x16xf32, #tpu.memory_space<hbm>>
      tpu.enqueue_dma source(%arg7 : memref<128x16xf32, #tpu.memory_space<vmem>>) target(%dma_start3A_57 : memref<128x16xf32, #tpu.memory_space<hbm>>) target_semaphore(%run_scoped3A : memref<!tpu.dma_semaphore, #tpu.memory_space<semaphore_mem>>)
      %dma_wait3A = arith.constant 0 : i32
      %dma_wait3A_58 = tpu.memref_slice %arg5[%add3A_40, %dma_wait3A] : memref<20480x16xf32, #tpu.memory_space<hbm>> -> memref<128x16xf32, #tpu.memory_space<hbm>>
      %dma_wait3A_59 = arith.constant 0 : i32
      %dma_wait3A_60 = tpu.memref_slice %arg5[%add3A_40, %dma_wait3A_59] : memref<20480x16xf32, #tpu.memory_space<hbm>> -> memref<128x16xf32, #tpu.memory_space<hbm>>
      tpu.wait_dma2 semaphore(%run_scoped3A : memref<!tpu.dma_semaphore, #tpu.memory_space<semaphore_mem>>) src(%arg7 : memref<128x16xf32, #tpu.memory_space<vmem>>) dst(%dma_wait3A_60 : memref<128x16xf32, #tpu.memory_space<hbm>>)
      tpu.yield
    }) : () -> ()
    %add3A_41 = arith.constant 384 : i32
    %add3A_42 = arith.addi %mul3A_2, %add3A_41 : i32
    "tpu.region"() ({
      %run_scoped3A = tpu.sem_alloc : memref<!tpu.dma_semaphore, #tpu.memory_space<semaphore_mem>>
      %dma_start3A = arith.constant 0 : i32
      %dma_start3A_55 = tpu.memref_slice %arg8[%add3A_42, %dma_start3A] : memref<10240x16xf32, #tpu.memory_space<vmem_shared>> -> memref<128x16xf32, #tpu.memory_space<vmem_shared>>
      %dma_start3A_56 = arith.constant 0 : i32
      %dma_start3A_57 = tpu.memref_slice %arg8[%add3A_42, %dma_start3A_56] : memref<10240x16xf32, #tpu.memory_space<vmem_shared>> -> memref<128x16xf32, #tpu.memory_space<vmem_shared>>
      tpu.enqueue_dma source(%dma_start3A_57 : memref<128x16xf32, #tpu.memory_space<vmem_shared>>) target(%arg7 : memref<128x16xf32, #tpu.memory_space<vmem>>) target_semaphore(%run_scoped3A : memref<!tpu.dma_semaphore, #tpu.memory_space<semaphore_mem>>)
      %dma_wait3A = arith.constant 0 : i32
      %dma_wait3A_58 = tpu.memref_slice %arg8[%add3A_42, %dma_wait3A] : memref<10240x16xf32, #tpu.memory_space<vmem_shared>> -> memref<128x16xf32, #tpu.memory_space<vmem_shared>>
      %dma_wait3A_59 = arith.constant 0 : i32
      %dma_wait3A_60 = tpu.memref_slice %arg8[%add3A_42, %dma_wait3A_59] : memref<10240x16xf32, #tpu.memory_space<vmem_shared>> -> memref<128x16xf32, #tpu.memory_space<vmem_shared>>
      tpu.wait_dma2 semaphore(%run_scoped3A : memref<!tpu.dma_semaphore, #tpu.memory_space<semaphore_mem>>) src(%dma_wait3A_60 : memref<128x16xf32, #tpu.memory_space<vmem_shared>>) dst(%arg7 : memref<128x16xf32, #tpu.memory_space<vmem>>)
      tpu.yield
    }) : () -> ()
    %mul3A_43 = arith.constant 10240 : i32
    %mul3A_44 = arith.muli %arg0, %mul3A_43 : i32
    %add3A_45 = arith.addi %mul3A_44, %mul3A_2 : i32
    %add3A_46 = arith.constant 384 : i32
    %add3A_47 = arith.addi %add3A_45, %add3A_46 : i32
    "tpu.region"() ({
      %run_scoped3A = tpu.sem_alloc : memref<!tpu.dma_semaphore, #tpu.memory_space<semaphore_mem>>
      %dma_start3A = arith.constant 0 : i32
      %dma_start3A_55 = tpu.memref_slice %arg5[%add3A_47, %dma_start3A] : memref<20480x16xf32, #tpu.memory_space<hbm>> -> memref<128x16xf32, #tpu.memory_space<hbm>>
      %dma_start3A_56 = arith.constant 0 : i32
      %dma_start3A_57 = tpu.memref_slice %arg5[%add3A_47, %dma_start3A_56] : memref<20480x16xf32, #tpu.memory_space<hbm>> -> memref<128x16xf32, #tpu.memory_space<hbm>>
      tpu.enqueue_dma source(%arg7 : memref<128x16xf32, #tpu.memory_space<vmem>>) target(%dma_start3A_57 : memref<128x16xf32, #tpu.memory_space<hbm>>) target_semaphore(%run_scoped3A : memref<!tpu.dma_semaphore, #tpu.memory_space<semaphore_mem>>)
      %dma_wait3A = arith.constant 0 : i32
      %dma_wait3A_58 = tpu.memref_slice %arg5[%add3A_47, %dma_wait3A] : memref<20480x16xf32, #tpu.memory_space<hbm>> -> memref<128x16xf32, #tpu.memory_space<hbm>>
      %dma_wait3A_59 = arith.constant 0 : i32
      %dma_wait3A_60 = tpu.memref_slice %arg5[%add3A_47, %dma_wait3A_59] : memref<20480x16xf32, #tpu.memory_space<hbm>> -> memref<128x16xf32, #tpu.memory_space<hbm>>
      tpu.wait_dma2 semaphore(%run_scoped3A : memref<!tpu.dma_semaphore, #tpu.memory_space<semaphore_mem>>) src(%arg7 : memref<128x16xf32, #tpu.memory_space<vmem>>) dst(%dma_wait3A_60 : memref<128x16xf32, #tpu.memory_space<hbm>>)
      tpu.yield
    }) : () -> ()
    %add3A_48 = arith.constant 512 : i32
    %add3A_49 = arith.addi %mul3A_2, %add3A_48 : i32
    "tpu.region"() ({
      %run_scoped3A = tpu.sem_alloc : memref<!tpu.dma_semaphore, #tpu.memory_space<semaphore_mem>>
      %dma_start3A = arith.constant 0 : i32
      %dma_start3A_55 = tpu.memref_slice %arg8[%add3A_49, %dma_start3A] : memref<10240x16xf32, #tpu.memory_space<vmem_shared>> -> memref<128x16xf32, #tpu.memory_space<vmem_shared>>
      %dma_start3A_56 = arith.constant 0 : i32
      %dma_start3A_57 = tpu.memref_slice %arg8[%add3A_49, %dma_start3A_56] : memref<10240x16xf32, #tpu.memory_space<vmem_shared>> -> memref<128x16xf32, #tpu.memory_space<vmem_shared>>
      tpu.enqueue_dma source(%dma_start3A_57 : memref<128x16xf32, #tpu.memory_space<vmem_shared>>) target(%arg7 : memref<128x16xf32, #tpu.memory_space<vmem>>) target_semaphore(%run_scoped3A : memref<!tpu.dma_semaphore, #tpu.memory_space<semaphore_mem>>)
      %dma_wait3A = arith.constant 0 : i32
      %dma_wait3A_58 = tpu.memref_slice %arg8[%add3A_49, %dma_wait3A] : memref<10240x16xf32, #tpu.memory_space<vmem_shared>> -> memref<128x16xf32, #tpu.memory_space<vmem_shared>>
      %dma_wait3A_59 = arith.constant 0 : i32
      %dma_wait3A_60 = tpu.memref_slice %arg8[%add3A_49, %dma_wait3A_59] : memref<10240x16xf32, #tpu.memory_space<vmem_shared>> -> memref<128x16xf32, #tpu.memory_space<vmem_shared>>
      tpu.wait_dma2 semaphore(%run_scoped3A : memref<!tpu.dma_semaphore, #tpu.memory_space<semaphore_mem>>) src(%dma_wait3A_60 : memref<128x16xf32, #tpu.memory_space<vmem_shared>>) dst(%arg7 : memref<128x16xf32, #tpu.memory_space<vmem>>)
      tpu.yield
    }) : () -> ()
    %mul3A_50 = arith.constant 10240 : i32
    %mul3A_51 = arith.muli %arg0, %mul3A_50 : i32
    %add3A_52 = arith.addi %mul3A_51, %mul3A_2 : i32
    %add3A_53 = arith.constant 512 : i32
    %add3A_54 = arith.addi %add3A_52, %add3A_53 : i32
    "tpu.region"() ({
      %run_scoped3A = tpu.sem_alloc : memref<!tpu.dma_semaphore, #tpu.memory_space<semaphore_mem>>
      %dma_start3A = arith.constant 0 : i32
      %dma_start3A_55 = tpu.memref_slice %arg5[%add3A_54, %dma_start3A] : memref<20480x16xf32, #tpu.memory_space<hbm>> -> memref<128x16xf32, #tpu.memory_space<hbm>>
      %dma_start3A_56 = arith.constant 0 : i32
      %dma_start3A_57 = tpu.memref_slice %arg5[%add3A_54, %dma_start3A_56] : memref<20480x16xf32, #tpu.memory_space<hbm>> -> memref<128x16xf32, #tpu.memory_space<hbm>>
      tpu.enqueue_dma source(%arg7 : memref<128x16xf32, #tpu.memory_space<vmem>>) target(%dma_start3A_57 : memref<128x16xf32, #tpu.memory_space<hbm>>) target_semaphore(%run_scoped3A : memref<!tpu.dma_semaphore, #tpu.memory_space<semaphore_mem>>)
      %dma_wait3A = arith.constant 0 : i32
      %dma_wait3A_58 = tpu.memref_slice %arg5[%add3A_54, %dma_wait3A] : memref<20480x16xf32, #tpu.memory_space<hbm>> -> memref<128x16xf32, #tpu.memory_space<hbm>>
      %dma_wait3A_59 = arith.constant 0 : i32
      %dma_wait3A_60 = tpu.memref_slice %arg5[%add3A_54, %dma_wait3A_59] : memref<20480x16xf32, #tpu.memory_space<hbm>> -> memref<128x16xf32, #tpu.memory_space<hbm>>
      tpu.wait_dma2 semaphore(%run_scoped3A : memref<!tpu.dma_semaphore, #tpu.memory_space<semaphore_mem>>) src(%arg7 : memref<128x16xf32, #tpu.memory_space<vmem>>) dst(%dma_wait3A_60 : memref<128x16xf32, #tpu.memory_space<hbm>>)
      tpu.yield
    }) : () -> ()
    return
  }
}

module attributes {stable_mosaic.version = 14 : i64} {
  func.func @_proj_body(%arg0: i32, %arg1: memref<1000x960xf32, #tpu.memory_space<vmem>>, %arg2: memref<960x384xf32, #tpu.memory_space<vmem>>, %arg3: memref<1x384xf32, #tpu.memory_space<vmem>>, %arg4: memref<1000x384xf32, #tpu.memory_space<vmem>>) attributes {dimension_semantics = [#tpu.dimension_semantics<arbitrary>], iteration_bounds = array<i64: 8>, scalar_prefetch = 0 : i64, scratch_operands = 0 : i64, tpu.core_type = #tpu.core_type<tc>, window_params = [{transform_indices = @transform_0, window_bounds = array<i64: 1000, 960>}, {pipeline_mode = #tpu.pipeline_mode<synchronous>, transform_indices = @transform_1, window_bounds = array<i64: 960, 384>}, {pipeline_mode = #tpu.pipeline_mode<synchronous>, transform_indices = @transform_2, window_bounds = array<i64: 1, 384>}, {transform_indices = @transform_3, window_bounds = array<i64: 1000, 384>}]} {
    %get3A = arith.constant 0 : index
    %get3A_0 = arith.constant 0 : index
    %get3A_1 = vector.load %arg1[%get3A, %get3A_0] : memref<1000x960xf32, #tpu.memory_space<vmem>>, vector<1000x960xf32>
    %get3A_2 = arith.constant 0 : index
    %get3A_3 = arith.constant 0 : index
    %get3A_4 = vector.load %arg2[%get3A_2, %get3A_3] : memref<960x384xf32, #tpu.memory_space<vmem>>, vector<960x384xf32>
    %dot_general3A = arith.constant dense<0.000000e+00> : vector<1000x384xf32>
    %dot_general3A_5 = tpu.matmul %get3A_1, %get3A_4, %dot_general3A {dimension_numbers = #tpu.dot_dimension_numbers<[1], [0], [0], [1], [0, 0, 1, 1], [], []>, transpose_lhs_hint = false} : vector<1000x960xf32>, vector<960x384xf32>, vector<1000x384xf32> -> vector<1000x384xf32>
    %get3A_6 = arith.constant 0 : index
    %get3A_7 = arith.constant 0 : index
    %get3A_8 = vector.load %arg3[%get3A_6, %get3A_7] : memref<1x384xf32, #tpu.memory_space<vmem>>, vector<1x384xf32>
    %add3A = vector.broadcast %get3A_8 : vector<1x384xf32> to vector<1000x384xf32>
    %add3A_9 = arith.addf %dot_general3A_5, %add3A : vector<1000x384xf32>
    %swap3A = arith.constant 0 : index
    %swap3A_10 = arith.constant 0 : index
    %swap3A_11 = vector.load %arg4[%swap3A, %swap3A_10] : memref<1000x384xf32, #tpu.memory_space<vmem>>, vector<1000x384xf32>
    tpu.vector_store %arg4[%swap3A, %swap3A_10], %add3A_9 {strides = array<i32>} : memref<1000x384xf32, #tpu.memory_space<vmem>>, vector<1000x384xf32>,
    return
  }
  func.func @transform_0(%arg0: i32) -> (i32, i32) {
    %c0_i32 = arith.constant 0 : i32
    %c0_i32_0 = arith.constant 0 : i32
    return %arg0, %c0_i32 : i32, i32
  }
  func.func @transform_1(%arg0: i32) -> (i32, i32) {
    %c0_i32 = arith.constant 0 : i32
    %c0_i32_0 = arith.constant 0 : i32
    %c0_i32_1 = arith.constant 0 : i32
    return %c0_i32, %c0_i32_0 : i32, i32
  }
  func.func @transform_2(%arg0: i32) -> (i32, i32) {
    %c0_i32 = arith.constant 0 : i32
    %c0_i32_0 = arith.constant 0 : i32
    %c0_i32_1 = arith.constant 0 : i32
    return %c0_i32, %c0_i32_0 : i32, i32
  }
  func.func @transform_3(%arg0: i32) -> (i32, i32) {
    %c0_i32 = arith.constant 0 : i32
    %c0_i32_0 = arith.constant 0 : i32
    return %arg0, %c0_i32 : i32, i32
  }
}

module attributes {stable_mosaic.version = 14 : i64} {
  func.func @_scale_body(%arg0: i32, %arg1: i32, %arg2: memref<1x1280x96xf32, #tpu.memory_space<vmem>>, %arg3: memref<1280x2xf32, #tpu.memory_space<vmem>>, %arg4: memref<1x1280x96xf32, #tpu.memory_space<vmem>>) attributes {dimension_semantics = [#tpu.dimension_semantics<arbitrary>, #tpu.dimension_semantics<arbitrary>], iteration_bounds = array<i64: 4, 8>, scalar_prefetch = 0 : i64, scratch_operands = 0 : i64, tpu.core_type = #tpu.core_type<tc>, window_params = [{transform_indices = @transform_0, window_bounds = array<i64: 1, 1280, 96>}, {transform_indices = @transform_1, window_bounds = array<i64: 1280, 2>}, {transform_indices = @transform_2, window_bounds = array<i64: 1, 1280, 96>}]} {
    %get3A = arith.constant 0 : index
    %get3A_0 = arith.constant 0 : index
    %get3A_1 = arith.constant 0 : index
    %get3A_2 = vector.load %arg2[%get3A, %get3A_0, %get3A_1] : memref<1x1280x96xf32, #tpu.memory_space<vmem>>, vector<1x1280x96xf32>
    %get3A_3 = vector.shape_cast %get3A_2 : vector<1x1280x96xf32> to vector<1280x96xf32>
    %get3A_4 = arith.constant 0 : index
    %get3A_5 = arith.constant 0 : index
    %get3A_6 = vector.load %arg3[%get3A_4, %get3A_5] : memref<1280x2xf32, #tpu.memory_space<vmem>>, vector<1280x1xf32>
    %get3A_7 = arith.constant 0 : index
    %get3A_8 = arith.constant 1 : index
    %get3A_9 = vector.load %arg3[%get3A_7, %get3A_8] : memref<1280x2xf32, #tpu.memory_space<vmem>>, vector<1280x1xf32>
    %add3A = arith.addf %get3A_6, %get3A_9 : vector<1280x1xf32>
    %jit3A = arith.constant 1.000000e+00 : f32
    %max3A = vector.broadcast %jit3A : f32 to vector<1280x1xf32>
    %max3A_10 = arith.maximumf %max3A, %add3A : vector<1280x1xf32>
    %rsqrt3A = math.rsqrt %max3A_10 : vector<1280x1xf32>
    %mul3A = vector.broadcast %rsqrt3A : vector<1280x1xf32> to vector<1280x96xf32>
    %mul3A_11 = arith.mulf %get3A_3, %mul3A : vector<1280x96xf32>
    %swap3A = arith.constant 0 : index
    %swap3A_12 = arith.constant 0 : index
    %swap3A_13 = arith.constant 0 : index
    %swap3A_14 = vector.load %arg4[%swap3A, %swap3A_12, %swap3A_13] : memref<1x1280x96xf32, #tpu.memory_space<vmem>>, vector<1x1280x96xf32>
    %swap3A_15 = vector.shape_cast %swap3A_14 : vector<1x1280x96xf32> to vector<1280x96xf32>
    %swap3A_16 = vector.shape_cast %mul3A_11 : vector<1280x96xf32> to vector<1x1280x96xf32>
    tpu.vector_store %arg4[%swap3A, %swap3A_12, %swap3A_13], %swap3A_16 {strides = array<i32>} : memref<1x1280x96xf32, #tpu.memory_space<vmem>>, vector<1x1280x96xf32>,
    return
  }
  func.func @transform_0(%arg0: i32, %arg1: i32) -> (i32, i32, i32) {
    %c0_i32 = arith.constant 0 : i32
    %c0_i32_0 = arith.constant 0 : i32
    return %arg0, %arg1, %c0_i32 : i32, i32, i32
  }
  func.func @transform_1(%arg0: i32, %arg1: i32) -> (i32, i32) {
    %c0_i32 = arith.constant 0 : i32
    %c0_i32_0 = arith.constant 0 : i32
    return %arg1, %c0_i32 : i32, i32
  }
  func.func @transform_2(%arg0: i32, %arg1: i32) -> (i32, i32, i32) {
    %c0_i32 = arith.constant 0 : i32
    %c0_i32_0 = arith.constant 0 : i32
    return %arg0, %arg1, %c0_i32 : i32, i32, i32
  }
}

module attributes {stable_mosaic.version = 14 : i64} {
  func.func @_scale_sq_body(%arg0: i32, %arg1: i32, %arg2: memref<1x1280x96xf32, #tpu.memory_space<vmem>>, %arg3: memref<1280x2xf32, #tpu.memory_space<vmem>>, %arg4: memref<1x1280x96xf32, #tpu.memory_space<vmem>>) attributes {dimension_semantics = [#tpu.dimension_semantics<arbitrary>, #tpu.dimension_semantics<arbitrary>], iteration_bounds = array<i64: 4, 8>, scalar_prefetch = 0 : i64, scratch_operands = 0 : i64, tpu.core_type = #tpu.core_type<tc>, window_params = [{transform_indices = @transform_0, window_bounds = array<i64: 1, 1280, 96>}, {transform_indices = @transform_1, window_bounds = array<i64: 1280, 2>}, {transform_indices = @transform_2, window_bounds = array<i64: 1, 1280, 96>}]} {
    %get3A = arith.constant 0 : index
    %get3A_0 = arith.constant 0 : index
    %get3A_1 = vector.load %arg3[%get3A, %get3A_0] : memref<1280x2xf32, #tpu.memory_space<vmem>>, vector<1280x1xf32>
    %get3A_2 = arith.constant 0 : index
    %get3A_3 = arith.constant 1 : index
    %get3A_4 = vector.load %arg3[%get3A_2, %get3A_3] : memref<1280x2xf32, #tpu.memory_space<vmem>>, vector<1280x1xf32>
    %add3A = arith.addf %get3A_1, %get3A_4 : vector<1280x1xf32>
    %get3A_5 = arith.constant 0 : index
    %get3A_6 = arith.constant 0 : index
    %get3A_7 = arith.constant 0 : index
    %get3A_8 = vector.load %arg2[%get3A_5, %get3A_6, %get3A_7] : memref<1x1280x96xf32, #tpu.memory_space<vmem>>, vector<1x1280x96xf32>
    %get3A_9 = vector.shape_cast %get3A_8 : vector<1x1280x96xf32> to vector<1280x96xf32>
    %jit3A = arith.constant 1.000000e+00 : f32
    %max3A = vector.broadcast %jit3A : f32 to vector<1280x1xf32>
    %max3A_10 = arith.maximumf %max3A, %add3A : vector<1280x1xf32>
    %div3A = vector.broadcast %max3A_10 : vector<1280x1xf32> to vector<1280x96xf32>
    %div3A_11 = arith.divf %get3A_9, %div3A : vector<1280x96xf32>
    %swap3A = arith.constant 0 : index
    %swap3A_12 = arith.constant 0 : index
    %swap3A_13 = arith.constant 0 : index
    %swap3A_14 = vector.load %arg4[%swap3A, %swap3A_12, %swap3A_13] : memref<1x1280x96xf32, #tpu.memory_space<vmem>>, vector<1x1280x96xf32>
    %swap3A_15 = vector.shape_cast %swap3A_14 : vector<1x1280x96xf32> to vector<1280x96xf32>
    %swap3A_16 = vector.shape_cast %div3A_11 : vector<1280x96xf32> to vector<1x1280x96xf32>
    tpu.vector_store %arg4[%swap3A, %swap3A_12, %swap3A_13], %swap3A_16 {strides = array<i32>} : memref<1x1280x96xf32, #tpu.memory_space<vmem>>, vector<1x1280x96xf32>,
    return
  }
  func.func @transform_0(%arg0: i32, %arg1: i32) -> (i32, i32, i32) {
    %c0_i32 = arith.constant 0 : i32
    %c0_i32_0 = arith.constant 0 : i32
    return %arg0, %arg1, %c0_i32 : i32, i32, i32
  }
  func.func @transform_1(%arg0: i32, %arg1: i32) -> (i32, i32) {
    %c0_i32 = arith.constant 0 : i32
    %c0_i32_0 = arith.constant 0 : i32
    return %arg1, %c0_i32 : i32, i32
  }
  func.func @transform_2(%arg0: i32, %arg1: i32) -> (i32, i32, i32) {
    %c0_i32 = arith.constant 0 : i32
    %c0_i32_0 = arith.constant 0 : i32
    return %arg0, %arg1, %c0_i32 : i32, i32, i32
  }
}

module attributes {stable_mosaic.version = 14 : i64} {
  func.func @_final_body(%arg0: i32, %arg1: memref<400x384xf32, #tpu.memory_space<vmem>>, %arg2: memref<1x400x96xf32, #tpu.memory_space<vmem>>, %arg3: memref<1x400x96xf32, #tpu.memory_space<vmem>>, %arg4: memref<1x400x96xf32, #tpu.memory_space<vmem>>, %arg5: memref<1x400x96xf32, #tpu.memory_space<vmem>>, %arg6: memref<1x400x96xf32, #tpu.memory_space<vmem>>, %arg7: memref<1x400x96xf32, #tpu.memory_space<vmem>>, %arg8: memref<1x400x96xf32, #tpu.memory_space<vmem>>, %arg9: memref<1x400x96xf32, #tpu.memory_space<vmem>>, %arg10: memref<400x2xf32, #tpu.memory_space<vmem>>, %arg11: memref<384x128xf32, #tpu.memory_space<vmem>>, %arg12: memref<1x128xf32, #tpu.memory_space<vmem>>, %arg13: memref<128x128xf32, #tpu.memory_space<vmem>>, %arg14: memref<1x128xf32, #tpu.memory_space<vmem>>, %arg15: memref<384x128xf32, #tpu.memory_space<vmem>>, %arg16: memref<1x128xf32, #tpu.memory_space<vmem>>, %arg17: memref<128x128xf32, #tpu.memory_space<vmem>>, %arg18: memref<1x128xf32, #tpu.memory_space<vmem>>, %arg19: memref<400x128xf32, #tpu.memory_space<vmem>>) attributes {dimension_semantics = [#tpu.dimension_semantics<arbitrary>], iteration_bounds = array<i64: 25>, scalar_prefetch = 0 : i64, scratch_operands = 0 : i64, tpu.core_type = #tpu.core_type<tc>, window_params = [{transform_indices = @transform_0, window_bounds = array<i64: 400, 384>}, {transform_indices = @transform_1, window_bounds = array<i64: 1, 400, 96>}, {transform_indices = @transform_2, window_bounds = array<i64: 1, 400, 96>}, {transform_indices = @transform_3, window_bounds = array<i64: 1, 400, 96>}, {transform_indices = @transform_4, window_bounds = array<i64: 1, 400, 96>}, {transform_indices = @transform_5, window_bounds = array<i64: 1, 400, 96>}, {transform_indices = @transform_6, window_bounds = array<i64: 1, 400, 96>}, {transform_indices = @transform_7, window_bounds = array<i64: 1, 400, 96>}, {transform_indices = @transform_8, window_bounds = array<i64: 1, 400, 96>}, {transform_indices = @transform_9, window_bounds = array<i64: 400, 2>}, {pipeline_mode = #tpu.pipeline_mode<synchronous>, transform_indices = @transform_10, window_bounds = array<i64: 384, 128>}, {pipeline_mode = #tpu.pipeline_mode<synchronous>, transform_indices = @transform_11, window_bounds = array<i64: 1, 128>}, {pipeline_mode = #tpu.pipeline_mode<synchronous>, transform_indices = @transform_12, window_bounds = array<i64: 128, 128>}, {pipeline_mode = #tpu.pipeline_mode<synchronous>, transform_indices = @transform_13, window_bounds = array<i64: 1, 128>}, {pipeline_mode = #tpu.pipeline_mode<synchronous>, transform_indices = @transform_14, window_bounds = array<i64: 384, 128>}, {pipeline_mode = #tpu.pipeline_mode<synchronous>, transform_indices = @transform_15, window_bounds = array<i64: 1, 128>}, {pipeline_mode = #tpu.pipeline_mode<synchronous>, transform_indices = @transform_16, window_bounds = array<i64: 128, 128>}, {pipeline_mode = #tpu.pipeline_mode<synchronous>, transform_indices = @transform_17, window_bounds = array<i64: 1, 128>}, {transform_indices = @transform_18, window_bounds = array<i64: 400, 128>}]} {
    %get3A = arith.constant 0 : index
    %get3A_0 = arith.constant 0 : index
    %get3A_1 = vector.load %arg10[%get3A, %get3A_0] : memref<400x2xf32, #tpu.memory_space<vmem>>, vector<400x1xf32>
    %get3A_2 = arith.constant 0 : index
    %get3A_3 = arith.constant 1 : index
    %get3A_4 = vector.load %arg10[%get3A_2, %get3A_3] : memref<400x2xf32, #tpu.memory_space<vmem>>, vector<400x1xf32>
    %add3A = arith.addf %get3A_1, %get3A_4 : vector<400x1xf32>
    %jit3A = arith.constant 1.000000e+00 : f32
    %max3A = vector.broadcast %jit3A : f32 to vector<400x1xf32>
    %max3A_5 = arith.maximumf %max3A, %add3A : vector<400x1xf32>
    %rsqrt3A = math.rsqrt %max3A_5 : vector<400x1xf32>
    %get3A_6 = arith.constant 0 : index
    %get3A_7 = arith.constant 0 : index
    %get3A_8 = arith.constant 0 : index
    %get3A_9 = vector.load %arg2[%get3A_6, %get3A_7, %get3A_8] : memref<1x400x96xf32, #tpu.memory_space<vmem>>, vector<1x400x96xf32>
    %get3A_10 = vector.shape_cast %get3A_9 : vector<1x400x96xf32> to vector<400x96xf32>
    %get3A_11 = arith.constant 0 : index
    %get3A_12 = arith.constant 0 : index
    %get3A_13 = arith.constant 0 : index
    %get3A_14 = vector.load %arg3[%get3A_11, %get3A_12, %get3A_13] : memref<1x400x96xf32, #tpu.memory_space<vmem>>, vector<1x400x96xf32>
    %get3A_15 = vector.shape_cast %get3A_14 : vector<1x400x96xf32> to vector<400x96xf32>
    %get3A_16 = arith.constant 0 : index
    %get3A_17 = arith.constant 0 : index
    %get3A_18 = arith.constant 0 : index
    %get3A_19 = vector.load %arg4[%get3A_16, %get3A_17, %get3A_18] : memref<1x400x96xf32, #tpu.memory_space<vmem>>, vector<1x400x96xf32>
    %get3A_20 = vector.shape_cast %get3A_19 : vector<1x400x96xf32> to vector<400x96xf32>
    %get3A_21 = arith.constant 0 : index
    %get3A_22 = arith.constant 0 : index
    %get3A_23 = arith.constant 0 : index
    %get3A_24 = vector.load %arg5[%get3A_21, %get3A_22, %get3A_23] : memref<1x400x96xf32, #tpu.memory_space<vmem>>, vector<1x400x96xf32>
    %get3A_25 = vector.shape_cast %get3A_24 : vector<1x400x96xf32> to vector<400x96xf32>
    %concatenate3A = tpu.concatenate %get3A_10, %get3A_15, %get3A_20, %get3A_25 in 1 : vector<400x96xf32>, vector<400x96xf32>, vector<400x96xf32>, vector<400x96xf32> -> vector<400x384xf32>
    %get3A_26 = arith.constant 0 : index
    %get3A_27 = arith.constant 0 : index
    %get3A_28 = arith.constant 0 : index
    %get3A_29 = vector.load %arg6[%get3A_26, %get3A_27, %get3A_28] : memref<1x400x96xf32, #tpu.memory_space<vmem>>, vector<1x400x96xf32>
    %get3A_30 = vector.shape_cast %get3A_29 : vector<1x400x96xf32> to vector<400x96xf32>
    %get3A_31 = arith.constant 0 : index
    %get3A_32 = arith.constant 0 : index
    %get3A_33 = arith.constant 0 : index
    %get3A_34 = vector.load %arg7[%get3A_31, %get3A_32, %get3A_33] : memref<1x400x96xf32, #tpu.memory_space<vmem>>, vector<1x400x96xf32>
    %get3A_35 = vector.shape_cast %get3A_34 : vector<1x400x96xf32> to vector<400x96xf32>
    %get3A_36 = arith.constant 0 : index
    %get3A_37 = arith.constant 0 : index
    %get3A_38 = arith.constant 0 : index
    %get3A_39 = vector.load %arg8[%get3A_36, %get3A_37, %get3A_38] : memref<1x400x96xf32, #tpu.memory_space<vmem>>, vector<1x400x96xf32>
    %get3A_40 = vector.shape_cast %get3A_39 : vector<1x400x96xf32> to vector<400x96xf32>
    %get3A_41 = arith.constant 0 : index
    %get3A_42 = arith.constant 0 : index
    %get3A_43 = arith.constant 0 : index
    %get3A_44 = vector.load %arg9[%get3A_41, %get3A_42, %get3A_43] : memref<1x400x96xf32, #tpu.memory_space<vmem>>, vector<1x400x96xf32>
    %get3A_45 = vector.shape_cast %get3A_44 : vector<1x400x96xf32> to vector<400x96xf32>
    %concatenate3A_46 = tpu.concatenate %get3A_30, %get3A_35, %get3A_40, %get3A_45 in 1 : vector<400x96xf32>, vector<400x96xf32>, vector<400x96xf32>, vector<400x96xf32> -> vector<400x384xf32>
    %get3A_47 = arith.constant 0 : index
    %get3A_48 = arith.constant 0 : index
    %get3A_49 = vector.load %arg1[%get3A_47, %get3A_48] : memref<400x384xf32, #tpu.memory_space<vmem>>, vector<400x384xf32>
    %add3A_50 = arith.addf %concatenate3A, %concatenate3A_46 : vector<400x384xf32>
    %mul3A = vector.broadcast %rsqrt3A : vector<400x1xf32> to vector<400x384xf32>
    %mul3A_51 = arith.mulf %mul3A, %add3A_50 : vector<400x384xf32>
    %add3A_52 = arith.addf %get3A_49, %mul3A_51 : vector<400x384xf32>
    %mul3A_53 = arith.constant 0.333333343 : f32
    %mul3A_54 = vector.broadcast %mul3A_53 : f32 to vector<400x384xf32>
    %mul3A_55 = arith.mulf %add3A_52, %mul3A_54 : vector<400x384xf32>
    %lt3A = arith.constant 5 : i32
    %lt3A_56 = arith.cmpi slt, %arg0, %lt3A : i32
    %get3A_57 = arith.constant 0 : index
    %get3A_58 = arith.constant 0 : index
    %get3A_59 = vector.load %arg11[%get3A_57, %get3A_58] : memref<384x128xf32, #tpu.memory_space<vmem>>, vector<384x128xf32>
    %get3A_60 = arith.constant 0 : index
    %get3A_61 = arith.constant 0 : index
    %get3A_62 = vector.load %arg15[%get3A_60, %get3A_61] : memref<384x128xf32, #tpu.memory_space<vmem>>, vector<384x128xf32>
    %select_n3A = arith.select %lt3A_56, %get3A_59, %get3A_62 : vector<384x128xf32>
    %get3A_63 = arith.constant 0 : index
    %get3A_64 = arith.constant 0 : index
    %get3A_65 = vector.load %arg12[%get3A_63, %get3A_64] : memref<1x128xf32, #tpu.memory_space<vmem>>, vector<1x128xf32>
    %get3A_66 = arith.constant 0 : index
    %get3A_67 = arith.constant 0 : index
    %get3A_68 = vector.load %arg16[%get3A_66, %get3A_67] : memref<1x128xf32, #tpu.memory_space<vmem>>, vector<1x128xf32>
    %select_n3A_69 = arith.select %lt3A_56, %get3A_65, %get3A_68 : vector<1x128xf32>
    %get3A_70 = arith.constant 0 : index
    %get3A_71 = arith.constant 0 : index
    %get3A_72 = vector.load %arg13[%get3A_70, %get3A_71] : memref<128x128xf32, #tpu.memory_space<vmem>>, vector<128x128xf32>
    %get3A_73 = arith.constant 0 : index
    %get3A_74 = arith.constant 0 : index
    %get3A_75 = vector.load %arg17[%get3A_73, %get3A_74] : memref<128x128xf32, #tpu.memory_space<vmem>>, vector<128x128xf32>
    %select_n3A_76 = arith.select %lt3A_56, %get3A_72, %get3A_75 : vector<128x128xf32>
    %get3A_77 = arith.constant 0 : index
    %get3A_78 = arith.constant 0 : index
    %get3A_79 = vector.load %arg14[%get3A_77, %get3A_78] : memref<1x128xf32, #tpu.memory_space<vmem>>, vector<1x128xf32>
    %get3A_80 = arith.constant 0 : index
    %get3A_81 = arith.constant 0 : index
    %get3A_82 = vector.load %arg18[%get3A_80, %get3A_81] : memref<1x128xf32, #tpu.memory_space<vmem>>, vector<1x128xf32>
    %select_n3A_83 = arith.select %lt3A_56, %get3A_79, %get3A_82 : vector<1x128xf32>
    %dot_general3A = arith.constant dense<0.000000e+00> : vector<400x128xf32>
    %dot_general3A_84 = tpu.matmul %mul3A_55, %select_n3A, %dot_general3A {dimension_numbers = #tpu.dot_dimension_numbers<[1], [0], [0], [1], [0, 0, 1, 1], [], []>, transpose_lhs_hint = false} : vector<400x384xf32>, vector<384x128xf32>, vector<400x128xf32> -> vector<400x128xf32>
    %add3A_85 = vector.broadcast %select_n3A_69 : vector<1x128xf32> to vector<400x128xf32>
    %add3A_86 = arith.addf %dot_general3A_84, %add3A_85 : vector<400x128xf32>
    %max3A_87 = arith.constant 0.000000e+00 : f32
    %max3A_88 = vector.broadcast %max3A_87 : f32 to vector<400x128xf32>
    %max3A_89 = arith.maximumf %add3A_86, %max3A_88 : vector<400x128xf32>
    %dot_general3A_90 = arith.constant dense<0.000000e+00> : vector<400x128xf32>
    %dot_general3A_91 = tpu.matmul %max3A_89, %select_n3A_76, %dot_general3A_90 {dimension_numbers = #tpu.dot_dimension_numbers<[1], [0], [0], [1], [0, 0, 1, 1], [], []>, transpose_lhs_hint = false} : vector<400x128xf32>, vector<128x128xf32>, vector<400x128xf32> -> vector<400x128xf32>
    %add3A_92 = vector.broadcast %select_n3A_83 : vector<1x128xf32> to vector<400x128xf32>
    %add3A_93 = arith.addf %dot_general3A_91, %add3A_92 : vector<400x128xf32>
    %reduce_max3A = arith.constant dense<0xFF800000> : vector<400xf32>
    %reduce_max3A_94 = vector.multi_reduction <maximumf>, %add3A_93, %reduce_max3A [1] : vector<400x128xf32> to vector<400xf32>
    %broadcast_in_dim3A = vector.shape_cast %reduce_max3A_94 : vector<400xf32> to vector<400x1xf32>
    %sub3A = vector.broadcast %broadcast_in_dim3A : vector<400x1xf32> to vector<400x128xf32>
    %sub3A_95 = arith.subf %add3A_93, %sub3A : vector<400x128xf32>
    %exp3A = math.exp %sub3A_95 : vector<400x128xf32>
    %reduce_sum3A = arith.constant dense<0.000000e+00> : vector<400xf32>
    %reduce_sum3A_96 = vector.multi_reduction <add>, %exp3A, %reduce_sum3A [1] : vector<400x128xf32> to vector<400xf32>
    %broadcast_in_dim3A_97 = vector.shape_cast %reduce_sum3A_96 : vector<400xf32> to vector<400x1xf32>
    %div3A = vector.broadcast %broadcast_in_dim3A_97 : vector<400x1xf32> to vector<400x128xf32>
    %div3A_98 = arith.divf %exp3A, %div3A : vector<400x128xf32>
    %slice3A = vector.extract_strided_slice %div3A_98 {offsets = [0, 0], sizes = [400, 1], strides = [1, 1]} : vector<400x128xf32> to vector<400x1xf32>
    %slice3A_99 = vector.extract_strided_slice %mul3A_55 {offsets = [0, 0], sizes = [400, 128], strides = [1, 1]} : vector<400x384xf32> to vector<400x128xf32>
    %mul3A_100 = vector.broadcast %slice3A : vector<400x1xf32> to vector<400x128xf32>
    %mul3A_101 = arith.mulf %mul3A_100, %slice3A_99 : vector<400x128xf32>
    %slice3A_102 = vector.extract_strided_slice %div3A_98 {offsets = [0, 1], sizes = [400, 1], strides = [1, 1]} : vector<400x128xf32> to vector<400x1xf32>
    %slice3A_103 = vector.extract_strided_slice %mul3A_55 {offsets = [0, 128], sizes = [400, 128], strides = [1, 1]} : vector<400x384xf32> to vector<400x128xf32>
    %mul3A_104 = vector.broadcast %slice3A_102 : vector<400x1xf32> to vector<400x128xf32>
    %mul3A_105 = arith.mulf %mul3A_104, %slice3A_103 : vector<400x128xf32>
    %add3A_106 = arith.addf %mul3A_101, %mul3A_105 : vector<400x128xf32>
    %slice3A_107 = vector.extract_strided_slice %div3A_98 {offsets = [0, 2], sizes = [400, 1], strides = [1, 1]} : vector<400x128xf32> to vector<400x1xf32>
    %slice3A_108 = vector.extract_strided_slice %mul3A_55 {offsets = [0, 256], sizes = [400, 128], strides = [1, 1]} : vector<400x384xf32> to vector<400x128xf32>
    %mul3A_109 = vector.broadcast %slice3A_107 : vector<400x1xf32> to vector<400x128xf32>
    %mul3A_110 = arith.mulf %mul3A_109, %slice3A_108 : vector<400x128xf32>
    %add3A_111 = arith.addf %add3A_106, %mul3A_110 : vector<400x128xf32>
    %swap3A = arith.constant 0 : index
    %swap3A_112 = arith.constant 0 : index
    %swap3A_113 = vector.load %arg19[%swap3A, %swap3A_112] : memref<400x128xf32, #tpu.memory_space<vmem>>, vector<400x128xf32>
    tpu.vector_store %arg19[%swap3A, %swap3A_112], %add3A_111 {strides = array<i32>} : memref<400x128xf32, #tpu.memory_space<vmem>>, vector<400x128xf32>,
    return
  }
  func.func @transform_0(%arg0: i32) -> (i32, i32) {
    %c0_i32 = arith.constant 0 : i32
    %c0_i32_0 = arith.constant 0 : i32
    return %arg0, %c0_i32 : i32, i32
  }
  func.func @transform_1(%arg0: i32) -> (i32, i32, i32) {
    %c0_i32 = arith.constant 0 : i32
    %c0_i32_0 = arith.constant 0 : i32
    %c0_i32_1 = arith.constant 0 : i32
    return %c0_i32, %arg0, %c0_i32_0 : i32, i32, i32
  }
  func.func @transform_2(%arg0: i32) -> (i32, i32, i32) {
    %c1_i32 = arith.constant 1 : i32
    %c0_i32 = arith.constant 0 : i32
    %c0_i32_0 = arith.constant 0 : i32
    return %c1_i32, %arg0, %c0_i32 : i32, i32, i32
  }
  func.func @transform_3(%arg0: i32) -> (i32, i32, i32) {
    %c2_i32 = arith.constant 2 : i32
    %c0_i32 = arith.constant 0 : i32
    %c0_i32_0 = arith.constant 0 : i32
    return %c2_i32, %arg0, %c0_i32 : i32, i32, i32
  }
  func.func @transform_4(%arg0: i32) -> (i32, i32, i32) {
    %c3_i32 = arith.constant 3 : i32
    %c0_i32 = arith.constant 0 : i32
    %c0_i32_0 = arith.constant 0 : i32
    return %c3_i32, %arg0, %c0_i32 : i32, i32, i32
  }
  func.func @transform_5(%arg0: i32) -> (i32, i32, i32) {
    %c0_i32 = arith.constant 0 : i32
    %c0_i32_0 = arith.constant 0 : i32
    %c0_i32_1 = arith.constant 0 : i32
    return %c0_i32, %arg0, %c0_i32_0 : i32, i32, i32
  }
  func.func @transform_6(%arg0: i32) -> (i32, i32, i32) {
    %c1_i32 = arith.constant 1 : i32
    %c0_i32 = arith.constant 0 : i32
    %c0_i32_0 = arith.constant 0 : i32
    return %c1_i32, %arg0, %c0_i32 : i32, i32, i32
  }
  func.func @transform_7(%arg0: i32) -> (i32, i32, i32) {
    %c2_i32 = arith.constant 2 : i32
    %c0_i32 = arith.constant 0 : i32
    %c0_i32_0 = arith.constant 0 : i32
    return %c2_i32, %arg0, %c0_i32 : i32, i32, i32
  }
  func.func @transform_8(%arg0: i32) -> (i32, i32, i32) {
    %c3_i32 = arith.constant 3 : i32
    %c0_i32 = arith.constant 0 : i32
    %c0_i32_0 = arith.constant 0 : i32
    return %c3_i32, %arg0, %c0_i32 : i32, i32, i32
  }
  func.func @transform_9(%arg0: i32) -> (i32, i32) {
    %c0_i32 = arith.constant 0 : i32
    %c0_i32_0 = arith.constant 0 : i32
    return %arg0, %c0_i32 : i32, i32
  }
  func.func @transform_10(%arg0: i32) -> (i32, i32) {
    %c0_i32 = arith.constant 0 : i32
    %c0_i32_0 = arith.constant 0 : i32
    %c0_i32_1 = arith.constant 0 : i32
    return %c0_i32, %c0_i32_0 : i32, i32
  }
  func.func @transform_11(%arg0: i32) -> (i32, i32) {
    %c0_i32 = arith.constant 0 : i32
    %c0_i32_0 = arith.constant 0 : i32
    %c0_i32_1 = arith.constant 0 : i32
    return %c0_i32, %c0_i32_0 : i32, i32
  }
  func.func @transform_12(%arg0: i32) -> (i32, i32) {
    %c0_i32 = arith.constant 0 : i32
    %c0_i32_0 = arith.constant 0 : i32
    %c0_i32_1 = arith.constant 0 : i32
    return %c0_i32, %c0_i32_0 : i32, i32
  }
  func.func @transform_13(%arg0: i32) -> (i32, i32) {
    %c0_i32 = arith.constant 0 : i32
    %c0_i32_0 = arith.constant 0 : i32
    %c0_i32_1 = arith.constant 0 : i32
    return %c0_i32, %c0_i32_0 : i32, i32
  }
  func.func @transform_14(%arg0: i32) -> (i32, i32) {
    %c0_i32 = arith.constant 0 : i32
    %c0_i32_0 = arith.constant 0 : i32
    %c0_i32_1 = arith.constant 0 : i32
    return %c0_i32, %c0_i32_0 : i32, i32
  }
  func.func @transform_15(%arg0: i32) -> (i32, i32) {
    %c0_i32 = arith.constant 0 : i32
    %c0_i32_0 = arith.constant 0 : i32
    %c0_i32_1 = arith.constant 0 : i32
    return %c0_i32, %c0_i32_0 : i32, i32
  }
  func.func @transform_16(%arg0: i32) -> (i32, i32) {
    %c0_i32 = arith.constant 0 : i32
    %c0_i32_0 = arith.constant 0 : i32
    %c0_i32_1 = arith.constant 0 : i32
    return %c0_i32, %c0_i32_0 : i32, i32
  }
  func.func @transform_17(%arg0: i32) -> (i32, i32) {
    %c0_i32 = arith.constant 0 : i32
    %c0_i32_0 = arith.constant 0 : i32
    %c0_i32_1 = arith.constant 0 : i32
    return %c0_i32, %c0_i32_0 : i32, i32
  }
  func.func @transform_18(%arg0: i32) -> (i32, i32) {
    %c0_i32 = arith.constant 0 : i32
    %c0_i32_0 = arith.constant 0 : i32
    return %arg0, %c0_i32 : i32, i32
  }
}

</mosaic_0001>

<sc_bundles>
// kernel: kernel.12.cloned.1.call-start
scs
__scs_entry_jumppad:
0x0: {  	(pc) =	sbr.rel $0x88, $3  }
0x1: {  	(tag) =	ssettag $0x0;
	lr =	simm.s32 $0x1  }
0x2: {  	[smem:$0x3F80] =	sst lr;
	_ =	strace $0xD0000000  }
0x3: {  	_ = 	snop  }
0x4: {  	_ = 	snop  }
0x5: {  	_ = 	snop  }
0x6: {  	_ = 	snop  }
0x7: {  	_ = 	snop  }
__scs_overlays_trampoline_lowered:
0x8: {  	[smem:$0x3F8F] =	sst s0  }
0x9: {  	[smem:$0x3F90] =	sst s1  }
0xa: {  	[smem:$0x3F91] =	sst s2  }
0xb: {  	[smem:$0x3F92] =	sst s3  }
0xc: {  	[smem:$0x3F93] =	sst s4  }
0xd: {  	[smem:$0x3F94] =	sst s5  }
0xe: {  	[smem:$0x3F95] =	sst s6  }
0xf: {  	[smem:$0x3F96] =	sst s7  }
0x10: {  	[smem:$0x3F97] =	sst s8  }
0x11: {  	[smem:$0x3F98] =	sst s9;
	s0 =	simm.s32 @!p0 $0x0  }
0x12: {  	s1 =	sld [smem:$0x3F7E];
	s0 =	simm.s32 @p0 $0x1  }
0x13: {  	[smem:$0x3F99] =	sst s0;
	s0 =	simm.s32 @!p1 $0x0  }
0x14: {  	s2 =	sld [smem:$0x3F7D];
	s0 =	simm.s32 @p1 $0x1  }
0x15: {  	[smem:$0x3F9A] =	sst s0;
	s0 =	simm.s32 @!p2 $0x0  }
0x16: {  	s3 =	sld [smem:$0x3FDB];
	s0 =	simm.s32 @p2 $0x1  }
0x17: {  	s4 =	simm.s32 $0x1BF5;
	[smem:$0x3F9C] =	sst s0  }
0x18: {  	s0 =	sld [smem:$0x3F7F];
	_ =	swait.ge [sflag:s4], $0x0  }
0x19: {  	s7 =	sld [smem:$0x3F80]  }
0x1a: {  	s8 =	sadd.s32 $0xFFFFE003, lr  }
0x1b: {  	s9 =	sadd.s32 $0xFFFFFEF7, lr;
	s5 =	simm.s32 $0xFFFFFFFF;
	p2 =	slt.u32 s8, $0xFFFFF086  }
0x1c: {  	p1 =	slt.u32 s9, $0xF7A;
	s5 =	simm.s32 @!p2 $0x0  }
0x1d: {  	s5 =	simm.s32 @p1 $0x1;
	p0 =	seq.s32 s7, s2  }
0x1e: {  	s7 =	smul.u32 @!p0 $0xF7A, s2;
	p2 =	seq.s32 @!p0 s5, $0x0  }
0x1f: {  	s9 =	smul.u32 $0xF7A, s1;
	s8 =	simm.s32 @!p0 $0x1BF5;
	p2 =	por !p2, p0  }
0x20: {  	[sflag:s8] =	ssyncset.s32 @!p0 $0xFFFFF086;
	s6 =	sadd.s32 @!p0 s3, s7;
	s7 =	simm.s32 @!p0 $0x108  }
0x21: {  	s3 =	sadd.s32 s3, s9;
	s6 =	sadd.s32 @!p0 $0x88, s6;
	s7 =	simm.s32 @p2 $0x1082  }
0x22: {  	[simem:s7], [sflag:s8] =	dma.local @!p0 [hbm:s6], $0xF7A  }
0x23: {  	s9 =	sor.u32 $0xD0000000, s2;
	s6 =	simm.s32 $0x108;
	_ =	swait.ge @!p0 [sflag:s8], $0x0  }
0x24: {  	s3 =	sadd.s32 $0x88, s3;
	s6 =	simm.s32 @!p1 $0x1082;
	[sflag:s4] =	ssyncset.s32 $0xFFFFF086  }
0x25: {  	[simem:s6], [sflag:s4] =	dma.local [hbm:s3], $0xF7A  }
0x26: {  	[smem:$0x3F80] =	sst s1;
	(tag) =	ssettag s2;
	_ =	strace s9  }
0x27: {  	s1 =	sld [smem:$0x3F90]  }
0x28: {  	s2 =	sld [smem:$0x3F91]  }
0x29: {  	s4 =	sld [smem:$0x3F93]  }
0x2a: {  	p0 =	seq.s32 s5, $0x0;
	s5 =	sld [smem:$0x3F94]  }
0x2b: {  	s6 =	sld [smem:$0x3F95]  }
0x2c: {  	s7 =	sld [smem:$0x3F96]  }
0x2d: {  	s3 =	simm.s32 $0x108;
	s8 =	sld [smem:$0x3F97]  }
0x2e: {  	s3 =	simm.s32 @!p0 $0x1082;
	s9 =	sld [smem:$0x3F98]  }
0x2f: {  	lr =	sadd.s32 s0, s3;
	s0 =	sld [smem:$0x3F8F]  }
0x30: {  	s3 =	sld [smem:$0x3F92]  }
0x31: {  	[smem:$0x3F9B] =	sst s10  }
0x32: {  	s10 =	sld [smem:$0x3F99];
	_ =	sdelay $0x3  }
0x33: {  	p0 =	seq.s32 s10, $0x1;
	s10 =	sld [smem:$0x3F9B];
	_ =	sdelay $0x3  }
0x34: {  	[smem:$0x3F9B] =	sst s10  }
0x35: {  	s10 =	sld [smem:$0x3F9A];
	_ =	sdelay $0x3  }
0x36: {  	p1 =	seq.s32 s10, $0x1;
	s10 =	sld [smem:$0x3F9B];
	_ =	sdelay $0x3  }
0x37: {  	[smem:$0x3F9B] =	sst s10  }
0x38: {  	s10 =	sld [smem:$0x3F9C]  }
0x39: {  	_ = 	snop;
	(pc) =	sbr.ind lr, $3  }
0x3a: {  	_ = 	snop  }
0x3b: {  	_ = 	snop  }
0x3c: {  	p2 =	seq.s32 s10, $0x1;
	s10 =	sld [smem:$0x3F9B]  }
0x3d: {  	_ =	shalt  }
0x3e: {  	_ =	shalt  }
0x3f: {  	_ =	shalt  }
0x40: {  	_ =	shalt  }
0x41: {  	_ =	shalt  }
0x42: {  	_ =	shalt  }
0x43: {  	_ =	shalt  }
0x44: {  	_ =	shalt  }
0x45: {  	_ =	shalt  }
0x46: {  	_ =	shalt  }
0x47: {  	_ =	shalt  }
0x48: {  	_ =	shalt  }
0x49: {  	_ =	shalt  }
0x4a: {  	_ =	shalt  }
0x4b: {  	_ =	shalt  }
0x4c: {  	_ =	shalt  }
0x4d: {  	_ =	shalt  }
0x4e: {  	_ =	shalt  }
0x4f: {  	_ =	shalt  }
0x50: {  	_ =	shalt  }
0x51: {  	_ =	shalt  }
0x52: {  	_ =	shalt  }
0x53: {  	_ =	shalt  }
0x54: {  	_ =	shalt  }
0x55: {  	_ =	shalt  }
0x56: {  	_ =	shalt  }
0x57: {  	_ =	shalt  }
0x58: {  	_ =	shalt  }
0x59: {  	_ =	shalt  }
0x5a: {  	_ =	shalt  }
0x5b: {  	_ =	shalt  }
0x5c: {  	_ =	shalt  }
0x5d: {  	_ =	shalt  }
0x5e: {  	_ =	shalt  }
0x5f: {  	_ =	shalt  }
0x60: {  	_ =	shalt  }
0x61: {  	_ =	shalt  }
0x62: {  	_ =	shalt  }
0x63: {  	_ =	shalt  }
0x64: {  	_ =	shalt  }
0x65: {  	_ =	shalt  }
0x66: {  	_ =	shalt  }
0x67: {  	_ =	shalt  }
0x68: {  	_ =	shalt  }
0x69: {  	_ =	shalt  }
0x6a: {  	_ =	shalt  }
0x6b: {  	_ =	shalt  }
0x6c: {  	_ =	shalt  }
0x6d: {  	_ =	shalt  }
0x6e: {  	_ =	shalt  }
0x6f: {  	_ =	shalt  }
0x70: {  	_ =	shalt  }
0x71: {  	_ =	shalt  }
0x72: {  	_ =	shalt  }
0x73: {  	_ =	shalt  }
0x74: {  	_ =	shalt  }
0x75: {  	_ =	shalt  }
0x76: {  	_ =	shalt  }
0x77: {  	_ =	shalt  }
0x78: {  	_ =	shalt  }
0x79: {  	_ =	shalt  }
0x7a: {  	_ =	shalt  }
0x7b: {  	_ =	shalt  }
0x7c: {  	_ =	shalt  }
0x7d: {  	_ =	shalt  }
0x7e: {  	_ =	shalt  }
0x7f: {  	_ =	shalt  }
0x80: {  	_ =	shalt  }
0x81: {  	_ =	shalt  }
0x82: {  	_ =	shalt  }
0x83: {  	_ =	shalt  }
0x84: {  	_ =	shalt  }
0x85: {  	_ =	shalt  }
0x86: {  	_ =	shalt  }
0x87: {  	_ =	shalt  }
.Lfunc_end0:
.L_simem_size_0:
called_computation.1_lowered:
.L_overlay_start_0:
0x88: {  	s2 =	sld [smem:$0x3FD9]  }
0x89: {  	s3 =	sld [smem:$0x3FFE];
	_ =	sdelay $0x1  }
0x8a: {  	s1 =	srdreg.scid  }
0x8b: {  	s0 =	sand.u32 $0x1, s1  }
0x8c: {  	s17 =	sshll.u32 s0, $0xA;
	s2 =	sadd.s32 s3, s2  }
0x8d: {  	s2 =	sadd.s32 s2, s17  }
0x8e: {  	[smem:$0x3FA7] =	sst s2  }
0x8f: {  	_ = 	snop  }
0x90: {  	s2 =	sld [smem:$0x3FD0];
	(tm) =	ssettm $0x1  }
0x91: {  	s18 =	sld [smem:$0x3FFB];
	_ =	sdelay $0x3  }
0x92: {  	_ =	strace s18  }
0x93: {  	s3 =	sld [smem:$0x3FFC];
	_ =	sdelay $0x3  }
0x94: {  	_ =	strace s3  }
0x95: {  	s3 =	sld [smem:$0x3FFD];
	_ =	sdelay $0x3  }
0x96: {  	_ =	strace s3  }
0x97: {  	_ =	strace $0x8FFFFFFF  }
0x98: {  	s19 =	sld [smem:$0x3FDB];
	_ =	sdelay $0x1  }
0x99: {  	s4 =	simm.s32 $_scs_section_size  }
0x9a: {  	s5 =	simm.s32 $_size__tile_overlayer_lowered;
	s6 =	simm.s32 $_tile_overlayer_lowered  }
0x9b: {  	s22 =	simm.s32 $0x1BFF;
	s21 =	sshll.u32 s6, $0x1;
	s3 =	sadd.s32 s4, s19  }
0x9c: {  	s7 =	simm.s32 $0x0;
	s20 =	sshll.u32 s5, $0x1;
	s5 =	sadd.s32 s21, s3  }
0x9d: {  	[timem:s7], [sflag:s22] =	dma.local [hbm:s5], s20  }
0x9e: {  	_ =	swait.ge [sflag:s22], s20  }
0x9f: {  	s4 =	ssub.s32 $0x0, s20;
	[sflag:s22] =	ssyncset.done $0x0  }
0xa0: {  	[sflag:s22] =	ssyncadd.s32 s4;
	_ =	sdelay $0x1  }
0xa1: {  	s23 =	simm.s32 $0x1B8B  }
0xa2: {  	_ =	swait.ge [sflag:s23], $0x1  }
0xa3: {  	[sflag:s23] =	ssyncset.done $0x0  }
0xa4: {  	s25 =	simm.s32 $0x1B8E;
	s24 =	sld [smem:$0x3FFE];
	[sflag:s23] =	ssyncadd.s32 $0xFFFFFFFF  }
0xa5: {  	s26 =	simm.s32 $execute0_lowered;
	[smem:$0x3FD2] =	sst s25  }
0xa6: {  	s5 =	sshll.u32 s26, $0x1;
	_ =	strace $0x80000049;
	[dreg:$0x1] =	wrdreg $0xFFFFFFFF  }
0xa7: {  	s28 =	simm.s32 $_size_execute0_lowered;
	s3 =	sadd.s32 s3, s5;
	[dreg:$0x0] =	wrdreg $0x0  }
0xa8: {  	s5 =	sshll.u32 s28, $0x1;
	[dreg:$0x2] =	wrdreg s3  }
0xa9: {  	[dreg:$0x3] =	wrdreg s5  }
0xaa: {  	[dreg:$0x4] =	wrdreg $0xC0  }
0xab: {  	_ =	task [dreg:s7], $0x5FFFF  }
0xac: {  	[dreg:$0x1] =	wrdreg $0xFFFFFFFF  }
0xad: {  	[dreg:$0x0] =	wrdreg $0x60  }
0xae: {  	[dreg:$0x2] =	wrdreg s24  }
0xaf: {  	[dreg:$0x3] =	wrdreg s2  }
0xb0: {  	[dreg:$0x4] =	wrdreg $0x62000  }
0xb1: {  	[dreg:$0x5] =	wrdreg $0x9  }
0xb2: {  	_ =	task.clear_ibuf [dreg:s7], $0x6FFFF;
	_ =	strace $0x90000049  }
0xb3: {  	s29 =	simm.s32 $0x9;
	_ =	strace $0x8000004B  }
0xb4: {  	_ =	swait.ge [sflag:s29], $0x1  }
0xb5: {  	[sflag:s29] =	ssyncadd.s32 $0xFFFFFFFF  }
0xb6: {  	_ =	strace $0x9000004B  }
0xb7: {  	_ =	sfence  }
0xb8: {  	s30 =	sld [smem:$0x0];
	_ =	sdelay $0x2  }
0xb9: {  	s31 =	sshll.u32 s1, $0xD;
	s1 =	sshrl.u32 s1, $0x2  }
0xba: {  	s3 =	sand.u32 $0x4000, s31;
	s1 =	sadd.s32 s1, s30  }
0xbb: {  	s0 =	sor.u32 s3, s0;
	s1 =	sshll.u32 s1, $0x11  }
0xbc: {  	s0 =	sor.u32 s1, s0  }
0xbd: {  	s0 =	sadd.s32 $0x8F2B, s0  }
0xbe: {  	[sflag:s0] =	ssyncadd.remote.s32 $0x1  }
0xbf: {  	_ =	sfence.sel $0xFFFF  }
0xc0: {  	[dreg:$0x0] =	wrdreg $0xFFFFFFFF;
	(pc) =	sbr.abs _section_cstart, $3  }
0xc1: {  	[dreg:$0x1] =	wrdreg $0xFFFFFFFF  }
0xc2: {  	_ =	task.clear_ibuf [dreg:s7], $0x2FFFF;
	_ =	strace $0x9FFFFFFF  }
0xc3: {  	(tm) =	ssettm $0x7FFFFFFF  }
tec
execute0_lowered:
.L_overlay_start_1:
0x0: {  	(tag) =	ssettag $0x1  }
0x1: {  	s0 =	rddreg [dreg:$0x0]  }
0x2: {  	s19 =	rddreg [dreg:$0x1]  }
0x3: {  	s3 =	rddreg [dreg:$0x2];
	s14 =	stileid.u32  }
0x4: {  	s4 =	simm.s32 $0x0;
	s1 =	srdreg.scid;
	s2 =	smul.u32 $0x280, s14  }
0x5: {  	[smem:$0x7FF] =	sst s4;
	s8 =	smul.u32 $0x3C000, s14  }
0x6: {  	s1 =	sand.u32 $0x1, s1;
	s6 =	sadd.s32 $0x13C400, s0;
	s17 =	smul.u32 $0x13A00, s14  }
0x7: {  	s5 =	sadd.s32 $0x9C400, s0;
	s0 =	sadd.s32 $0x1D9400, s0;
	s7 =	smul.u32 $0x2800, s1  }
0x8: {  	s9 =	smul.u32 $0x13A000, s1;
	s15 =	ssub.s32 $0x2, s1;
	s1 =	sor.u32 $0x2, s1  }
0x9: {  	_ =	strace $0x8000004A;
	s12 =	sshrl.u32 s15, $0x1;
	s13 =	smul.u32 $0x2800, s1  }
0xa: {  	s8 =	sshrl.u32 s8, $0x2;
	s1 =	smul.u32 $0x13A000, s1;
	s10 =	sadd.s32 s2, s7  }
0xb: {  	s12 =	ssub.s32 s15, s12;
	s7 =	sadd.s32 s8, s3;
	s11 =	smul.u32 $0x60, s10  }
0xc: {  	s16 =	smul.u32 $0xC, s10;
	s2 =	sadd.s32 s2, s13;
	s1 =	sadd.s32 s1, s17  }
0xd: {  	s28 =	sadd.s32 $0x3000, s7;
	s29 =	sadd.s32 $0x6000, s7;
	s30 =	sadd.s32 $0x9000, s7  }
0xe: {  	s31 =	sadd.s32 $0xC000, s7;
	s10 =	simm.s32 $0x3200;
	s20 =	smul.u32 $0x60, s2  }
0xf: {  	s2 =	smul.u32 $0xC, s2;
	s11 =	sshrl.u32 s11, $0x3;
	s8 =	sadd.s32 s0, s16  }
0x10: {  	s16 =	sor.u32 $0x100, s1;
	s1 =	sshrl.u32 s1, $0x3;
	[dreg:$0x4] =	wrdreg s8  }
0x11: {  	s18 =	sadd.s32 s0, s11;
	s24 =	sshrl.u32 s20, $0x3;
	s2 =	sadd.s32 s0, s2  }
0x12: {  	s11 =	smax.u32 s12, $0x1;
	s12 =	sadd.s32 s9, s17;
	s17 =	sshrl.u32 s16, $0x3  }
0x13: {  	s9 =	simm.s32 $0x100;
	s21 =	sadd.s32 $0x600, s18;
	[dreg:$0x9] =	wrdreg s2  }
0x14: {  	s22 =	sadd.s32 $0xC00, s18;
	s23 =	sadd.s32 $0x1200, s18;
	[dreg:$0xe] =	wrdreg s11  }
0x15: {  	s8 =	sadd.s32 $0x1800, s18;
	s0 =	sadd.s32 s0, s24;
	[dreg:$0x5] =	wrdreg s21  }
0x16: {  	s13 =	sshrl.u32 s12, $0x3;
	s14 =	sor.u32 $0x100, s12;
	[dreg:$0x6] =	wrdreg s22  }
0x17: {  	s18 =	sadd.s32 $0x300, s12;
	s20 =	sadd.s32 $0x274300, s12;
	[dreg:$0x7] =	wrdreg s23  }
0x18: {  	s24 =	sadd.s32 $0x274200, s12;
	s11 =	simm.s32 $0x1;
	[dreg:$0x8] =	wrdreg s8  }
0x19: {  	s25 =	sadd.s32 $0x600, s0;
	s26 =	sadd.s32 $0xC00, s0;
	s8 =	sadd.s32 $0x1200, s0  }
0x1a: {  	s0 =	sadd.s32 $0x1800, s0;
	s2 =	sadd.s32 s6, s13;
	[dreg:$0xa] =	wrdreg s25  }
0x1b: {  	s15 =	sshrl.u32 s14, $0x3;
	s21 =	sadd.s32 s6, s1;
	[dreg:$0xb] =	wrdreg s26  }
0x1c: {  	s22 =	sadd.s32 s6, s17;
	s1 =	sshrl.u32 s18, $0x3;
	[dreg:$0xc] =	wrdreg s8  }
0x1d: {  	s13 =	simm.s32 $0x180;
	s14 =	simm.s32 $0x4;
	[dreg:$0xd] =	wrdreg s0  }
0x1e: {  	[dreg:$0xf] =	wrdreg s2;
	s2 =	sadd.s32 s6, s15;
	s23 =	sadd.s32 s1, s6  }
0x1f: {  	s25 =	sshrl.u32 s20, $0x3;
	s26 =	sshrl.u32 s24, $0x3;
	s24 =	sadd.s32 $0x200, s12  }
0x20: {  	s0 =	simm.s32 $0x200;
	s1 =	simm.s32 $0x3;
	s8 =	simm.s32 $0x80  }
0x21: {  	s12 =	simm.s32 $0x2;
	s15 =	simm.s32 $0x0;
	[dreg:$0x10] =	wrdreg s2  }
0x22: {  	s25 =	sadd.s32 s25, s6;
	s26 =	sadd.s32 s26, s6;
	s2 =	simm.s32 $0x5  }
.LBB2_1:
0x23: {  	[tilespmem:s0], [sflag:$0x5] =	stream.linear.gather [hbm4b:s19+s4], $0x3000, $0x38;
	[tilespmem:$0x15200] =	vst v63  }
0x24: {  	_ =	swait.ge [sflag:s2], $0x3000  }
0x25: {  	[sflag:s2] =	ssyncset.done $0x0  }
0x26: {  	[sflag:s2] =	ssyncadd.s32 $0xFFFFD000  }
0x27: {  	[spmem:s7] =	stream.linear.scatter [tilespmem:s0], [sflag:$0x3], $0x3000, $0x38;
	[tilespmem:$0x15200] =	vst v63  }
0x28: {  	_ = 	snop  }
0x29: {  	[spmem:s28] =	stream.linear.scatter [tilespmem:s0], [sflag:$0x3], $0x3000, $0x38;
	[tilespmem:$0x15200] =	vst v63  }
0x2a: {  	_ = 	snop  }
0x2b: {  	[spmem:s29] =	stream.linear.scatter [tilespmem:s0], [sflag:$0x3], $0x3000, $0x38;
	[tilespmem:$0x15200] =	vst v63  }
0x2c: {  	_ = 	snop  }
0x2d: {  	[spmem:s30] =	stream.linear.scatter [tilespmem:s0], [sflag:$0x3], $0x3000, $0x38;
	[tilespmem:$0x15200] =	vst v63  }
0x2e: {  	_ = 	snop  }
0x2f: {  	[spmem:s31] =	stream.linear.scatter [tilespmem:s0], [sflag:$0x3], $0x3000, $0x38;
	[tilespmem:$0x15200] =	vst v63  }
0x30: {  	_ =	swait.ge [sflag:s1], $0x3000  }
0x31: {  	[sflag:s1] =	ssyncset.done $0x0  }
0x32: {  	[sflag:s1] =	ssyncadd.s32 $0xFFFFD000  }
0x33: {  	_ =	swait.ge [sflag:s1], $0x3000  }
0x34: {  	[sflag:s1] =	ssyncset.done $0x0  }
0x35: {  	[sflag:s1] =	ssyncadd.s32 $0xFFFFD000  }
0x36: {  	_ =	swait.ge [sflag:s1], $0x3000  }
0x37: {  	[sflag:s1] =	ssyncset.done $0x0  }
0x38: {  	[sflag:s1] =	ssyncadd.s32 $0xFFFFD000  }
0x39: {  	_ =	swait.ge [sflag:s1], $0x3000  }
0x3a: {  	[sflag:s1] =	ssyncset.done $0x0  }
0x3b: {  	[sflag:s1] =	ssyncadd.s32 $0xFFFFD000  }
0x3c: {  	_ =	swait.ge [sflag:s1], $0x3000  }
0x3d: {  	[sflag:s1] =	ssyncset.done $0x0  }
0x3e: {  	[sflag:s1] =	ssyncadd.s32 $0xFFFFD000  }
0x3f: {  	[bflag:$0x0] =	sbarrier.arrive $0xFFFF  }
0x40: {  	s16 =	rddreg [dreg:$0xf]  }
0x41: {  	[tilespmem:s4], [sflag:$0x5] =	stream.linear.gather [hbm4b:s16+s4], $0x100, $0x38;
	[tilespmem:$0x15200] =	vst v63  }
0x42: {  	_ =	swait.ge [sflag:s2], $0x100  }
0x43: {  	[sflag:s2] =	ssyncset.done $0x0  }
0x44: {  	[sflag:s2] =	ssyncadd.s32 $0xFFFFFF00  }
0x45: {  	[tilespmem:s0], [sflag:$0x1] =	stream.indirect.gather [hbm4b:s5+s8], $0x60, s4, s8, $0xb8;
	[tilespmem:$0x15200] =	vst v63  }
0x46: {  	s17 =	rddreg [dreg:$0x10]  }
0x47: {  	[tilespmem:s9], [sflag:$0x5] =	stream.linear.gather [hbm4b:s17+s4], $0x100, $0x38;
	[tilespmem:$0x15200] =	vst v63  }
0x48: {  	_ =	swait.ge [sflag:s2], $0x100  }
0x49: {  	[sflag:s2] =	ssyncset.done $0x0  }
0x4a: {  	[sflag:s2] =	ssyncadd.s32 $0xFFFFFF00  }
0x4b: {  	[tilespmem:s10], [sflag:$0x2] =	stream.indirect.gather [hbm4b:s5+s8], $0x60, s9, s8, $0xb8;
	[tilespmem:$0x15200] =	vst v63  }
0x4c: {  	_ =	swait.ge [sflag:s11], $0x3000  }
0x4d: {  	[sflag:s11] =	ssyncset.done $0x0  }
0x4e: {  	[sflag:s11] =	ssyncadd.s32 $0xFFFFD000  }
0x4f: {  	[spmem:s3] =	stream.indirect.scatter.add.f32 [tilespmem:s0], [sflag:$0x3], $0x60, s8, s8, $0xb8;
	[tilespmem:$0x15200] =	vst v63  }
0x50: {  	_ =	swait.ge [sflag:s12], $0x3000  }
0x51: {  	[sflag:s12] =	ssyncset.done $0x0  }
0x52: {  	[sflag:s12] =	ssyncadd.s32 $0xFFFFD000  }
0x53: {  	[spmem:s3] =	stream.indirect.scatter.add.f32 [tilespmem:s10], [sflag:$0x4], $0x60, s13, s8, $0xb8;
	[tilespmem:$0x15200] =	vst v63  }
0x54: {  	_ =	swait.ge [sflag:s1], $0x3000  }
0x55: {  	s18 =	sshrl.u32 s24, $0x3;
	[sflag:s1] =	ssyncset.done $0x0  }
0x56: {  	s16 =	sadd.s32 s6, s18;
	[sflag:s1] =	ssyncadd.s32 $0xFFFFD000  }
0x57: {  	[tilespmem:s4], [sflag:$0x5] =	stream.linear.gather [hbm4b:s16+s4], $0x100, $0x38;
	[tilespmem:$0x15200] =	vst v63  }
0x58: {  	_ =	swait.ge [sflag:s2], $0x100  }
0x59: {  	[sflag:s2] =	ssyncset.done $0x0  }
0x5a: {  	[sflag:s2] =	ssyncadd.s32 $0xFFFFFF00  }
0x5b: {  	[tilespmem:s0], [sflag:$0x1] =	stream.indirect.gather [hbm4b:s5+s8], $0x60, s4, s8, $0xb8;
	[tilespmem:$0x15200] =	vst v63  }
0x5c: {  	_ =	swait.ge [sflag:s14], $0x3000  }
0x5d: {  	[sflag:s14] =	ssyncset.done $0x0  }
0x5e: {  	s20 =	smov.u32 s19;
	s19 =	sadd.s32 $0x0, s23;
	[sflag:s14] =	ssyncadd.s32 $0xFFFFD000  }
0x5f: {  	[tilespmem:s9], [sflag:$0x5] =	stream.linear.gather [hbm4b:s19+s4], $0x100, $0x38;
	[tilespmem:$0x15200] =	vst v63  }
0x60: {  	_ =	swait.ge [sflag:s2], $0x100  }
0x61: {  	[sflag:s2] =	ssyncset.done $0x0  }
0x62: {  	[sflag:s2] =	ssyncadd.s32 $0xFFFFFF00  }
0x63: {  	[tilespmem:s10], [sflag:$0x2] =	stream.indirect.gather [hbm4b:s5+s8], $0x60, s9, s8, $0xb8;
	[tilespmem:$0x15200] =	vst v63  }
0x64: {  	_ =	swait.ge [sflag:s11], $0x3000  }
0x65: {  	[sflag:s11] =	ssyncset.done $0x0  }
0x66: {  	[sflag:s11] =	ssyncadd.s32 $0xFFFFD000  }
0x67: {  	[spmem:s3] =	stream.indirect.scatter.add.f32 [tilespmem:s0], [sflag:$0x3], $0x60, s8, s8, $0xb8;
	[tilespmem:$0x15200] =	vst v63  }
0x68: {  	_ =	swait.ge [sflag:s12], $0x3000  }
0x69: {  	[sflag:s12] =	ssyncset.done $0x0  }
0x6a: {  	s17 =	sadd.s32 $0x200, s24;
	s16 =	simm.s32 $0x40;
	[sflag:s12] =	ssyncadd.s32 $0xFFFFD000  }
.LBB2_2:
0x6b: {  	[spmem:s3] =	stream.indirect.scatter.add.f32 [tilespmem:s10], [sflag:$0x4], $0x60, s13, s8, $0xb8;
	[tilespmem:$0x15200] =	vst v63  }
0x6c: {  	s18 =	smov.u32 s16  }
0x6d: {  	p0 =	sne.s32 s16, $0x26C0;
	s16 =	sadd.s32 $0x40, s16;
	_ =	swait.ge [sflag:s1], $0x3000  }
0x6e: {  	s19 =	sshrl.u32 s17, $0x3;
	[sflag:s1] =	ssyncset.done $0x0  }
0x6f: {  	s19 =	sadd.s32 s6, s19;
	[sflag:s1] =	ssyncadd.s32 $0xFFFFD000  }
0x70: {  	[tilespmem:s4], [sflag:$0x5] =	stream.linear.gather [hbm4b:s19+s4], $0x100, $0x38;
	[tilespmem:$0x15200] =	vst v63  }
0x71: {  	_ =	swait.ge [sflag:s2], $0x100  }
0x72: {  	[sflag:s2] =	ssyncset.done $0x0  }
0x73: {  	[sflag:s2] =	ssyncadd.s32 $0xFFFFFF00  }
0x74: {  	[tilespmem:s0], [sflag:$0x1] =	stream.indirect.gather [hbm4b:s5+s8], $0x60, s4, s8, $0xb8;
	[tilespmem:$0x15200] =	vst v63  }
0x75: {  	_ =	swait.ge [sflag:s14], $0x3000  }
0x76: {  	[sflag:s14] =	ssyncset.done $0x0  }
0x77: {  	s18 =	sadd.s32 s18, s23;
	[sflag:s14] =	ssyncadd.s32 $0xFFFFD000  }
0x78: {  	[tilespmem:s9], [sflag:$0x5] =	stream.linear.gather [hbm4b:s18+s4], $0x100, $0x38;
	[tilespmem:$0x15200] =	vst v63  }
0x79: {  	_ =	swait.ge [sflag:s2], $0x100  }
0x7a: {  	[sflag:s2] =	ssyncset.done $0x0  }
0x7b: {  	[sflag:s2] =	ssyncadd.s32 $0xFFFFFF00  }
0x7c: {  	[tilespmem:s10], [sflag:$0x2] =	stream.indirect.gather [hbm4b:s5+s8], $0x60, s9, s8, $0xb8;
	[tilespmem:$0x15200] =	vst v63  }
0x7d: {  	_ =	swait.ge [sflag:s11], $0x3000  }
0x7e: {  	[sflag:s11] =	ssyncset.done $0x0  }
.Ltmp0:
0x7f: {  	[sflag:s11] =	ssyncadd.s32 $0xFFFFD000;
	(pc) =	sbr.rel @p0 .LBB2_2-.Ltmp0, $4  }
0x80: {  	[spmem:s3] =	stream.indirect.scatter.add.f32 [tilespmem:s0], [sflag:$0x3], $0x60, s8, s8, $0xb8;
	[tilespmem:$0x15200] =	vst v63  }
0x81: {  	_ =	swait.ge [sflag:s12], $0x3000  }
0x82: {  	[sflag:s12] =	ssyncset.done $0x0  }
0x83: {  	s17 =	sadd.s32 $0x200, s17;
	[sflag:s12] =	ssyncadd.s32 $0xFFFFD000  }
0x84: {  	[spmem:s3] =	stream.indirect.scatter.add.f32 [tilespmem:s10], [sflag:$0x4], $0x60, s13, s8, $0xb8;
	[tilespmem:$0x15200] =	vst v63  }
0x85: {  	_ =	swait.ge [sflag:s1], $0x3000  }
0x86: {  	[sflag:s1] =	ssyncset.done $0x0  }
0x87: {  	[sflag:s1] =	ssyncadd.s32 $0xFFFFD000  }
0x88: {  	_ =	swait.ge [sflag:s14], $0x3000  }
0x89: {  	[sflag:s14] =	ssyncset.done $0x0  }
0x8a: {  	[sflag:s14] =	ssyncadd.s32 $0xFFFFD000  }
0x8b: {  	[bflag:$0x0] =	sbarrier.arrive $0xFFFF  }
0x8c: {  	[tilespmem:s0], [sflag:$0x1] =	stream.linear.gather [spmem:s7], $0x3000, $0x38;
	[tilespmem:$0x15200] =	vst v63  }
0x8d: {  	_ =	swait.ge [sflag:s11], $0x3000  }
0x8e: {  	[sflag:s11] =	ssyncset.done $0x0  }
0x8f: {  	s16 =	simm.s32 $0x0;
	s17 =	rddreg [dreg:$0x4];
	[sflag:s11] =	ssyncadd.s32 $0xFFFFD000  }
0x90: {  	[hbm4b:s17+s16] =	stream.linear.scatter [tilespmem:s0], [sflag:$0x3], $0x3000, $0x38;
	[tilespmem:$0x15200] =	vst v63  }
0x91: {  	_ = 	snop  }
0x92: {  	[tilespmem:s10], [sflag:$0x2] =	stream.linear.gather [spmem:s28], $0x3000, $0x38;
	[tilespmem:$0x15200] =	vst v63  }
0x93: {  	_ =	swait.ge [sflag:s12], $0x3000  }
0x94: {  	[sflag:s12] =	ssyncset.done $0x0  }
0x95: {  	s18 =	rddreg [dreg:$0x5];
	[sflag:s12] =	ssyncadd.s32 $0xFFFFD000  }
0x96: {  	[hbm4b:s18+s16] =	stream.linear.scatter [tilespmem:s10], [sflag:$0x4], $0x3000, $0x38;
	[tilespmem:$0x15200] =	vst v63  }
0x97: {  	_ =	swait.ge [sflag:s1], $0x3000  }
0x98: {  	[sflag:s1] =	ssyncset.done $0x0  }
0x99: {  	[sflag:s1] =	ssyncadd.s32 $0xFFFFD000  }
0x9a: {  	[tilespmem:s0], [sflag:$0x1] =	stream.linear.gather [spmem:s29], $0x3000, $0x38;
	[tilespmem:$0x15200] =	vst v63  }
0x9b: {  	_ =	swait.ge [sflag:s11], $0x3000  }
0x9c: {  	[sflag:s11] =	ssyncset.done $0x0  }
0x9d: {  	s19 =	rddreg [dreg:$0x6];
	[sflag:s11] =	ssyncadd.s32 $0xFFFFD000  }
0x9e: {  	[hbm4b:s19+s16] =	stream.linear.scatter [tilespmem:s0], [sflag:$0x3], $0x3000, $0x38;
	[tilespmem:$0x15200] =	vst v63  }
0x9f: {  	_ =	swait.ge [sflag:s14], $0x3000  }
0xa0: {  	[sflag:s14] =	ssyncset.done $0x0  }
0xa1: {  	[sflag:s14] =	ssyncadd.s32 $0xFFFFD000  }
0xa2: {  	[tilespmem:s10], [sflag:$0x2] =	stream.linear.gather [spmem:s30], $0x3000, $0x38;
	[tilespmem:$0x15200] =	vst v63  }
0xa3: {  	_ =	swait.ge [sflag:s12], $0x3000  }
0xa4: {  	[sflag:s12] =	ssyncset.done $0x0  }
0xa5: {  	s18 =	rddreg [dreg:$0x7];
	[sflag:s12] =	ssyncadd.s32 $0xFFFFD000  }
0xa6: {  	[hbm4b:s18+s16] =	stream.linear.scatter [tilespmem:s10], [sflag:$0x4], $0x3000, $0x38;
	[tilespmem:$0x15200] =	vst v63  }
0xa7: {  	_ =	swait.ge [sflag:s1], $0x3000  }
0xa8: {  	[sflag:s1] =	ssyncset.done $0x0  }
0xa9: {  	[sflag:s1] =	ssyncadd.s32 $0xFFFFD000  }
0xaa: {  	[tilespmem:s0], [sflag:$0x1] =	stream.linear.gather [spmem:s31], $0x3000, $0x38;
	[tilespmem:$0x15200] =	vst v63  }
0xab: {  	_ =	swait.ge [sflag:s11], $0x3000  }
0xac: {  	[sflag:s11] =	ssyncset.done $0x0  }
0xad: {  	s19 =	rddreg [dreg:$0x8];
	[sflag:s11] =	ssyncadd.s32 $0xFFFFD000  }
0xae: {  	[hbm4b:s19+s16] =	stream.linear.scatter [tilespmem:s0], [sflag:$0x3], $0x3000, $0x38;
	[tilespmem:$0x15200] =	vst v63  }
0xaf: {  	_ =	swait.ge [sflag:s14], $0x3000  }
0xb0: {  	[sflag:s14] =	ssyncset.done $0x0  }
0xb1: {  	[sflag:s14] =	ssyncadd.s32 $0xFFFFD000  }
0xb2: {  	_ =	swait.ge [sflag:s1], $0x3000  }
0xb3: {  	[sflag:s1] =	ssyncset.done $0x0  }
0xb4: {  	[sflag:s1] =	ssyncadd.s32 $0xFFFFD000  }
0xb5: {  	[bflag:$0x0] =	sbarrier.arrive $0xFFFF  }
0xb6: {  	[tilespmem:s0], [sflag:$0x5] =	stream.linear.gather [hbm4b:s20+s16], $0x3000, $0x38;
	[tilespmem:$0x15200] =	vst v63  }
0xb7: {  	_ =	swait.ge [sflag:s2], $0x3000  }
0xb8: {  	[sflag:s2] =	ssyncset.done $0x0  }
0xb9: {  	[sflag:s2] =	ssyncadd.s32 $0xFFFFD000  }
0xba: {  	[spmem:s7] =	stream.linear.scatter [tilespmem:s0], [sflag:$0x3], $0x3000, $0x38;
	[tilespmem:$0x15200] =	vst v63  }
0xbb: {  	_ = 	snop  }
0xbc: {  	[spmem:s28] =	stream.linear.scatter [tilespmem:s0], [sflag:$0x3], $0x3000, $0x38;
	[tilespmem:$0x15200] =	vst v63  }
0xbd: {  	_ = 	snop  }
0xbe: {  	[spmem:s29] =	stream.linear.scatter [tilespmem:s0], [sflag:$0x3], $0x3000, $0x38;
	[tilespmem:$0x15200] =	vst v63  }
0xbf: {  	_ = 	snop  }
0xc0: {  	[spmem:s30] =	stream.linear.scatter [tilespmem:s0], [sflag:$0x3], $0x3000, $0x38;
	[tilespmem:$0x15200] =	vst v63  }
0xc1: {  	_ = 	snop  }
0xc2: {  	[spmem:s31] =	stream.linear.scatter [tilespmem:s0], [sflag:$0x3], $0x3000, $0x38;
	[tilespmem:$0x15200] =	vst v63  }
0xc3: {  	_ =	swait.ge [sflag:s1], $0x3000  }
0xc4: {  	[sflag:s1] =	ssyncset.done $0x0  }
0xc5: {  	[sflag:s1] =	ssyncadd.s32 $0xFFFFD000  }
0xc6: {  	_ =	swait.ge [sflag:s1], $0x3000  }
0xc7: {  	[sflag:s1] =	ssyncset.done $0x0  }
0xc8: {  	[sflag:s1] =	ssyncadd.s32 $0xFFFFD000  }
0xc9: {  	_ =	swait.ge [sflag:s1], $0x3000  }
0xca: {  	[sflag:s1] =	ssyncset.done $0x0  }
0xcb: {  	[sflag:s1] =	ssyncadd.s32 $0xFFFFD000  }
0xcc: {  	_ =	swait.ge [sflag:s1], $0x3000  }
0xcd: {  	[sflag:s1] =	ssyncset.done $0x0  }
0xce: {  	[sflag:s1] =	ssyncadd.s32 $0xFFFFD000  }
0xcf: {  	_ =	swait.ge [sflag:s1], $0x3000  }
0xd0: {  	[sflag:s1] =	ssyncset.done $0x0  }
0xd1: {  	[sflag:s1] =	ssyncadd.s32 $0xFFFFD000  }
0xd2: {  	[bflag:$0x0] =	sbarrier.arrive $0xFFFF  }
0xd3: {  	[tilespmem:s16], [sflag:$0x5] =	stream.linear.gather [hbm4b:s21+s16], $0x100, $0x38;
	[tilespmem:$0x15200] =	vst v63  }
0xd4: {  	_ =	swait.ge [sflag:s2], $0x100  }
0xd5: {  	[sflag:s2] =	ssyncset.done $0x0  }
0xd6: {  	[sflag:s2] =	ssyncadd.s32 $0xFFFFFF00  }
0xd7: {  	[tilespmem:s0], [sflag:$0x1] =	stream.indirect.gather [hbm4b:s5+s8], $0x60, s16, s8, $0xb8;
	[tilespmem:$0x15200] =	vst v63  }
0xd8: {  	_ = 	snop  }
0xd9: {  	[tilespmem:s9], [sflag:$0x5] =	stream.linear.gather [hbm4b:s22+s16], $0x100, $0x38;
	[tilespmem:$0x15200] =	vst v63  }
0xda: {  	_ =	swait.ge [sflag:s2], $0x100  }
0xdb: {  	[sflag:s2] =	ssyncset.done $0x0  }
0xdc: {  	[sflag:s2] =	ssyncadd.s32 $0xFFFFFF00  }
0xdd: {  	[tilespmem:s10], [sflag:$0x2] =	stream.indirect.gather [hbm4b:s5+s8], $0x60, s9, s8, $0xb8;
	[tilespmem:$0x15200] =	vst v63  }
0xde: {  	_ =	swait.ge [sflag:s11], $0x3000  }
0xdf: {  	[sflag:s11] =	ssyncset.done $0x0  }
0xe0: {  	[sflag:s11] =	ssyncadd.s32 $0xFFFFD000  }
0xe1: {  	[spmem:s3] =	stream.indirect.scatter.add.f32 [tilespmem:s0], [sflag:$0x3], $0x60, s8, s8, $0xb8;
	[tilespmem:$0x15200] =	vst v63  }
0xe2: {  	_ =	swait.ge [sflag:s12], $0x3000  }
0xe3: {  	[sflag:s12] =	ssyncset.done $0x0  }
0xe4: {  	[sflag:s12] =	ssyncadd.s32 $0xFFFFD000  }
0xe5: {  	[spmem:s3] =	stream.indirect.scatter.add.f32 [tilespmem:s10], [sflag:$0x4], $0x60, s13, s8, $0xb8;
	[tilespmem:$0x15200] =	vst v63  }
0xe6: {  	_ =	swait.ge [sflag:s1], $0x3000  }
0xe7: {  	[sflag:s1] =	ssyncset.done $0x0  }
0xe8: {  	s18 =	sadd.s32 $0x0, s26;
	[sflag:s1] =	ssyncadd.s32 $0xFFFFD000  }
0xe9: {  	[tilespmem:s4], [sflag:$0x5] =	stream.linear.gather [hbm4b:s18+s4], $0x100, $0x38;
	[tilespmem:$0x15200] =	vst v63  }
0xea: {  	_ =	swait.ge [sflag:s2], $0x100  }
0xeb: {  	[sflag:s2] =	ssyncset.done $0x0  }
0xec: {  	[sflag:s2] =	ssyncadd.s32 $0xFFFFFF00  }
0xed: {  	[tilespmem:s0], [sflag:$0x1] =	stream.indirect.gather [hbm4b:s5+s8], $0x60, s4, s8, $0xb8;
	[tilespmem:$0x15200] =	vst v63  }
0xee: {  	_ =	swait.ge [sflag:s14], $0x3000  }
0xef: {  	[sflag:s14] =	ssyncset.done $0x0  }
0xf0: {  	s19 =	smov.u32 s20;
	s20 =	sadd.s32 $0x0, s25;
	[sflag:s14] =	ssyncadd.s32 $0xFFFFD000  }
0xf1: {  	[tilespmem:s9], [sflag:$0x5] =	stream.linear.gather [hbm4b:s20+s4], $0x100, $0x38;
	[tilespmem:$0x15200] =	vst v63  }
0xf2: {  	_ =	swait.ge [sflag:s2], $0x100  }
0xf3: {  	[sflag:s2] =	ssyncset.done $0x0  }
0xf4: {  	[sflag:s2] =	ssyncadd.s32 $0xFFFFFF00  }
0xf5: {  	[tilespmem:s10], [sflag:$0x2] =	stream.indirect.gather [hbm4b:s5+s8], $0x60, s9, s8, $0xb8;
	[tilespmem:$0x15200] =	vst v63  }
0xf6: {  	_ =	swait.ge [sflag:s11], $0x3000  }
0xf7: {  	[sflag:s11] =	ssyncset.done $0x0  }
0xf8: {  	[sflag:s11] =	ssyncadd.s32 $0xFFFFD000  }
0xf9: {  	[spmem:s3] =	stream.indirect.scatter.add.f32 [tilespmem:s0], [sflag:$0x3], $0x60, s8, s8, $0xb8;
	[tilespmem:$0x15200] =	vst v63  }
0xfa: {  	_ =	swait.ge [sflag:s12], $0x3000  }
0xfb: {  	[sflag:s12] =	ssyncset.done $0x0  }
0xfc: {  	s16 =	simm.s32 $0x40;
	[sflag:s12] =	ssyncadd.s32 $0xFFFFD000  }
.LBB2_4:
0xfd: {  	[spmem:s3] =	stream.indirect.scatter.add.f32 [tilespmem:s10], [sflag:$0x4], $0x60, s13, s8, $0xb8;
	[tilespmem:$0x15200] =	vst v63  }
0xfe: {  	s17 =	smov.u32 s16  }
0xff: {  	p0 =	sne.s32 s16, $0x26C0;
	s16 =	sadd.s32 $0x40, s16;
	_ =	swait.ge [sflag:s1], $0x3000  }
0x100: {  	[sflag:s1] =	ssyncset.done $0x0  }
0x101: {  	s18 =	sadd.s32 s17, s26;
	[sflag:s1] =	ssyncadd.s32 $0xFFFFD000  }
0x102: {  	[tilespmem:s4], [sflag:$0x5] =	stream.linear.gather [hbm4b:s18+s4], $0x100, $0x38;
	[tilespmem:$0x15200] =	vst v63  }
0x103: {  	_ =	swait.ge [sflag:s2], $0x100  }
0x104: {  	[sflag:s2] =	ssyncset.done $0x0  }
0x105: {  	[sflag:s2] =	ssyncadd.s32 $0xFFFFFF00  }
0x106: {  	[tilespmem:s0], [sflag:$0x1] =	stream.indirect.gather [hbm4b:s5+s8], $0x60, s4, s8, $0xb8;
	[tilespmem:$0x15200] =	vst v63  }
0x107: {  	_ =	swait.ge [sflag:s14], $0x3000  }
0x108: {  	[sflag:s14] =	ssyncset.done $0x0  }
0x109: {  	s17 =	sadd.s32 s17, s25;
	[sflag:s14] =	ssyncadd.s32 $0xFFFFD000  }
0x10a: {  	[tilespmem:s9], [sflag:$0x5] =	stream.linear.gather [hbm4b:s17+s4], $0x100, $0x38;
	[tilespmem:$0x15200] =	vst v63  }
0x10b: {  	_ =	swait.ge [sflag:s2], $0x100  }
0x10c: {  	[sflag:s2] =	ssyncset.done $0x0  }
0x10d: {  	[sflag:s2] =	ssyncadd.s32 $0xFFFFFF00  }
0x10e: {  	[tilespmem:s10], [sflag:$0x2] =	stream.indirect.gather [hbm4b:s5+s8], $0x60, s9, s8, $0xb8;
	[tilespmem:$0x15200] =	vst v63  }
0x10f: {  	_ =	swait.ge [sflag:s11], $0x3000  }
0x110: {  	[sflag:s11] =	ssyncset.done $0x0  }
.Ltmp1:
0x111: {  	[sflag:s11] =	ssyncadd.s32 $0xFFFFD000;
	(pc) =	sbr.rel @p0 .LBB2_4-.Ltmp1, $4  }
0x112: {  	[spmem:s3] =	stream.indirect.scatter.add.f32 [tilespmem:s0], [sflag:$0x3], $0x60, s8, s8, $0xb8;
	[tilespmem:$0x15200] =	vst v63  }
0x113: {  	_ =	swait.ge [sflag:s12], $0x3000  }
0x114: {  	[sflag:s12] =	ssyncset.done $0x0  }
0x115: {  	[sflag:s12] =	ssyncadd.s32 $0xFFFFD000  }
0x116: {  	[spmem:s3] =	stream.indirect.scatter.add.f32 [tilespmem:s10], [sflag:$0x4], $0x60, s13, s8, $0xb8;
	[tilespmem:$0x15200] =	vst v63  }
0x117: {  	_ =	swait.ge [sflag:s1], $0x3000  }
0x118: {  	[sflag:s1] =	ssyncset.done $0x0  }
0x119: {  	[sflag:s1] =	ssyncadd.s32 $0xFFFFD000  }
0x11a: {  	_ =	swait.ge [sflag:s14], $0x3000  }
0x11b: {  	[sflag:s14] =	ssyncset.done $0x0  }
0x11c: {  	[sflag:s14] =	ssyncadd.s32 $0xFFFFD000  }
0x11d: {  	[bflag:$0x0] =	sbarrier.arrive $0xFFFF  }
0x11e: {  	[tilespmem:s0], [sflag:$0x1] =	stream.linear.gather [spmem:s7], $0x3000, $0x38;
	[tilespmem:$0x15200] =	vst v63  }
0x11f: {  	_ =	swait.ge [sflag:s11], $0x3000  }
0x120: {  	[sflag:s11] =	ssyncset.done $0x0  }
0x121: {  	s16 =	rddreg [dreg:$0x9];
	[sflag:s11] =	ssyncadd.s32 $0xFFFFD000  }
0x122: {  	[hbm4b:s16+s4] =	stream.linear.scatter [tilespmem:s0], [sflag:$0x3], $0x3000, $0x38;
	[tilespmem:$0x15200] =	vst v63  }
0x123: {  	_ = 	snop  }
0x124: {  	[tilespmem:s10], [sflag:$0x2] =	stream.linear.gather [spmem:s28], $0x3000, $0x38;
	[tilespmem:$0x15200] =	vst v63  }
0x125: {  	_ =	swait.ge [sflag:s12], $0x3000  }
0x126: {  	[sflag:s12] =	ssyncset.done $0x0  }
0x127: {  	s18 =	rddreg [dreg:$0xa];
	[sflag:s12] =	ssyncadd.s32 $0xFFFFD000  }
0x128: {  	[hbm4b:s18+s4] =	stream.linear.scatter [tilespmem:s10], [sflag:$0x4], $0x3000, $0x38;
	[tilespmem:$0x15200] =	vst v63  }
0x129: {  	_ =	swait.ge [sflag:s1], $0x3000  }
0x12a: {  	[sflag:s1] =	ssyncset.done $0x0  }
0x12b: {  	[sflag:s1] =	ssyncadd.s32 $0xFFFFD000  }
0x12c: {  	[tilespmem:s0], [sflag:$0x1] =	stream.linear.gather [spmem:s29], $0x3000, $0x38;
	[tilespmem:$0x15200] =	vst v63  }
0x12d: {  	_ =	swait.ge [sflag:s11], $0x3000  }
0x12e: {  	[sflag:s11] =	ssyncset.done $0x0  }
0x12f: {  	s20 =	rddreg [dreg:$0xb];
	[sflag:s11] =	ssyncadd.s32 $0xFFFFD000  }
0x130: {  	[hbm4b:s20+s4] =	stream.linear.scatter [tilespmem:s0], [sflag:$0x3], $0x3000, $0x38;
	[tilespmem:$0x15200] =	vst v63  }
0x131: {  	_ =	swait.ge [sflag:s14], $0x3000  }
0x132: {  	[sflag:s14] =	ssyncset.done $0x0  }
0x133: {  	[sflag:s14] =	ssyncadd.s32 $0xFFFFD000  }
0x134: {  	[tilespmem:s10], [sflag:$0x2] =	stream.linear.gather [spmem:s30], $0x3000, $0x38;
	[tilespmem:$0x15200] =	vst v63  }
0x135: {  	_ =	swait.ge [sflag:s12], $0x3000  }
0x136: {  	[sflag:s12] =	ssyncset.done $0x0  }
0x137: {  	s17 =	rddreg [dreg:$0xc];
	[sflag:s12] =	ssyncadd.s32 $0xFFFFD000  }
0x138: {  	[hbm4b:s17+s4] =	stream.linear.scatter [tilespmem:s10], [sflag:$0x4], $0x3000, $0x38;
	[tilespmem:$0x15200] =	vst v63  }
0x139: {  	_ =	swait.ge [sflag:s1], $0x3000  }
0x13a: {  	[sflag:s1] =	ssyncset.done $0x0  }
0x13b: {  	[sflag:s1] =	ssyncadd.s32 $0xFFFFD000  }
0x13c: {  	[tilespmem:s0], [sflag:$0x1] =	stream.linear.gather [spmem:s31], $0x3000, $0x38;
	[tilespmem:$0x15200] =	vst v63  }
0x13d: {  	_ =	swait.ge [sflag:s11], $0x3000  }
0x13e: {  	[sflag:s11] =	ssyncset.done $0x0  }
0x13f: {  	s18 =	rddreg [dreg:$0xd];
	[sflag:s11] =	ssyncadd.s32 $0xFFFFD000  }
0x140: {  	[hbm4b:s18+s4] =	stream.linear.scatter [tilespmem:s0], [sflag:$0x3], $0x3000, $0x38;
	[tilespmem:$0x15200] =	vst v63  }
0x141: {  	_ =	swait.ge [sflag:s14], $0x3000  }
0x142: {  	[sflag:s14] =	ssyncset.done $0x0  }
0x143: {  	[sflag:s14] =	ssyncadd.s32 $0xFFFFD000  }
0x144: {  	_ =	swait.ge [sflag:s1], $0x3000  }
0x145: {  	s15 =	sadd.s32 $0x1, s15;
	s20 =	rddreg [dreg:$0xe]  }
0x146: {  	p0 =	sne.s32 s15, s20  }
.Ltmp2:
0x147: {  	_ = 	snop;
	(pc) =	sbr.rel @p0 .LBB2_1-.Ltmp2, $3  }
0x148: {  	[sflag:s1] =	ssyncset.done $0x0  }
0x149: {  	[sflag:s1] =	ssyncadd.s32 $0xFFFFD000  }
0x14a: {  	[bflag:$0x0] =	sbarrier.arrive $0xFFFF;
	_ =	sdelay $0x1  }
0x14b: {  	_ =	sfence.sel $0x180000  }
0x14c: {  	[bflag:$0x0] =	sbarrier.arrive $0xFFFF  }
0x14d: {  	_ =	strace $0x9000004A  }
0x14e: {  	s0 =	stileid.u32;
	[bflag:$0x2] =	sbarrier.arrive $0xFFFF  }
0x14f: {  	p0 =	sne.s32 s0, $0x0;
	s0 =	rddreg [dreg:$0x3]  }
0x150: {  	s0 =	sadd.s32 @!p0 $0x100000, s0  }
0x151: {  	[sflag:s0] =	ssyncadd.tile.s32 @!p0 $0x1;
	_ =	shalt  }
.Lfunc_end2:
_tile_overlayer_lowered:
.L_overlay_start_2:
0x152: {  	(tag) =	ssettag $0x2  }
0x153: {  	s0 =	rddreg [dreg:$0x0];
	s2 =	stileid.u32  }
0x154: {  	s1 =	rddreg [dreg:$0x1];
	p0 =	sne.s32 s2, $0x0  }
0x155: {  	s3 =	rddreg [dreg:$0x2];
	[bflag:$0x3] =	sbarrier.arrive $0xFFFF;
	s2 =	simm.s32 @!p0 $0x1C05  }
0x156: {  	[timem:s3], [sflag:s2] =	dma.local @!p0 [hbm:s0], s1  }
0x157: {  	s0 =	simm.s32 @!p0 $0x5  }
0x158: {  	_ =	swait.ge @!p0 [sflag:s0], s1  }
0x159: {  	s1 =	ssub.s32 @!p0 $0x0, s1;
	[sflag:s0] =	ssyncset.done @!p0 $0x0  }
0x15a: {  	[sflag:s0] =	ssyncadd.s32 @!p0 s1  }
0x15b: {  	[bflag:$0x3] =	sbarrier.arrive $0xFFFF  }
0x15c: {  	_ =	shalt  }

// kernel: kernel.15.cloned.1.call-start
scs
__scs_entry_jumppad:
0x0: {  	(pc) =	sbr.rel $0x88, $3  }
0x1: {  	(tag) =	ssettag $0x0;
	lr =	simm.s32 $0x1  }
0x2: {  	[smem:$0x3F80] =	sst lr;
	_ =	strace $0xD0000000  }
0x3: {  	_ = 	snop  }
0x4: {  	_ = 	snop  }
0x5: {  	_ = 	snop  }
0x6: {  	_ = 	snop  }
0x7: {  	_ = 	snop  }
__scs_overlays_trampoline_lowered:
0x8: {  	[smem:$0x3F8F] =	sst s0  }
0x9: {  	[smem:$0x3F90] =	sst s1  }
0xa: {  	[smem:$0x3F91] =	sst s2  }
0xb: {  	[smem:$0x3F92] =	sst s3  }
0xc: {  	[smem:$0x3F93] =	sst s4  }
0xd: {  	[smem:$0x3F94] =	sst s5  }
0xe: {  	[smem:$0x3F95] =	sst s6  }
0xf: {  	[smem:$0x3F96] =	sst s7  }
0x10: {  	[smem:$0x3F97] =	sst s8  }
0x11: {  	[smem:$0x3F98] =	sst s9;
	s0 =	simm.s32 @!p0 $0x0  }
0x12: {  	s1 =	sld [smem:$0x3F7E];
	s0 =	simm.s32 @p0 $0x1  }
0x13: {  	[smem:$0x3F99] =	sst s0;
	s0 =	simm.s32 @!p1 $0x0  }
0x14: {  	s2 =	sld [smem:$0x3F7D];
	s0 =	simm.s32 @p1 $0x1  }
0x15: {  	[smem:$0x3F9A] =	sst s0;
	s0 =	simm.s32 @!p2 $0x0  }
0x16: {  	s3 =	sld [smem:$0x3FDB];
	s0 =	simm.s32 @p2 $0x1  }
0x17: {  	s4 =	simm.s32 $0x1BF5;
	[smem:$0x3F9C] =	sst s0  }
0x18: {  	s0 =	sld [smem:$0x3F7F];
	_ =	swait.ge [sflag:s4], $0x0  }
0x19: {  	s7 =	sld [smem:$0x3F80]  }
0x1a: {  	s8 =	sadd.s32 $0xFFFFE003, lr  }
0x1b: {  	s9 =	sadd.s32 $0xFFFFFEF7, lr;
	s5 =	simm.s32 $0xFFFFFFFF;
	p2 =	slt.u32 s8, $0xFFFFF086  }
0x1c: {  	p1 =	slt.u32 s9, $0xF7A;
	s5 =	simm.s32 @!p2 $0x0  }
0x1d: {  	s5 =	simm.s32 @p1 $0x1;
	p0 =	seq.s32 s7, s2  }
0x1e: {  	s7 =	smul.u32 @!p0 $0xF7A, s2;
	p2 =	seq.s32 @!p0 s5, $0x0  }
0x1f: {  	s9 =	smul.u32 $0xF7A, s1;
	s8 =	simm.s32 @!p0 $0x1BF5;
	p2 =	por !p2, p0  }
0x20: {  	[sflag:s8] =	ssyncset.s32 @!p0 $0xFFFFF086;
	s6 =	sadd.s32 @!p0 s3, s7;
	s7 =	simm.s32 @!p0 $0x108  }
0x21: {  	s3 =	sadd.s32 s3, s9;
	s6 =	sadd.s32 @!p0 $0x88, s6;
	s7 =	simm.s32 @p2 $0x1082  }
0x22: {  	[simem:s7], [sflag:s8] =	dma.local @!p0 [hbm:s6], $0xF7A  }
0x23: {  	s9 =	sor.u32 $0xD0000000, s2;
	s6 =	simm.s32 $0x108;
	_ =	swait.ge @!p0 [sflag:s8], $0x0  }
0x24: {  	s3 =	sadd.s32 $0x88, s3;
	s6 =	simm.s32 @!p1 $0x1082;
	[sflag:s4] =	ssyncset.s32 $0xFFFFF086  }
0x25: {  	[simem:s6], [sflag:s4] =	dma.local [hbm:s3], $0xF7A  }
0x26: {  	[smem:$0x3F80] =	sst s1;
	(tag) =	ssettag s2;
	_ =	strace s9  }
0x27: {  	s1 =	sld [smem:$0x3F90]  }
0x28: {  	s2 =	sld [smem:$0x3F91]  }
0x29: {  	s4 =	sld [smem:$0x3F93]  }
0x2a: {  	p0 =	seq.s32 s5, $0x0;
	s5 =	sld [smem:$0x3F94]  }
0x2b: {  	s6 =	sld [smem:$0x3F95]  }
0x2c: {  	s7 =	sld [smem:$0x3F96]  }
0x2d: {  	s3 =	simm.s32 $0x108;
	s8 =	sld [smem:$0x3F97]  }
0x2e: {  	s3 =	simm.s32 @!p0 $0x1082;
	s9 =	sld [smem:$0x3F98]  }
0x2f: {  	lr =	sadd.s32 s0, s3;
	s0 =	sld [smem:$0x3F8F]  }
0x30: {  	s3 =	sld [smem:$0x3F92]  }
0x31: {  	[smem:$0x3F9B] =	sst s10  }
0x32: {  	s10 =	sld [smem:$0x3F99];
	_ =	sdelay $0x3  }
0x33: {  	p0 =	seq.s32 s10, $0x1;
	s10 =	sld [smem:$0x3F9B];
	_ =	sdelay $0x3  }
0x34: {  	[smem:$0x3F9B] =	sst s10  }
0x35: {  	s10 =	sld [smem:$0x3F9A];
	_ =	sdelay $0x3  }
0x36: {  	p1 =	seq.s32 s10, $0x1;
	s10 =	sld [smem:$0x3F9B];
	_ =	sdelay $0x3  }
0x37: {  	[smem:$0x3F9B] =	sst s10  }
0x38: {  	s10 =	sld [smem:$0x3F9C]  }
0x39: {  	_ = 	snop;
	(pc) =	sbr.ind lr, $3  }
0x3a: {  	_ = 	snop  }
0x3b: {  	_ = 	snop  }
0x3c: {  	p2 =	seq.s32 s10, $0x1;
	s10 =	sld [smem:$0x3F9B]  }
0x3d: {  	_ =	shalt  }
0x3e: {  	_ =	shalt  }
0x3f: {  	_ =	shalt  }
0x40: {  	_ =	shalt  }
0x41: {  	_ =	shalt  }
0x42: {  	_ =	shalt  }
0x43: {  	_ =	shalt  }
0x44: {  	_ =	shalt  }
0x45: {  	_ =	shalt  }
0x46: {  	_ =	shalt  }
0x47: {  	_ =	shalt  }
0x48: {  	_ =	shalt  }
0x49: {  	_ =	shalt  }
0x4a: {  	_ =	shalt  }
0x4b: {  	_ =	shalt  }
0x4c: {  	_ =	shalt  }
0x4d: {  	_ =	shalt  }
0x4e: {  	_ =	shalt  }
0x4f: {  	_ =	shalt  }
0x50: {  	_ =	shalt  }
0x51: {  	_ =	shalt  }
0x52: {  	_ =	shalt  }
0x53: {  	_ =	shalt  }
0x54: {  	_ =	shalt  }
0x55: {  	_ =	shalt  }
0x56: {  	_ =	shalt  }
0x57: {  	_ =	shalt  }
0x58: {  	_ =	shalt  }
0x59: {  	_ =	shalt  }
0x5a: {  	_ =	shalt  }
0x5b: {  	_ =	shalt  }
0x5c: {  	_ =	shalt  }
0x5d: {  	_ =	shalt  }
0x5e: {  	_ =	shalt  }
0x5f: {  	_ =	shalt  }
0x60: {  	_ =	shalt  }
0x61: {  	_ =	shalt  }
0x62: {  	_ =	shalt  }
0x63: {  	_ =	shalt  }
0x64: {  	_ =	shalt  }
0x65: {  	_ =	shalt  }
0x66: {  	_ =	shalt  }
0x67: {  	_ =	shalt  }
0x68: {  	_ =	shalt  }
0x69: {  	_ =	shalt  }
0x6a: {  	_ =	shalt  }
0x6b: {  	_ =	shalt  }
0x6c: {  	_ =	shalt  }
0x6d: {  	_ =	shalt  }
0x6e: {  	_ =	shalt  }
0x6f: {  	_ =	shalt  }
0x70: {  	_ =	shalt  }
0x71: {  	_ =	shalt  }
0x72: {  	_ =	shalt  }
0x73: {  	_ =	shalt  }
0x74: {  	_ =	shalt  }
0x75: {  	_ =	shalt  }
0x76: {  	_ =	shalt  }
0x77: {  	_ =	shalt  }
0x78: {  	_ =	shalt  }
0x79: {  	_ =	shalt  }
0x7a: {  	_ =	shalt  }
0x7b: {  	_ =	shalt  }
0x7c: {  	_ =	shalt  }
0x7d: {  	_ =	shalt  }
0x7e: {  	_ =	shalt  }
0x7f: {  	_ =	shalt  }
0x80: {  	_ =	shalt  }
0x81: {  	_ =	shalt  }
0x82: {  	_ =	shalt  }
0x83: {  	_ =	shalt  }
0x84: {  	_ =	shalt  }
0x85: {  	_ =	shalt  }
0x86: {  	_ =	shalt  }
0x87: {  	_ =	shalt  }
.Lfunc_end0:
.L_simem_size_0:
called_computation.2_lowered:
.L_overlay_start_0:
0x88: {  	s2 =	sld [smem:$0x3FD9]  }
0x89: {  	s3 =	sld [smem:$0x3FFE];
	_ =	sdelay $0x1  }
0x8a: {  	s1 =	srdreg.scid  }
0x8b: {  	s0 =	sand.u32 $0x1, s1  }
0x8c: {  	s17 =	sshll.u32 s0, $0xA;
	s2 =	sadd.s32 s3, s2  }
0x8d: {  	s2 =	sadd.s32 s2, s17  }
0x8e: {  	[smem:$0x3FA7] =	sst s2  }
0x8f: {  	_ = 	snop  }
0x90: {  	s2 =	sld [smem:$0x3FD0];
	(tm) =	ssettm $0x1  }
0x91: {  	s18 =	sld [smem:$0x3FFB];
	_ =	sdelay $0x3  }
0x92: {  	_ =	strace s18  }
0x93: {  	s3 =	sld [smem:$0x3FFC];
	_ =	sdelay $0x3  }
0x94: {  	_ =	strace s3  }
0x95: {  	s3 =	sld [smem:$0x3FFD];
	_ =	sdelay $0x3  }
0x96: {  	_ =	strace s3  }
0x97: {  	_ =	strace $0x8FFFFFFF  }
0x98: {  	s19 =	sld [smem:$0x3FDB];
	_ =	sdelay $0x1  }
0x99: {  	s4 =	simm.s32 $_scs_section_size  }
0x9a: {  	s5 =	simm.s32 $_size__tile_overlayer_lowered;
	s6 =	simm.s32 $_tile_overlayer_lowered  }
0x9b: {  	s22 =	simm.s32 $0x1BFF;
	s21 =	sshll.u32 s6, $0x1;
	s3 =	sadd.s32 s4, s19  }
0x9c: {  	s7 =	simm.s32 $0x0;
	s20 =	sshll.u32 s5, $0x1;
	s5 =	sadd.s32 s21, s3  }
0x9d: {  	[timem:s7], [sflag:s22] =	dma.local [hbm:s5], s20  }
0x9e: {  	_ =	swait.ge [sflag:s22], s20  }
0x9f: {  	s4 =	ssub.s32 $0x0, s20;
	[sflag:s22] =	ssyncset.done $0x0  }
0xa0: {  	[sflag:s22] =	ssyncadd.s32 s4;
	_ =	sdelay $0x1  }
0xa1: {  	s23 =	simm.s32 $0x1B8B  }
0xa2: {  	_ =	swait.ge [sflag:s23], $0x1  }
0xa3: {  	[sflag:s23] =	ssyncset.done $0x0  }
0xa4: {  	s25 =	simm.s32 $0x1B8E;
	s24 =	sld [smem:$0x3FFE];
	[sflag:s23] =	ssyncadd.s32 $0xFFFFFFFF  }
0xa5: {  	s26 =	simm.s32 $execute0_lowered;
	[smem:$0x3FD2] =	sst s25  }
0xa6: {  	s5 =	sshll.u32 s26, $0x1;
	_ =	strace $0x8000004C;
	[dreg:$0x1] =	wrdreg $0xFFFFFFFF  }
0xa7: {  	s28 =	simm.s32 $_size_execute0_lowered;
	s3 =	sadd.s32 s3, s5;
	[dreg:$0x0] =	wrdreg $0x0  }
0xa8: {  	s5 =	sshll.u32 s28, $0x1;
	[dreg:$0x2] =	wrdreg s3  }
0xa9: {  	[dreg:$0x3] =	wrdreg s5  }
0xaa: {  	[dreg:$0x4] =	wrdreg $0xC0  }
0xab: {  	_ =	task [dreg:s7], $0x5FFFF  }
0xac: {  	[dreg:$0x1] =	wrdreg $0xFFFFFFFF  }
0xad: {  	[dreg:$0x0] =	wrdreg $0x60  }
0xae: {  	[dreg:$0x2] =	wrdreg s24  }
0xaf: {  	[dreg:$0x3] =	wrdreg s2  }
0xb0: {  	[dreg:$0x4] =	wrdreg $0x62000  }
0xb1: {  	[dreg:$0x5] =	wrdreg $0x9  }
0xb2: {  	_ =	task.clear_ibuf [dreg:s7], $0x6FFFF;
	_ =	strace $0x9000004C  }
0xb3: {  	s29 =	simm.s32 $0x9;
	_ =	strace $0x8000004E  }
0xb4: {  	_ =	swait.ge [sflag:s29], $0x1  }
0xb5: {  	[sflag:s29] =	ssyncadd.s32 $0xFFFFFFFF  }
0xb6: {  	_ =	strace $0x9000004E  }
0xb7: {  	_ =	sfence  }
0xb8: {  	s30 =	sld [smem:$0x0];
	_ =	sdelay $0x2  }
0xb9: {  	s31 =	sshll.u32 s1, $0xD;
	s1 =	sshrl.u32 s1, $0x2  }
0xba: {  	s3 =	sand.u32 $0x4000, s31;
	s1 =	sadd.s32 s1, s30  }
0xbb: {  	s0 =	sor.u32 s3, s0;
	s1 =	sshll.u32 s1, $0x11  }
0xbc: {  	s0 =	sor.u32 s1, s0  }
0xbd: {  	s0 =	sadd.s32 $0x8F2B, s0  }
0xbe: {  	[sflag:s0] =	ssyncadd.remote.s32 $0x1  }
0xbf: {  	_ =	sfence.sel $0xFFFF  }
0xc0: {  	[dreg:$0x0] =	wrdreg $0xFFFFFFFF;
	(pc) =	sbr.abs _section_cstart, $3  }
0xc1: {  	[dreg:$0x1] =	wrdreg $0xFFFFFFFF  }
0xc2: {  	_ =	task.clear_ibuf [dreg:s7], $0x2FFFF;
	_ =	strace $0x9FFFFFFF  }
0xc3: {  	(tm) =	ssettm $0x7FFFFFFF  }
tec
execute0_lowered:
.L_overlay_start_1:
0x0: {  	(tag) =	ssettag $0x1  }
0x1: {  	s0 =	rddreg [dreg:$0x0]  }
0x2: {  	s19 =	rddreg [dreg:$0x1];
	s14 =	stileid.u32  }
0x3: {  	s2 =	rddreg [dreg:$0x2];
	s4 =	simm.s32 $0x0;
	s3 =	smul.u32 $0x280, s14  }
0x4: {  	s1 =	srdreg.scid;
	s5 =	sadd.s32 $0x279400, s0;
	s8 =	smul.u32 $0x3C000, s14  }
0x5: {  	s1 =	sand.u32 $0x1, s1;
	s6 =	sadd.s32 $0x13C400, s0;
	s17 =	smul.u32 $0x13A00, s14  }
0x6: {  	[smem:$0x7FF] =	sst s4;
	s0 =	sadd.s32 $0x1D9400, s0;
	s7 =	smul.u32 $0x2800, s1  }
0x7: {  	s9 =	smul.u32 $0x13A000, s1;
	s15 =	ssub.s32 $0x2, s1;
	s1 =	sor.u32 $0x2, s1  }
0x8: {  	_ =	strace $0x8000004D;
	s12 =	sshrl.u32 s15, $0x1;
	s13 =	smul.u32 $0x2800, s1  }
0x9: {  	s8 =	sshrl.u32 s8, $0x2;
	s1 =	smul.u32 $0x13A000, s1;
	s10 =	sadd.s32 s3, s7  }
0xa: {  	s12 =	ssub.s32 s15, s12;
	s7 =	sadd.s32 s8, s2;
	s11 =	smul.u32 $0x60, s10  }
0xb: {  	s16 =	smul.u32 $0xC, s10;
	s3 =	sadd.s32 s3, s13;
	s1 =	sadd.s32 s1, s17  }
0xc: {  	s28 =	sadd.s32 $0x3000, s7;
	s29 =	sadd.s32 $0x6000, s7;
	s30 =	sadd.s32 $0x9000, s7  }
0xd: {  	s31 =	sadd.s32 $0xC000, s7;
	s10 =	simm.s32 $0x3200;
	s20 =	smul.u32 $0x60, s3  }
0xe: {  	s3 =	smul.u32 $0xC, s3;
	s11 =	sshrl.u32 s11, $0x3;
	s8 =	sadd.s32 s0, s16  }
0xf: {  	s16 =	sor.u32 $0x100, s1;
	s1 =	sshrl.u32 s1, $0x3;
	[dreg:$0x4] =	wrdreg s8  }
0x10: {  	s18 =	sadd.s32 s0, s11;
	s24 =	sshrl.u32 s20, $0x3;
	s3 =	sadd.s32 s0, s3  }
0x11: {  	s11 =	smax.u32 s12, $0x1;
	s12 =	sadd.s32 s9, s17;
	s17 =	sshrl.u32 s16, $0x3  }
0x12: {  	s9 =	simm.s32 $0x100;
	s21 =	sadd.s32 $0x600, s18;
	[dreg:$0x9] =	wrdreg s3  }
0x13: {  	s22 =	sadd.s32 $0xC00, s18;
	s23 =	sadd.s32 $0x1200, s18;
	[dreg:$0xe] =	wrdreg s11  }
0x14: {  	s8 =	sadd.s32 $0x1800, s18;
	s0 =	sadd.s32 s0, s24;
	[dreg:$0x5] =	wrdreg s21  }
0x15: {  	s13 =	sshrl.u32 s12, $0x3;
	s14 =	sor.u32 $0x100, s12;
	[dreg:$0x6] =	wrdreg s22  }
0x16: {  	s18 =	sadd.s32 $0x300, s12;
	s20 =	sadd.s32 $0x274300, s12;
	[dreg:$0x7] =	wrdreg s23  }
0x17: {  	s24 =	sadd.s32 $0x274200, s12;
	s11 =	simm.s32 $0x1;
	[dreg:$0x8] =	wrdreg s8  }
0x18: {  	s25 =	sadd.s32 $0x600, s0;
	s26 =	sadd.s32 $0xC00, s0;
	s8 =	sadd.s32 $0x1200, s0  }
0x19: {  	s0 =	sadd.s32 $0x1800, s0;
	s3 =	sadd.s32 s6, s13;
	[dreg:$0xa] =	wrdreg s25  }
0x1a: {  	s15 =	sshrl.u32 s14, $0x3;
	s21 =	sadd.s32 s6, s1;
	[dreg:$0xb] =	wrdreg s26  }
0x1b: {  	s22 =	sadd.s32 s6, s17;
	s1 =	sshrl.u32 s18, $0x3;
	[dreg:$0xc] =	wrdreg s8  }
0x1c: {  	s13 =	simm.s32 $0x180;
	s14 =	simm.s32 $0x4;
	[dreg:$0xd] =	wrdreg s0  }
0x1d: {  	[dreg:$0xf] =	wrdreg s3;
	s3 =	sadd.s32 s6, s15;
	s23 =	sadd.s32 s1, s6  }
0x1e: {  	s25 =	sshrl.u32 s20, $0x3;
	s26 =	sshrl.u32 s24, $0x3;
	s24 =	sadd.s32 $0x200, s12  }
0x1f: {  	s0 =	simm.s32 $0x200;
	s1 =	simm.s32 $0x3;
	s8 =	simm.s32 $0x80  }
0x20: {  	s12 =	simm.s32 $0x2;
	s15 =	simm.s32 $0x0;
	[dreg:$0x10] =	wrdreg s3  }
0x21: {  	s25 =	sadd.s32 s25, s6;
	s26 =	sadd.s32 s26, s6;
	s3 =	simm.s32 $0x5  }
.LBB2_1:
0x22: {  	[tilespmem:s0], [sflag:$0x5] =	stream.linear.gather [hbm4b:s19+s4], $0x3000, $0x38;
	[tilespmem:$0x15200] =	vst v63  }
0x23: {  	_ =	swait.ge [sflag:s3], $0x3000  }
0x24: {  	[sflag:s3] =	ssyncset.done $0x0  }
0x25: {  	[sflag:s3] =	ssyncadd.s32 $0xFFFFD000  }
0x26: {  	[spmem:s7] =	stream.linear.scatter [tilespmem:s0], [sflag:$0x3], $0x3000, $0x38;
	[tilespmem:$0x15200] =	vst v63  }
0x27: {  	_ = 	snop  }
0x28: {  	[spmem:s28] =	stream.linear.scatter [tilespmem:s0], [sflag:$0x3], $0x3000, $0x38;
	[tilespmem:$0x15200] =	vst v63  }
0x29: {  	_ = 	snop  }
0x2a: {  	[spmem:s29] =	stream.linear.scatter [tilespmem:s0], [sflag:$0x3], $0x3000, $0x38;
	[tilespmem:$0x15200] =	vst v63  }
0x2b: {  	_ = 	snop  }
0x2c: {  	[spmem:s30] =	stream.linear.scatter [tilespmem:s0], [sflag:$0x3], $0x3000, $0x38;
	[tilespmem:$0x15200] =	vst v63  }
0x2d: {  	_ = 	snop  }
0x2e: {  	[spmem:s31] =	stream.linear.scatter [tilespmem:s0], [sflag:$0x3], $0x3000, $0x38;
	[tilespmem:$0x15200] =	vst v63  }
0x2f: {  	_ =	swait.ge [sflag:s1], $0x3000  }
0x30: {  	[sflag:s1] =	ssyncset.done $0x0  }
0x31: {  	[sflag:s1] =	ssyncadd.s32 $0xFFFFD000  }
0x32: {  	_ =	swait.ge [sflag:s1], $0x3000  }
0x33: {  	[sflag:s1] =	ssyncset.done $0x0  }
0x34: {  	[sflag:s1] =	ssyncadd.s32 $0xFFFFD000  }
0x35: {  	_ =	swait.ge [sflag:s1], $0x3000  }
0x36: {  	[sflag:s1] =	ssyncset.done $0x0  }
0x37: {  	[sflag:s1] =	ssyncadd.s32 $0xFFFFD000  }
0x38: {  	_ =	swait.ge [sflag:s1], $0x3000  }
0x39: {  	[sflag:s1] =	ssyncset.done $0x0  }
0x3a: {  	[sflag:s1] =	ssyncadd.s32 $0xFFFFD000  }
0x3b: {  	_ =	swait.ge [sflag:s1], $0x3000  }
0x3c: {  	[sflag:s1] =	ssyncset.done $0x0  }
0x3d: {  	[sflag:s1] =	ssyncadd.s32 $0xFFFFD000  }
0x3e: {  	[bflag:$0x0] =	sbarrier.arrive $0xFFFF  }
0x3f: {  	s16 =	rddreg [dreg:$0xf]  }
0x40: {  	[tilespmem:s4], [sflag:$0x5] =	stream.linear.gather [hbm4b:s16+s4], $0x100, $0x38;
	[tilespmem:$0x15200] =	vst v63  }
0x41: {  	_ =	swait.ge [sflag:s3], $0x100  }
0x42: {  	[sflag:s3] =	ssyncset.done $0x0  }
0x43: {  	[sflag:s3] =	ssyncadd.s32 $0xFFFFFF00  }
0x44: {  	[tilespmem:s0], [sflag:$0x1] =	stream.indirect.gather [hbm4b:s5+s8], $0x60, s4, s8, $0xb8;
	[tilespmem:$0x15200] =	vst v63  }
0x45: {  	s17 =	rddreg [dreg:$0x10]  }
0x46: {  	[tilespmem:s9], [sflag:$0x5] =	stream.linear.gather [hbm4b:s17+s4], $0x100, $0x38;
	[tilespmem:$0x15200] =	vst v63  }
0x47: {  	_ =	swait.ge [sflag:s3], $0x100  }
0x48: {  	[sflag:s3] =	ssyncset.done $0x0  }
0x49: {  	[sflag:s3] =	ssyncadd.s32 $0xFFFFFF00  }
0x4a: {  	[tilespmem:s10], [sflag:$0x2] =	stream.indirect.gather [hbm4b:s5+s8], $0x60, s9, s8, $0xb8;
	[tilespmem:$0x15200] =	vst v63  }
0x4b: {  	_ =	swait.ge [sflag:s11], $0x3000  }
0x4c: {  	[sflag:s11] =	ssyncset.done $0x0  }
0x4d: {  	[sflag:s11] =	ssyncadd.s32 $0xFFFFD000  }
0x4e: {  	[spmem:s2] =	stream.indirect.scatter.add.f32 [tilespmem:s0], [sflag:$0x3], $0x60, s8, s8, $0xb8;
	[tilespmem:$0x15200] =	vst v63  }
0x4f: {  	_ =	swait.ge [sflag:s12], $0x3000  }
0x50: {  	[sflag:s12] =	ssyncset.done $0x0  }
0x51: {  	[sflag:s12] =	ssyncadd.s32 $0xFFFFD000  }
0x52: {  	[spmem:s2] =	stream.indirect.scatter.add.f32 [tilespmem:s10], [sflag:$0x4], $0x60, s13, s8, $0xb8;
	[tilespmem:$0x15200] =	vst v63  }
0x53: {  	_ =	swait.ge [sflag:s1], $0x3000  }
0x54: {  	s18 =	sshrl.u32 s24, $0x3;
	[sflag:s1] =	ssyncset.done $0x0  }
0x55: {  	s16 =	sadd.s32 s6, s18;
	[sflag:s1] =	ssyncadd.s32 $0xFFFFD000  }
0x56: {  	[tilespmem:s4], [sflag:$0x5] =	stream.linear.gather [hbm4b:s16+s4], $0x100, $0x38;
	[tilespmem:$0x15200] =	vst v63  }
0x57: {  	_ =	swait.ge [sflag:s3], $0x100  }
0x58: {  	[sflag:s3] =	ssyncset.done $0x0  }
0x59: {  	[sflag:s3] =	ssyncadd.s32 $0xFFFFFF00  }
0x5a: {  	[tilespmem:s0], [sflag:$0x1] =	stream.indirect.gather [hbm4b:s5+s8], $0x60, s4, s8, $0xb8;
	[tilespmem:$0x15200] =	vst v63  }
0x5b: {  	_ =	swait.ge [sflag:s14], $0x3000  }
0x5c: {  	[sflag:s14] =	ssyncset.done $0x0  }
0x5d: {  	s20 =	smov.u32 s19;
	s19 =	sadd.s32 $0x0, s23;
	[sflag:s14] =	ssyncadd.s32 $0xFFFFD000  }
0x5e: {  	[tilespmem:s9], [sflag:$0x5] =	stream.linear.gather [hbm4b:s19+s4], $0x100, $0x38;
	[tilespmem:$0x15200] =	vst v63  }
0x5f: {  	_ =	swait.ge [sflag:s3], $0x100  }
0x60: {  	[sflag:s3] =	ssyncset.done $0x0  }
0x61: {  	[sflag:s3] =	ssyncadd.s32 $0xFFFFFF00  }
0x62: {  	[tilespmem:s10], [sflag:$0x2] =	stream.indirect.gather [hbm4b:s5+s8], $0x60, s9, s8, $0xb8;
	[tilespmem:$0x15200] =	vst v63  }
0x63: {  	_ =	swait.ge [sflag:s11], $0x3000  }
0x64: {  	[sflag:s11] =	ssyncset.done $0x0  }
0x65: {  	[sflag:s11] =	ssyncadd.s32 $0xFFFFD000  }
0x66: {  	[spmem:s2] =	stream.indirect.scatter.add.f32 [tilespmem:s0], [sflag:$0x3], $0x60, s8, s8, $0xb8;
	[tilespmem:$0x15200] =	vst v63  }
0x67: {  	_ =	swait.ge [sflag:s12], $0x3000  }
0x68: {  	[sflag:s12] =	ssyncset.done $0x0  }
0x69: {  	s17 =	sadd.s32 $0x200, s24;
	s16 =	simm.s32 $0x40;
	[sflag:s12] =	ssyncadd.s32 $0xFFFFD000  }
.LBB2_2:
0x6a: {  	[spmem:s2] =	stream.indirect.scatter.add.f32 [tilespmem:s10], [sflag:$0x4], $0x60, s13, s8, $0xb8;
	[tilespmem:$0x15200] =	vst v63  }
0x6b: {  	s18 =	smov.u32 s16  }
0x6c: {  	p0 =	sne.s32 s16, $0x26C0;
	s16 =	sadd.s32 $0x40, s16;
	_ =	swait.ge [sflag:s1], $0x3000  }
0x6d: {  	s19 =	sshrl.u32 s17, $0x3;
	[sflag:s1] =	ssyncset.done $0x0  }
0x6e: {  	s19 =	sadd.s32 s6, s19;
	[sflag:s1] =	ssyncadd.s32 $0xFFFFD000  }
0x6f: {  	[tilespmem:s4], [sflag:$0x5] =	stream.linear.gather [hbm4b:s19+s4], $0x100, $0x38;
	[tilespmem:$0x15200] =	vst v63  }
0x70: {  	_ =	swait.ge [sflag:s3], $0x100  }
0x71: {  	[sflag:s3] =	ssyncset.done $0x0  }
0x72: {  	[sflag:s3] =	ssyncadd.s32 $0xFFFFFF00  }
0x73: {  	[tilespmem:s0], [sflag:$0x1] =	stream.indirect.gather [hbm4b:s5+s8], $0x60, s4, s8, $0xb8;
	[tilespmem:$0x15200] =	vst v63  }
0x74: {  	_ =	swait.ge [sflag:s14], $0x3000  }
0x75: {  	[sflag:s14] =	ssyncset.done $0x0  }
0x76: {  	s18 =	sadd.s32 s18, s23;
	[sflag:s14] =	ssyncadd.s32 $0xFFFFD000  }
0x77: {  	[tilespmem:s9], [sflag:$0x5] =	stream.linear.gather [hbm4b:s18+s4], $0x100, $0x38;
	[tilespmem:$0x15200] =	vst v63  }
0x78: {  	_ =	swait.ge [sflag:s3], $0x100  }
0x79: {  	[sflag:s3] =	ssyncset.done $0x0  }
0x7a: {  	[sflag:s3] =	ssyncadd.s32 $0xFFFFFF00  }
0x7b: {  	[tilespmem:s10], [sflag:$0x2] =	stream.indirect.gather [hbm4b:s5+s8], $0x60, s9, s8, $0xb8;
	[tilespmem:$0x15200] =	vst v63  }
0x7c: {  	_ =	swait.ge [sflag:s11], $0x3000  }
0x7d: {  	[sflag:s11] =	ssyncset.done $0x0  }
.Ltmp0:
0x7e: {  	[sflag:s11] =	ssyncadd.s32 $0xFFFFD000;
	(pc) =	sbr.rel @p0 .LBB2_2-.Ltmp0, $4  }
0x7f: {  	[spmem:s2] =	stream.indirect.scatter.add.f32 [tilespmem:s0], [sflag:$0x3], $0x60, s8, s8, $0xb8;
	[tilespmem:$0x15200] =	vst v63  }
0x80: {  	_ =	swait.ge [sflag:s12], $0x3000  }
0x81: {  	[sflag:s12] =	ssyncset.done $0x0  }
0x82: {  	s17 =	sadd.s32 $0x200, s17;
	[sflag:s12] =	ssyncadd.s32 $0xFFFFD000  }
0x83: {  	[spmem:s2] =	stream.indirect.scatter.add.f32 [tilespmem:s10], [sflag:$0x4], $0x60, s13, s8, $0xb8;
	[tilespmem:$0x15200] =	vst v63  }
0x84: {  	_ =	swait.ge [sflag:s1], $0x3000  }
0x85: {  	[sflag:s1] =	ssyncset.done $0x0  }
0x86: {  	[sflag:s1] =	ssyncadd.s32 $0xFFFFD000  }
0x87: {  	_ =	swait.ge [sflag:s14], $0x3000  }
0x88: {  	[sflag:s14] =	ssyncset.done $0x0  }
0x89: {  	[sflag:s14] =	ssyncadd.s32 $0xFFFFD000  }
0x8a: {  	[bflag:$0x0] =	sbarrier.arrive $0xFFFF  }
0x8b: {  	[tilespmem:s0], [sflag:$0x1] =	stream.linear.gather [spmem:s7], $0x3000, $0x38;
	[tilespmem:$0x15200] =	vst v63  }
0x8c: {  	_ =	swait.ge [sflag:s11], $0x3000  }
0x8d: {  	[sflag:s11] =	ssyncset.done $0x0  }
0x8e: {  	s16 =	simm.s32 $0x0;
	s17 =	rddreg [dreg:$0x4];
	[sflag:s11] =	ssyncadd.s32 $0xFFFFD000  }
0x8f: {  	[hbm4b:s17+s16] =	stream.linear.scatter [tilespmem:s0], [sflag:$0x3], $0x3000, $0x38;
	[tilespmem:$0x15200] =	vst v63  }
0x90: {  	_ = 	snop  }
0x91: {  	[tilespmem:s10], [sflag:$0x2] =	stream.linear.gather [spmem:s28], $0x3000, $0x38;
	[tilespmem:$0x15200] =	vst v63  }
0x92: {  	_ =	swait.ge [sflag:s12], $0x3000  }
0x93: {  	[sflag:s12] =	ssyncset.done $0x0  }
0x94: {  	s18 =	rddreg [dreg:$0x5];
	[sflag:s12] =	ssyncadd.s32 $0xFFFFD000  }
0x95: {  	[hbm4b:s18+s16] =	stream.linear.scatter [tilespmem:s10], [sflag:$0x4], $0x3000, $0x38;
	[tilespmem:$0x15200] =	vst v63  }
0x96: {  	_ =	swait.ge [sflag:s1], $0x3000  }
0x97: {  	[sflag:s1] =	ssyncset.done $0x0  }
0x98: {  	[sflag:s1] =	ssyncadd.s32 $0xFFFFD000  }
0x99: {  	[tilespmem:s0], [sflag:$0x1] =	stream.linear.gather [spmem:s29], $0x3000, $0x38;
	[tilespmem:$0x15200] =	vst v63  }
0x9a: {  	_ =	swait.ge [sflag:s11], $0x3000  }
0x9b: {  	[sflag:s11] =	ssyncset.done $0x0  }
0x9c: {  	s19 =	rddreg [dreg:$0x6];
	[sflag:s11] =	ssyncadd.s32 $0xFFFFD000  }
0x9d: {  	[hbm4b:s19+s16] =	stream.linear.scatter [tilespmem:s0], [sflag:$0x3], $0x3000, $0x38;
	[tilespmem:$0x15200] =	vst v63  }
0x9e: {  	_ =	swait.ge [sflag:s14], $0x3000  }
0x9f: {  	[sflag:s14] =	ssyncset.done $0x0  }
0xa0: {  	[sflag:s14] =	ssyncadd.s32 $0xFFFFD000  }
0xa1: {  	[tilespmem:s10], [sflag:$0x2] =	stream.linear.gather [spmem:s30], $0x3000, $0x38;
	[tilespmem:$0x15200] =	vst v63  }
0xa2: {  	_ =	swait.ge [sflag:s12], $0x3000  }
0xa3: {  	[sflag:s12] =	ssyncset.done $0x0  }
0xa4: {  	s18 =	rddreg [dreg:$0x7];
	[sflag:s12] =	ssyncadd.s32 $0xFFFFD000  }
0xa5: {  	[hbm4b:s18+s16] =	stream.linear.scatter [tilespmem:s10], [sflag:$0x4], $0x3000, $0x38;
	[tilespmem:$0x15200] =	vst v63  }
0xa6: {  	_ =	swait.ge [sflag:s1], $0x3000  }
0xa7: {  	[sflag:s1] =	ssyncset.done $0x0  }
0xa8: {  	[sflag:s1] =	ssyncadd.s32 $0xFFFFD000  }
0xa9: {  	[tilespmem:s0], [sflag:$0x1] =	stream.linear.gather [spmem:s31], $0x3000, $0x38;
	[tilespmem:$0x15200] =	vst v63  }
0xaa: {  	_ =	swait.ge [sflag:s11], $0x3000  }
0xab: {  	[sflag:s11] =	ssyncset.done $0x0  }
0xac: {  	s19 =	rddreg [dreg:$0x8];
	[sflag:s11] =	ssyncadd.s32 $0xFFFFD000  }
0xad: {  	[hbm4b:s19+s16] =	stream.linear.scatter [tilespmem:s0], [sflag:$0x3], $0x3000, $0x38;
	[tilespmem:$0x15200] =	vst v63  }
0xae: {  	_ =	swait.ge [sflag:s14], $0x3000  }
0xaf: {  	[sflag:s14] =	ssyncset.done $0x0  }
0xb0: {  	[sflag:s14] =	ssyncadd.s32 $0xFFFFD000  }
0xb1: {  	_ =	swait.ge [sflag:s1], $0x3000  }
0xb2: {  	[sflag:s1] =	ssyncset.done $0x0  }
0xb3: {  	[sflag:s1] =	ssyncadd.s32 $0xFFFFD000  }
0xb4: {  	[bflag:$0x0] =	sbarrier.arrive $0xFFFF  }
0xb5: {  	[tilespmem:s0], [sflag:$0x5] =	stream.linear.gather [hbm4b:s20+s16], $0x3000, $0x38;
	[tilespmem:$0x15200] =	vst v63  }
0xb6: {  	_ =	swait.ge [sflag:s3], $0x3000  }
0xb7: {  	[sflag:s3] =	ssyncset.done $0x0  }
0xb8: {  	[sflag:s3] =	ssyncadd.s32 $0xFFFFD000  }
0xb9: {  	[spmem:s7] =	stream.linear.scatter [tilespmem:s0], [sflag:$0x3], $0x3000, $0x38;
	[tilespmem:$0x15200] =	vst v63  }
0xba: {  	_ = 	snop  }
0xbb: {  	[spmem:s28] =	stream.linear.scatter [tilespmem:s0], [sflag:$0x3], $0x3000, $0x38;
	[tilespmem:$0x15200] =	vst v63  }
0xbc: {  	_ = 	snop  }
0xbd: {  	[spmem:s29] =	stream.linear.scatter [tilespmem:s0], [sflag:$0x3], $0x3000, $0x38;
	[tilespmem:$0x15200] =	vst v63  }
0xbe: {  	_ = 	snop  }
0xbf: {  	[spmem:s30] =	stream.linear.scatter [tilespmem:s0], [sflag:$0x3], $0x3000, $0x38;
	[tilespmem:$0x15200] =	vst v63  }
0xc0: {  	_ = 	snop  }
0xc1: {  	[spmem:s31] =	stream.linear.scatter [tilespmem:s0], [sflag:$0x3], $0x3000, $0x38;
	[tilespmem:$0x15200] =	vst v63  }
0xc2: {  	_ =	swait.ge [sflag:s1], $0x3000  }
0xc3: {  	[sflag:s1] =	ssyncset.done $0x0  }
0xc4: {  	[sflag:s1] =	ssyncadd.s32 $0xFFFFD000  }
0xc5: {  	_ =	swait.ge [sflag:s1], $0x3000  }
0xc6: {  	[sflag:s1] =	ssyncset.done $0x0  }
0xc7: {  	[sflag:s1] =	ssyncadd.s32 $0xFFFFD000  }
0xc8: {  	_ =	swait.ge [sflag:s1], $0x3000  }
0xc9: {  	[sflag:s1] =	ssyncset.done $0x0  }
0xca: {  	[sflag:s1] =	ssyncadd.s32 $0xFFFFD000  }
0xcb: {  	_ =	swait.ge [sflag:s1], $0x3000  }
0xcc: {  	[sflag:s1] =	ssyncset.done $0x0  }
0xcd: {  	[sflag:s1] =	ssyncadd.s32 $0xFFFFD000  }
0xce: {  	_ =	swait.ge [sflag:s1], $0x3000  }
0xcf: {  	[sflag:s1] =	ssyncset.done $0x0  }
0xd0: {  	[sflag:s1] =	ssyncadd.s32 $0xFFFFD000  }
0xd1: {  	[bflag:$0x0] =	sbarrier.arrive $0xFFFF  }
0xd2: {  	[tilespmem:s16], [sflag:$0x5] =	stream.linear.gather [hbm4b:s21+s16], $0x100, $0x38;
	[tilespmem:$0x15200] =	vst v63  }
0xd3: {  	_ =	swait.ge [sflag:s3], $0x100  }
0xd4: {  	[sflag:s3] =	ssyncset.done $0x0  }
0xd5: {  	[sflag:s3] =	ssyncadd.s32 $0xFFFFFF00  }
0xd6: {  	[tilespmem:s0], [sflag:$0x1] =	stream.indirect.gather [hbm4b:s5+s8], $0x60, s16, s8, $0xb8;
	[tilespmem:$0x15200] =	vst v63  }
0xd7: {  	_ = 	snop  }
0xd8: {  	[tilespmem:s9], [sflag:$0x5] =	stream.linear.gather [hbm4b:s22+s16], $0x100, $0x38;
	[tilespmem:$0x15200] =	vst v63  }
0xd9: {  	_ =	swait.ge [sflag:s3], $0x100  }
0xda: {  	[sflag:s3] =	ssyncset.done $0x0  }
0xdb: {  	[sflag:s3] =	ssyncadd.s32 $0xFFFFFF00  }
0xdc: {  	[tilespmem:s10], [sflag:$0x2] =	stream.indirect.gather [hbm4b:s5+s8], $0x60, s9, s8, $0xb8;
	[tilespmem:$0x15200] =	vst v63  }
0xdd: {  	_ =	swait.ge [sflag:s11], $0x3000  }
0xde: {  	[sflag:s11] =	ssyncset.done $0x0  }
0xdf: {  	[sflag:s11] =	ssyncadd.s32 $0xFFFFD000  }
0xe0: {  	[spmem:s2] =	stream.indirect.scatter.add.f32 [tilespmem:s0], [sflag:$0x3], $0x60, s8, s8, $0xb8;
	[tilespmem:$0x15200] =	vst v63  }
0xe1: {  	_ =	swait.ge [sflag:s12], $0x3000  }
0xe2: {  	[sflag:s12] =	ssyncset.done $0x0  }
0xe3: {  	[sflag:s12] =	ssyncadd.s32 $0xFFFFD000  }
0xe4: {  	[spmem:s2] =	stream.indirect.scatter.add.f32 [tilespmem:s10], [sflag:$0x4], $0x60, s13, s8, $0xb8;
	[tilespmem:$0x15200] =	vst v63  }
0xe5: {  	_ =	swait.ge [sflag:s1], $0x3000  }
0xe6: {  	[sflag:s1] =	ssyncset.done $0x0  }
0xe7: {  	s18 =	sadd.s32 $0x0, s26;
	[sflag:s1] =	ssyncadd.s32 $0xFFFFD000  }
0xe8: {  	[tilespmem:s4], [sflag:$0x5] =	stream.linear.gather [hbm4b:s18+s4], $0x100, $0x38;
	[tilespmem:$0x15200] =	vst v63  }
0xe9: {  	_ =	swait.ge [sflag:s3], $0x100  }
0xea: {  	[sflag:s3] =	ssyncset.done $0x0  }
0xeb: {  	[sflag:s3] =	ssyncadd.s32 $0xFFFFFF00  }
0xec: {  	[tilespmem:s0], [sflag:$0x1] =	stream.indirect.gather [hbm4b:s5+s8], $0x60, s4, s8, $0xb8;
	[tilespmem:$0x15200] =	vst v63  }
0xed: {  	_ =	swait.ge [sflag:s14], $0x3000  }
0xee: {  	[sflag:s14] =	ssyncset.done $0x0  }
0xef: {  	s19 =	smov.u32 s20;
	s20 =	sadd.s32 $0x0, s25;
	[sflag:s14] =	ssyncadd.s32 $0xFFFFD000  }
0xf0: {  	[tilespmem:s9], [sflag:$0x5] =	stream.linear.gather [hbm4b:s20+s4], $0x100, $0x38;
	[tilespmem:$0x15200] =	vst v63  }
0xf1: {  	_ =	swait.ge [sflag:s3], $0x100  }
0xf2: {  	[sflag:s3] =	ssyncset.done $0x0  }
0xf3: {  	[sflag:s3] =	ssyncadd.s32 $0xFFFFFF00  }
0xf4: {  	[tilespmem:s10], [sflag:$0x2] =	stream.indirect.gather [hbm4b:s5+s8], $0x60, s9, s8, $0xb8;
	[tilespmem:$0x15200] =	vst v63  }
0xf5: {  	_ =	swait.ge [sflag:s11], $0x3000  }
0xf6: {  	[sflag:s11] =	ssyncset.done $0x0  }
0xf7: {  	[sflag:s11] =	ssyncadd.s32 $0xFFFFD000  }
0xf8: {  	[spmem:s2] =	stream.indirect.scatter.add.f32 [tilespmem:s0], [sflag:$0x3], $0x60, s8, s8, $0xb8;
	[tilespmem:$0x15200] =	vst v63  }
0xf9: {  	_ =	swait.ge [sflag:s12], $0x3000  }
0xfa: {  	[sflag:s12] =	ssyncset.done $0x0  }
0xfb: {  	s16 =	simm.s32 $0x40;
	[sflag:s12] =	ssyncadd.s32 $0xFFFFD000  }
.LBB2_4:
0xfc: {  	[spmem:s2] =	stream.indirect.scatter.add.f32 [tilespmem:s10], [sflag:$0x4], $0x60, s13, s8, $0xb8;
	[tilespmem:$0x15200] =	vst v63  }
0xfd: {  	s17 =	smov.u32 s16  }
0xfe: {  	p0 =	sne.s32 s16, $0x26C0;
	s16 =	sadd.s32 $0x40, s16;
	_ =	swait.ge [sflag:s1], $0x3000  }
0xff: {  	[sflag:s1] =	ssyncset.done $0x0  }
0x100: {  	s18 =	sadd.s32 s17, s26;
	[sflag:s1] =	ssyncadd.s32 $0xFFFFD000  }
0x101: {  	[tilespmem:s4], [sflag:$0x5] =	stream.linear.gather [hbm4b:s18+s4], $0x100, $0x38;
	[tilespmem:$0x15200] =	vst v63  }
0x102: {  	_ =	swait.ge [sflag:s3], $0x100  }
0x103: {  	[sflag:s3] =	ssyncset.done $0x0  }
0x104: {  	[sflag:s3] =	ssyncadd.s32 $0xFFFFFF00  }
0x105: {  	[tilespmem:s0], [sflag:$0x1] =	stream.indirect.gather [hbm4b:s5+s8], $0x60, s4, s8, $0xb8;
	[tilespmem:$0x15200] =	vst v63  }
0x106: {  	_ =	swait.ge [sflag:s14], $0x3000  }
0x107: {  	[sflag:s14] =	ssyncset.done $0x0  }
0x108: {  	s17 =	sadd.s32 s17, s25;
	[sflag:s14] =	ssyncadd.s32 $0xFFFFD000  }
0x109: {  	[tilespmem:s9], [sflag:$0x5] =	stream.linear.gather [hbm4b:s17+s4], $0x100, $0x38;
	[tilespmem:$0x15200] =	vst v63  }
0x10a: {  	_ =	swait.ge [sflag:s3], $0x100  }
0x10b: {  	[sflag:s3] =	ssyncset.done $0x0  }
0x10c: {  	[sflag:s3] =	ssyncadd.s32 $0xFFFFFF00  }
0x10d: {  	[tilespmem:s10], [sflag:$0x2] =	stream.indirect.gather [hbm4b:s5+s8], $0x60, s9, s8, $0xb8;
	[tilespmem:$0x15200] =	vst v63  }
0x10e: {  	_ =	swait.ge [sflag:s11], $0x3000  }
0x10f: {  	[sflag:s11] =	ssyncset.done $0x0  }
.Ltmp1:
0x110: {  	[sflag:s11] =	ssyncadd.s32 $0xFFFFD000;
	(pc) =	sbr.rel @p0 .LBB2_4-.Ltmp1, $4  }
0x111: {  	[spmem:s2] =	stream.indirect.scatter.add.f32 [tilespmem:s0], [sflag:$0x3], $0x60, s8, s8, $0xb8;
	[tilespmem:$0x15200] =	vst v63  }
0x112: {  	_ =	swait.ge [sflag:s12], $0x3000  }
0x113: {  	[sflag:s12] =	ssyncset.done $0x0  }
0x114: {  	[sflag:s12] =	ssyncadd.s32 $0xFFFFD000  }
0x115: {  	[spmem:s2] =	stream.indirect.scatter.add.f32 [tilespmem:s10], [sflag:$0x4], $0x60, s13, s8, $0xb8;
	[tilespmem:$0x15200] =	vst v63  }
0x116: {  	_ =	swait.ge [sflag:s1], $0x3000  }
0x117: {  	[sflag:s1] =	ssyncset.done $0x0  }
0x118: {  	[sflag:s1] =	ssyncadd.s32 $0xFFFFD000  }
0x119: {  	_ =	swait.ge [sflag:s14], $0x3000  }
0x11a: {  	[sflag:s14] =	ssyncset.done $0x0  }
0x11b: {  	[sflag:s14] =	ssyncadd.s32 $0xFFFFD000  }
0x11c: {  	[bflag:$0x0] =	sbarrier.arrive $0xFFFF  }
0x11d: {  	[tilespmem:s0], [sflag:$0x1] =	stream.linear.gather [spmem:s7], $0x3000, $0x38;
	[tilespmem:$0x15200] =	vst v63  }
0x11e: {  	_ =	swait.ge [sflag:s11], $0x3000  }
0x11f: {  	[sflag:s11] =	ssyncset.done $0x0  }
0x120: {  	s16 =	rddreg [dreg:$0x9];
	[sflag:s11] =	ssyncadd.s32 $0xFFFFD000  }
0x121: {  	[hbm4b:s16+s4] =	stream.linear.scatter [tilespmem:s0], [sflag:$0x3], $0x3000, $0x38;
	[tilespmem:$0x15200] =	vst v63  }
0x122: {  	_ = 	snop  }
0x123: {  	[tilespmem:s10], [sflag:$0x2] =	stream.linear.gather [spmem:s28], $0x3000, $0x38;
	[tilespmem:$0x15200] =	vst v63  }
0x124: {  	_ =	swait.ge [sflag:s12], $0x3000  }
0x125: {  	[sflag:s12] =	ssyncset.done $0x0  }
0x126: {  	s18 =	rddreg [dreg:$0xa];
	[sflag:s12] =	ssyncadd.s32 $0xFFFFD000  }
0x127: {  	[hbm4b:s18+s4] =	stream.linear.scatter [tilespmem:s10], [sflag:$0x4], $0x3000, $0x38;
	[tilespmem:$0x15200] =	vst v63  }
0x128: {  	_ =	swait.ge [sflag:s1], $0x3000  }
0x129: {  	[sflag:s1] =	ssyncset.done $0x0  }
0x12a: {  	[sflag:s1] =	ssyncadd.s32 $0xFFFFD000  }
0x12b: {  	[tilespmem:s0], [sflag:$0x1] =	stream.linear.gather [spmem:s29], $0x3000, $0x38;
	[tilespmem:$0x15200] =	vst v63  }
0x12c: {  	_ =	swait.ge [sflag:s11], $0x3000  }
0x12d: {  	[sflag:s11] =	ssyncset.done $0x0  }
0x12e: {  	s20 =	rddreg [dreg:$0xb];
	[sflag:s11] =	ssyncadd.s32 $0xFFFFD000  }
0x12f: {  	[hbm4b:s20+s4] =	stream.linear.scatter [tilespmem:s0], [sflag:$0x3], $0x3000, $0x38;
	[tilespmem:$0x15200] =	vst v63  }
0x130: {  	_ =	swait.ge [sflag:s14], $0x3000  }
0x131: {  	[sflag:s14] =	ssyncset.done $0x0  }
0x132: {  	[sflag:s14] =	ssyncadd.s32 $0xFFFFD000  }
0x133: {  	[tilespmem:s10], [sflag:$0x2] =	stream.linear.gather [spmem:s30], $0x3000, $0x38;
	[tilespmem:$0x15200] =	vst v63  }
0x134: {  	_ =	swait.ge [sflag:s12], $0x3000  }
0x135: {  	[sflag:s12] =	ssyncset.done $0x0  }
0x136: {  	s17 =	rddreg [dreg:$0xc];
	[sflag:s12] =	ssyncadd.s32 $0xFFFFD000  }
0x137: {  	[hbm4b:s17+s4] =	stream.linear.scatter [tilespmem:s10], [sflag:$0x4], $0x3000, $0x38;
	[tilespmem:$0x15200] =	vst v63  }
0x138: {  	_ =	swait.ge [sflag:s1], $0x3000  }
0x139: {  	[sflag:s1] =	ssyncset.done $0x0  }
0x13a: {  	[sflag:s1] =	ssyncadd.s32 $0xFFFFD000  }
0x13b: {  	[tilespmem:s0], [sflag:$0x1] =	stream.linear.gather [spmem:s31], $0x3000, $0x38;
	[tilespmem:$0x15200] =	vst v63  }
0x13c: {  	_ =	swait.ge [sflag:s11], $0x3000  }
0x13d: {  	[sflag:s11] =	ssyncset.done $0x0  }
0x13e: {  	s18 =	rddreg [dreg:$0xd];
	[sflag:s11] =	ssyncadd.s32 $0xFFFFD000  }
0x13f: {  	[hbm4b:s18+s4] =	stream.linear.scatter [tilespmem:s0], [sflag:$0x3], $0x3000, $0x38;
	[tilespmem:$0x15200] =	vst v63  }
0x140: {  	_ =	swait.ge [sflag:s14], $0x3000  }
0x141: {  	[sflag:s14] =	ssyncset.done $0x0  }
0x142: {  	[sflag:s14] =	ssyncadd.s32 $0xFFFFD000  }
0x143: {  	_ =	swait.ge [sflag:s1], $0x3000  }
0x144: {  	s15 =	sadd.s32 $0x1, s15;
	s20 =	rddreg [dreg:$0xe]  }
0x145: {  	p0 =	sne.s32 s15, s20  }
.Ltmp2:
0x146: {  	_ = 	snop;
	(pc) =	sbr.rel @p0 .LBB2_1-.Ltmp2, $3  }
0x147: {  	[sflag:s1] =	ssyncset.done $0x0  }
0x148: {  	[sflag:s1] =	ssyncadd.s32 $0xFFFFD000  }
0x149: {  	[bflag:$0x0] =	sbarrier.arrive $0xFFFF;
	_ =	sdelay $0x1  }
0x14a: {  	_ =	sfence.sel $0x180000  }
0x14b: {  	[bflag:$0x0] =	sbarrier.arrive $0xFFFF  }
0x14c: {  	_ =	strace $0x9000004D  }
0x14d: {  	s0 =	stileid.u32;
	[bflag:$0x2] =	sbarrier.arrive $0xFFFF  }
0x14e: {  	p0 =	sne.s32 s0, $0x0;
	s0 =	rddreg [dreg:$0x3]  }
0x14f: {  	s0 =	sadd.s32 @!p0 $0x100000, s0  }
0x150: {  	[sflag:s0] =	ssyncadd.tile.s32 @!p0 $0x1;
	_ =	shalt  }
.Lfunc_end2:
_tile_overlayer_lowered:
.L_overlay_start_2:
0x151: {  	(tag) =	ssettag $0x2  }
0x152: {  	s0 =	rddreg [dreg:$0x0];
	s2 =	stileid.u32  }
0x153: {  	s1 =	rddreg [dreg:$0x1];
	p0 =	sne.s32 s2, $0x0  }
0x154: {  	s3 =	rddreg [dreg:$0x2];
	[bflag:$0x3] =	sbarrier.arrive $0xFFFF;
	s2 =	simm.s32 @!p0 $0x1C05  }
0x155: {  	[timem:s3], [sflag:s2] =	dma.local @!p0 [hbm:s0], s1  }
0x156: {  	s0 =	simm.s32 @!p0 $0x5  }
0x157: {  	_ =	swait.ge @!p0 [sflag:s0], s1  }
0x158: {  	s1 =	ssub.s32 @!p0 $0x0, s1;
	[sflag:s0] =	ssyncset.done @!p0 $0x0  }
0x159: {  	[sflag:s0] =	ssyncadd.s32 @!p0 s1  }
0x15a: {  	[bflag:$0x3] =	sbarrier.arrive $0xFFFF  }
0x15b: {  	_ =	shalt  }

// kernel: kernel.9.cloned.1.call-start
scs
__scs_entry_jumppad:
0x0: {  	(pc) =	sbr.rel $0x88, $3  }
0x1: {  	(tag) =	ssettag $0x0;
	lr =	simm.s32 $0x1  }
0x2: {  	[smem:$0x3F80] =	sst lr;
	_ =	strace $0xD0000000  }
0x3: {  	_ = 	snop  }
0x4: {  	_ = 	snop  }
0x5: {  	_ = 	snop  }
0x6: {  	_ = 	snop  }
0x7: {  	_ = 	snop  }
__scs_overlays_trampoline_lowered:
0x8: {  	[smem:$0x3F8F] =	sst s0  }
0x9: {  	[smem:$0x3F90] =	sst s1  }
0xa: {  	[smem:$0x3F91] =	sst s2  }
0xb: {  	[smem:$0x3F92] =	sst s3  }
0xc: {  	[smem:$0x3F93] =	sst s4  }
0xd: {  	[smem:$0x3F94] =	sst s5  }
0xe: {  	[smem:$0x3F95] =	sst s6  }
0xf: {  	[smem:$0x3F96] =	sst s7  }
0x10: {  	[smem:$0x3F97] =	sst s8  }
0x11: {  	[smem:$0x3F98] =	sst s9;
	s0 =	simm.s32 @!p0 $0x0  }
0x12: {  	s1 =	sld [smem:$0x3F7E];
	s0 =	simm.s32 @p0 $0x1  }
0x13: {  	[smem:$0x3F99] =	sst s0;
	s0 =	simm.s32 @!p1 $0x0  }
0x14: {  	s2 =	sld [smem:$0x3F7D];
	s0 =	simm.s32 @p1 $0x1  }
0x15: {  	[smem:$0x3F9A] =	sst s0;
	s0 =	simm.s32 @!p2 $0x0  }
0x16: {  	s3 =	sld [smem:$0x3FDB];
	s0 =	simm.s32 @p2 $0x1  }
0x17: {  	s4 =	simm.s32 $0x1BF5;
	[smem:$0x3F9C] =	sst s0  }
0x18: {  	s0 =	sld [smem:$0x3F7F];
	_ =	swait.ge [sflag:s4], $0x0  }
0x19: {  	s7 =	sld [smem:$0x3F80]  }
0x1a: {  	s8 =	sadd.s32 $0xFFFFE003, lr  }
0x1b: {  	s9 =	sadd.s32 $0xFFFFFEF7, lr;
	s5 =	simm.s32 $0xFFFFFFFF;
	p2 =	slt.u32 s8, $0xFFFFF086  }
0x1c: {  	p1 =	slt.u32 s9, $0xF7A;
	s5 =	simm.s32 @!p2 $0x0  }
0x1d: {  	s5 =	simm.s32 @p1 $0x1;
	p0 =	seq.s32 s7, s2  }
0x1e: {  	s7 =	smul.u32 @!p0 $0xF7A, s2;
	p2 =	seq.s32 @!p0 s5, $0x0  }
0x1f: {  	s9 =	smul.u32 $0xF7A, s1;
	s8 =	simm.s32 @!p0 $0x1BF5;
	p2 =	por !p2, p0  }
0x20: {  	[sflag:s8] =	ssyncset.s32 @!p0 $0xFFFFF086;
	s6 =	sadd.s32 @!p0 s3, s7;
	s7 =	simm.s32 @!p0 $0x108  }
0x21: {  	s3 =	sadd.s32 s3, s9;
	s6 =	sadd.s32 @!p0 $0x88, s6;
	s7 =	simm.s32 @p2 $0x1082  }
0x22: {  	[simem:s7], [sflag:s8] =	dma.local @!p0 [hbm:s6], $0xF7A  }
0x23: {  	s9 =	sor.u32 $0xD0000000, s2;
	s6 =	simm.s32 $0x108;
	_ =	swait.ge @!p0 [sflag:s8], $0x0  }
0x24: {  	s3 =	sadd.s32 $0x88, s3;
	s6 =	simm.s32 @!p1 $0x1082;
	[sflag:s4] =	ssyncset.s32 $0xFFFFF086  }
0x25: {  	[simem:s6], [sflag:s4] =	dma.local [hbm:s3], $0xF7A  }
0x26: {  	[smem:$0x3F80] =	sst s1;
	(tag) =	ssettag s2;
	_ =	strace s9  }
0x27: {  	s1 =	sld [smem:$0x3F90]  }
0x28: {  	s2 =	sld [smem:$0x3F91]  }
0x29: {  	s4 =	sld [smem:$0x3F93]  }
0x2a: {  	p0 =	seq.s32 s5, $0x0;
	s5 =	sld [smem:$0x3F94]  }
0x2b: {  	s6 =	sld [smem:$0x3F95]  }
0x2c: {  	s7 =	sld [smem:$0x3F96]  }
0x2d: {  	s3 =	simm.s32 $0x108;
	s8 =	sld [smem:$0x3F97]  }
0x2e: {  	s3 =	simm.s32 @!p0 $0x1082;
	s9 =	sld [smem:$0x3F98]  }
0x2f: {  	lr =	sadd.s32 s0, s3;
	s0 =	sld [smem:$0x3F8F]  }
0x30: {  	s3 =	sld [smem:$0x3F92]  }
0x31: {  	[smem:$0x3F9B] =	sst s10  }
0x32: {  	s10 =	sld [smem:$0x3F99];
	_ =	sdelay $0x3  }
0x33: {  	p0 =	seq.s32 s10, $0x1;
	s10 =	sld [smem:$0x3F9B];
	_ =	sdelay $0x3  }
0x34: {  	[smem:$0x3F9B] =	sst s10  }
0x35: {  	s10 =	sld [smem:$0x3F9A];
	_ =	sdelay $0x3  }
0x36: {  	p1 =	seq.s32 s10, $0x1;
	s10 =	sld [smem:$0x3F9B];
	_ =	sdelay $0x3  }
0x37: {  	[smem:$0x3F9B] =	sst s10  }
0x38: {  	s10 =	sld [smem:$0x3F9C]  }
0x39: {  	_ = 	snop;
	(pc) =	sbr.ind lr, $3  }
0x3a: {  	_ = 	snop  }
0x3b: {  	_ = 	snop  }
0x3c: {  	p2 =	seq.s32 s10, $0x1;
	s10 =	sld [smem:$0x3F9B]  }
0x3d: {  	_ =	shalt  }
0x3e: {  	_ =	shalt  }
0x3f: {  	_ =	shalt  }
0x40: {  	_ =	shalt  }
0x41: {  	_ =	shalt  }
0x42: {  	_ =	shalt  }
0x43: {  	_ =	shalt  }
0x44: {  	_ =	shalt  }
0x45: {  	_ =	shalt  }
0x46: {  	_ =	shalt  }
0x47: {  	_ =	shalt  }
0x48: {  	_ =	shalt  }
0x49: {  	_ =	shalt  }
0x4a: {  	_ =	shalt  }
0x4b: {  	_ =	shalt  }
0x4c: {  	_ =	shalt  }
0x4d: {  	_ =	shalt  }
0x4e: {  	_ =	shalt  }
0x4f: {  	_ =	shalt  }
0x50: {  	_ =	shalt  }
0x51: {  	_ =	shalt  }
0x52: {  	_ =	shalt  }
0x53: {  	_ =	shalt  }
0x54: {  	_ =	shalt  }
0x55: {  	_ =	shalt  }
0x56: {  	_ =	shalt  }
0x57: {  	_ =	shalt  }
0x58: {  	_ =	shalt  }
0x59: {  	_ =	shalt  }
0x5a: {  	_ =	shalt  }
0x5b: {  	_ =	shalt  }
0x5c: {  	_ =	shalt  }
0x5d: {  	_ =	shalt  }
0x5e: {  	_ =	shalt  }
0x5f: {  	_ =	shalt  }
0x60: {  	_ =	shalt  }
0x61: {  	_ =	shalt  }
0x62: {  	_ =	shalt  }
0x63: {  	_ =	shalt  }
0x64: {  	_ =	shalt  }
0x65: {  	_ =	shalt  }
0x66: {  	_ =	shalt  }
0x67: {  	_ =	shalt  }
0x68: {  	_ =	shalt  }
0x69: {  	_ =	shalt  }
0x6a: {  	_ =	shalt  }
0x6b: {  	_ =	shalt  }
0x6c: {  	_ =	shalt  }
0x6d: {  	_ =	shalt  }
0x6e: {  	_ =	shalt  }
0x6f: {  	_ =	shalt  }
0x70: {  	_ =	shalt  }
0x71: {  	_ =	shalt  }
0x72: {  	_ =	shalt  }
0x73: {  	_ =	shalt  }
0x74: {  	_ =	shalt  }
0x75: {  	_ =	shalt  }
0x76: {  	_ =	shalt  }
0x77: {  	_ =	shalt  }
0x78: {  	_ =	shalt  }
0x79: {  	_ =	shalt  }
0x7a: {  	_ =	shalt  }
0x7b: {  	_ =	shalt  }
0x7c: {  	_ =	shalt  }
0x7d: {  	_ =	shalt  }
0x7e: {  	_ =	shalt  }
0x7f: {  	_ =	shalt  }
0x80: {  	_ =	shalt  }
0x81: {  	_ =	shalt  }
0x82: {  	_ =	shalt  }
0x83: {  	_ =	shalt  }
0x84: {  	_ =	shalt  }
0x85: {  	_ =	shalt  }
0x86: {  	_ =	shalt  }
0x87: {  	_ =	shalt  }
.Lfunc_end0:
.L_simem_size_0:
called_computation_lowered:
.L_overlay_start_0:
0x88: {  	s2 =	sld [smem:$0x3FD9]  }
0x89: {  	s3 =	sld [smem:$0x3FFE];
	_ =	sdelay $0x1  }
0x8a: {  	s1 =	srdreg.scid  }
0x8b: {  	s0 =	sand.u32 $0x1, s1  }
0x8c: {  	s16 =	sshll.u32 s0, $0xA;
	s2 =	sadd.s32 s3, s2  }
0x8d: {  	s2 =	sadd.s32 s2, s16  }
0x8e: {  	[smem:$0x3FA7] =	sst s2  }
0x8f: {  	_ = 	snop  }
0x90: {  	(tm) =	ssettm $0x1  }
0x91: {  	s17 =	sld [smem:$0x3FFB];
	_ =	sdelay $0x3  }
0x92: {  	_ =	strace s17  }
0x93: {  	s2 =	sld [smem:$0x3FFC];
	_ =	sdelay $0x3  }
0x94: {  	_ =	strace s2  }
0x95: {  	s2 =	sld [smem:$0x3FFD];
	_ =	sdelay $0x3  }
0x96: {  	_ =	strace s2  }
0x97: {  	_ =	strace $0x8FFFFFFF  }
0x98: {  	s18 =	sld [smem:$0x3FDB];
	_ =	sdelay $0x1  }
0x99: {  	s19 =	simm.s32 $_scs_section_size  }
0x9a: {  	s4 =	simm.s32 $_size__tile_overlayer_lowered;
	s5 =	simm.s32 $_tile_overlayer_lowered  }
0x9b: {  	s22 =	simm.s32 $0x1BFF;
	s21 =	sshll.u32 s5, $0x1;
	s2 =	sadd.s32 s19, s18  }
0x9c: {  	s6 =	simm.s32 $0x0;
	s20 =	sshll.u32 s4, $0x1;
	s4 =	sadd.s32 s21, s2  }
0x9d: {  	[timem:s6], [sflag:s22] =	dma.local [hbm:s4], s20  }
0x9e: {  	_ =	swait.ge [sflag:s22], s20  }
0x9f: {  	s3 =	ssub.s32 $0x0, s20;
	[sflag:s22] =	ssyncset.done $0x0  }
0xa0: {  	[sflag:s22] =	ssyncadd.s32 s3;
	_ =	sdelay $0x1  }
0xa1: {  	s23 =	simm.s32 $0x1B8B  }
0xa2: {  	_ =	swait.ge [sflag:s23], $0x1  }
0xa3: {  	[sflag:s23] =	ssyncset.done $0x0  }
0xa4: {  	s25 =	simm.s32 $0x1B8E;
	s24 =	sld [smem:$0x3FFE];
	[sflag:s23] =	ssyncadd.s32 $0xFFFFFFFF  }
0xa5: {  	s26 =	simm.s32 $execute0_lowered;
	[smem:$0x3FD2] =	sst s25  }
0xa6: {  	s4 =	sshll.u32 s26, $0x1;
	_ =	strace $0x80000046;
	[dreg:$0x1] =	wrdreg $0xFFFFFFFF  }
0xa7: {  	s28 =	simm.s32 $_size_execute0_lowered;
	s2 =	sadd.s32 s2, s4;
	[dreg:$0x0] =	wrdreg $0x0  }
0xa8: {  	s4 =	sshll.u32 s28, $0x1;
	[dreg:$0x2] =	wrdreg s2  }
0xa9: {  	[dreg:$0x3] =	wrdreg s4  }
0xaa: {  	[dreg:$0x4] =	wrdreg $0xC0  }
0xab: {  	_ =	task [dreg:s6], $0x5FFFF  }
0xac: {  	[dreg:$0x1] =	wrdreg $0xFFFFFFFF  }
0xad: {  	[dreg:$0x0] =	wrdreg $0x60  }
0xae: {  	[dreg:$0x2] =	wrdreg s24  }
0xaf: {  	[dreg:$0x3] =	wrdreg $0x8800  }
0xb0: {  	[dreg:$0x4] =	wrdreg $0x9  }
0xb1: {  	_ =	task.clear_ibuf [dreg:s6], $0x5FFFF;
	_ =	strace $0x90000046  }
0xb2: {  	s29 =	simm.s32 $0x9;
	_ =	strace $0x80000048  }
0xb3: {  	_ =	swait.ge [sflag:s29], $0x1  }
0xb4: {  	[sflag:s29] =	ssyncadd.s32 $0xFFFFFFFF  }
0xb5: {  	_ =	strace $0x90000048  }
0xb6: {  	_ =	sfence  }
0xb7: {  	s30 =	sld [smem:$0x0];
	_ =	sdelay $0x2  }
0xb8: {  	s31 =	sshll.u32 s1, $0xD;
	s1 =	sshrl.u32 s1, $0x2  }
0xb9: {  	s3 =	sand.u32 $0x4000, s31;
	s1 =	sadd.s32 s1, s30  }
0xba: {  	s0 =	sor.u32 s3, s0;
	s1 =	sshll.u32 s1, $0x11  }
0xbb: {  	s0 =	sor.u32 s1, s0  }
0xbc: {  	s0 =	sadd.s32 $0x8F2B, s0  }
0xbd: {  	[sflag:s0] =	ssyncadd.remote.s32 $0x1  }
0xbe: {  	_ =	sfence.sel $0xFFFF  }
0xbf: {  	[dreg:$0x0] =	wrdreg $0xFFFFFFFF;
	(pc) =	sbr.abs _section_cstart, $3  }
0xc0: {  	[dreg:$0x1] =	wrdreg $0xFFFFFFFF  }
0xc1: {  	_ =	task.clear_ibuf [dreg:s6], $0x2FFFF;
	_ =	strace $0x9FFFFFFF  }
0xc2: {  	(tm) =	ssettm $0x7FFFFFFF  }
0xc3: {  	_ =	shalt  }
tec
execute0_lowered:
.L_overlay_start_1:
0x0: {  	(tag) =	ssettag $0x1  }
0x1: {  	s1 =	srdreg.scid  }
0x2: {  	s0 =	stileid.u32;
	s6 =	rddreg [dreg:$0x0]  }
0x3: {  	s2 =	rddreg [dreg:$0x1];
	s4 =	smul.u32 $0x9D00, s0  }
0x4: {  	s3 =	simm.s32 $0x0;
	s18 =	simm.s32 $0x80;
	s8 =	smul.u32 $0x280, s0  }
0x5: {  	s19 =	simm.s32 $0x1;
	s7 =	sand.u32 $0x1, s1;
	s10 =	smul.u32 $0xA000, s0  }
0x6: {  	s20 =	simm.s32 $0x0;
	s1 =	rddreg [dreg:$0x2];
	s5 =	smul.u32 $0x4E80, s7  }
0x7: {  	[smem:$0x7FF] =	sst s3;
	s9 =	smul.u32 $0x2800, s7;
	s7 =	ssub.s32 $0x2, s7  }
0x8: {  	s30 =	sshrl.u32 s10, $0x2;
	s31 =	sshrl.u32 s7, $0x1;
	s4 =	sadd.s32 s5, s4  }
0x9: {  	s5 =	sadd.s32 $0x1A200, s6;
	s8 =	sadd.s32 s8, s9;
	s4 =	sshrl.u32 s4, $0x3  }
0xa: {  	s16 =	ssub.s32 s7, s31;
	s8 =	sshll.u32 s8, $0x1;
	s17 =	sadd.s32 s4, s6  }
0xb: {  	s4 =	sadd.s32 $0x1A000, s6;
	s15 =	sadd.s32 s8, s6;
	s6 =	sadd.s32 s30, s2  }
0xc: {  	_ =	strace $0x80000047;
	s16 =	smax.u32 s16, $0x1;
	s7 =	sadd.s32 $0x800, s6  }
0xd: {  	s8 =	sadd.s32 $0x1000, s6;
	s9 =	sadd.s32 $0x1800, s6;
	s10 =	sadd.s32 $0x2000, s6  }
0xe: {  	s11 =	sadd.s32 $0x1A400, s15;
	s12 =	sadd.s32 $0x1A500, s15;
	s13 =	sadd.s32 $0x1A600, s15  }
0xf: {  	s14 =	sadd.s32 $0x1A700, s15;
	s15 =	sadd.s32 $0x1A800, s15;
	s17 =	sadd.s32 $0x6600, s17  }
.LBB2_1:
0x10: {  	[tilespmem:s18], [sflag:$0x1] =	stream.linear.gather [hbm4b:s4+s3], $0x800, $0x38;
	[tilespmem:$0x3080] =	vst v63  }
0x11: {  	_ =	swait.ge [sflag:s19], $0x800  }
0x12: {  	[sflag:s19] =	ssyncset.done $0x0  }
0x13: {  	[sflag:s19] =	ssyncadd.s32 $0xFFFFF800  }
0x14: {  	[spmem:s6] =	stream.linear.scatter [tilespmem:s18], [sflag:$0x1], $0x800, $0x38;
	[tilespmem:$0x3080] =	vst v63  }
0x15: {  	_ =	swait.ge [sflag:s19], $0x800  }
0x16: {  	[sflag:s19] =	ssyncset.done $0x0  }
0x17: {  	[sflag:s19] =	ssyncadd.s32 $0xFFFFF800  }
0x18: {  	[spmem:s7] =	stream.linear.scatter [tilespmem:s18], [sflag:$0x1], $0x800, $0x38;
	[tilespmem:$0x3080] =	vst v63  }
0x19: {  	_ =	swait.ge [sflag:s19], $0x800  }
0x1a: {  	[sflag:s19] =	ssyncset.done $0x0  }
0x1b: {  	[sflag:s19] =	ssyncadd.s32 $0xFFFFF800  }
0x1c: {  	[spmem:s8] =	stream.linear.scatter [tilespmem:s18], [sflag:$0x1], $0x800, $0x38;
	[tilespmem:$0x3080] =	vst v63  }
0x1d: {  	_ =	swait.ge [sflag:s19], $0x800  }
0x1e: {  	[sflag:s19] =	ssyncset.done $0x0  }
0x1f: {  	[sflag:s19] =	ssyncadd.s32 $0xFFFFF800  }
0x20: {  	[spmem:s9] =	stream.linear.scatter [tilespmem:s18], [sflag:$0x1], $0x800, $0x38;
	[tilespmem:$0x3080] =	vst v63  }
0x21: {  	_ =	swait.ge [sflag:s19], $0x800  }
0x22: {  	[sflag:s19] =	ssyncset.done $0x0  }
0x23: {  	[sflag:s19] =	ssyncadd.s32 $0xFFFFF800  }
0x24: {  	[spmem:s10] =	stream.linear.scatter [tilespmem:s18], [sflag:$0x1], $0x800, $0x38;
	[tilespmem:$0x3080] =	vst v63  }
0x25: {  	_ =	swait.ge [sflag:s19], $0x800  }
0x26: {  	[sflag:s19] =	ssyncset.done $0x0  }
0x27: {  	[sflag:s19] =	ssyncadd.s32 $0xFFFFF800  }
0x28: {  	[bflag:$0x0] =	sbarrier.arrive $0xFFFF  }
0x29: {  	[tilespmem:s18], [sflag:$0x1] =	stream.linear.gather [hbm4b:s5+s3], $0x800, $0x38;
	[tilespmem:$0x3080] =	vst v63  }
0x2a: {  	_ =	swait.ge [sflag:s19], $0x800  }
0x2b: {  	[sflag:s19] =	ssyncset.done $0x0  }
0x2c: {  	s21 =	sadd.s32 $0x0, s17;
	[sflag:s19] =	ssyncadd.s32 $0xFFFFF800  }
0x2d: {  	[tilespmem:s3], [sflag:$0x1] =	stream.linear.gather [hbm4b:s21+s3], $0x80, $0x38;
	[tilespmem:$0x3080] =	vst v63  }
0x2e: {  	_ =	swait.ge [sflag:s19], $0x80  }
0x2f: {  	[sflag:s19] =	ssyncset.done $0x0  }
0x30: {  	[sflag:s19] =	ssyncadd.s32 $0xFFFFFF80  }
0x31: {  	[spmem:s2] =	stream.indirect.scatter.add.f32 [tilespmem:s18], [sflag:$0x1], $0x10, s3, s18, $0xb8;
	[tilespmem:$0x3080] =	vst v63  }
0x32: {  	_ =	swait.ge [sflag:s19], $0x800  }
0x33: {  	s22 =	simm.s32 $0x20;
	s21 =	simm.s32 $0x10;
	[sflag:s19] =	ssyncset.done $0x0  }
.LBB2_2:
0x34: {  	s23 =	sadd.s32 s21, s17  }
0x35: {  	[sflag:s19] =	ssyncadd.s32 $0xFFFFF800;
	s21 =	smov.u32 s22;
	s24 =	sadd.s32 $0x10, s22  }
0x36: {  	[tilespmem:s3], [sflag:$0x1] =	stream.linear.gather [hbm4b:s23+s3], $0x80, $0x38;
	[tilespmem:$0x3080] =	vst v63  }
0x37: {  	p0 =	sne.s32 s22, $0x9C0;
	_ =	swait.ge [sflag:s19], $0x80  }
.Ltmp0:
0x38: {  	[sflag:s19] =	ssyncset.done $0x0;
	(pc) =	sbr.rel @p0 .LBB2_2-.Ltmp0, $4  }
0x39: {  	[sflag:s19] =	ssyncadd.s32 $0xFFFFFF80  }
0x3a: {  	[spmem:s2] =	stream.indirect.scatter.add.f32 [tilespmem:s18], [sflag:$0x1], $0x10, s3, s18, $0xb8;
	[tilespmem:$0x3080] =	vst v63  }
0x3b: {  	_ =	swait.ge [sflag:s19], $0x800  }
0x3c: {  	s22 =	smov.u32 s24;
	[sflag:s19] =	ssyncset.done $0x0  }
0x3d: {  	s21 =	sadd.s32 s21, s17;
	[sflag:s19] =	ssyncadd.s32 $0xFFFFF800  }
0x3e: {  	[tilespmem:s3], [sflag:$0x1] =	stream.linear.gather [hbm4b:s21+s3], $0x80, $0x38;
	[tilespmem:$0x3080] =	vst v63  }
0x3f: {  	_ =	swait.ge [sflag:s19], $0x80  }
0x40: {  	[sflag:s19] =	ssyncset.done $0x0  }
0x41: {  	[sflag:s19] =	ssyncadd.s32 $0xFFFFFF80  }
0x42: {  	[spmem:s2] =	stream.indirect.scatter.add.f32 [tilespmem:s18], [sflag:$0x1], $0x10, s3, s18, $0xb8;
	[tilespmem:$0x3080] =	vst v63  }
0x43: {  	_ =	swait.ge [sflag:s19], $0x800  }
0x44: {  	[sflag:s19] =	ssyncset.done $0x0  }
0x45: {  	[sflag:s19] =	ssyncadd.s32 $0xFFFFF800  }
0x46: {  	[bflag:$0x0] =	sbarrier.arrive $0xFFFF  }
0x47: {  	[tilespmem:s18], [sflag:$0x1] =	stream.linear.gather [spmem:s6], $0x800, $0x38;
	[tilespmem:$0x3080] =	vst v63  }
0x48: {  	_ =	swait.ge [sflag:s19], $0x800  }
0x49: {  	[sflag:s19] =	ssyncset.done $0x0  }
0x4a: {  	[sflag:s19] =	ssyncadd.s32 $0xFFFFF800  }
0x4b: {  	[hbm4b:s11+s3] =	stream.linear.scatter [tilespmem:s18], [sflag:$0x1], $0x800, $0x38;
	[tilespmem:$0x3080] =	vst v63  }
0x4c: {  	_ =	swait.ge [sflag:s19], $0x800  }
0x4d: {  	[sflag:s19] =	ssyncset.done $0x0  }
0x4e: {  	[sflag:s19] =	ssyncadd.s32 $0xFFFFF800  }
0x4f: {  	[tilespmem:s18], [sflag:$0x1] =	stream.linear.gather [spmem:s7], $0x800, $0x38;
	[tilespmem:$0x3080] =	vst v63  }
0x50: {  	_ =	swait.ge [sflag:s19], $0x800  }
0x51: {  	[sflag:s19] =	ssyncset.done $0x0  }
0x52: {  	[sflag:s19] =	ssyncadd.s32 $0xFFFFF800  }
0x53: {  	[hbm4b:s12+s3] =	stream.linear.scatter [tilespmem:s18], [sflag:$0x1], $0x800, $0x38;
	[tilespmem:$0x3080] =	vst v63  }
0x54: {  	_ =	swait.ge [sflag:s19], $0x800  }
0x55: {  	[sflag:s19] =	ssyncset.done $0x0  }
0x56: {  	[sflag:s19] =	ssyncadd.s32 $0xFFFFF800  }
0x57: {  	[tilespmem:s18], [sflag:$0x1] =	stream.linear.gather [spmem:s8], $0x800, $0x38;
	[tilespmem:$0x3080] =	vst v63  }
0x58: {  	_ =	swait.ge [sflag:s19], $0x800  }
0x59: {  	[sflag:s19] =	ssyncset.done $0x0  }
0x5a: {  	[sflag:s19] =	ssyncadd.s32 $0xFFFFF800  }
0x5b: {  	[hbm4b:s13+s3] =	stream.linear.scatter [tilespmem:s18], [sflag:$0x1], $0x800, $0x38;
	[tilespmem:$0x3080] =	vst v63  }
0x5c: {  	_ =	swait.ge [sflag:s19], $0x800  }
0x5d: {  	[sflag:s19] =	ssyncset.done $0x0  }
0x5e: {  	[sflag:s19] =	ssyncadd.s32 $0xFFFFF800  }
0x5f: {  	[tilespmem:s18], [sflag:$0x1] =	stream.linear.gather [spmem:s9], $0x800, $0x38;
	[tilespmem:$0x3080] =	vst v63  }
0x60: {  	_ =	swait.ge [sflag:s19], $0x800  }
0x61: {  	[sflag:s19] =	ssyncset.done $0x0  }
0x62: {  	[sflag:s19] =	ssyncadd.s32 $0xFFFFF800  }
0x63: {  	[hbm4b:s14+s3] =	stream.linear.scatter [tilespmem:s18], [sflag:$0x1], $0x800, $0x38;
	[tilespmem:$0x3080] =	vst v63  }
0x64: {  	_ =	swait.ge [sflag:s19], $0x800  }
0x65: {  	[sflag:s19] =	ssyncset.done $0x0  }
0x66: {  	[sflag:s19] =	ssyncadd.s32 $0xFFFFF800  }
0x67: {  	[tilespmem:s18], [sflag:$0x1] =	stream.linear.gather [spmem:s10], $0x800, $0x38;
	[tilespmem:$0x3080] =	vst v63  }
0x68: {  	s20 =	sadd.s32 $0x1, s20;
	_ =	swait.ge [sflag:s19], $0x800  }
0x69: {  	p0 =	sne.s32 s20, s16;
	[sflag:s19] =	ssyncset.done $0x0  }
.Ltmp1:
0x6a: {  	[sflag:s19] =	ssyncadd.s32 $0xFFFFF800;
	(pc) =	sbr.rel @p0 .LBB2_1-.Ltmp1, $4  }
0x6b: {  	[hbm4b:s15+s3] =	stream.linear.scatter [tilespmem:s18], [sflag:$0x1], $0x800, $0x38;
	[tilespmem:$0x3080] =	vst v63  }
0x6c: {  	_ =	swait.ge [sflag:s19], $0x800  }
0x6d: {  	[sflag:s19] =	ssyncset.done $0x0  }
0x6e: {  	[sflag:s19] =	ssyncadd.s32 $0xFFFFF800  }
0x6f: {  	_ =	sfence.sel $0x180000  }
0x70: {  	[bflag:$0x0] =	sbarrier.arrive $0xFFFF  }
0x71: {  	p0 =	sne.s32 s0, $0x0;
	_ =	strace $0x90000047  }
0x72: {  	s0 =	sadd.s32 @!p0 $0x100000, s1;
	[bflag:$0x2] =	sbarrier.arrive $0xFFFF  }
0x73: {  	[sflag:s0] =	ssyncadd.tile.s32 @!p0 $0x1;
	_ =	shalt  }
.Lfunc_end2:
_tile_overlayer_lowered:
.L_overlay_start_2:
0x74: {  	(tag) =	ssettag $0x2  }
0x75: {  	s0 =	rddreg [dreg:$0x0];
	s2 =	stileid.u32  }
0x76: {  	s1 =	rddreg [dreg:$0x1];
	p0 =	sne.s32 s2, $0x0  }
0x77: {  	s3 =	rddreg [dreg:$0x2];
	[bflag:$0x3] =	sbarrier.arrive $0xFFFF;
	s2 =	simm.s32 @!p0 $0x1C01  }
0x78: {  	[timem:s3], [sflag:s2] =	dma.local @!p0 [hbm:s0], s1  }
0x79: {  	s0 =	simm.s32 @!p0 $0x1  }
0x7a: {  	_ =	swait.ge @!p0 [sflag:s0], s1  }
0x7b: {  	s1 =	ssub.s32 @!p0 $0x0, s1;
	[sflag:s0] =	ssyncset.done @!p0 $0x0  }
0x7c: {  	[sflag:s0] =	ssyncadd.s32 @!p0 s1  }
0x7d: {  	[bflag:$0x3] =	sbarrier.arrive $0xFFFF  }
0x7e: {  	_ =	shalt  }

</sc_bundles>
